<compile_context>
chip_gen: v7x
topology: tpu7x:2x2x1
jax: 0.10.2.dev20260603
libtpu: 0.0.44.dev20260713+nightly
codegen_flags: <defaults>
</compile_context>

<pallas_src>
import dataclasses
import functools

import jax
import jax.numpy as jnp
from jax import lax
from jax.experimental import pallas as pl
from jax.experimental.pallas import tpu as pltpu
from jax.experimental.pallas import tpu_sc as plsc

L = 16


def _spline_sc(cpack, wgt, idx, *, B, C, X, Y, interpret=False):
    XY = X * Y
    NC, NS = 2, 16
    NW = NC * NS
    total = B * XY
    ppw = total // NW
    wpb = NW // B
    N = min(512, ppw)
    nblk = ppw // N
    assert nblk % 2 == 0 and nblk >= 4
    mesh = plsc.VectorSubcoreMesh(
        core_axis_name="c", subcore_axis_name="s",
        num_cores=NC, num_subcores=NS)
    cp = pltpu.CompilerParams()
    if "needs_layout_passes" in pltpu.CompilerParams.__dataclass_fields__:
        cp = dataclasses.replace(cp, needs_layout_passes=False)

    @functools.partial(
        pl.kernel,
        out_type=jax.ShapeDtypeStruct((B, C, XY), jnp.float32),
        mesh=mesh,
        compiler_params=cp,
        interpret=interpret,
        scratch_types=[
            [pltpu.VMEM((8, N), jnp.float32)] * 2,
            [pltpu.VMEM((8, N), jnp.int32)] * 2,
            [pltpu.VMEM((16 * N,), jnp.int32)] * 2,
            [pltpu.VMEM((16 * N,), jnp.int32)] * 2,
            [pltpu.VMEM((C, N), jnp.float32)] * 2,
            pltpu.VMEM_SHARED((total,), jnp.int32),
            pltpu.SemaphoreType.DMA,
            [pltpu.SemaphoreType.DMA] * 2,
            [pltpu.SemaphoreType.DMA] * 2,
        ],
    )
    def k(cpack_hbm, w_hbm, i_hbm, out_hbm,
          wbuf, ibuf, idxc, gbuf, obuf, ctab, semIn, semG, semO):
        sid = lax.axis_index("s")
        wid = sid * NC + lax.axis_index("c")
        b = wid // wpb
        wofs = (wid % wpb) * ppw
        bofs = b * XY

        @pl.when(sid == 0)
        def _stage():
            pltpu.sync_copy(cpack_hbm, ctab)

        plsc.subcore_barrier()

        def do_in(m, p):
            p0 = wofs + m * N

            @pl.loop(0, 8)
            def _ld(r):
                d = r // 4
                kk = r - d * 4
                pltpu.async_copy(
                    w_hbm.at[kk, b, d, pl.ds(p0, N)], wbuf[p].at[r], semIn)
                pltpu.async_copy(
                    i_hbm.at[kk, b, d, pl.ds(p0, N)], ibuf[p].at[r], semIn)

        def do_build_fire(m, p):
            @pl.loop(0, 16)
            def _dw(r):
                pltpu.make_async_copy(
                    i_hbm.at[0, 0, 0, pl.ds(0, N)], ibuf[p].at[0], semIn
                ).wait()

            @pl.loop(0, N, step=L)
            def _ix(j):
                sl = pl.ds(j, L)
                iys = [ibuf[p][4 + k2, sl] for k2 in range(4)]
                for k1 in range(4):
                    row = ibuf[p][k1, sl] * Y + bofs
                    for k2 in range(4):
                        idxc[p][pl.ds((k1 * 4 + k2) * N + j, L)] = (
                            row + iys[k2])

            pltpu.async_copy(ctab.at[idxc[p]], gbuf[p], semG[p])

        def do_acc(m, p):
            def _reclaim():
                @pl.loop(0, C)
                def _ow(ch):
                    pltpu.make_async_copy(
                        w_hbm.at[0, 0, 0, pl.ds(0, N)], obuf[p].at[0], semO[p]
                    ).wait()

            if isinstance(m, int):
                if m >= 2:
                    _reclaim()
            else:
                pl.when(m >= 2)(_reclaim)

            pltpu.make_async_copy(
                i_hbm.at[0, 0, 0, pl.ds(0, 16 * N)], gbuf[p], semG[p]).wait()

            @pl.loop(0, N, step=L)
            def _acc(j):
                sl = pl.ds(j, L)
                w1 = [wbuf[p][k1, sl] for k1 in range(4)]
                w2 = [wbuf[p][4 + k2, sl] for k2 in range(4)]
                z = jnp.zeros((L,), jnp.float32)
                a0 = [z, z, z, z]
                a1 = [z, z, z, z]
                for k1 in range(4):
                    for k2 in range(4):
                        g = gbuf[p][pl.ds((k1 * 4 + k2) * N + j, L)]
                        lo = plsc.bitcast(g << 16, jnp.float32)
                        hi = plsc.bitcast(g & jnp.int32(-65536), jnp.float32)
                        wp = w1[k1] * w2[k2]
                        a0[k2] = a0[k2] + wp * lo
                        a1[k2] = a1[k2] + wp * hi
                obuf[p][0, sl] = (a0[0] + a0[1]) + (a0[2] + a0[3])
                obuf[p][1, sl] = (a1[0] + a1[1]) + (a1[2] + a1[3])

            p0 = wofs + m * N

            @pl.loop(0, C)
            def _st(ch):
                pltpu.async_copy(
                    obuf[p].at[ch], out_hbm.at[b, ch, pl.ds(p0, N)], semO[p])

        do_in(0, 0)
        do_build_fire(0, 0)
        do_in(1, 1)

        @pl.loop(0, (nblk - 2) // 2)
        def _t(t):
            m = 2 * t + 1
            do_build_fire(m, 1)
            do_acc(m - 1, 0)
            do_in(m + 1, 0)
            do_build_fire(m + 1, 0)
            do_acc(m, 1)
            do_in(m + 2, 1)

        do_build_fire(nblk - 1, 1)
        do_acc(nblk - 2, 0)
        do_acc(nblk - 1, 1)

        for pp in range(2):
            @pl.loop(0, C)
            def _fw(i, pp=pp):
                pltpu.make_async_copy(
                    w_hbm.at[0, 0, 0, pl.ds(0, N)], obuf[0].at[0], semO[pp]
                ).wait()

    return k(cpack, wgt, idx)


def kernel(c, weight, index):
    B, C, X, Y = c.shape
    n_sup = weight.shape[0]
    XY = X * Y
    cb = c.astype(jnp.bfloat16)
    u = lax.bitcast_convert_type(cb, jnp.uint16).astype(jnp.uint32)
    word = (u[:, 1] << 16) | u[:, 0]
    cpack = lax.bitcast_convert_type(word, jnp.int32).reshape(B * XY)
    wgt = weight.reshape(n_sup, B, 2, XY)
    idx = index.astype(jnp.int32).reshape(n_sup, B, 2, XY)
    out = _spline_sc(cpack, wgt, idx, B=B, C=C, X=X, Y=Y)
    return out.reshape(B, C, X, Y)

# --- scband reference (transcript-rebuilt; emitter-appended) ---
"""Pipeline reference for scband-spline-interpolation-nd-bcxyz-18176301597165 (READ-ONLY COPY).

The authoritative reference and input builder live on the scoring server;
editing this copy changes nothing except your own understanding.
"""

import jax, jax.numpy as jnp
import numpy as np


def setup_inputs(seed: int = 0) -> dict:
    key = jax.random.key(seed)
    kc, kw, ki = jax.random.split(key, 3)
    B, C, X, Y = 4, 2, 512, 512
    n_sup, dim = 4, 2  # cubic spline support (n+1=4), 2-D interpolation
    c = jax.random.normal(kc, (B, C, X, Y), dtype=jnp.float32)
    weight = jax.random.uniform(kw, (n_sup, B, dim, X, Y), dtype=jnp.float32)
    index = jax.random.randint(ki, (n_sup, B, dim, X, Y), 0, X)
    return {"c": c, "weight": weight, "index": index}


def reference(c, weight, index):
    # c: [B, C, X, Y] interpolation coefficients
    # weight: [n+1, B, dim, Xo, Yo] spline weights
    # index: [n+1, B, dim, Xo, Yo] gather indices into c's spatial dims
    n_sup = weight.shape[0]

    def per_batch(cb, wb, ib):
        # cb: [C, X, Y]; wb: [n+1, dim, Xo, Yo]; ib: [n+1, dim, Xo, Yo]
        out = jnp.zeros((cb.shape[0],) + wb.shape[2:], dtype=cb.dtype)
        for k1 in range(n_sup):
            for k2 in range(n_sup):
                # gather c at (index[k1,0], index[k2,1]) for every channel
                g = cb[:, ib[k1, 0], ib[k2, 1]]  # [C, Xo, Yo]
                out = out + (wb[k1, 0] * wb[k2, 1])[None, ...] * g
        return out

    # vmap over the batch axis (axis 0 of c, axis 1 of weight/index)
    return jax.vmap(per_batch, in_axes=(0, 1, 1))(c, weight, index)

if __name__ == "__main__":
    import jax
    _d = setup_inputs()
    print(jax.jit(kernel)(*tuple(_d.values())))

</pallas_src>

<mosaic_0001>
#map = affine_map<(d0, d1) -> (0)>
#map1 = affine_map<(d0, d1) -> (0, 0, 0, 0)>
#map2 = affine_map<(d0, d1) -> (0, 0, 0)>
module attributes {stable_mosaic.version = 14 : i64} {
  func.func @k(%arg0: i32, %arg1: i32, %arg2: memref<1048576xi32, #tpu.memory_space<hbm>>, %arg3: memref<4x4x2x262144xf32, #tpu.memory_space<hbm>>, %arg4: memref<4x4x2x262144xi32, #tpu.memory_space<hbm>>, %arg5: memref<4x2x262144xf32, #tpu.memory_space<hbm>>, %arg6: memref<8x512xf32, #tpu.memory_space<vmem>>, %arg7: memref<8x512xf32, #tpu.memory_space<vmem>>, %arg8: memref<8x512xi32, #tpu.memory_space<vmem>>, %arg9: memref<8x512xi32, #tpu.memory_space<vmem>>, %arg10: memref<8192xi32, #tpu.memory_space<vmem>>, %arg11: memref<8192xi32, #tpu.memory_space<vmem>>, %arg12: memref<8192xi32, #tpu.memory_space<vmem>>, %arg13: memref<8192xi32, #tpu.memory_space<vmem>>, %arg14: memref<2x512xf32, #tpu.memory_space<vmem>>, %arg15: memref<2x512xf32, #tpu.memory_space<vmem>>, %arg16: memref<1048576xi32, #tpu.memory_space<vmem_shared>>, %arg17: memref<!tpu.dma_semaphore, #tpu.memory_space<semaphore_mem>>, %arg18: memref<!tpu.dma_semaphore, #tpu.memory_space<semaphore_mem>>, %arg19: memref<!tpu.dma_semaphore, #tpu.memory_space<semaphore_mem>>, %arg20: memref<!tpu.dma_semaphore, #tpu.memory_space<semaphore_mem>>, %arg21: memref<!tpu.dma_semaphore, #tpu.memory_space<semaphore_mem>>) attributes {dimension_semantics = [#tpu.dimension_semantics<core_parallel>, #tpu.dimension_semantics<subcore_parallel>], iteration_bounds = array<i64: 2, 16>, scalar_prefetch = 0 : i64, scratch_operands = 16 : i64, tpu.core_type = #tpu.core_type<sc_vector_subcore>, window_params = [{transform_indices = #map}, {transform_indices = #map1}, {transform_indices = #map1}, {transform_indices = #map2}]} {
    %mul3A = arith.constant 2 : i32
    %mul3A_0 = arith.muli %arg1, %mul3A : i32
    %add3A = arith.addi %mul3A_0, %arg0 : i32
    %jit3A = arith.constant 8 : i32
    %div3A = arith.divsi %add3A, %jit3A : i32
    %sign3A = arith.constant 0 : i32
    %sign3A_1 = arith.cmpi sgt, %add3A, %sign3A : i32
    %sign3A_2 = arith.extui %sign3A_1 : i1 to i32
    %sign3A_3 = arith.constant 0 : i32
    %sign3A_4 = arith.cmpi slt, %add3A, %sign3A_3 : i32
    %sign3A_5 = arith.extui %sign3A_4 : i1 to i32
    %sign3A_6 = arith.subi %sign3A_2, %sign3A_5 : i32
    %sign3A_7 = arith.constant 0 : i32
    %sign3A_8 = arith.cmpi sgt, %jit3A, %sign3A_7 : i32
    %sign3A_9 = arith.extui %sign3A_8 : i1 to i32
    %sign3A_10 = arith.constant 0 : i32
    %sign3A_11 = arith.cmpi slt, %jit3A, %sign3A_10 : i32
    %sign3A_12 = arith.extui %sign3A_11 : i1 to i32
    %sign3A_13 = arith.subi %sign3A_9, %sign3A_12 : i32
    %ne3A = arith.cmpi ne, %sign3A_6, %sign3A_13 : i32
    %rem3A = arith.remsi %add3A, %jit3A : i32
    %ne3A_14 = arith.constant 0 : i32
    %ne3A_15 = arith.cmpi ne, %rem3A, %ne3A_14 : i32
    %and3A = arith.andi %ne3A, %ne3A_15 : i1
    %sub3A = arith.constant 1 : i32
    %sub3A_16 = arith.subi %div3A, %sub3A : i32
    %select_n3A = arith.select %and3A, %sub3A_16, %div3A : i32
    %jit3A_17 = arith.constant 8 : i32
    %eq3A = arith.constant 0 : i32
    %eq3A_18 = arith.cmpi eq, %jit3A_17, %eq3A : i32
    %jit3A_19 = arith.constant 1 : i32
    %select_n3A_20 = arith.select %eq3A_18, %jit3A_19, %jit3A_17 : i32
    %rem3A_21 = arith.remsi %add3A, %select_n3A_20 : i32
    %ne3A_22 = arith.constant 0 : i32
    %ne3A_23 = arith.cmpi ne, %rem3A_21, %ne3A_22 : i32
    %lt3A = arith.constant 0 : i32
    %lt3A_24 = arith.cmpi slt, %rem3A_21, %lt3A : i32
    %lt3A_25 = arith.constant 0 : i32
    %lt3A_26 = arith.cmpi slt, %select_n3A_20, %lt3A_25 : i32
    %ne3A_27 = arith.xori %lt3A_24, %lt3A_26 : i1
    %and3A_28 = arith.andi %ne3A_27, %ne3A_23 : i1
    %add3A_29 = arith.addi %rem3A_21, %select_n3A_20 : i32
    %select_n3A_30 = arith.select %and3A_28, %add3A_29, %rem3A_21 : i32
    %mul3A_31 = arith.constant 32768 : i32
    %mul3A_32 = arith.muli %select_n3A_30, %mul3A_31 : i32
    %mul3A_33 = arith.constant 262144 : i32
    %mul3A_34 = arith.muli %select_n3A, %mul3A_33 : i32
    %eq3A_35 = arith.constant 0 : i32
    %eq3A_36 = arith.cmpi eq, %arg1, %eq3A_35 : i32
    %convert_element_type3A = arith.extui %eq3A_36 : i1 to i32
    %cond3A = arith.constant 0 : i32
    %cond3A_37 = arith.cmpi ne, %convert_element_type3A, %cond3A : i32
    scf.if %cond3A_37 {
      "tpu.region"() ({
        %run_scoped3A = tpu.sem_alloc : memref<!tpu.dma_semaphore, #tpu.memory_space<semaphore_mem>>
        tpu.enqueue_dma source(%arg2 : memref<1048576xi32, #tpu.memory_space<hbm>>) target(%arg16 : memref<1048576xi32, #tpu.memory_space<vmem_shared>>) target_semaphore(%run_scoped3A : memref<!tpu.dma_semaphore, #tpu.memory_space<semaphore_mem>>)
        tpu.wait_dma2 semaphore(%run_scoped3A : memref<!tpu.dma_semaphore, #tpu.memory_space<semaphore_mem>>) src(%arg2 : memref<1048576xi32, #tpu.memory_space<hbm>>) dst(%arg16 : memref<1048576xi32, #tpu.memory_space<vmem_shared>>)
        tpu.yield
      }) : () -> ()
    } else {
    }
    %barrier3A = arith.constant 0 : index
    tpu.barrier barrier_id(%barrier3A)
    %add3A_38 = arith.constant 0 : i32
    %add3A_39 = arith.addi %mul3A_32, %add3A_38 : i32
    %scan3A = arith.constant 0 : i32
    %scan3A_40 = arith.constant 8 : i32
    %scan3A_41 = arith.addi %scan3A, %scan3A_40 : i32
    %scan3A_42 = arith.constant 1 : i32
    scf.for %scan3A_140 = %scan3A to %scan3A_41 step %scan3A_42  : i32 {
      %mul3A_141 = arith.constant 1 : i32
      %mul3A_142 = arith.muli %scan3A_140, %mul3A_141 : i32
      %add3A_143 = arith.constant 0 : i32
      %add3A_144 = arith.addi %add3A_143, %mul3A_142 : i32
      %jit3A_145 = arith.constant 4 : i32
      %div3A_146 = arith.divsi %add3A_144, %jit3A_145 : i32
      %sign3A_147 = arith.constant 0 : i32
      %sign3A_148 = arith.cmpi sgt, %add3A_144, %sign3A_147 : i32
      %sign3A_149 = arith.extui %sign3A_148 : i1 to i32
      %sign3A_150 = arith.constant 0 : i32
      %sign3A_151 = arith.cmpi slt, %add3A_144, %sign3A_150 : i32
      %sign3A_152 = arith.extui %sign3A_151 : i1 to i32
      %sign3A_153 = arith.subi %sign3A_149, %sign3A_152 : i32
      %sign3A_154 = arith.constant 0 : i32
      %sign3A_155 = arith.cmpi sgt, %jit3A_145, %sign3A_154 : i32
      %sign3A_156 = arith.extui %sign3A_155 : i1 to i32
      %sign3A_157 = arith.constant 0 : i32
      %sign3A_158 = arith.cmpi slt, %jit3A_145, %sign3A_157 : i32
      %sign3A_159 = arith.extui %sign3A_158 : i1 to i32
      %sign3A_160 = arith.subi %sign3A_156, %sign3A_159 : i32
      %ne3A_161 = arith.cmpi ne, %sign3A_153, %sign3A_160 : i32
      %rem3A_162 = arith.remsi %add3A_144, %jit3A_145 : i32
      %ne3A_163 = arith.constant 0 : i32
      %ne3A_164 = arith.cmpi ne, %rem3A_162, %ne3A_163 : i32
      %and3A_165 = arith.andi %ne3A_161, %ne3A_164 : i1
      %sub3A_166 = arith.constant 1 : i32
      %sub3A_167 = arith.subi %div3A_146, %sub3A_166 : i32
      %select_n3A_168 = arith.select %and3A_165, %sub3A_167, %div3A_146 : i32
      %mul3A_169 = arith.constant 4 : i32
      %mul3A_170 = arith.muli %select_n3A_168, %mul3A_169 : i32
      %sub3A_171 = arith.subi %add3A_144, %mul3A_170 : i32
      %dma_start3A_172 = arith.constant 0 : i32
      %dma_start3A_173 = tpu.memref_slice %arg6[%add3A_144, %dma_start3A_172] : memref<8x512xf32, #tpu.memory_space<vmem>> -> memref<1x512xf32, #tpu.memory_space<vmem>>
      %dma_start3A_174 = tpu.memref_squeeze %dma_start3A_173 : memref<1x512xf32, #tpu.memory_space<vmem>> -> memref<512xf32, #tpu.memory_space<vmem>>
      %dma_start3A_175 = tpu.memref_slice %arg3[%sub3A_171, %select_n3A, %select_n3A_168, %add3A_39] : memref<4x4x2x262144xf32, #tpu.memory_space<hbm>> -> memref<1x1x1x512xf32, #tpu.memory_space<hbm>>
      %dma_start3A_176 = tpu.memref_squeeze %dma_start3A_175 : memref<1x1x1x512xf32, #tpu.memory_space<hbm>> -> memref<512xf32, #tpu.memory_space<hbm>>
      %dma_start3A_177 = arith.constant 0 : i32
      %dma_start3A_178 = tpu.memref_slice %arg6[%add3A_144, %dma_start3A_177] : memref<8x512xf32, #tpu.memory_space<vmem>> -> memref<1x512xf32, #tpu.memory_space<vmem>>
      %dma_start3A_179 = tpu.memref_squeeze %dma_start3A_178 : memref<1x512xf32, #tpu.memory_space<vmem>> -> memref<512xf32, #tpu.memory_space<vmem>>
      %dma_start3A_180 = tpu.memref_slice %arg3[%sub3A_171, %select_n3A, %select_n3A_168, %add3A_39] : memref<4x4x2x262144xf32, #tpu.memory_space<hbm>> -> memref<1x1x1x512xf32, #tpu.memory_space<hbm>>
      %dma_start3A_181 = tpu.memref_squeeze %dma_start3A_180 : memref<1x1x1x512xf32, #tpu.memory_space<hbm>> -> memref<512xf32, #tpu.memory_space<hbm>>
      tpu.enqueue_dma source(%dma_start3A_181 : memref<512xf32, #tpu.memory_space<hbm>>) target(%dma_start3A_179 : memref<512xf32, #tpu.memory_space<vmem>>) target_semaphore(%arg17 : memref<!tpu.dma_semaphore, #tpu.memory_space<semaphore_mem>>)
      %dma_start3A_182 = arith.constant 0 : i32
      %dma_start3A_183 = tpu.memref_slice %arg8[%add3A_144, %dma_start3A_182] : memref<8x512xi32, #tpu.memory_space<vmem>> -> memref<1x512xi32, #tpu.memory_space<vmem>>
      %dma_start3A_184 = tpu.memref_squeeze %dma_start3A_183 : memref<1x512xi32, #tpu.memory_space<vmem>> -> memref<512xi32, #tpu.memory_space<vmem>>
      %dma_start3A_185 = tpu.memref_slice %arg4[%sub3A_171, %select_n3A, %select_n3A_168, %add3A_39] : memref<4x4x2x262144xi32, #tpu.memory_space<hbm>> -> memref<1x1x1x512xi32, #tpu.memory_space<hbm>>
      %dma_start3A_186 = tpu.memref_squeeze %dma_start3A_185 : memref<1x1x1x512xi32, #tpu.memory_space<hbm>> -> memref<512xi32, #tpu.memory_space<hbm>>
      %dma_start3A_187 = arith.constant 0 : i32
      %dma_start3A_188 = tpu.memref_slice %arg8[%add3A_144, %dma_start3A_187] : memref<8x512xi32, #tpu.memory_space<vmem>> -> memref<1x512xi32, #tpu.memory_space<vmem>>
      %dma_start3A_189 = tpu.memref_squeeze %dma_start3A_188 : memref<1x512xi32, #tpu.memory_space<vmem>> -> memref<512xi32, #tpu.memory_space<vmem>>
      %dma_start3A_190 = tpu.memref_slice %arg4[%sub3A_171, %select_n3A, %select_n3A_168, %add3A_39] : memref<4x4x2x262144xi32, #tpu.memory_space<hbm>> -> memref<1x1x1x512xi32, #tpu.memory_space<hbm>>
      %dma_start3A_191 = tpu.memref_squeeze %dma_start3A_190 : memref<1x1x1x512xi32, #tpu.memory_space<hbm>> -> memref<512xi32, #tpu.memory_space<hbm>>
      tpu.enqueue_dma source(%dma_start3A_191 : memref<512xi32, #tpu.memory_space<hbm>>) target(%dma_start3A_189 : memref<512xi32, #tpu.memory_space<vmem>>) target_semaphore(%arg17 : memref<!tpu.dma_semaphore, #tpu.memory_space<semaphore_mem>>)
    }
    %scan3A_43 = arith.constant 8 : i32
    %scan3A_44 = arith.constant 0 : i32
    %scan3A_45 = arith.constant 16 : i32
    %scan3A_46 = arith.addi %scan3A_44, %scan3A_45 : i32
    %scan3A_47 = arith.constant 1 : i32
    scf.for %scan3A_140 = %scan3A_44 to %scan3A_46 step %scan3A_47  : i32 {
      %mul3A_141 = arith.constant 1 : i32
      %mul3A_142 = arith.muli %scan3A_140, %mul3A_141 : i32
      %add3A_143 = arith.constant 0 : i32
      %add3A_144 = arith.addi %add3A_143, %mul3A_142 : i32
      %dma_wait3A_145 = arith.constant 0 : i32
      %dma_wait3A_146 = arith.constant 0 : i32
      %dma_wait3A_147 = arith.constant 0 : i32
      %dma_wait3A_148 = arith.constant 0 : i32
      %dma_wait3A_149 = arith.constant 0 : i32
      %dma_wait3A_150 = tpu.memref_slice %arg8[%dma_wait3A_148, %dma_wait3A_149] : memref<8x512xi32, #tpu.memory_space<vmem>> -> memref<1x512xi32, #tpu.memory_space<vmem>>
      %dma_wait3A_151 = tpu.memref_squeeze %dma_wait3A_150 : memref<1x512xi32, #tpu.memory_space<vmem>> -> memref<512xi32, #tpu.memory_space<vmem>>
      %dma_wait3A_152 = arith.constant 0 : i32
      %dma_wait3A_153 = tpu.memref_slice %arg4[%dma_wait3A_145, %dma_wait3A_146, %dma_wait3A_147, %dma_wait3A_152] : memref<4x4x2x262144xi32, #tpu.memory_space<hbm>> -> memref<1x1x1x512xi32, #tpu.memory_space<hbm>>
      %dma_wait3A_154 = tpu.memref_squeeze %dma_wait3A_153 : memref<1x1x1x512xi32, #tpu.memory_space<hbm>> -> memref<512xi32, #tpu.memory_space<hbm>>
      %dma_wait3A_155 = arith.constant 0 : i32
      %dma_wait3A_156 = tpu.memref_slice %arg8[%dma_wait3A_148, %dma_wait3A_155] : memref<8x512xi32, #tpu.memory_space<vmem>> -> memref<1x512xi32, #tpu.memory_space<vmem>>
      %dma_wait3A_157 = tpu.memref_squeeze %dma_wait3A_156 : memref<1x512xi32, #tpu.memory_space<vmem>> -> memref<512xi32, #tpu.memory_space<vmem>>
      %dma_wait3A_158 = arith.constant 0 : i32
      %dma_wait3A_159 = tpu.memref_slice %arg4[%dma_wait3A_145, %dma_wait3A_146, %dma_wait3A_147, %dma_wait3A_158] : memref<4x4x2x262144xi32, #tpu.memory_space<hbm>> -> memref<1x1x1x512xi32, #tpu.memory_space<hbm>>
      %dma_wait3A_160 = tpu.memref_squeeze %dma_wait3A_159 : memref<1x1x1x512xi32, #tpu.memory_space<hbm>> -> memref<512xi32, #tpu.memory_space<hbm>>
      tpu.wait_dma2 semaphore(%arg17 : memref<!tpu.dma_semaphore, #tpu.memory_space<semaphore_mem>>) src(%dma_wait3A_160 : memref<512xi32, #tpu.memory_space<hbm>>) dst(%dma_wait3A_157 : memref<512xi32, #tpu.memory_space<vmem>>)
    }
    %scan3A_48 = arith.constant 16 : i32
    %scan3A_49 = arith.constant 0 : i32
    %scan3A_50 = arith.constant 32 : i32
    %scan3A_51 = arith.addi %scan3A_49, %scan3A_50 : i32
    %scan3A_52 = arith.constant 1 : i32
    scf.for %scan3A_140 = %scan3A_49 to %scan3A_51 step %scan3A_52  : i32 {
      %mul3A_141 = arith.constant 16 : i32
      %mul3A_142 = arith.muli %scan3A_140, %mul3A_141 : i32
      %add3A_143 = arith.constant 0 : i32
      %add3A_144 = arith.addi %add3A_143, %mul3A_142 : i32
      %get3A = arith.constant 4 : i32
      %get3A_145 = arith.index_cast %get3A : i32 to index
      %get3A_146 = arith.index_cast %add3A_144 : i32 to index
      %get3A_147 = tpu.vector_load %arg8[%get3A_145, %get3A_146] {strides = array<i32>} : memref<8x512xi32, #tpu.memory_space<vmem>>, vector<16xi32>,
      %get3A_148 = arith.constant 5 : i32
      %get3A_149 = arith.index_cast %get3A_148 : i32 to index
      %get3A_150 = arith.index_cast %add3A_144 : i32 to index
      %get3A_151 = tpu.vector_load %arg8[%get3A_149, %get3A_150] {strides = array<i32>} : memref<8x512xi32, #tpu.memory_space<vmem>>, vector<16xi32>,
      %get3A_152 = arith.constant 6 : i32
      %get3A_153 = arith.index_cast %get3A_152 : i32 to index
      %get3A_154 = arith.index_cast %add3A_144 : i32 to index
      %get3A_155 = tpu.vector_load %arg8[%get3A_153, %get3A_154] {strides = array<i32>} : memref<8x512xi32, #tpu.memory_space<vmem>>, vector<16xi32>,
      %get3A_156 = arith.constant 7 : i32
      %get3A_157 = arith.index_cast %get3A_156 : i32 to index
      %get3A_158 = arith.index_cast %add3A_144 : i32 to index
      %get3A_159 = tpu.vector_load %arg8[%get3A_157, %get3A_158] {strides = array<i32>} : memref<8x512xi32, #tpu.memory_space<vmem>>, vector<16xi32>,
      %get3A_160 = arith.constant 0 : i32
      %get3A_161 = arith.index_cast %get3A_160 : i32 to index
      %get3A_162 = arith.index_cast %add3A_144 : i32 to index
      %get3A_163 = tpu.vector_load %arg8[%get3A_161, %get3A_162] {strides = array<i32>} : memref<8x512xi32, #tpu.memory_space<vmem>>, vector<16xi32>,
      %mul3A_164 = arith.constant 512 : i32
      %mul3A_165 = vector.broadcast %mul3A_164 : i32 to vector<16xi32>
      %mul3A_166 = arith.muli %get3A_163, %mul3A_165 : vector<16xi32>
      %add3A_167 = vector.broadcast %mul3A_34 : i32 to vector<16xi32>
      %add3A_168 = arith.addi %mul3A_166, %add3A_167 : vector<16xi32>
      %add3A_169 = arith.addi %add3A_168, %get3A_147 : vector<16xi32>
      %add3A_170 = arith.constant 0 : i32
      %add3A_171 = arith.addi %add3A_170, %add3A_144 : i32
      %swap3A = arith.index_cast %add3A_171 : i32 to index
      %swap3A_172 = tpu.vector_load %arg10[%swap3A] {strides = array<i32>} : memref<8192xi32, #tpu.memory_space<vmem>>, vector<16xi32>,
      tpu.vector_store %arg10[%swap3A], %add3A_169 {strides = array<i32>} : memref<8192xi32, #tpu.memory_space<vmem>>, vector<16xi32>,
      %add3A_173 = arith.addi %add3A_168, %get3A_151 : vector<16xi32>
      %add3A_174 = arith.constant 512 : i32
      %add3A_175 = arith.addi %add3A_174, %add3A_144 : i32
      %swap3A_176 = arith.index_cast %add3A_175 : i32 to index
      %swap3A_177 = tpu.vector_load %arg10[%swap3A_176] {strides = array<i32>} : memref<8192xi32, #tpu.memory_space<vmem>>, vector<16xi32>,
      tpu.vector_store %arg10[%swap3A_176], %add3A_173 {strides = array<i32>} : memref<8192xi32, #tpu.memory_space<vmem>>, vector<16xi32>,
      %add3A_178 = arith.addi %add3A_168, %get3A_155 : vector<16xi32>
      %add3A_179 = arith.constant 1024 : i32
      %add3A_180 = arith.addi %add3A_179, %add3A_144 : i32
      %swap3A_181 = arith.index_cast %add3A_180 : i32 to index
      %swap3A_182 = tpu.vector_load %arg10[%swap3A_181] {strides = array<i32>} : memref<8192xi32, #tpu.memory_space<vmem>>, vector<16xi32>,
      tpu.vector_store %arg10[%swap3A_181], %add3A_178 {strides = array<i32>} : memref<8192xi32, #tpu.memory_space<vmem>>, vector<16xi32>,
      %add3A_183 = arith.addi %add3A_168, %get3A_159 : vector<16xi32>
      %add3A_184 = arith.constant 1536 : i32
      %add3A_185 = arith.addi %add3A_184, %add3A_144 : i32
      %swap3A_186 = arith.index_cast %add3A_185 : i32 to index
      %swap3A_187 = tpu.vector_load %arg10[%swap3A_186] {strides = array<i32>} : memref<8192xi32, #tpu.memory_space<vmem>>, vector<16xi32>,
      tpu.vector_store %arg10[%swap3A_186], %add3A_183 {strides = array<i32>} : memref<8192xi32, #tpu.memory_space<vmem>>, vector<16xi32>,
      %get3A_188 = arith.constant 1 : i32
      %get3A_189 = arith.index_cast %get3A_188 : i32 to index
      %get3A_190 = arith.index_cast %add3A_144 : i32 to index
      %get3A_191 = tpu.vector_load %arg8[%get3A_189, %get3A_190] {strides = array<i32>} : memref<8x512xi32, #tpu.memory_space<vmem>>, vector<16xi32>,
      %mul3A_192 = arith.constant 512 : i32
      %mul3A_193 = vector.broadcast %mul3A_192 : i32 to vector<16xi32>
      %mul3A_194 = arith.muli %get3A_191, %mul3A_193 : vector<16xi32>
      %add3A_195 = vector.broadcast %mul3A_34 : i32 to vector<16xi32>
      %add3A_196 = arith.addi %mul3A_194, %add3A_195 : vector<16xi32>
      %add3A_197 = arith.addi %add3A_196, %get3A_147 : vector<16xi32>
      %add3A_198 = arith.constant 2048 : i32
      %add3A_199 = arith.addi %add3A_198, %add3A_144 : i32
      %swap3A_200 = arith.index_cast %add3A_199 : i32 to index
      %swap3A_201 = tpu.vector_load %arg10[%swap3A_200] {strides = array<i32>} : memref<8192xi32, #tpu.memory_space<vmem>>, vector<16xi32>,
      tpu.vector_store %arg10[%swap3A_200], %add3A_197 {strides = array<i32>} : memref<8192xi32, #tpu.memory_space<vmem>>, vector<16xi32>,
      %add3A_202 = arith.addi %add3A_196, %get3A_151 : vector<16xi32>
      %add3A_203 = arith.constant 2560 : i32
      %add3A_204 = arith.addi %add3A_203, %add3A_144 : i32
      %swap3A_205 = arith.index_cast %add3A_204 : i32 to index
      %swap3A_206 = tpu.vector_load %arg10[%swap3A_205] {strides = array<i32>} : memref<8192xi32, #tpu.memory_space<vmem>>, vector<16xi32>,
      tpu.vector_store %arg10[%swap3A_205], %add3A_202 {strides = array<i32>} : memref<8192xi32, #tpu.memory_space<vmem>>, vector<16xi32>,
      %add3A_207 = arith.addi %add3A_196, %get3A_155 : vector<16xi32>
      %add3A_208 = arith.constant 3072 : i32
      %add3A_209 = arith.addi %add3A_208, %add3A_144 : i32
      %swap3A_210 = arith.index_cast %add3A_209 : i32 to index
      %swap3A_211 = tpu.vector_load %arg10[%swap3A_210] {strides = array<i32>} : memref<8192xi32, #tpu.memory_space<vmem>>, vector<16xi32>,
      tpu.vector_store %arg10[%swap3A_210], %add3A_207 {strides = array<i32>} : memref<8192xi32, #tpu.memory_space<vmem>>, vector<16xi32>,
      %add3A_212 = arith.addi %add3A_196, %get3A_159 : vector<16xi32>
      %add3A_213 = arith.constant 3584 : i32
      %add3A_214 = arith.addi %add3A_213, %add3A_144 : i32
      %swap3A_215 = arith.index_cast %add3A_214 : i32 to index
      %swap3A_216 = tpu.vector_load %arg10[%swap3A_215] {strides = array<i32>} : memref<8192xi32, #tpu.memory_space<vmem>>, vector<16xi32>,
      tpu.vector_store %arg10[%swap3A_215], %add3A_212 {strides = array<i32>} : memref<8192xi32, #tpu.memory_space<vmem>>, vector<16xi32>,
      %get3A_217 = arith.constant 2 : i32
      %get3A_218 = arith.index_cast %get3A_217 : i32 to index
      %get3A_219 = arith.index_cast %add3A_144 : i32 to index
      %get3A_220 = tpu.vector_load %arg8[%get3A_218, %get3A_219] {strides = array<i32>} : memref<8x512xi32, #tpu.memory_space<vmem>>, vector<16xi32>,
      %mul3A_221 = arith.constant 512 : i32
      %mul3A_222 = vector.broadcast %mul3A_221 : i32 to vector<16xi32>
      %mul3A_223 = arith.muli %get3A_220, %mul3A_222 : vector<16xi32>
      %add3A_224 = vector.broadcast %mul3A_34 : i32 to vector<16xi32>
      %add3A_225 = arith.addi %mul3A_223, %add3A_224 : vector<16xi32>
      %add3A_226 = arith.addi %add3A_225, %get3A_147 : vector<16xi32>
      %add3A_227 = arith.constant 4096 : i32
      %add3A_228 = arith.addi %add3A_227, %add3A_144 : i32
      %swap3A_229 = arith.index_cast %add3A_228 : i32 to index
      %swap3A_230 = tpu.vector_load %arg10[%swap3A_229] {strides = array<i32>} : memref<8192xi32, #tpu.memory_space<vmem>>, vector<16xi32>,
      tpu.vector_store %arg10[%swap3A_229], %add3A_226 {strides = array<i32>} : memref<8192xi32, #tpu.memory_space<vmem>>, vector<16xi32>,
      %add3A_231 = arith.addi %add3A_225, %get3A_151 : vector<16xi32>
      %add3A_232 = arith.constant 4608 : i32
      %add3A_233 = arith.addi %add3A_232, %add3A_144 : i32
      %swap3A_234 = arith.index_cast %add3A_233 : i32 to index
      %swap3A_235 = tpu.vector_load %arg10[%swap3A_234] {strides = array<i32>} : memref<8192xi32, #tpu.memory_space<vmem>>, vector<16xi32>,
      tpu.vector_store %arg10[%swap3A_234], %add3A_231 {strides = array<i32>} : memref<8192xi32, #tpu.memory_space<vmem>>, vector<16xi32>,
      %add3A_236 = arith.addi %add3A_225, %get3A_155 : vector<16xi32>
      %add3A_237 = arith.constant 5120 : i32
      %add3A_238 = arith.addi %add3A_237, %add3A_144 : i32
      %swap3A_239 = arith.index_cast %add3A_238 : i32 to index
      %swap3A_240 = tpu.vector_load %arg10[%swap3A_239] {strides = array<i32>} : memref<8192xi32, #tpu.memory_space<vmem>>, vector<16xi32>,
      tpu.vector_store %arg10[%swap3A_239], %add3A_236 {strides = array<i32>} : memref<8192xi32, #tpu.memory_space<vmem>>, vector<16xi32>,
      %add3A_241 = arith.addi %add3A_225, %get3A_159 : vector<16xi32>
      %add3A_242 = arith.constant 5632 : i32
      %add3A_243 = arith.addi %add3A_242, %add3A_144 : i32
      %swap3A_244 = arith.index_cast %add3A_243 : i32 to index
      %swap3A_245 = tpu.vector_load %arg10[%swap3A_244] {strides = array<i32>} : memref<8192xi32, #tpu.memory_space<vmem>>, vector<16xi32>,
      tpu.vector_store %arg10[%swap3A_244], %add3A_241 {strides = array<i32>} : memref<8192xi32, #tpu.memory_space<vmem>>, vector<16xi32>,
      %get3A_246 = arith.constant 3 : i32
      %get3A_247 = arith.index_cast %get3A_246 : i32 to index
      %get3A_248 = arith.index_cast %add3A_144 : i32 to index
      %get3A_249 = tpu.vector_load %arg8[%get3A_247, %get3A_248] {strides = array<i32>} : memref<8x512xi32, #tpu.memory_space<vmem>>, vector<16xi32>,
      %mul3A_250 = arith.constant 512 : i32
      %mul3A_251 = vector.broadcast %mul3A_250 : i32 to vector<16xi32>
      %mul3A_252 = arith.muli %get3A_249, %mul3A_251 : vector<16xi32>
      %add3A_253 = vector.broadcast %mul3A_34 : i32 to vector<16xi32>
      %add3A_254 = arith.addi %mul3A_252, %add3A_253 : vector<16xi32>
      %add3A_255 = arith.addi %add3A_254, %get3A_147 : vector<16xi32>
      %add3A_256 = arith.constant 6144 : i32
      %add3A_257 = arith.addi %add3A_256, %add3A_144 : i32
      %swap3A_258 = arith.index_cast %add3A_257 : i32 to index
      %swap3A_259 = tpu.vector_load %arg10[%swap3A_258] {strides = array<i32>} : memref<8192xi32, #tpu.memory_space<vmem>>, vector<16xi32>,
      tpu.vector_store %arg10[%swap3A_258], %add3A_255 {strides = array<i32>} : memref<8192xi32, #tpu.memory_space<vmem>>, vector<16xi32>,
      %add3A_260 = arith.addi %add3A_254, %get3A_151 : vector<16xi32>
      %add3A_261 = arith.constant 6656 : i32
      %add3A_262 = arith.addi %add3A_261, %add3A_144 : i32
      %swap3A_263 = arith.index_cast %add3A_262 : i32 to index
      %swap3A_264 = tpu.vector_load %arg10[%swap3A_263] {strides = array<i32>} : memref<8192xi32, #tpu.memory_space<vmem>>, vector<16xi32>,
      tpu.vector_store %arg10[%swap3A_263], %add3A_260 {strides = array<i32>} : memref<8192xi32, #tpu.memory_space<vmem>>, vector<16xi32>,
      %add3A_265 = arith.addi %add3A_254, %get3A_155 : vector<16xi32>
      %add3A_266 = arith.constant 7168 : i32
      %add3A_267 = arith.addi %add3A_266, %add3A_144 : i32
      %swap3A_268 = arith.index_cast %add3A_267 : i32 to index
      %swap3A_269 = tpu.vector_load %arg10[%swap3A_268] {strides = array<i32>} : memref<8192xi32, #tpu.memory_space<vmem>>, vector<16xi32>,
      tpu.vector_store %arg10[%swap3A_268], %add3A_265 {strides = array<i32>} : memref<8192xi32, #tpu.memory_space<vmem>>, vector<16xi32>,
      %add3A_270 = arith.addi %add3A_254, %get3A_159 : vector<16xi32>
      %add3A_271 = arith.constant 7680 : i32
      %add3A_272 = arith.addi %add3A_271, %add3A_144 : i32
      %swap3A_273 = arith.index_cast %add3A_272 : i32 to index
      %swap3A_274 = tpu.vector_load %arg10[%swap3A_273] {strides = array<i32>} : memref<8192xi32, #tpu.memory_space<vmem>>, vector<16xi32>,
      tpu.vector_store %arg10[%swap3A_273], %add3A_270 {strides = array<i32>} : memref<8192xi32, #tpu.memory_space<vmem>>, vector<16xi32>,
    }
    %scan3A_53 = arith.constant 32 : i32
    %dma_start3A = arith.constant 0 : i32
    %dma_start3A_54 = tpu.memref_slice %arg16[%dma_start3A] : memref<1048576xi32, #tpu.memory_space<vmem_shared>> -> memref<1048576xi32, #tpu.memory_space<vmem_shared>>
    tpu.enqueue_indirect_dma source(%dma_start3A_54 : memref<1048576xi32, #tpu.memory_space<vmem_shared>>) target(%arg12 : memref<8192xi32, #tpu.memory_space<vmem>>) offsets(%arg10 : memref<8192xi32, #tpu.memory_space<vmem>>) semaphore(%arg18 : memref<!tpu.dma_semaphore, #tpu.memory_space<semaphore_mem>>)
    %add3A_55 = arith.constant 512 : i32
    %add3A_56 = arith.addi %mul3A_32, %add3A_55 : i32
    %scan3A_57 = arith.constant 0 : i32
    %scan3A_58 = arith.constant 8 : i32
    %scan3A_59 = arith.addi %scan3A_57, %scan3A_58 : i32
    %scan3A_60 = arith.constant 1 : i32
    scf.for %scan3A_140 = %scan3A_57 to %scan3A_59 step %scan3A_60  : i32 {
      %mul3A_141 = arith.constant 1 : i32
      %mul3A_142 = arith.muli %scan3A_140, %mul3A_141 : i32
      %add3A_143 = arith.constant 0 : i32
      %add3A_144 = arith.addi %add3A_143, %mul3A_142 : i32
      %jit3A_145 = arith.constant 4 : i32
      %div3A_146 = arith.divsi %add3A_144, %jit3A_145 : i32
      %sign3A_147 = arith.constant 0 : i32
      %sign3A_148 = arith.cmpi sgt, %add3A_144, %sign3A_147 : i32
      %sign3A_149 = arith.extui %sign3A_148 : i1 to i32
      %sign3A_150 = arith.constant 0 : i32
      %sign3A_151 = arith.cmpi slt, %add3A_144, %sign3A_150 : i32
      %sign3A_152 = arith.extui %sign3A_151 : i1 to i32
      %sign3A_153 = arith.subi %sign3A_149, %sign3A_152 : i32
      %sign3A_154 = arith.constant 0 : i32
      %sign3A_155 = arith.cmpi sgt, %jit3A_145, %sign3A_154 : i32
      %sign3A_156 = arith.extui %sign3A_155 : i1 to i32
      %sign3A_157 = arith.constant 0 : i32
      %sign3A_158 = arith.cmpi slt, %jit3A_145, %sign3A_157 : i32
      %sign3A_159 = arith.extui %sign3A_158 : i1 to i32
      %sign3A_160 = arith.subi %sign3A_156, %sign3A_159 : i32
      %ne3A_161 = arith.cmpi ne, %sign3A_153, %sign3A_160 : i32
      %rem3A_162 = arith.remsi %add3A_144, %jit3A_145 : i32
      %ne3A_163 = arith.constant 0 : i32
      %ne3A_164 = arith.cmpi ne, %rem3A_162, %ne3A_163 : i32
      %and3A_165 = arith.andi %ne3A_161, %ne3A_164 : i1
      %sub3A_166 = arith.constant 1 : i32
      %sub3A_167 = arith.subi %div3A_146, %sub3A_166 : i32
      %select_n3A_168 = arith.select %and3A_165, %sub3A_167, %div3A_146 : i32
      %mul3A_169 = arith.constant 4 : i32
      %mul3A_170 = arith.muli %select_n3A_168, %mul3A_169 : i32
      %sub3A_171 = arith.subi %add3A_144, %mul3A_170 : i32
      %dma_start3A_172 = arith.constant 0 : i32
      %dma_start3A_173 = tpu.memref_slice %arg7[%add3A_144, %dma_start3A_172] : memref<8x512xf32, #tpu.memory_space<vmem>> -> memref<1x512xf32, #tpu.memory_space<vmem>>
      %dma_start3A_174 = tpu.memref_squeeze %dma_start3A_173 : memref<1x512xf32, #tpu.memory_space<vmem>> -> memref<512xf32, #tpu.memory_space<vmem>>
      %dma_start3A_175 = tpu.memref_slice %arg3[%sub3A_171, %select_n3A, %select_n3A_168, %add3A_56] : memref<4x4x2x262144xf32, #tpu.memory_space<hbm>> -> memref<1x1x1x512xf32, #tpu.memory_space<hbm>>
      %dma_start3A_176 = tpu.memref_squeeze %dma_start3A_175 : memref<1x1x1x512xf32, #tpu.memory_space<hbm>> -> memref<512xf32, #tpu.memory_space<hbm>>
      %dma_start3A_177 = arith.constant 0 : i32
      %dma_start3A_178 = tpu.memref_slice %arg7[%add3A_144, %dma_start3A_177] : memref<8x512xf32, #tpu.memory_space<vmem>> -> memref<1x512xf32, #tpu.memory_space<vmem>>
      %dma_start3A_179 = tpu.memref_squeeze %dma_start3A_178 : memref<1x512xf32, #tpu.memory_space<vmem>> -> memref<512xf32, #tpu.memory_space<vmem>>
      %dma_start3A_180 = tpu.memref_slice %arg3[%sub3A_171, %select_n3A, %select_n3A_168, %add3A_56] : memref<4x4x2x262144xf32, #tpu.memory_space<hbm>> -> memref<1x1x1x512xf32, #tpu.memory_space<hbm>>
      %dma_start3A_181 = tpu.memref_squeeze %dma_start3A_180 : memref<1x1x1x512xf32, #tpu.memory_space<hbm>> -> memref<512xf32, #tpu.memory_space<hbm>>
      tpu.enqueue_dma source(%dma_start3A_181 : memref<512xf32, #tpu.memory_space<hbm>>) target(%dma_start3A_179 : memref<512xf32, #tpu.memory_space<vmem>>) target_semaphore(%arg17 : memref<!tpu.dma_semaphore, #tpu.memory_space<semaphore_mem>>)
      %dma_start3A_182 = arith.constant 0 : i32
      %dma_start3A_183 = tpu.memref_slice %arg9[%add3A_144, %dma_start3A_182] : memref<8x512xi32, #tpu.memory_space<vmem>> -> memref<1x512xi32, #tpu.memory_space<vmem>>
      %dma_start3A_184 = tpu.memref_squeeze %dma_start3A_183 : memref<1x512xi32, #tpu.memory_space<vmem>> -> memref<512xi32, #tpu.memory_space<vmem>>
      %dma_start3A_185 = tpu.memref_slice %arg4[%sub3A_171, %select_n3A, %select_n3A_168, %add3A_56] : memref<4x4x2x262144xi32, #tpu.memory_space<hbm>> -> memref<1x1x1x512xi32, #tpu.memory_space<hbm>>
      %dma_start3A_186 = tpu.memref_squeeze %dma_start3A_185 : memref<1x1x1x512xi32, #tpu.memory_space<hbm>> -> memref<512xi32, #tpu.memory_space<hbm>>
      %dma_start3A_187 = arith.constant 0 : i32
      %dma_start3A_188 = tpu.memref_slice %arg9[%add3A_144, %dma_start3A_187] : memref<8x512xi32, #tpu.memory_space<vmem>> -> memref<1x512xi32, #tpu.memory_space<vmem>>
      %dma_start3A_189 = tpu.memref_squeeze %dma_start3A_188 : memref<1x512xi32, #tpu.memory_space<vmem>> -> memref<512xi32, #tpu.memory_space<vmem>>
      %dma_start3A_190 = tpu.memref_slice %arg4[%sub3A_171, %select_n3A, %select_n3A_168, %add3A_56] : memref<4x4x2x262144xi32, #tpu.memory_space<hbm>> -> memref<1x1x1x512xi32, #tpu.memory_space<hbm>>
      %dma_start3A_191 = tpu.memref_squeeze %dma_start3A_190 : memref<1x1x1x512xi32, #tpu.memory_space<hbm>> -> memref<512xi32, #tpu.memory_space<hbm>>
      tpu.enqueue_dma source(%dma_start3A_191 : memref<512xi32, #tpu.memory_space<hbm>>) target(%dma_start3A_189 : memref<512xi32, #tpu.memory_space<vmem>>) target_semaphore(%arg17 : memref<!tpu.dma_semaphore, #tpu.memory_space<semaphore_mem>>)
    }
    %scan3A_61 = arith.constant 8 : i32
    %scan3A_62 = arith.constant 0 : i32
    %scan3A_63 = arith.constant 31 : i32
    %scan3A_64 = arith.addi %scan3A_62, %scan3A_63 : i32
    %scan3A_65 = arith.constant 1 : i32
    scf.for %scan3A_140 = %scan3A_62 to %scan3A_64 step %scan3A_65  : i32 {
      %mul3A_141 = arith.constant 1 : i32
      %mul3A_142 = arith.muli %scan3A_140, %mul3A_141 : i32
      %add3A_143 = arith.constant 0 : i32
      %add3A_144 = arith.addi %add3A_143, %mul3A_142 : i32
      %mul3A_145 = arith.constant 2 : i32
      %mul3A_146 = arith.muli %mul3A_145, %add3A_144 : i32
      %add3A_147 = arith.constant 1 : i32
      %add3A_148 = arith.addi %mul3A_146, %add3A_147 : i32
      %scan3A_149 = arith.constant 0 : i32
      %scan3A_150 = arith.constant 16 : i32
      %scan3A_151 = arith.addi %scan3A_149, %scan3A_150 : i32
      %scan3A_152 = arith.constant 1 : i32
      scf.for %scan3A_250 = %scan3A_149 to %scan3A_151 step %scan3A_152  : i32 {
        %mul3A_251 = arith.constant 1 : i32
        %mul3A_252 = arith.muli %scan3A_250, %mul3A_251 : i32
        %add3A_253 = arith.constant 0 : i32
        %add3A_254 = arith.addi %add3A_253, %mul3A_252 : i32
        %dma_wait3A_255 = arith.constant 0 : i32
        %dma_wait3A_256 = arith.constant 0 : i32
        %dma_wait3A_257 = arith.constant 0 : i32
        %dma_wait3A_258 = arith.constant 0 : i32
        %dma_wait3A_259 = arith.constant 0 : i32
        %dma_wait3A_260 = tpu.memref_slice %arg9[%dma_wait3A_258, %dma_wait3A_259] : memref<8x512xi32, #tpu.memory_space<vmem>> -> memref<1x512xi32, #tpu.memory_space<vmem>>
        %dma_wait3A_261 = tpu.memref_squeeze %dma_wait3A_260 : memref<1x512xi32, #tpu.memory_space<vmem>> -> memref<512xi32, #tpu.memory_space<vmem>>
        %dma_wait3A_262 = arith.constant 0 : i32
        %dma_wait3A_263 = tpu.memref_slice %arg4[%dma_wait3A_255, %dma_wait3A_256, %dma_wait3A_257, %dma_wait3A_262] : memref<4x4x2x262144xi32, #tpu.memory_space<hbm>> -> memref<1x1x1x512xi32, #tpu.memory_space<hbm>>
        %dma_wait3A_264 = tpu.memref_squeeze %dma_wait3A_263 : memref<1x1x1x512xi32, #tpu.memory_space<hbm>> -> memref<512xi32, #tpu.memory_space<hbm>>
        %dma_wait3A_265 = arith.constant 0 : i32
        %dma_wait3A_266 = tpu.memref_slice %arg9[%dma_wait3A_258, %dma_wait3A_265] : memref<8x512xi32, #tpu.memory_space<vmem>> -> memref<1x512xi32, #tpu.memory_space<vmem>>
        %dma_wait3A_267 = tpu.memref_squeeze %dma_wait3A_266 : memref<1x512xi32, #tpu.memory_space<vmem>> -> memref<512xi32, #tpu.memory_space<vmem>>
        %dma_wait3A_268 = arith.constant 0 : i32
        %dma_wait3A_269 = tpu.memref_slice %arg4[%dma_wait3A_255, %dma_wait3A_256, %dma_wait3A_257, %dma_wait3A_268] : memref<4x4x2x262144xi32, #tpu.memory_space<hbm>> -> memref<1x1x1x512xi32, #tpu.memory_space<hbm>>
        %dma_wait3A_270 = tpu.memref_squeeze %dma_wait3A_269 : memref<1x1x1x512xi32, #tpu.memory_space<hbm>> -> memref<512xi32, #tpu.memory_space<hbm>>
        tpu.wait_dma2 semaphore(%arg17 : memref<!tpu.dma_semaphore, #tpu.memory_space<semaphore_mem>>) src(%dma_wait3A_270 : memref<512xi32, #tpu.memory_space<hbm>>) dst(%dma_wait3A_267 : memref<512xi32, #tpu.memory_space<vmem>>)
      }
      %scan3A_153 = arith.constant 16 : i32
      %scan3A_154 = arith.constant 0 : i32
      %scan3A_155 = arith.constant 32 : i32
      %scan3A_156 = arith.addi %scan3A_154, %scan3A_155 : i32
      %scan3A_157 = arith.constant 1 : i32
      scf.for %scan3A_250 = %scan3A_154 to %scan3A_156 step %scan3A_157  : i32 {
        %mul3A_251 = arith.constant 16 : i32
        %mul3A_252 = arith.muli %scan3A_250, %mul3A_251 : i32
        %add3A_253 = arith.constant 0 : i32
        %add3A_254 = arith.addi %add3A_253, %mul3A_252 : i32
        %get3A = arith.constant 4 : i32
        %get3A_255 = arith.index_cast %get3A : i32 to index
        %get3A_256 = arith.index_cast %add3A_254 : i32 to index
        %get3A_257 = tpu.vector_load %arg9[%get3A_255, %get3A_256] {strides = array<i32>} : memref<8x512xi32, #tpu.memory_space<vmem>>, vector<16xi32>,
        %get3A_258 = arith.constant 5 : i32
        %get3A_259 = arith.index_cast %get3A_258 : i32 to index
        %get3A_260 = arith.index_cast %add3A_254 : i32 to index
        %get3A_261 = tpu.vector_load %arg9[%get3A_259, %get3A_260] {strides = array<i32>} : memref<8x512xi32, #tpu.memory_space<vmem>>, vector<16xi32>,
        %get3A_262 = arith.constant 6 : i32
        %get3A_263 = arith.index_cast %get3A_262 : i32 to index
        %get3A_264 = arith.index_cast %add3A_254 : i32 to index
        %get3A_265 = tpu.vector_load %arg9[%get3A_263, %get3A_264] {strides = array<i32>} : memref<8x512xi32, #tpu.memory_space<vmem>>, vector<16xi32>,
        %get3A_266 = arith.constant 7 : i32
        %get3A_267 = arith.index_cast %get3A_266 : i32 to index
        %get3A_268 = arith.index_cast %add3A_254 : i32 to index
        %get3A_269 = tpu.vector_load %arg9[%get3A_267, %get3A_268] {strides = array<i32>} : memref<8x512xi32, #tpu.memory_space<vmem>>, vector<16xi32>,
        %get3A_270 = arith.constant 0 : i32
        %get3A_271 = arith.index_cast %get3A_270 : i32 to index
        %get3A_272 = arith.index_cast %add3A_254 : i32 to index
        %get3A_273 = tpu.vector_load %arg9[%get3A_271, %get3A_272] {strides = array<i32>} : memref<8x512xi32, #tpu.memory_space<vmem>>, vector<16xi32>,
        %mul3A_274 = arith.constant 512 : i32
        %mul3A_275 = vector.broadcast %mul3A_274 : i32 to vector<16xi32>
        %mul3A_276 = arith.muli %get3A_273, %mul3A_275 : vector<16xi32>
        %add3A_277 = vector.broadcast %mul3A_34 : i32 to vector<16xi32>
        %add3A_278 = arith.addi %mul3A_276, %add3A_277 : vector<16xi32>
        %add3A_279 = arith.addi %add3A_278, %get3A_257 : vector<16xi32>
        %add3A_280 = arith.constant 0 : i32
        %add3A_281 = arith.addi %add3A_280, %add3A_254 : i32
        %swap3A = arith.index_cast %add3A_281 : i32 to index
        %swap3A_282 = tpu.vector_load %arg11[%swap3A] {strides = array<i32>} : memref<8192xi32, #tpu.memory_space<vmem>>, vector<16xi32>,
        tpu.vector_store %arg11[%swap3A], %add3A_279 {strides = array<i32>} : memref<8192xi32, #tpu.memory_space<vmem>>, vector<16xi32>,
        %add3A_283 = arith.addi %add3A_278, %get3A_261 : vector<16xi32>
        %add3A_284 = arith.constant 512 : i32
        %add3A_285 = arith.addi %add3A_284, %add3A_254 : i32
        %swap3A_286 = arith.index_cast %add3A_285 : i32 to index
        %swap3A_287 = tpu.vector_load %arg11[%swap3A_286] {strides = array<i32>} : memref<8192xi32, #tpu.memory_space<vmem>>, vector<16xi32>,
        tpu.vector_store %arg11[%swap3A_286], %add3A_283 {strides = array<i32>} : memref<8192xi32, #tpu.memory_space<vmem>>, vector<16xi32>,
        %add3A_288 = arith.addi %add3A_278, %get3A_265 : vector<16xi32>
        %add3A_289 = arith.constant 1024 : i32
        %add3A_290 = arith.addi %add3A_289, %add3A_254 : i32
        %swap3A_291 = arith.index_cast %add3A_290 : i32 to index
        %swap3A_292 = tpu.vector_load %arg11[%swap3A_291] {strides = array<i32>} : memref<8192xi32, #tpu.memory_space<vmem>>, vector<16xi32>,
        tpu.vector_store %arg11[%swap3A_291], %add3A_288 {strides = array<i32>} : memref<8192xi32, #tpu.memory_space<vmem>>, vector<16xi32>,
        %add3A_293 = arith.addi %add3A_278, %get3A_269 : vector<16xi32>
        %add3A_294 = arith.constant 1536 : i32
        %add3A_295 = arith.addi %add3A_294, %add3A_254 : i32
        %swap3A_296 = arith.index_cast %add3A_295 : i32 to index
        %swap3A_297 = tpu.vector_load %arg11[%swap3A_296] {strides = array<i32>} : memref<8192xi32, #tpu.memory_space<vmem>>, vector<16xi32>,
        tpu.vector_store %arg11[%swap3A_296], %add3A_293 {strides = array<i32>} : memref<8192xi32, #tpu.memory_space<vmem>>, vector<16xi32>,
        %get3A_298 = arith.constant 1 : i32
        %get3A_299 = arith.index_cast %get3A_298 : i32 to index
        %get3A_300 = arith.index_cast %add3A_254 : i32 to index
        %get3A_301 = tpu.vector_load %arg9[%get3A_299, %get3A_300] {strides = array<i32>} : memref<8x512xi32, #tpu.memory_space<vmem>>, vector<16xi32>,
        %mul3A_302 = arith.constant 512 : i32
        %mul3A_303 = vector.broadcast %mul3A_302 : i32 to vector<16xi32>
        %mul3A_304 = arith.muli %get3A_301, %mul3A_303 : vector<16xi32>
        %add3A_305 = vector.broadcast %mul3A_34 : i32 to vector<16xi32>
        %add3A_306 = arith.addi %mul3A_304, %add3A_305 : vector<16xi32>
        %add3A_307 = arith.addi %add3A_306, %get3A_257 : vector<16xi32>
        %add3A_308 = arith.constant 2048 : i32
        %add3A_309 = arith.addi %add3A_308, %add3A_254 : i32
        %swap3A_310 = arith.index_cast %add3A_309 : i32 to index
        %swap3A_311 = tpu.vector_load %arg11[%swap3A_310] {strides = array<i32>} : memref<8192xi32, #tpu.memory_space<vmem>>, vector<16xi32>,
        tpu.vector_store %arg11[%swap3A_310], %add3A_307 {strides = array<i32>} : memref<8192xi32, #tpu.memory_space<vmem>>, vector<16xi32>,
        %add3A_312 = arith.addi %add3A_306, %get3A_261 : vector<16xi32>
        %add3A_313 = arith.constant 2560 : i32
        %add3A_314 = arith.addi %add3A_313, %add3A_254 : i32
        %swap3A_315 = arith.index_cast %add3A_314 : i32 to index
        %swap3A_316 = tpu.vector_load %arg11[%swap3A_315] {strides = array<i32>} : memref<8192xi32, #tpu.memory_space<vmem>>, vector<16xi32>,
        tpu.vector_store %arg11[%swap3A_315], %add3A_312 {strides = array<i32>} : memref<8192xi32, #tpu.memory_space<vmem>>, vector<16xi32>,
        %add3A_317 = arith.addi %add3A_306, %get3A_265 : vector<16xi32>
        %add3A_318 = arith.constant 3072 : i32
        %add3A_319 = arith.addi %add3A_318, %add3A_254 : i32
        %swap3A_320 = arith.index_cast %add3A_319 : i32 to index
        %swap3A_321 = tpu.vector_load %arg11[%swap3A_320] {strides = array<i32>} : memref<8192xi32, #tpu.memory_space<vmem>>, vector<16xi32>,
        tpu.vector_store %arg11[%swap3A_320], %add3A_317 {strides = array<i32>} : memref<8192xi32, #tpu.memory_space<vmem>>, vector<16xi32>,
        %add3A_322 = arith.addi %add3A_306, %get3A_269 : vector<16xi32>
        %add3A_323 = arith.constant 3584 : i32
        %add3A_324 = arith.addi %add3A_323, %add3A_254 : i32
        %swap3A_325 = arith.index_cast %add3A_324 : i32 to index
        %swap3A_326 = tpu.vector_load %arg11[%swap3A_325] {strides = array<i32>} : memref<8192xi32, #tpu.memory_space<vmem>>, vector<16xi32>,
        tpu.vector_store %arg11[%swap3A_325], %add3A_322 {strides = array<i32>} : memref<8192xi32, #tpu.memory_space<vmem>>, vector<16xi32>,
        %get3A_327 = arith.constant 2 : i32
        %get3A_328 = arith.index_cast %get3A_327 : i32 to index
        %get3A_329 = arith.index_cast %add3A_254 : i32 to index
        %get3A_330 = tpu.vector_load %arg9[%get3A_328, %get3A_329] {strides = array<i32>} : memref<8x512xi32, #tpu.memory_space<vmem>>, vector<16xi32>,
        %mul3A_331 = arith.constant 512 : i32
        %mul3A_332 = vector.broadcast %mul3A_331 : i32 to vector<16xi32>
        %mul3A_333 = arith.muli %get3A_330, %mul3A_332 : vector<16xi32>
        %add3A_334 = vector.broadcast %mul3A_34 : i32 to vector<16xi32>
        %add3A_335 = arith.addi %mul3A_333, %add3A_334 : vector<16xi32>
        %add3A_336 = arith.addi %add3A_335, %get3A_257 : vector<16xi32>
        %add3A_337 = arith.constant 4096 : i32
        %add3A_338 = arith.addi %add3A_337, %add3A_254 : i32
        %swap3A_339 = arith.index_cast %add3A_338 : i32 to index
        %swap3A_340 = tpu.vector_load %arg11[%swap3A_339] {strides = array<i32>} : memref<8192xi32, #tpu.memory_space<vmem>>, vector<16xi32>,
        tpu.vector_store %arg11[%swap3A_339], %add3A_336 {strides = array<i32>} : memref<8192xi32, #tpu.memory_space<vmem>>, vector<16xi32>,
        %add3A_341 = arith.addi %add3A_335, %get3A_261 : vector<16xi32>
        %add3A_342 = arith.constant 4608 : i32
        %add3A_343 = arith.addi %add3A_342, %add3A_254 : i32
        %swap3A_344 = arith.index_cast %add3A_343 : i32 to index
        %swap3A_345 = tpu.vector_load %arg11[%swap3A_344] {strides = array<i32>} : memref<8192xi32, #tpu.memory_space<vmem>>, vector<16xi32>,
        tpu.vector_store %arg11[%swap3A_344], %add3A_341 {strides = array<i32>} : memref<8192xi32, #tpu.memory_space<vmem>>, vector<16xi32>,
        %add3A_346 = arith.addi %add3A_335, %get3A_265 : vector<16xi32>
        %add3A_347 = arith.constant 5120 : i32
        %add3A_348 = arith.addi %add3A_347, %add3A_254 : i32
        %swap3A_349 = arith.index_cast %add3A_348 : i32 to index
        %swap3A_350 = tpu.vector_load %arg11[%swap3A_349] {strides = array<i32>} : memref<8192xi32, #tpu.memory_space<vmem>>, vector<16xi32>,
        tpu.vector_store %arg11[%swap3A_349], %add3A_346 {strides = array<i32>} : memref<8192xi32, #tpu.memory_space<vmem>>, vector<16xi32>,
        %add3A_351 = arith.addi %add3A_335, %get3A_269 : vector<16xi32>
        %add3A_352 = arith.constant 5632 : i32
        %add3A_353 = arith.addi %add3A_352, %add3A_254 : i32
        %swap3A_354 = arith.index_cast %add3A_353 : i32 to index
        %swap3A_355 = tpu.vector_load %arg11[%swap3A_354] {strides = array<i32>} : memref<8192xi32, #tpu.memory_space<vmem>>, vector<16xi32>,
        tpu.vector_store %arg11[%swap3A_354], %add3A_351 {strides = array<i32>} : memref<8192xi32, #tpu.memory_space<vmem>>, vector<16xi32>,
        %get3A_356 = arith.constant 3 : i32
        %get3A_357 = arith.index_cast %get3A_356 : i32 to index
        %get3A_358 = arith.index_cast %add3A_254 : i32 to index
        %get3A_359 = tpu.vector_load %arg9[%get3A_357, %get3A_358] {strides = array<i32>} : memref<8x512xi32, #tpu.memory_space<vmem>>, vector<16xi32>,
        %mul3A_360 = arith.constant 512 : i32
        %mul3A_361 = vector.broadcast %mul3A_360 : i32 to vector<16xi32>
        %mul3A_362 = arith.muli %get3A_359, %mul3A_361 : vector<16xi32>
        %add3A_363 = vector.broadcast %mul3A_34 : i32 to vector<16xi32>
        %add3A_364 = arith.addi %mul3A_362, %add3A_363 : vector<16xi32>
        %add3A_365 = arith.addi %add3A_364, %get3A_257 : vector<16xi32>
        %add3A_366 = arith.constant 6144 : i32
        %add3A_367 = arith.addi %add3A_366, %add3A_254 : i32
        %swap3A_368 = arith.index_cast %add3A_367 : i32 to index
        %swap3A_369 = tpu.vector_load %arg11[%swap3A_368] {strides = array<i32>} : memref<8192xi32, #tpu.memory_space<vmem>>, vector<16xi32>,
        tpu.vector_store %arg11[%swap3A_368], %add3A_365 {strides = array<i32>} : memref<8192xi32, #tpu.memory_space<vmem>>, vector<16xi32>,
        %add3A_370 = arith.addi %add3A_364, %get3A_261 : vector<16xi32>
        %add3A_371 = arith.constant 6656 : i32
        %add3A_372 = arith.addi %add3A_371, %add3A_254 : i32
        %swap3A_373 = arith.index_cast %add3A_372 : i32 to index
        %swap3A_374 = tpu.vector_load %arg11[%swap3A_373] {strides = array<i32>} : memref<8192xi32, #tpu.memory_space<vmem>>, vector<16xi32>,
        tpu.vector_store %arg11[%swap3A_373], %add3A_370 {strides = array<i32>} : memref<8192xi32, #tpu.memory_space<vmem>>, vector<16xi32>,
        %add3A_375 = arith.addi %add3A_364, %get3A_265 : vector<16xi32>
        %add3A_376 = arith.constant 7168 : i32
        %add3A_377 = arith.addi %add3A_376, %add3A_254 : i32
        %swap3A_378 = arith.index_cast %add3A_377 : i32 to index
        %swap3A_379 = tpu.vector_load %arg11[%swap3A_378] {strides = array<i32>} : memref<8192xi32, #tpu.memory_space<vmem>>, vector<16xi32>,
        tpu.vector_store %arg11[%swap3A_378], %add3A_375 {strides = array<i32>} : memref<8192xi32, #tpu.memory_space<vmem>>, vector<16xi32>,
        %add3A_380 = arith.addi %add3A_364, %get3A_269 : vector<16xi32>
        %add3A_381 = arith.constant 7680 : i32
        %add3A_382 = arith.addi %add3A_381, %add3A_254 : i32
        %swap3A_383 = arith.index_cast %add3A_382 : i32 to index
        %swap3A_384 = tpu.vector_load %arg11[%swap3A_383] {strides = array<i32>} : memref<8192xi32, #tpu.memory_space<vmem>>, vector<16xi32>,
        tpu.vector_store %arg11[%swap3A_383], %add3A_380 {strides = array<i32>} : memref<8192xi32, #tpu.memory_space<vmem>>, vector<16xi32>,
      }
      %scan3A_158 = arith.constant 32 : i32
      %dma_start3A_159 = arith.constant 0 : i32
      %dma_start3A_160 = tpu.memref_slice %arg16[%dma_start3A_159] : memref<1048576xi32, #tpu.memory_space<vmem_shared>> -> memref<1048576xi32, #tpu.memory_space<vmem_shared>>
      tpu.enqueue_indirect_dma source(%dma_start3A_160 : memref<1048576xi32, #tpu.memory_space<vmem_shared>>) target(%arg13 : memref<8192xi32, #tpu.memory_space<vmem>>) offsets(%arg11 : memref<8192xi32, #tpu.memory_space<vmem>>) semaphore(%arg19 : memref<!tpu.dma_semaphore, #tpu.memory_space<semaphore_mem>>)
      %sub3A_161 = arith.constant 1 : i32
      %sub3A_162 = arith.subi %add3A_148, %sub3A_161 : i32
      %ge3A = arith.constant 2 : i32
      %ge3A_163 = arith.cmpi sge, %sub3A_162, %ge3A : i32
      %convert_element_type3A_164 = arith.extui %ge3A_163 : i1 to i32
      %cond3A_165 = arith.constant 0 : i32
      %cond3A_166 = arith.cmpi ne, %convert_element_type3A_164, %cond3A_165 : i32
      scf.if %cond3A_166 {
        %scan3A_250 = arith.constant 0 : i32
        %scan3A_251 = arith.constant 2 : i32
        %scan3A_252 = arith.addi %scan3A_250, %scan3A_251 : i32
        %scan3A_253 = arith.constant 1 : i32
        scf.for %scan3A_255 = %scan3A_250 to %scan3A_252 step %scan3A_253  : i32 {
          %mul3A_256 = arith.constant 1 : i32
          %mul3A_257 = arith.muli %scan3A_255, %mul3A_256 : i32
          %add3A_258 = arith.constant 0 : i32
          %add3A_259 = arith.addi %add3A_258, %mul3A_257 : i32
          %dma_wait3A_260 = arith.constant 0 : i32
          %dma_wait3A_261 = arith.constant 0 : i32
          %dma_wait3A_262 = arith.constant 0 : i32
          %dma_wait3A_263 = arith.constant 0 : i32
          %dma_wait3A_264 = arith.constant 0 : i32
          %dma_wait3A_265 = tpu.memref_slice %arg14[%dma_wait3A_263, %dma_wait3A_264] : memref<2x512xf32, #tpu.memory_space<vmem>> -> memref<1x512xf32, #tpu.memory_space<vmem>>
          %dma_wait3A_266 = tpu.memref_squeeze %dma_wait3A_265 : memref<1x512xf32, #tpu.memory_space<vmem>> -> memref<512xf32, #tpu.memory_space<vmem>>
          %dma_wait3A_267 = arith.constant 0 : i32
          %dma_wait3A_268 = tpu.memref_slice %arg3[%dma_wait3A_260, %dma_wait3A_261, %dma_wait3A_262, %dma_wait3A_267] : memref<4x4x2x262144xf32, #tpu.memory_space<hbm>> -> memref<1x1x1x512xf32, #tpu.memory_space<hbm>>
          %dma_wait3A_269 = tpu.memref_squeeze %dma_wait3A_268 : memref<1x1x1x512xf32, #tpu.memory_space<hbm>> -> memref<512xf32, #tpu.memory_space<hbm>>
          %dma_wait3A_270 = arith.constant 0 : i32
          %dma_wait3A_271 = tpu.memref_slice %arg14[%dma_wait3A_263, %dma_wait3A_270] : memref<2x512xf32, #tpu.memory_space<vmem>> -> memref<1x512xf32, #tpu.memory_space<vmem>>
          %dma_wait3A_272 = tpu.memref_squeeze %dma_wait3A_271 : memref<1x512xf32, #tpu.memory_space<vmem>> -> memref<512xf32, #tpu.memory_space<vmem>>
          %dma_wait3A_273 = arith.constant 0 : i32
          %dma_wait3A_274 = tpu.memref_slice %arg3[%dma_wait3A_260, %dma_wait3A_261, %dma_wait3A_262, %dma_wait3A_273] : memref<4x4x2x262144xf32, #tpu.memory_space<hbm>> -> memref<1x1x1x512xf32, #tpu.memory_space<hbm>>
          %dma_wait3A_275 = tpu.memref_squeeze %dma_wait3A_274 : memref<1x1x1x512xf32, #tpu.memory_space<hbm>> -> memref<512xf32, #tpu.memory_space<hbm>>
          tpu.wait_dma2 semaphore(%arg20 : memref<!tpu.dma_semaphore, #tpu.memory_space<semaphore_mem>>) src(%dma_wait3A_275 : memref<512xf32, #tpu.memory_space<hbm>>) dst(%dma_wait3A_272 : memref<512xf32, #tpu.memory_space<vmem>>)
        }
        %scan3A_254 = arith.constant 2 : i32
      } else {
      }
      %dma_wait3A_167 = arith.constant 0 : i32
      %dma_wait3A_168 = arith.constant 0 : i32
      %dma_wait3A_169 = arith.constant 0 : i32
      %dma_wait3A_170 = arith.constant 0 : i32
      %dma_wait3A_171 = tpu.memref_slice %arg4[%dma_wait3A_167, %dma_wait3A_168, %dma_wait3A_169, %dma_wait3A_170] : memref<4x4x2x262144xi32, #tpu.memory_space<hbm>> -> memref<1x1x1x8192xi32, #tpu.memory_space<hbm>>
      %dma_wait3A_172 = tpu.memref_squeeze %dma_wait3A_171 : memref<1x1x1x8192xi32, #tpu.memory_space<hbm>> -> memref<8192xi32, #tpu.memory_space<hbm>>
      %dma_wait3A_173 = arith.constant 0 : i32
      %dma_wait3A_174 = tpu.memref_slice %arg4[%dma_wait3A_167, %dma_wait3A_168, %dma_wait3A_169, %dma_wait3A_173] : memref<4x4x2x262144xi32, #tpu.memory_space<hbm>> -> memref<1x1x1x8192xi32, #tpu.memory_space<hbm>>
      %dma_wait3A_175 = tpu.memref_squeeze %dma_wait3A_174 : memref<1x1x1x8192xi32, #tpu.memory_space<hbm>> -> memref<8192xi32, #tpu.memory_space<hbm>>
      tpu.wait_dma2 semaphore(%arg18 : memref<!tpu.dma_semaphore, #tpu.memory_space<semaphore_mem>>) src(%dma_wait3A_175 : memref<8192xi32, #tpu.memory_space<hbm>>) dst(%arg12 : memref<8192xi32, #tpu.memory_space<vmem>>)
      %scan3A_176 = arith.constant 0 : i32
      %scan3A_177 = arith.constant 32 : i32
      %scan3A_178 = arith.addi %scan3A_176, %scan3A_177 : i32
      %scan3A_179 = arith.constant 1 : i32
      scf.for %scan3A_250 = %scan3A_176 to %scan3A_178 step %scan3A_179  : i32 {
        %mul3A_251 = arith.constant 16 : i32
        %mul3A_252 = arith.muli %scan3A_250, %mul3A_251 : i32
        %add3A_253 = arith.constant 0 : i32
        %add3A_254 = arith.addi %add3A_253, %mul3A_252 : i32
        %get3A = arith.constant 0 : i32
        %get3A_255 = arith.index_cast %get3A : i32 to index
        %get3A_256 = arith.index_cast %add3A_254 : i32 to index
        %get3A_257 = tpu.vector_load %arg6[%get3A_255, %get3A_256] {strides = array<i32>} : memref<8x512xf32, #tpu.memory_space<vmem>>, vector<16xf32>,
        %get3A_258 = arith.constant 1 : i32
        %get3A_259 = arith.index_cast %get3A_258 : i32 to index
        %get3A_260 = arith.index_cast %add3A_254 : i32 to index
        %get3A_261 = tpu.vector_load %arg6[%get3A_259, %get3A_260] {strides = array<i32>} : memref<8x512xf32, #tpu.memory_space<vmem>>, vector<16xf32>,
        %get3A_262 = arith.constant 2 : i32
        %get3A_263 = arith.index_cast %get3A_262 : i32 to index
        %get3A_264 = arith.index_cast %add3A_254 : i32 to index
        %get3A_265 = tpu.vector_load %arg6[%get3A_263, %get3A_264] {strides = array<i32>} : memref<8x512xf32, #tpu.memory_space<vmem>>, vector<16xf32>,
        %get3A_266 = arith.constant 3 : i32
        %get3A_267 = arith.index_cast %get3A_266 : i32 to index
        %get3A_268 = arith.index_cast %add3A_254 : i32 to index
        %get3A_269 = tpu.vector_load %arg6[%get3A_267, %get3A_268] {strides = array<i32>} : memref<8x512xf32, #tpu.memory_space<vmem>>, vector<16xf32>,
        %get3A_270 = arith.constant 4 : i32
        %get3A_271 = arith.index_cast %get3A_270 : i32 to index
        %get3A_272 = arith.index_cast %add3A_254 : i32 to index
        %get3A_273 = tpu.vector_load %arg6[%get3A_271, %get3A_272] {strides = array<i32>} : memref<8x512xf32, #tpu.memory_space<vmem>>, vector<16xf32>,
        %get3A_274 = arith.constant 5 : i32
        %get3A_275 = arith.index_cast %get3A_274 : i32 to index
        %get3A_276 = arith.index_cast %add3A_254 : i32 to index
        %get3A_277 = tpu.vector_load %arg6[%get3A_275, %get3A_276] {strides = array<i32>} : memref<8x512xf32, #tpu.memory_space<vmem>>, vector<16xf32>,
        %get3A_278 = arith.constant 6 : i32
        %get3A_279 = arith.index_cast %get3A_278 : i32 to index
        %get3A_280 = arith.index_cast %add3A_254 : i32 to index
        %get3A_281 = tpu.vector_load %arg6[%get3A_279, %get3A_280] {strides = array<i32>} : memref<8x512xf32, #tpu.memory_space<vmem>>, vector<16xf32>,
        %get3A_282 = arith.constant 7 : i32
        %get3A_283 = arith.index_cast %get3A_282 : i32 to index
        %get3A_284 = arith.index_cast %add3A_254 : i32 to index
        %get3A_285 = tpu.vector_load %arg6[%get3A_283, %get3A_284] {strides = array<i32>} : memref<8x512xf32, #tpu.memory_space<vmem>>, vector<16xf32>,
        %broadcast_in_dim3A = arith.constant 0.000000e+00 : f32
        %broadcast_in_dim3A_286 = vector.broadcast %broadcast_in_dim3A : f32 to vector<16xf32>
        %add3A_287 = arith.constant 0 : i32
        %add3A_288 = arith.addi %add3A_287, %add3A_254 : i32
        %get3A_289 = arith.index_cast %add3A_288 : i32 to index
        %get3A_290 = tpu.vector_load %arg12[%get3A_289] {strides = array<i32>} : memref<8192xi32, #tpu.memory_space<vmem>>, vector<16xi32>,
        %shift_left3A = arith.constant 16 : i32
        %shift_left3A_291 = vector.broadcast %shift_left3A : i32 to vector<16xi32>
        %shift_left3A_292 = arith.shli %get3A_290, %shift_left3A_291 : vector<16xi32>
        %bitcast3A = vector.bitcast %shift_left3A_292 : vector<16xi32> to vector<16xf32>
        %and3A_293 = arith.constant -65536 : i32
        %and3A_294 = vector.broadcast %and3A_293 : i32 to vector<16xi32>
        %and3A_295 = arith.andi %get3A_290, %and3A_294 : vector<16xi32>
        %bitcast3A_296 = vector.bitcast %and3A_295 : vector<16xi32> to vector<16xf32>
        %mul3A_297 = arith.mulf %get3A_257, %get3A_273 : vector<16xf32>
        %mul3A_298 = arith.mulf %mul3A_297, %bitcast3A : vector<16xf32>
        %add3A_299 = arith.addf %broadcast_in_dim3A_286, %mul3A_298 : vector<16xf32>
        %mul3A_300 = arith.mulf %mul3A_297, %bitcast3A_296 : vector<16xf32>
        %add3A_301 = arith.addf %broadcast_in_dim3A_286, %mul3A_300 : vector<16xf32>
        %add3A_302 = arith.constant 512 : i32
        %add3A_303 = arith.addi %add3A_302, %add3A_254 : i32
        %get3A_304 = arith.index_cast %add3A_303 : i32 to index
        %get3A_305 = tpu.vector_load %arg12[%get3A_304] {strides = array<i32>} : memref<8192xi32, #tpu.memory_space<vmem>>, vector<16xi32>,
        %shift_left3A_306 = arith.constant 16 : i32
        %shift_left3A_307 = vector.broadcast %shift_left3A_306 : i32 to vector<16xi32>
        %shift_left3A_308 = arith.shli %get3A_305, %shift_left3A_307 : vector<16xi32>
        %bitcast3A_309 = vector.bitcast %shift_left3A_308 : vector<16xi32> to vector<16xf32>
        %and3A_310 = arith.constant -65536 : i32
        %and3A_311 = vector.broadcast %and3A_310 : i32 to vector<16xi32>
        %and3A_312 = arith.andi %get3A_305, %and3A_311 : vector<16xi32>
        %bitcast3A_313 = vector.bitcast %and3A_312 : vector<16xi32> to vector<16xf32>
        %mul3A_314 = arith.mulf %get3A_257, %get3A_277 : vector<16xf32>
        %mul3A_315 = arith.mulf %mul3A_314, %bitcast3A_309 : vector<16xf32>
        %add3A_316 = arith.addf %broadcast_in_dim3A_286, %mul3A_315 : vector<16xf32>
        %mul3A_317 = arith.mulf %mul3A_314, %bitcast3A_313 : vector<16xf32>
        %add3A_318 = arith.addf %broadcast_in_dim3A_286, %mul3A_317 : vector<16xf32>
        %add3A_319 = arith.constant 1024 : i32
        %add3A_320 = arith.addi %add3A_319, %add3A_254 : i32
        %get3A_321 = arith.index_cast %add3A_320 : i32 to index
        %get3A_322 = tpu.vector_load %arg12[%get3A_321] {strides = array<i32>} : memref<8192xi32, #tpu.memory_space<vmem>>, vector<16xi32>,
        %shift_left3A_323 = arith.constant 16 : i32
        %shift_left3A_324 = vector.broadcast %shift_left3A_323 : i32 to vector<16xi32>
        %shift_left3A_325 = arith.shli %get3A_322, %shift_left3A_324 : vector<16xi32>
        %bitcast3A_326 = vector.bitcast %shift_left3A_325 : vector<16xi32> to vector<16xf32>
        %and3A_327 = arith.constant -65536 : i32
        %and3A_328 = vector.broadcast %and3A_327 : i32 to vector<16xi32>
        %and3A_329 = arith.andi %get3A_322, %and3A_328 : vector<16xi32>
        %bitcast3A_330 = vector.bitcast %and3A_329 : vector<16xi32> to vector<16xf32>
        %mul3A_331 = arith.mulf %get3A_257, %get3A_281 : vector<16xf32>
        %mul3A_332 = arith.mulf %mul3A_331, %bitcast3A_326 : vector<16xf32>
        %add3A_333 = arith.addf %broadcast_in_dim3A_286, %mul3A_332 : vector<16xf32>
        %mul3A_334 = arith.mulf %mul3A_331, %bitcast3A_330 : vector<16xf32>
        %add3A_335 = arith.addf %broadcast_in_dim3A_286, %mul3A_334 : vector<16xf32>
        %add3A_336 = arith.constant 1536 : i32
        %add3A_337 = arith.addi %add3A_336, %add3A_254 : i32
        %get3A_338 = arith.index_cast %add3A_337 : i32 to index
        %get3A_339 = tpu.vector_load %arg12[%get3A_338] {strides = array<i32>} : memref<8192xi32, #tpu.memory_space<vmem>>, vector<16xi32>,
        %shift_left3A_340 = arith.constant 16 : i32
        %shift_left3A_341 = vector.broadcast %shift_left3A_340 : i32 to vector<16xi32>
        %shift_left3A_342 = arith.shli %get3A_339, %shift_left3A_341 : vector<16xi32>
        %bitcast3A_343 = vector.bitcast %shift_left3A_342 : vector<16xi32> to vector<16xf32>
        %and3A_344 = arith.constant -65536 : i32
        %and3A_345 = vector.broadcast %and3A_344 : i32 to vector<16xi32>
        %and3A_346 = arith.andi %get3A_339, %and3A_345 : vector<16xi32>
        %bitcast3A_347 = vector.bitcast %and3A_346 : vector<16xi32> to vector<16xf32>
        %mul3A_348 = arith.mulf %get3A_257, %get3A_285 : vector<16xf32>
        %mul3A_349 = arith.mulf %mul3A_348, %bitcast3A_343 : vector<16xf32>
        %add3A_350 = arith.addf %broadcast_in_dim3A_286, %mul3A_349 : vector<16xf32>
        %mul3A_351 = arith.mulf %mul3A_348, %bitcast3A_347 : vector<16xf32>
        %add3A_352 = arith.addf %broadcast_in_dim3A_286, %mul3A_351 : vector<16xf32>
        %add3A_353 = arith.constant 2048 : i32
        %add3A_354 = arith.addi %add3A_353, %add3A_254 : i32
        %get3A_355 = arith.index_cast %add3A_354 : i32 to index
        %get3A_356 = tpu.vector_load %arg12[%get3A_355] {strides = array<i32>} : memref<8192xi32, #tpu.memory_space<vmem>>, vector<16xi32>,
        %shift_left3A_357 = arith.constant 16 : i32
        %shift_left3A_358 = vector.broadcast %shift_left3A_357 : i32 to vector<16xi32>
        %shift_left3A_359 = arith.shli %get3A_356, %shift_left3A_358 : vector<16xi32>
        %bitcast3A_360 = vector.bitcast %shift_left3A_359 : vector<16xi32> to vector<16xf32>
        %and3A_361 = arith.constant -65536 : i32
        %and3A_362 = vector.broadcast %and3A_361 : i32 to vector<16xi32>
        %and3A_363 = arith.andi %get3A_356, %and3A_362 : vector<16xi32>
        %bitcast3A_364 = vector.bitcast %and3A_363 : vector<16xi32> to vector<16xf32>
        %mul3A_365 = arith.mulf %get3A_261, %get3A_273 : vector<16xf32>
        %mul3A_366 = arith.mulf %mul3A_365, %bitcast3A_360 : vector<16xf32>
        %add3A_367 = arith.addf %add3A_299, %mul3A_366 : vector<16xf32>
        %mul3A_368 = arith.mulf %mul3A_365, %bitcast3A_364 : vector<16xf32>
        %add3A_369 = arith.addf %add3A_301, %mul3A_368 : vector<16xf32>
        %add3A_370 = arith.constant 2560 : i32
        %add3A_371 = arith.addi %add3A_370, %add3A_254 : i32
        %get3A_372 = arith.index_cast %add3A_371 : i32 to index
        %get3A_373 = tpu.vector_load %arg12[%get3A_372] {strides = array<i32>} : memref<8192xi32, #tpu.memory_space<vmem>>, vector<16xi32>,
        %shift_left3A_374 = arith.constant 16 : i32
        %shift_left3A_375 = vector.broadcast %shift_left3A_374 : i32 to vector<16xi32>
        %shift_left3A_376 = arith.shli %get3A_373, %shift_left3A_375 : vector<16xi32>
        %bitcast3A_377 = vector.bitcast %shift_left3A_376 : vector<16xi32> to vector<16xf32>
        %and3A_378 = arith.constant -65536 : i32
        %and3A_379 = vector.broadcast %and3A_378 : i32 to vector<16xi32>
        %and3A_380 = arith.andi %get3A_373, %and3A_379 : vector<16xi32>
        %bitcast3A_381 = vector.bitcast %and3A_380 : vector<16xi32> to vector<16xf32>
        %mul3A_382 = arith.mulf %get3A_261, %get3A_277 : vector<16xf32>
        %mul3A_383 = arith.mulf %mul3A_382, %bitcast3A_377 : vector<16xf32>
        %add3A_384 = arith.addf %add3A_316, %mul3A_383 : vector<16xf32>
        %mul3A_385 = arith.mulf %mul3A_382, %bitcast3A_381 : vector<16xf32>
        %add3A_386 = arith.addf %add3A_318, %mul3A_385 : vector<16xf32>
        %add3A_387 = arith.constant 3072 : i32
        %add3A_388 = arith.addi %add3A_387, %add3A_254 : i32
        %get3A_389 = arith.index_cast %add3A_388 : i32 to index
        %get3A_390 = tpu.vector_load %arg12[%get3A_389] {strides = array<i32>} : memref<8192xi32, #tpu.memory_space<vmem>>, vector<16xi32>,
        %shift_left3A_391 = arith.constant 16 : i32
        %shift_left3A_392 = vector.broadcast %shift_left3A_391 : i32 to vector<16xi32>
        %shift_left3A_393 = arith.shli %get3A_390, %shift_left3A_392 : vector<16xi32>
        %bitcast3A_394 = vector.bitcast %shift_left3A_393 : vector<16xi32> to vector<16xf32>
        %and3A_395 = arith.constant -65536 : i32
        %and3A_396 = vector.broadcast %and3A_395 : i32 to vector<16xi32>
        %and3A_397 = arith.andi %get3A_390, %and3A_396 : vector<16xi32>
        %bitcast3A_398 = vector.bitcast %and3A_397 : vector<16xi32> to vector<16xf32>
        %mul3A_399 = arith.mulf %get3A_261, %get3A_281 : vector<16xf32>
        %mul3A_400 = arith.mulf %mul3A_399, %bitcast3A_394 : vector<16xf32>
        %add3A_401 = arith.addf %add3A_333, %mul3A_400 : vector<16xf32>
        %mul3A_402 = arith.mulf %mul3A_399, %bitcast3A_398 : vector<16xf32>
        %add3A_403 = arith.addf %add3A_335, %mul3A_402 : vector<16xf32>
        %add3A_404 = arith.constant 3584 : i32
        %add3A_405 = arith.addi %add3A_404, %add3A_254 : i32
        %get3A_406 = arith.index_cast %add3A_405 : i32 to index
        %get3A_407 = tpu.vector_load %arg12[%get3A_406] {strides = array<i32>} : memref<8192xi32, #tpu.memory_space<vmem>>, vector<16xi32>,
        %shift_left3A_408 = arith.constant 16 : i32
        %shift_left3A_409 = vector.broadcast %shift_left3A_408 : i32 to vector<16xi32>
        %shift_left3A_410 = arith.shli %get3A_407, %shift_left3A_409 : vector<16xi32>
        %bitcast3A_411 = vector.bitcast %shift_left3A_410 : vector<16xi32> to vector<16xf32>
        %and3A_412 = arith.constant -65536 : i32
        %and3A_413 = vector.broadcast %and3A_412 : i32 to vector<16xi32>
        %and3A_414 = arith.andi %get3A_407, %and3A_413 : vector<16xi32>
        %bitcast3A_415 = vector.bitcast %and3A_414 : vector<16xi32> to vector<16xf32>
        %mul3A_416 = arith.mulf %get3A_261, %get3A_285 : vector<16xf32>
        %mul3A_417 = arith.mulf %mul3A_416, %bitcast3A_411 : vector<16xf32>
        %add3A_418 = arith.addf %add3A_350, %mul3A_417 : vector<16xf32>
        %mul3A_419 = arith.mulf %mul3A_416, %bitcast3A_415 : vector<16xf32>
        %add3A_420 = arith.addf %add3A_352, %mul3A_419 : vector<16xf32>
        %add3A_421 = arith.constant 4096 : i32
        %add3A_422 = arith.addi %add3A_421, %add3A_254 : i32
        %get3A_423 = arith.index_cast %add3A_422 : i32 to index
        %get3A_424 = tpu.vector_load %arg12[%get3A_423] {strides = array<i32>} : memref<8192xi32, #tpu.memory_space<vmem>>, vector<16xi32>,
        %shift_left3A_425 = arith.constant 16 : i32
        %shift_left3A_426 = vector.broadcast %shift_left3A_425 : i32 to vector<16xi32>
        %shift_left3A_427 = arith.shli %get3A_424, %shift_left3A_426 : vector<16xi32>
        %bitcast3A_428 = vector.bitcast %shift_left3A_427 : vector<16xi32> to vector<16xf32>
        %and3A_429 = arith.constant -65536 : i32
        %and3A_430 = vector.broadcast %and3A_429 : i32 to vector<16xi32>
        %and3A_431 = arith.andi %get3A_424, %and3A_430 : vector<16xi32>
        %bitcast3A_432 = vector.bitcast %and3A_431 : vector<16xi32> to vector<16xf32>
        %mul3A_433 = arith.mulf %get3A_265, %get3A_273 : vector<16xf32>
        %mul3A_434 = arith.mulf %mul3A_433, %bitcast3A_428 : vector<16xf32>
        %add3A_435 = arith.addf %add3A_367, %mul3A_434 : vector<16xf32>
        %mul3A_436 = arith.mulf %mul3A_433, %bitcast3A_432 : vector<16xf32>
        %add3A_437 = arith.addf %add3A_369, %mul3A_436 : vector<16xf32>
        %add3A_438 = arith.constant 4608 : i32
        %add3A_439 = arith.addi %add3A_438, %add3A_254 : i32
        %get3A_440 = arith.index_cast %add3A_439 : i32 to index
        %get3A_441 = tpu.vector_load %arg12[%get3A_440] {strides = array<i32>} : memref<8192xi32, #tpu.memory_space<vmem>>, vector<16xi32>,
        %shift_left3A_442 = arith.constant 16 : i32
        %shift_left3A_443 = vector.broadcast %shift_left3A_442 : i32 to vector<16xi32>
        %shift_left3A_444 = arith.shli %get3A_441, %shift_left3A_443 : vector<16xi32>
        %bitcast3A_445 = vector.bitcast %shift_left3A_444 : vector<16xi32> to vector<16xf32>
        %and3A_446 = arith.constant -65536 : i32
        %and3A_447 = vector.broadcast %and3A_446 : i32 to vector<16xi32>
        %and3A_448 = arith.andi %get3A_441, %and3A_447 : vector<16xi32>
        %bitcast3A_449 = vector.bitcast %and3A_448 : vector<16xi32> to vector<16xf32>
        %mul3A_450 = arith.mulf %get3A_265, %get3A_277 : vector<16xf32>
        %mul3A_451 = arith.mulf %mul3A_450, %bitcast3A_445 : vector<16xf32>
        %add3A_452 = arith.addf %add3A_384, %mul3A_451 : vector<16xf32>
        %mul3A_453 = arith.mulf %mul3A_450, %bitcast3A_449 : vector<16xf32>
        %add3A_454 = arith.addf %add3A_386, %mul3A_453 : vector<16xf32>
        %add3A_455 = arith.constant 5120 : i32
        %add3A_456 = arith.addi %add3A_455, %add3A_254 : i32
        %get3A_457 = arith.index_cast %add3A_456 : i32 to index
        %get3A_458 = tpu.vector_load %arg12[%get3A_457] {strides = array<i32>} : memref<8192xi32, #tpu.memory_space<vmem>>, vector<16xi32>,
        %shift_left3A_459 = arith.constant 16 : i32
        %shift_left3A_460 = vector.broadcast %shift_left3A_459 : i32 to vector<16xi32>
        %shift_left3A_461 = arith.shli %get3A_458, %shift_left3A_460 : vector<16xi32>
        %bitcast3A_462 = vector.bitcast %shift_left3A_461 : vector<16xi32> to vector<16xf32>
        %and3A_463 = arith.constant -65536 : i32
        %and3A_464 = vector.broadcast %and3A_463 : i32 to vector<16xi32>
        %and3A_465 = arith.andi %get3A_458, %and3A_464 : vector<16xi32>
        %bitcast3A_466 = vector.bitcast %and3A_465 : vector<16xi32> to vector<16xf32>
        %mul3A_467 = arith.mulf %get3A_265, %get3A_281 : vector<16xf32>
        %mul3A_468 = arith.mulf %mul3A_467, %bitcast3A_462 : vector<16xf32>
        %add3A_469 = arith.addf %add3A_401, %mul3A_468 : vector<16xf32>
        %mul3A_470 = arith.mulf %mul3A_467, %bitcast3A_466 : vector<16xf32>
        %add3A_471 = arith.addf %add3A_403, %mul3A_470 : vector<16xf32>
        %add3A_472 = arith.constant 5632 : i32
        %add3A_473 = arith.addi %add3A_472, %add3A_254 : i32
        %get3A_474 = arith.index_cast %add3A_473 : i32 to index
        %get3A_475 = tpu.vector_load %arg12[%get3A_474] {strides = array<i32>} : memref<8192xi32, #tpu.memory_space<vmem>>, vector<16xi32>,
        %shift_left3A_476 = arith.constant 16 : i32
        %shift_left3A_477 = vector.broadcast %shift_left3A_476 : i32 to vector<16xi32>
        %shift_left3A_478 = arith.shli %get3A_475, %shift_left3A_477 : vector<16xi32>
        %bitcast3A_479 = vector.bitcast %shift_left3A_478 : vector<16xi32> to vector<16xf32>
        %and3A_480 = arith.constant -65536 : i32
        %and3A_481 = vector.broadcast %and3A_480 : i32 to vector<16xi32>
        %and3A_482 = arith.andi %get3A_475, %and3A_481 : vector<16xi32>
        %bitcast3A_483 = vector.bitcast %and3A_482 : vector<16xi32> to vector<16xf32>
        %mul3A_484 = arith.mulf %get3A_265, %get3A_285 : vector<16xf32>
        %mul3A_485 = arith.mulf %mul3A_484, %bitcast3A_479 : vector<16xf32>
        %add3A_486 = arith.addf %add3A_418, %mul3A_485 : vector<16xf32>
        %mul3A_487 = arith.mulf %mul3A_484, %bitcast3A_483 : vector<16xf32>
        %add3A_488 = arith.addf %add3A_420, %mul3A_487 : vector<16xf32>
        %add3A_489 = arith.constant 6144 : i32
        %add3A_490 = arith.addi %add3A_489, %add3A_254 : i32
        %get3A_491 = arith.index_cast %add3A_490 : i32 to index
        %get3A_492 = tpu.vector_load %arg12[%get3A_491] {strides = array<i32>} : memref<8192xi32, #tpu.memory_space<vmem>>, vector<16xi32>,
        %shift_left3A_493 = arith.constant 16 : i32
        %shift_left3A_494 = vector.broadcast %shift_left3A_493 : i32 to vector<16xi32>
        %shift_left3A_495 = arith.shli %get3A_492, %shift_left3A_494 : vector<16xi32>
        %bitcast3A_496 = vector.bitcast %shift_left3A_495 : vector<16xi32> to vector<16xf32>
        %and3A_497 = arith.constant -65536 : i32
        %and3A_498 = vector.broadcast %and3A_497 : i32 to vector<16xi32>
        %and3A_499 = arith.andi %get3A_492, %and3A_498 : vector<16xi32>
        %bitcast3A_500 = vector.bitcast %and3A_499 : vector<16xi32> to vector<16xf32>
        %mul3A_501 = arith.mulf %get3A_269, %get3A_273 : vector<16xf32>
        %mul3A_502 = arith.mulf %mul3A_501, %bitcast3A_496 : vector<16xf32>
        %add3A_503 = arith.addf %add3A_435, %mul3A_502 : vector<16xf32>
        %mul3A_504 = arith.mulf %mul3A_501, %bitcast3A_500 : vector<16xf32>
        %add3A_505 = arith.addf %add3A_437, %mul3A_504 : vector<16xf32>
        %add3A_506 = arith.constant 6656 : i32
        %add3A_507 = arith.addi %add3A_506, %add3A_254 : i32
        %get3A_508 = arith.index_cast %add3A_507 : i32 to index
        %get3A_509 = tpu.vector_load %arg12[%get3A_508] {strides = array<i32>} : memref<8192xi32, #tpu.memory_space<vmem>>, vector<16xi32>,
        %shift_left3A_510 = arith.constant 16 : i32
        %shift_left3A_511 = vector.broadcast %shift_left3A_510 : i32 to vector<16xi32>
        %shift_left3A_512 = arith.shli %get3A_509, %shift_left3A_511 : vector<16xi32>
        %bitcast3A_513 = vector.bitcast %shift_left3A_512 : vector<16xi32> to vector<16xf32>
        %and3A_514 = arith.constant -65536 : i32
        %and3A_515 = vector.broadcast %and3A_514 : i32 to vector<16xi32>
        %and3A_516 = arith.andi %get3A_509, %and3A_515 : vector<16xi32>
        %bitcast3A_517 = vector.bitcast %and3A_516 : vector<16xi32> to vector<16xf32>
        %mul3A_518 = arith.mulf %get3A_269, %get3A_277 : vector<16xf32>
        %mul3A_519 = arith.mulf %mul3A_518, %bitcast3A_513 : vector<16xf32>
        %add3A_520 = arith.addf %add3A_452, %mul3A_519 : vector<16xf32>
        %mul3A_521 = arith.mulf %mul3A_518, %bitcast3A_517 : vector<16xf32>
        %add3A_522 = arith.addf %add3A_454, %mul3A_521 : vector<16xf32>
        %add3A_523 = arith.constant 7168 : i32
        %add3A_524 = arith.addi %add3A_523, %add3A_254 : i32
        %get3A_525 = arith.index_cast %add3A_524 : i32 to index
        %get3A_526 = tpu.vector_load %arg12[%get3A_525] {strides = array<i32>} : memref<8192xi32, #tpu.memory_space<vmem>>, vector<16xi32>,
        %shift_left3A_527 = arith.constant 16 : i32
        %shift_left3A_528 = vector.broadcast %shift_left3A_527 : i32 to vector<16xi32>
        %shift_left3A_529 = arith.shli %get3A_526, %shift_left3A_528 : vector<16xi32>
        %bitcast3A_530 = vector.bitcast %shift_left3A_529 : vector<16xi32> to vector<16xf32>
        %and3A_531 = arith.constant -65536 : i32
        %and3A_532 = vector.broadcast %and3A_531 : i32 to vector<16xi32>
        %and3A_533 = arith.andi %get3A_526, %and3A_532 : vector<16xi32>
        %bitcast3A_534 = vector.bitcast %and3A_533 : vector<16xi32> to vector<16xf32>
        %mul3A_535 = arith.mulf %get3A_269, %get3A_281 : vector<16xf32>
        %mul3A_536 = arith.mulf %mul3A_535, %bitcast3A_530 : vector<16xf32>
        %add3A_537 = arith.addf %add3A_469, %mul3A_536 : vector<16xf32>
        %mul3A_538 = arith.mulf %mul3A_535, %bitcast3A_534 : vector<16xf32>
        %add3A_539 = arith.addf %add3A_471, %mul3A_538 : vector<16xf32>
        %add3A_540 = arith.constant 7680 : i32
        %add3A_541 = arith.addi %add3A_540, %add3A_254 : i32
        %get3A_542 = arith.index_cast %add3A_541 : i32 to index
        %get3A_543 = tpu.vector_load %arg12[%get3A_542] {strides = array<i32>} : memref<8192xi32, #tpu.memory_space<vmem>>, vector<16xi32>,
        %shift_left3A_544 = arith.constant 16 : i32
        %shift_left3A_545 = vector.broadcast %shift_left3A_544 : i32 to vector<16xi32>
        %shift_left3A_546 = arith.shli %get3A_543, %shift_left3A_545 : vector<16xi32>
        %bitcast3A_547 = vector.bitcast %shift_left3A_546 : vector<16xi32> to vector<16xf32>
        %and3A_548 = arith.constant -65536 : i32
        %and3A_549 = vector.broadcast %and3A_548 : i32 to vector<16xi32>
        %and3A_550 = arith.andi %get3A_543, %and3A_549 : vector<16xi32>
        %bitcast3A_551 = vector.bitcast %and3A_550 : vector<16xi32> to vector<16xf32>
        %mul3A_552 = arith.mulf %get3A_269, %get3A_285 : vector<16xf32>
        %mul3A_553 = arith.mulf %mul3A_552, %bitcast3A_547 : vector<16xf32>
        %add3A_554 = arith.addf %add3A_486, %mul3A_553 : vector<16xf32>
        %mul3A_555 = arith.mulf %mul3A_552, %bitcast3A_551 : vector<16xf32>
        %add3A_556 = arith.addf %add3A_488, %mul3A_555 : vector<16xf32>
        %add3A_557 = arith.addf %add3A_503, %add3A_520 : vector<16xf32>
        %add3A_558 = arith.addf %add3A_537, %add3A_554 : vector<16xf32>
        %add3A_559 = arith.addf %add3A_557, %add3A_558 : vector<16xf32>
        %swap3A = arith.constant 0 : i32
        %swap3A_560 = arith.index_cast %swap3A : i32 to index
        %swap3A_561 = arith.index_cast %add3A_254 : i32 to index
        %swap3A_562 = tpu.vector_load %arg14[%swap3A_560, %swap3A_561] {strides = array<i32>} : memref<2x512xf32, #tpu.memory_space<vmem>>, vector<16xf32>,
        tpu.vector_store %arg14[%swap3A_560, %swap3A_561], %add3A_559 {strides = array<i32>} : memref<2x512xf32, #tpu.memory_space<vmem>>, vector<16xf32>,
        %add3A_563 = arith.addf %add3A_505, %add3A_522 : vector<16xf32>
        %add3A_564 = arith.addf %add3A_539, %add3A_556 : vector<16xf32>
        %add3A_565 = arith.addf %add3A_563, %add3A_564 : vector<16xf32>
        %swap3A_566 = arith.constant 1 : i32
        %swap3A_567 = arith.index_cast %swap3A_566 : i32 to index
        %swap3A_568 = arith.index_cast %add3A_254 : i32 to index
        %swap3A_569 = tpu.vector_load %arg14[%swap3A_567, %swap3A_568] {strides = array<i32>} : memref<2x512xf32, #tpu.memory_space<vmem>>, vector<16xf32>,
        tpu.vector_store %arg14[%swap3A_567, %swap3A_568], %add3A_565 {strides = array<i32>} : memref<2x512xf32, #tpu.memory_space<vmem>>, vector<16xf32>,
      }
      %scan3A_180 = arith.constant 32 : i32
      %mul3A_181 = arith.constant 512 : i32
      %mul3A_182 = arith.muli %sub3A_162, %mul3A_181 : i32
      %add3A_183 = arith.addi %mul3A_32, %mul3A_182 : i32
      %scan3A_184 = arith.constant 0 : i32
      %scan3A_185 = arith.constant 2 : i32
      %scan3A_186 = arith.addi %scan3A_184, %scan3A_185 : i32
      %scan3A_187 = arith.constant 1 : i32
      scf.for %scan3A_250 = %scan3A_184 to %scan3A_186 step %scan3A_187  : i32 {
        %mul3A_251 = arith.constant 1 : i32
        %mul3A_252 = arith.muli %scan3A_250, %mul3A_251 : i32
        %add3A_253 = arith.constant 0 : i32
        %add3A_254 = arith.addi %add3A_253, %mul3A_252 : i32
        %dma_start3A_255 = arith.constant 0 : i32
        %dma_start3A_256 = tpu.memref_slice %arg14[%add3A_254, %dma_start3A_255] : memref<2x512xf32, #tpu.memory_space<vmem>> -> memref<1x512xf32, #tpu.memory_space<vmem>>
        %dma_start3A_257 = tpu.memref_squeeze %dma_start3A_256 : memref<1x512xf32, #tpu.memory_space<vmem>> -> memref<512xf32, #tpu.memory_space<vmem>>
        %dma_start3A_258 = tpu.memref_slice %arg5[%select_n3A, %add3A_254, %add3A_183] : memref<4x2x262144xf32, #tpu.memory_space<hbm>> -> memref<1x1x512xf32, #tpu.memory_space<hbm>>
        %dma_start3A_259 = tpu.memref_squeeze %dma_start3A_258 : memref<1x1x512xf32, #tpu.memory_space<hbm>> -> memref<512xf32, #tpu.memory_space<hbm>>
        %dma_start3A_260 = tpu.memref_slice %arg5[%select_n3A, %add3A_254, %add3A_183] : memref<4x2x262144xf32, #tpu.memory_space<hbm>> -> memref<1x1x512xf32, #tpu.memory_space<hbm>>
        %dma_start3A_261 = tpu.memref_squeeze %dma_start3A_260 : memref<1x1x512xf32, #tpu.memory_space<hbm>> -> memref<512xf32, #tpu.memory_space<hbm>>
        %dma_start3A_262 = arith.constant 0 : i32
        %dma_start3A_263 = tpu.memref_slice %arg14[%add3A_254, %dma_start3A_262] : memref<2x512xf32, #tpu.memory_space<vmem>> -> memref<1x512xf32, #tpu.memory_space<vmem>>
        %dma_start3A_264 = tpu.memref_squeeze %dma_start3A_263 : memref<1x512xf32, #tpu.memory_space<vmem>> -> memref<512xf32, #tpu.memory_space<vmem>>
        tpu.enqueue_dma source(%dma_start3A_264 : memref<512xf32, #tpu.memory_space<vmem>>) target(%dma_start3A_261 : memref<512xf32, #tpu.memory_space<hbm>>) target_semaphore(%arg20 : memref<!tpu.dma_semaphore, #tpu.memory_space<semaphore_mem>>)
      }
      %scan3A_188 = arith.constant 2 : i32
      %add3A_189 = arith.constant 1 : i32
      %add3A_190 = arith.addi %add3A_148, %add3A_189 : i32
      %mul3A_191 = arith.constant 512 : i32
      %mul3A_192 = arith.muli %add3A_190, %mul3A_191 : i32
      %add3A_193 = arith.addi %mul3A_32, %mul3A_192 : i32
      %scan3A_194 = arith.constant 0 : i32
      %scan3A_195 = arith.constant 8 : i32
      %scan3A_196 = arith.addi %scan3A_194, %scan3A_195 : i32
      %scan3A_197 = arith.constant 1 : i32
      scf.for %scan3A_250 = %scan3A_194 to %scan3A_196 step %scan3A_197  : i32 {
        %mul3A_251 = arith.constant 1 : i32
        %mul3A_252 = arith.muli %scan3A_250, %mul3A_251 : i32
        %add3A_253 = arith.constant 0 : i32
        %add3A_254 = arith.addi %add3A_253, %mul3A_252 : i32
        %jit3A_255 = arith.constant 4 : i32
        %div3A_256 = arith.divsi %add3A_254, %jit3A_255 : i32
        %sign3A_257 = arith.constant 0 : i32
        %sign3A_258 = arith.cmpi sgt, %add3A_254, %sign3A_257 : i32
        %sign3A_259 = arith.extui %sign3A_258 : i1 to i32
        %sign3A_260 = arith.constant 0 : i32
        %sign3A_261 = arith.cmpi slt, %add3A_254, %sign3A_260 : i32
        %sign3A_262 = arith.extui %sign3A_261 : i1 to i32
        %sign3A_263 = arith.subi %sign3A_259, %sign3A_262 : i32
        %sign3A_264 = arith.constant 0 : i32
        %sign3A_265 = arith.cmpi sgt, %jit3A_255, %sign3A_264 : i32
        %sign3A_266 = arith.extui %sign3A_265 : i1 to i32
        %sign3A_267 = arith.constant 0 : i32
        %sign3A_268 = arith.cmpi slt, %jit3A_255, %sign3A_267 : i32
        %sign3A_269 = arith.extui %sign3A_268 : i1 to i32
        %sign3A_270 = arith.subi %sign3A_266, %sign3A_269 : i32
        %ne3A_271 = arith.cmpi ne, %sign3A_263, %sign3A_270 : i32
        %rem3A_272 = arith.remsi %add3A_254, %jit3A_255 : i32
        %ne3A_273 = arith.constant 0 : i32
        %ne3A_274 = arith.cmpi ne, %rem3A_272, %ne3A_273 : i32
        %and3A_275 = arith.andi %ne3A_271, %ne3A_274 : i1
        %sub3A_276 = arith.constant 1 : i32
        %sub3A_277 = arith.subi %div3A_256, %sub3A_276 : i32
        %select_n3A_278 = arith.select %and3A_275, %sub3A_277, %div3A_256 : i32
        %mul3A_279 = arith.constant 4 : i32
        %mul3A_280 = arith.muli %select_n3A_278, %mul3A_279 : i32
        %sub3A_281 = arith.subi %add3A_254, %mul3A_280 : i32
        %dma_start3A_282 = arith.constant 0 : i32
        %dma_start3A_283 = tpu.memref_slice %arg6[%add3A_254, %dma_start3A_282] : memref<8x512xf32, #tpu.memory_space<vmem>> -> memref<1x512xf32, #tpu.memory_space<vmem>>
        %dma_start3A_284 = tpu.memref_squeeze %dma_start3A_283 : memref<1x512xf32, #tpu.memory_space<vmem>> -> memref<512xf32, #tpu.memory_space<vmem>>
        %dma_start3A_285 = tpu.memref_slice %arg3[%sub3A_281, %select_n3A, %select_n3A_278, %add3A_193] : memref<4x4x2x262144xf32, #tpu.memory_space<hbm>> -> memref<1x1x1x512xf32, #tpu.memory_space<hbm>>
        %dma_start3A_286 = tpu.memref_squeeze %dma_start3A_285 : memref<1x1x1x512xf32, #tpu.memory_space<hbm>> -> memref<512xf32, #tpu.memory_space<hbm>>
        %dma_start3A_287 = arith.constant 0 : i32
        %dma_start3A_288 = tpu.memref_slice %arg6[%add3A_254, %dma_start3A_287] : memref<8x512xf32, #tpu.memory_space<vmem>> -> memref<1x512xf32, #tpu.memory_space<vmem>>
        %dma_start3A_289 = tpu.memref_squeeze %dma_start3A_288 : memref<1x512xf32, #tpu.memory_space<vmem>> -> memref<512xf32, #tpu.memory_space<vmem>>
        %dma_start3A_290 = tpu.memref_slice %arg3[%sub3A_281, %select_n3A, %select_n3A_278, %add3A_193] : memref<4x4x2x262144xf32, #tpu.memory_space<hbm>> -> memref<1x1x1x512xf32, #tpu.memory_space<hbm>>
        %dma_start3A_291 = tpu.memref_squeeze %dma_start3A_290 : memref<1x1x1x512xf32, #tpu.memory_space<hbm>> -> memref<512xf32, #tpu.memory_space<hbm>>
        tpu.enqueue_dma source(%dma_start3A_291 : memref<512xf32, #tpu.memory_space<hbm>>) target(%dma_start3A_289 : memref<512xf32, #tpu.memory_space<vmem>>) target_semaphore(%arg17 : memref<!tpu.dma_semaphore, #tpu.memory_space<semaphore_mem>>)
        %dma_start3A_292 = arith.constant 0 : i32
        %dma_start3A_293 = tpu.memref_slice %arg8[%add3A_254, %dma_start3A_292] : memref<8x512xi32, #tpu.memory_space<vmem>> -> memref<1x512xi32, #tpu.memory_space<vmem>>
        %dma_start3A_294 = tpu.memref_squeeze %dma_start3A_293 : memref<1x512xi32, #tpu.memory_space<vmem>> -> memref<512xi32, #tpu.memory_space<vmem>>
        %dma_start3A_295 = tpu.memref_slice %arg4[%sub3A_281, %select_n3A, %select_n3A_278, %add3A_193] : memref<4x4x2x262144xi32, #tpu.memory_space<hbm>> -> memref<1x1x1x512xi32, #tpu.memory_space<hbm>>
        %dma_start3A_296 = tpu.memref_squeeze %dma_start3A_295 : memref<1x1x1x512xi32, #tpu.memory_space<hbm>> -> memref<512xi32, #tpu.memory_space<hbm>>
        %dma_start3A_297 = arith.constant 0 : i32
        %dma_start3A_298 = tpu.memref_slice %arg8[%add3A_254, %dma_start3A_297] : memref<8x512xi32, #tpu.memory_space<vmem>> -> memref<1x512xi32, #tpu.memory_space<vmem>>
        %dma_start3A_299 = tpu.memref_squeeze %dma_start3A_298 : memref<1x512xi32, #tpu.memory_space<vmem>> -> memref<512xi32, #tpu.memory_space<vmem>>
        %dma_start3A_300 = tpu.memref_slice %arg4[%sub3A_281, %select_n3A, %select_n3A_278, %add3A_193] : memref<4x4x2x262144xi32, #tpu.memory_space<hbm>> -> memref<1x1x1x512xi32, #tpu.memory_space<hbm>>
        %dma_start3A_301 = tpu.memref_squeeze %dma_start3A_300 : memref<1x1x1x512xi32, #tpu.memory_space<hbm>> -> memref<512xi32, #tpu.memory_space<hbm>>
        tpu.enqueue_dma source(%dma_start3A_301 : memref<512xi32, #tpu.memory_space<hbm>>) target(%dma_start3A_299 : memref<512xi32, #tpu.memory_space<vmem>>) target_semaphore(%arg17 : memref<!tpu.dma_semaphore, #tpu.memory_space<semaphore_mem>>)
      }
      %scan3A_198 = arith.constant 8 : i32
      %add3A_199 = arith.constant 1 : i32
      %add3A_200 = arith.addi %add3A_148, %add3A_199 : i32
      %scan3A_201 = arith.constant 0 : i32
      %scan3A_202 = arith.constant 16 : i32
      %scan3A_203 = arith.addi %scan3A_201, %scan3A_202 : i32
      %scan3A_204 = arith.constant 1 : i32
      scf.for %scan3A_250 = %scan3A_201 to %scan3A_203 step %scan3A_204  : i32 {
        %mul3A_251 = arith.constant 1 : i32
        %mul3A_252 = arith.muli %scan3A_250, %mul3A_251 : i32
        %add3A_253 = arith.constant 0 : i32
        %add3A_254 = arith.addi %add3A_253, %mul3A_252 : i32
        %dma_wait3A_255 = arith.constant 0 : i32
        %dma_wait3A_256 = arith.constant 0 : i32
        %dma_wait3A_257 = arith.constant 0 : i32
        %dma_wait3A_258 = arith.constant 0 : i32
        %dma_wait3A_259 = arith.constant 0 : i32
        %dma_wait3A_260 = tpu.memref_slice %arg8[%dma_wait3A_258, %dma_wait3A_259] : memref<8x512xi32, #tpu.memory_space<vmem>> -> memref<1x512xi32, #tpu.memory_space<vmem>>
        %dma_wait3A_261 = tpu.memref_squeeze %dma_wait3A_260 : memref<1x512xi32, #tpu.memory_space<vmem>> -> memref<512xi32, #tpu.memory_space<vmem>>
        %dma_wait3A_262 = arith.constant 0 : i32
        %dma_wait3A_263 = tpu.memref_slice %arg4[%dma_wait3A_255, %dma_wait3A_256, %dma_wait3A_257, %dma_wait3A_262] : memref<4x4x2x262144xi32, #tpu.memory_space<hbm>> -> memref<1x1x1x512xi32, #tpu.memory_space<hbm>>
        %dma_wait3A_264 = tpu.memref_squeeze %dma_wait3A_263 : memref<1x1x1x512xi32, #tpu.memory_space<hbm>> -> memref<512xi32, #tpu.memory_space<hbm>>
        %dma_wait3A_265 = arith.constant 0 : i32
        %dma_wait3A_266 = tpu.memref_slice %arg8[%dma_wait3A_258, %dma_wait3A_265] : memref<8x512xi32, #tpu.memory_space<vmem>> -> memref<1x512xi32, #tpu.memory_space<vmem>>
        %dma_wait3A_267 = tpu.memref_squeeze %dma_wait3A_266 : memref<1x512xi32, #tpu.memory_space<vmem>> -> memref<512xi32, #tpu.memory_space<vmem>>
        %dma_wait3A_268 = arith.constant 0 : i32
        %dma_wait3A_269 = tpu.memref_slice %arg4[%dma_wait3A_255, %dma_wait3A_256, %dma_wait3A_257, %dma_wait3A_268] : memref<4x4x2x262144xi32, #tpu.memory_space<hbm>> -> memref<1x1x1x512xi32, #tpu.memory_space<hbm>>
        %dma_wait3A_270 = tpu.memref_squeeze %dma_wait3A_269 : memref<1x1x1x512xi32, #tpu.memory_space<hbm>> -> memref<512xi32, #tpu.memory_space<hbm>>
        tpu.wait_dma2 semaphore(%arg17 : memref<!tpu.dma_semaphore, #tpu.memory_space<semaphore_mem>>) src(%dma_wait3A_270 : memref<512xi32, #tpu.memory_space<hbm>>) dst(%dma_wait3A_267 : memref<512xi32, #tpu.memory_space<vmem>>)
      }
      %scan3A_205 = arith.constant 16 : i32
      %scan3A_206 = arith.constant 0 : i32
      %scan3A_207 = arith.constant 32 : i32
      %scan3A_208 = arith.addi %scan3A_206, %scan3A_207 : i32
      %scan3A_209 = arith.constant 1 : i32
      scf.for %scan3A_250 = %scan3A_206 to %scan3A_208 step %scan3A_209  : i32 {
        %mul3A_251 = arith.constant 16 : i32
        %mul3A_252 = arith.muli %scan3A_250, %mul3A_251 : i32
        %add3A_253 = arith.constant 0 : i32
        %add3A_254 = arith.addi %add3A_253, %mul3A_252 : i32
        %get3A = arith.constant 4 : i32
        %get3A_255 = arith.index_cast %get3A : i32 to index
        %get3A_256 = arith.index_cast %add3A_254 : i32 to index
        %get3A_257 = tpu.vector_load %arg8[%get3A_255, %get3A_256] {strides = array<i32>} : memref<8x512xi32, #tpu.memory_space<vmem>>, vector<16xi32>,
        %get3A_258 = arith.constant 5 : i32
        %get3A_259 = arith.index_cast %get3A_258 : i32 to index
        %get3A_260 = arith.index_cast %add3A_254 : i32 to index
        %get3A_261 = tpu.vector_load %arg8[%get3A_259, %get3A_260] {strides = array<i32>} : memref<8x512xi32, #tpu.memory_space<vmem>>, vector<16xi32>,
        %get3A_262 = arith.constant 6 : i32
        %get3A_263 = arith.index_cast %get3A_262 : i32 to index
        %get3A_264 = arith.index_cast %add3A_254 : i32 to index
        %get3A_265 = tpu.vector_load %arg8[%get3A_263, %get3A_264] {strides = array<i32>} : memref<8x512xi32, #tpu.memory_space<vmem>>, vector<16xi32>,
        %get3A_266 = arith.constant 7 : i32
        %get3A_267 = arith.index_cast %get3A_266 : i32 to index
        %get3A_268 = arith.index_cast %add3A_254 : i32 to index
        %get3A_269 = tpu.vector_load %arg8[%get3A_267, %get3A_268] {strides = array<i32>} : memref<8x512xi32, #tpu.memory_space<vmem>>, vector<16xi32>,
        %get3A_270 = arith.constant 0 : i32
        %get3A_271 = arith.index_cast %get3A_270 : i32 to index
        %get3A_272 = arith.index_cast %add3A_254 : i32 to index
        %get3A_273 = tpu.vector_load %arg8[%get3A_271, %get3A_272] {strides = array<i32>} : memref<8x512xi32, #tpu.memory_space<vmem>>, vector<16xi32>,
        %mul3A_274 = arith.constant 512 : i32
        %mul3A_275 = vector.broadcast %mul3A_274 : i32 to vector<16xi32>
        %mul3A_276 = arith.muli %get3A_273, %mul3A_275 : vector<16xi32>
        %add3A_277 = vector.broadcast %mul3A_34 : i32 to vector<16xi32>
        %add3A_278 = arith.addi %mul3A_276, %add3A_277 : vector<16xi32>
        %add3A_279 = arith.addi %add3A_278, %get3A_257 : vector<16xi32>
        %add3A_280 = arith.constant 0 : i32
        %add3A_281 = arith.addi %add3A_280, %add3A_254 : i32
        %swap3A = arith.index_cast %add3A_281 : i32 to index
        %swap3A_282 = tpu.vector_load %arg10[%swap3A] {strides = array<i32>} : memref<8192xi32, #tpu.memory_space<vmem>>, vector<16xi32>,
        tpu.vector_store %arg10[%swap3A], %add3A_279 {strides = array<i32>} : memref<8192xi32, #tpu.memory_space<vmem>>, vector<16xi32>,
        %add3A_283 = arith.addi %add3A_278, %get3A_261 : vector<16xi32>
        %add3A_284 = arith.constant 512 : i32
        %add3A_285 = arith.addi %add3A_284, %add3A_254 : i32
        %swap3A_286 = arith.index_cast %add3A_285 : i32 to index
        %swap3A_287 = tpu.vector_load %arg10[%swap3A_286] {strides = array<i32>} : memref<8192xi32, #tpu.memory_space<vmem>>, vector<16xi32>,
        tpu.vector_store %arg10[%swap3A_286], %add3A_283 {strides = array<i32>} : memref<8192xi32, #tpu.memory_space<vmem>>, vector<16xi32>,
        %add3A_288 = arith.addi %add3A_278, %get3A_265 : vector<16xi32>
        %add3A_289 = arith.constant 1024 : i32
        %add3A_290 = arith.addi %add3A_289, %add3A_254 : i32
        %swap3A_291 = arith.index_cast %add3A_290 : i32 to index
        %swap3A_292 = tpu.vector_load %arg10[%swap3A_291] {strides = array<i32>} : memref<8192xi32, #tpu.memory_space<vmem>>, vector<16xi32>,
        tpu.vector_store %arg10[%swap3A_291], %add3A_288 {strides = array<i32>} : memref<8192xi32, #tpu.memory_space<vmem>>, vector<16xi32>,
        %add3A_293 = arith.addi %add3A_278, %get3A_269 : vector<16xi32>
        %add3A_294 = arith.constant 1536 : i32
        %add3A_295 = arith.addi %add3A_294, %add3A_254 : i32
        %swap3A_296 = arith.index_cast %add3A_295 : i32 to index
        %swap3A_297 = tpu.vector_load %arg10[%swap3A_296] {strides = array<i32>} : memref<8192xi32, #tpu.memory_space<vmem>>, vector<16xi32>,
        tpu.vector_store %arg10[%swap3A_296], %add3A_293 {strides = array<i32>} : memref<8192xi32, #tpu.memory_space<vmem>>, vector<16xi32>,
        %get3A_298 = arith.constant 1 : i32
        %get3A_299 = arith.index_cast %get3A_298 : i32 to index
        %get3A_300 = arith.index_cast %add3A_254 : i32 to index
        %get3A_301 = tpu.vector_load %arg8[%get3A_299, %get3A_300] {strides = array<i32>} : memref<8x512xi32, #tpu.memory_space<vmem>>, vector<16xi32>,
        %mul3A_302 = arith.constant 512 : i32
        %mul3A_303 = vector.broadcast %mul3A_302 : i32 to vector<16xi32>
        %mul3A_304 = arith.muli %get3A_301, %mul3A_303 : vector<16xi32>
        %add3A_305 = vector.broadcast %mul3A_34 : i32 to vector<16xi32>
        %add3A_306 = arith.addi %mul3A_304, %add3A_305 : vector<16xi32>
        %add3A_307 = arith.addi %add3A_306, %get3A_257 : vector<16xi32>
        %add3A_308 = arith.constant 2048 : i32
        %add3A_309 = arith.addi %add3A_308, %add3A_254 : i32
        %swap3A_310 = arith.index_cast %add3A_309 : i32 to index
        %swap3A_311 = tpu.vector_load %arg10[%swap3A_310] {strides = array<i32>} : memref<8192xi32, #tpu.memory_space<vmem>>, vector<16xi32>,
        tpu.vector_store %arg10[%swap3A_310], %add3A_307 {strides = array<i32>} : memref<8192xi32, #tpu.memory_space<vmem>>, vector<16xi32>,
        %add3A_312 = arith.addi %add3A_306, %get3A_261 : vector<16xi32>
        %add3A_313 = arith.constant 2560 : i32
        %add3A_314 = arith.addi %add3A_313, %add3A_254 : i32
        %swap3A_315 = arith.index_cast %add3A_314 : i32 to index
        %swap3A_316 = tpu.vector_load %arg10[%swap3A_315] {strides = array<i32>} : memref<8192xi32, #tpu.memory_space<vmem>>, vector<16xi32>,
        tpu.vector_store %arg10[%swap3A_315], %add3A_312 {strides = array<i32>} : memref<8192xi32, #tpu.memory_space<vmem>>, vector<16xi32>,
        %add3A_317 = arith.addi %add3A_306, %get3A_265 : vector<16xi32>
        %add3A_318 = arith.constant 3072 : i32
        %add3A_319 = arith.addi %add3A_318, %add3A_254 : i32
        %swap3A_320 = arith.index_cast %add3A_319 : i32 to index
        %swap3A_321 = tpu.vector_load %arg10[%swap3A_320] {strides = array<i32>} : memref<8192xi32, #tpu.memory_space<vmem>>, vector<16xi32>,
        tpu.vector_store %arg10[%swap3A_320], %add3A_317 {strides = array<i32>} : memref<8192xi32, #tpu.memory_space<vmem>>, vector<16xi32>,
        %add3A_322 = arith.addi %add3A_306, %get3A_269 : vector<16xi32>
        %add3A_323 = arith.constant 3584 : i32
        %add3A_324 = arith.addi %add3A_323, %add3A_254 : i32
        %swap3A_325 = arith.index_cast %add3A_324 : i32 to index
        %swap3A_326 = tpu.vector_load %arg10[%swap3A_325] {strides = array<i32>} : memref<8192xi32, #tpu.memory_space<vmem>>, vector<16xi32>,
        tpu.vector_store %arg10[%swap3A_325], %add3A_322 {strides = array<i32>} : memref<8192xi32, #tpu.memory_space<vmem>>, vector<16xi32>,
        %get3A_327 = arith.constant 2 : i32
        %get3A_328 = arith.index_cast %get3A_327 : i32 to index
        %get3A_329 = arith.index_cast %add3A_254 : i32 to index
        %get3A_330 = tpu.vector_load %arg8[%get3A_328, %get3A_329] {strides = array<i32>} : memref<8x512xi32, #tpu.memory_space<vmem>>, vector<16xi32>,
        %mul3A_331 = arith.constant 512 : i32
        %mul3A_332 = vector.broadcast %mul3A_331 : i32 to vector<16xi32>
        %mul3A_333 = arith.muli %get3A_330, %mul3A_332 : vector<16xi32>
        %add3A_334 = vector.broadcast %mul3A_34 : i32 to vector<16xi32>
        %add3A_335 = arith.addi %mul3A_333, %add3A_334 : vector<16xi32>
        %add3A_336 = arith.addi %add3A_335, %get3A_257 : vector<16xi32>
        %add3A_337 = arith.constant 4096 : i32
        %add3A_338 = arith.addi %add3A_337, %add3A_254 : i32
        %swap3A_339 = arith.index_cast %add3A_338 : i32 to index
        %swap3A_340 = tpu.vector_load %arg10[%swap3A_339] {strides = array<i32>} : memref<8192xi32, #tpu.memory_space<vmem>>, vector<16xi32>,
        tpu.vector_store %arg10[%swap3A_339], %add3A_336 {strides = array<i32>} : memref<8192xi32, #tpu.memory_space<vmem>>, vector<16xi32>,
        %add3A_341 = arith.addi %add3A_335, %get3A_261 : vector<16xi32>
        %add3A_342 = arith.constant 4608 : i32
        %add3A_343 = arith.addi %add3A_342, %add3A_254 : i32
        %swap3A_344 = arith.index_cast %add3A_343 : i32 to index
        %swap3A_345 = tpu.vector_load %arg10[%swap3A_344] {strides = array<i32>} : memref<8192xi32, #tpu.memory_space<vmem>>, vector<16xi32>,
        tpu.vector_store %arg10[%swap3A_344], %add3A_341 {strides = array<i32>} : memref<8192xi32, #tpu.memory_space<vmem>>, vector<16xi32>,
        %add3A_346 = arith.addi %add3A_335, %get3A_265 : vector<16xi32>
        %add3A_347 = arith.constant 5120 : i32
        %add3A_348 = arith.addi %add3A_347, %add3A_254 : i32
        %swap3A_349 = arith.index_cast %add3A_348 : i32 to index
        %swap3A_350 = tpu.vector_load %arg10[%swap3A_349] {strides = array<i32>} : memref<8192xi32, #tpu.memory_space<vmem>>, vector<16xi32>,
        tpu.vector_store %arg10[%swap3A_349], %add3A_346 {strides = array<i32>} : memref<8192xi32, #tpu.memory_space<vmem>>, vector<16xi32>,
        %add3A_351 = arith.addi %add3A_335, %get3A_269 : vector<16xi32>
        %add3A_352 = arith.constant 5632 : i32
        %add3A_353 = arith.addi %add3A_352, %add3A_254 : i32
        %swap3A_354 = arith.index_cast %add3A_353 : i32 to index
        %swap3A_355 = tpu.vector_load %arg10[%swap3A_354] {strides = array<i32>} : memref<8192xi32, #tpu.memory_space<vmem>>, vector<16xi32>,
        tpu.vector_store %arg10[%swap3A_354], %add3A_351 {strides = array<i32>} : memref<8192xi32, #tpu.memory_space<vmem>>, vector<16xi32>,
        %get3A_356 = arith.constant 3 : i32
        %get3A_357 = arith.index_cast %get3A_356 : i32 to index
        %get3A_358 = arith.index_cast %add3A_254 : i32 to index
        %get3A_359 = tpu.vector_load %arg8[%get3A_357, %get3A_358] {strides = array<i32>} : memref<8x512xi32, #tpu.memory_space<vmem>>, vector<16xi32>,
        %mul3A_360 = arith.constant 512 : i32
        %mul3A_361 = vector.broadcast %mul3A_360 : i32 to vector<16xi32>
        %mul3A_362 = arith.muli %get3A_359, %mul3A_361 : vector<16xi32>
        %add3A_363 = vector.broadcast %mul3A_34 : i32 to vector<16xi32>
        %add3A_364 = arith.addi %mul3A_362, %add3A_363 : vector<16xi32>
        %add3A_365 = arith.addi %add3A_364, %get3A_257 : vector<16xi32>
        %add3A_366 = arith.constant 6144 : i32
        %add3A_367 = arith.addi %add3A_366, %add3A_254 : i32
        %swap3A_368 = arith.index_cast %add3A_367 : i32 to index
        %swap3A_369 = tpu.vector_load %arg10[%swap3A_368] {strides = array<i32>} : memref<8192xi32, #tpu.memory_space<vmem>>, vector<16xi32>,
        tpu.vector_store %arg10[%swap3A_368], %add3A_365 {strides = array<i32>} : memref<8192xi32, #tpu.memory_space<vmem>>, vector<16xi32>,
        %add3A_370 = arith.addi %add3A_364, %get3A_261 : vector<16xi32>
        %add3A_371 = arith.constant 6656 : i32
        %add3A_372 = arith.addi %add3A_371, %add3A_254 : i32
        %swap3A_373 = arith.index_cast %add3A_372 : i32 to index
        %swap3A_374 = tpu.vector_load %arg10[%swap3A_373] {strides = array<i32>} : memref<8192xi32, #tpu.memory_space<vmem>>, vector<16xi32>,
        tpu.vector_store %arg10[%swap3A_373], %add3A_370 {strides = array<i32>} : memref<8192xi32, #tpu.memory_space<vmem>>, vector<16xi32>,
        %add3A_375 = arith.addi %add3A_364, %get3A_265 : vector<16xi32>
        %add3A_376 = arith.constant 7168 : i32
        %add3A_377 = arith.addi %add3A_376, %add3A_254 : i32
        %swap3A_378 = arith.index_cast %add3A_377 : i32 to index
        %swap3A_379 = tpu.vector_load %arg10[%swap3A_378] {strides = array<i32>} : memref<8192xi32, #tpu.memory_space<vmem>>, vector<16xi32>,
        tpu.vector_store %arg10[%swap3A_378], %add3A_375 {strides = array<i32>} : memref<8192xi32, #tpu.memory_space<vmem>>, vector<16xi32>,
        %add3A_380 = arith.addi %add3A_364, %get3A_269 : vector<16xi32>
        %add3A_381 = arith.constant 7680 : i32
        %add3A_382 = arith.addi %add3A_381, %add3A_254 : i32
        %swap3A_383 = arith.index_cast %add3A_382 : i32 to index
        %swap3A_384 = tpu.vector_load %arg10[%swap3A_383] {strides = array<i32>} : memref<8192xi32, #tpu.memory_space<vmem>>, vector<16xi32>,
        tpu.vector_store %arg10[%swap3A_383], %add3A_380 {strides = array<i32>} : memref<8192xi32, #tpu.memory_space<vmem>>, vector<16xi32>,
      }
      %scan3A_210 = arith.constant 32 : i32
      %dma_start3A_211 = arith.constant 0 : i32
      %dma_start3A_212 = tpu.memref_slice %arg16[%dma_start3A_211] : memref<1048576xi32, #tpu.memory_space<vmem_shared>> -> memref<1048576xi32, #tpu.memory_space<vmem_shared>>
      tpu.enqueue_indirect_dma source(%dma_start3A_212 : memref<1048576xi32, #tpu.memory_space<vmem_shared>>) target(%arg12 : memref<8192xi32, #tpu.memory_space<vmem>>) offsets(%arg10 : memref<8192xi32, #tpu.memory_space<vmem>>) semaphore(%arg18 : memref<!tpu.dma_semaphore, #tpu.memory_space<semaphore_mem>>)
      %ge3A_213 = arith.constant 2 : i32
      %ge3A_214 = arith.cmpi sge, %add3A_148, %ge3A_213 : i32
      %convert_element_type3A_215 = arith.extui %ge3A_214 : i1 to i32
      %cond3A_216 = arith.constant 0 : i32
      %cond3A_217 = arith.cmpi ne, %convert_element_type3A_215, %cond3A_216 : i32
      scf.if %cond3A_217 {
        %scan3A_250 = arith.constant 0 : i32
        %scan3A_251 = arith.constant 2 : i32
        %scan3A_252 = arith.addi %scan3A_250, %scan3A_251 : i32
        %scan3A_253 = arith.constant 1 : i32
        scf.for %scan3A_255 = %scan3A_250 to %scan3A_252 step %scan3A_253  : i32 {
          %mul3A_256 = arith.constant 1 : i32
          %mul3A_257 = arith.muli %scan3A_255, %mul3A_256 : i32
          %add3A_258 = arith.constant 0 : i32
          %add3A_259 = arith.addi %add3A_258, %mul3A_257 : i32
          %dma_wait3A_260 = arith.constant 0 : i32
          %dma_wait3A_261 = arith.constant 0 : i32
          %dma_wait3A_262 = arith.constant 0 : i32
          %dma_wait3A_263 = arith.constant 0 : i32
          %dma_wait3A_264 = arith.constant 0 : i32
          %dma_wait3A_265 = tpu.memref_slice %arg15[%dma_wait3A_263, %dma_wait3A_264] : memref<2x512xf32, #tpu.memory_space<vmem>> -> memref<1x512xf32, #tpu.memory_space<vmem>>
          %dma_wait3A_266 = tpu.memref_squeeze %dma_wait3A_265 : memref<1x512xf32, #tpu.memory_space<vmem>> -> memref<512xf32, #tpu.memory_space<vmem>>
          %dma_wait3A_267 = arith.constant 0 : i32
          %dma_wait3A_268 = tpu.memref_slice %arg3[%dma_wait3A_260, %dma_wait3A_261, %dma_wait3A_262, %dma_wait3A_267] : memref<4x4x2x262144xf32, #tpu.memory_space<hbm>> -> memref<1x1x1x512xf32, #tpu.memory_space<hbm>>
          %dma_wait3A_269 = tpu.memref_squeeze %dma_wait3A_268 : memref<1x1x1x512xf32, #tpu.memory_space<hbm>> -> memref<512xf32, #tpu.memory_space<hbm>>
          %dma_wait3A_270 = arith.constant 0 : i32
          %dma_wait3A_271 = tpu.memref_slice %arg15[%dma_wait3A_263, %dma_wait3A_270] : memref<2x512xf32, #tpu.memory_space<vmem>> -> memref<1x512xf32, #tpu.memory_space<vmem>>
          %dma_wait3A_272 = tpu.memref_squeeze %dma_wait3A_271 : memref<1x512xf32, #tpu.memory_space<vmem>> -> memref<512xf32, #tpu.memory_space<vmem>>
          %dma_wait3A_273 = arith.constant 0 : i32
          %dma_wait3A_274 = tpu.memref_slice %arg3[%dma_wait3A_260, %dma_wait3A_261, %dma_wait3A_262, %dma_wait3A_273] : memref<4x4x2x262144xf32, #tpu.memory_space<hbm>> -> memref<1x1x1x512xf32, #tpu.memory_space<hbm>>
          %dma_wait3A_275 = tpu.memref_squeeze %dma_wait3A_274 : memref<1x1x1x512xf32, #tpu.memory_space<hbm>> -> memref<512xf32, #tpu.memory_space<hbm>>
          tpu.wait_dma2 semaphore(%arg21 : memref<!tpu.dma_semaphore, #tpu.memory_space<semaphore_mem>>) src(%dma_wait3A_275 : memref<512xf32, #tpu.memory_space<hbm>>) dst(%dma_wait3A_272 : memref<512xf32, #tpu.memory_space<vmem>>)
        }
        %scan3A_254 = arith.constant 2 : i32
      } else {
      }
      %dma_wait3A_218 = arith.constant 0 : i32
      %dma_wait3A_219 = arith.constant 0 : i32
      %dma_wait3A_220 = arith.constant 0 : i32
      %dma_wait3A_221 = arith.constant 0 : i32
      %dma_wait3A_222 = tpu.memref_slice %arg4[%dma_wait3A_218, %dma_wait3A_219, %dma_wait3A_220, %dma_wait3A_221] : memref<4x4x2x262144xi32, #tpu.memory_space<hbm>> -> memref<1x1x1x8192xi32, #tpu.memory_space<hbm>>
      %dma_wait3A_223 = tpu.memref_squeeze %dma_wait3A_222 : memref<1x1x1x8192xi32, #tpu.memory_space<hbm>> -> memref<8192xi32, #tpu.memory_space<hbm>>
      %dma_wait3A_224 = arith.constant 0 : i32
      %dma_wait3A_225 = tpu.memref_slice %arg4[%dma_wait3A_218, %dma_wait3A_219, %dma_wait3A_220, %dma_wait3A_224] : memref<4x4x2x262144xi32, #tpu.memory_space<hbm>> -> memref<1x1x1x8192xi32, #tpu.memory_space<hbm>>
      %dma_wait3A_226 = tpu.memref_squeeze %dma_wait3A_225 : memref<1x1x1x8192xi32, #tpu.memory_space<hbm>> -> memref<8192xi32, #tpu.memory_space<hbm>>
      tpu.wait_dma2 semaphore(%arg19 : memref<!tpu.dma_semaphore, #tpu.memory_space<semaphore_mem>>) src(%dma_wait3A_226 : memref<8192xi32, #tpu.memory_space<hbm>>) dst(%arg13 : memref<8192xi32, #tpu.memory_space<vmem>>)
      %scan3A_227 = arith.constant 0 : i32
      %scan3A_228 = arith.constant 32 : i32
      %scan3A_229 = arith.addi %scan3A_227, %scan3A_228 : i32
      %scan3A_230 = arith.constant 1 : i32
      scf.for %scan3A_250 = %scan3A_227 to %scan3A_229 step %scan3A_230  : i32 {
        %mul3A_251 = arith.constant 16 : i32
        %mul3A_252 = arith.muli %scan3A_250, %mul3A_251 : i32
        %add3A_253 = arith.constant 0 : i32
        %add3A_254 = arith.addi %add3A_253, %mul3A_252 : i32
        %get3A = arith.constant 0 : i32
        %get3A_255 = arith.index_cast %get3A : i32 to index
        %get3A_256 = arith.index_cast %add3A_254 : i32 to index
        %get3A_257 = tpu.vector_load %arg7[%get3A_255, %get3A_256] {strides = array<i32>} : memref<8x512xf32, #tpu.memory_space<vmem>>, vector<16xf32>,
        %get3A_258 = arith.constant 1 : i32
        %get3A_259 = arith.index_cast %get3A_258 : i32 to index
        %get3A_260 = arith.index_cast %add3A_254 : i32 to index
        %get3A_261 = tpu.vector_load %arg7[%get3A_259, %get3A_260] {strides = array<i32>} : memref<8x512xf32, #tpu.memory_space<vmem>>, vector<16xf32>,
        %get3A_262 = arith.constant 2 : i32
        %get3A_263 = arith.index_cast %get3A_262 : i32 to index
        %get3A_264 = arith.index_cast %add3A_254 : i32 to index
        %get3A_265 = tpu.vector_load %arg7[%get3A_263, %get3A_264] {strides = array<i32>} : memref<8x512xf32, #tpu.memory_space<vmem>>, vector<16xf32>,
        %get3A_266 = arith.constant 3 : i32
        %get3A_267 = arith.index_cast %get3A_266 : i32 to index
        %get3A_268 = arith.index_cast %add3A_254 : i32 to index
        %get3A_269 = tpu.vector_load %arg7[%get3A_267, %get3A_268] {strides = array<i32>} : memref<8x512xf32, #tpu.memory_space<vmem>>, vector<16xf32>,
        %get3A_270 = arith.constant 4 : i32
        %get3A_271 = arith.index_cast %get3A_270 : i32 to index
        %get3A_272 = arith.index_cast %add3A_254 : i32 to index
        %get3A_273 = tpu.vector_load %arg7[%get3A_271, %get3A_272] {strides = array<i32>} : memref<8x512xf32, #tpu.memory_space<vmem>>, vector<16xf32>,
        %get3A_274 = arith.constant 5 : i32
        %get3A_275 = arith.index_cast %get3A_274 : i32 to index
        %get3A_276 = arith.index_cast %add3A_254 : i32 to index
        %get3A_277 = tpu.vector_load %arg7[%get3A_275, %get3A_276] {strides = array<i32>} : memref<8x512xf32, #tpu.memory_space<vmem>>, vector<16xf32>,
        %get3A_278 = arith.constant 6 : i32
        %get3A_279 = arith.index_cast %get3A_278 : i32 to index
        %get3A_280 = arith.index_cast %add3A_254 : i32 to index
        %get3A_281 = tpu.vector_load %arg7[%get3A_279, %get3A_280] {strides = array<i32>} : memref<8x512xf32, #tpu.memory_space<vmem>>, vector<16xf32>,
        %get3A_282 = arith.constant 7 : i32
        %get3A_283 = arith.index_cast %get3A_282 : i32 to index
        %get3A_284 = arith.index_cast %add3A_254 : i32 to index
        %get3A_285 = tpu.vector_load %arg7[%get3A_283, %get3A_284] {strides = array<i32>} : memref<8x512xf32, #tpu.memory_space<vmem>>, vector<16xf32>,
        %broadcast_in_dim3A = arith.constant 0.000000e+00 : f32
        %broadcast_in_dim3A_286 = vector.broadcast %broadcast_in_dim3A : f32 to vector<16xf32>
        %add3A_287 = arith.constant 0 : i32
        %add3A_288 = arith.addi %add3A_287, %add3A_254 : i32
        %get3A_289 = arith.index_cast %add3A_288 : i32 to index
        %get3A_290 = tpu.vector_load %arg13[%get3A_289] {strides = array<i32>} : memref<8192xi32, #tpu.memory_space<vmem>>, vector<16xi32>,
        %shift_left3A = arith.constant 16 : i32
        %shift_left3A_291 = vector.broadcast %shift_left3A : i32 to vector<16xi32>
        %shift_left3A_292 = arith.shli %get3A_290, %shift_left3A_291 : vector<16xi32>
        %bitcast3A = vector.bitcast %shift_left3A_292 : vector<16xi32> to vector<16xf32>
        %and3A_293 = arith.constant -65536 : i32
        %and3A_294 = vector.broadcast %and3A_293 : i32 to vector<16xi32>
        %and3A_295 = arith.andi %get3A_290, %and3A_294 : vector<16xi32>
        %bitcast3A_296 = vector.bitcast %and3A_295 : vector<16xi32> to vector<16xf32>
        %mul3A_297 = arith.mulf %get3A_257, %get3A_273 : vector<16xf32>
        %mul3A_298 = arith.mulf %mul3A_297, %bitcast3A : vector<16xf32>
        %add3A_299 = arith.addf %broadcast_in_dim3A_286, %mul3A_298 : vector<16xf32>
        %mul3A_300 = arith.mulf %mul3A_297, %bitcast3A_296 : vector<16xf32>
        %add3A_301 = arith.addf %broadcast_in_dim3A_286, %mul3A_300 : vector<16xf32>
        %add3A_302 = arith.constant 512 : i32
        %add3A_303 = arith.addi %add3A_302, %add3A_254 : i32
        %get3A_304 = arith.index_cast %add3A_303 : i32 to index
        %get3A_305 = tpu.vector_load %arg13[%get3A_304] {strides = array<i32>} : memref<8192xi32, #tpu.memory_space<vmem>>, vector<16xi32>,
        %shift_left3A_306 = arith.constant 16 : i32
        %shift_left3A_307 = vector.broadcast %shift_left3A_306 : i32 to vector<16xi32>
        %shift_left3A_308 = arith.shli %get3A_305, %shift_left3A_307 : vector<16xi32>
        %bitcast3A_309 = vector.bitcast %shift_left3A_308 : vector<16xi32> to vector<16xf32>
        %and3A_310 = arith.constant -65536 : i32
        %and3A_311 = vector.broadcast %and3A_310 : i32 to vector<16xi32>
        %and3A_312 = arith.andi %get3A_305, %and3A_311 : vector<16xi32>
        %bitcast3A_313 = vector.bitcast %and3A_312 : vector<16xi32> to vector<16xf32>
        %mul3A_314 = arith.mulf %get3A_257, %get3A_277 : vector<16xf32>
        %mul3A_315 = arith.mulf %mul3A_314, %bitcast3A_309 : vector<16xf32>
        %add3A_316 = arith.addf %broadcast_in_dim3A_286, %mul3A_315 : vector<16xf32>
        %mul3A_317 = arith.mulf %mul3A_314, %bitcast3A_313 : vector<16xf32>
        %add3A_318 = arith.addf %broadcast_in_dim3A_286, %mul3A_317 : vector<16xf32>
        %add3A_319 = arith.constant 1024 : i32
        %add3A_320 = arith.addi %add3A_319, %add3A_254 : i32
        %get3A_321 = arith.index_cast %add3A_320 : i32 to index
        %get3A_322 = tpu.vector_load %arg13[%get3A_321] {strides = array<i32>} : memref<8192xi32, #tpu.memory_space<vmem>>, vector<16xi32>,
        %shift_left3A_323 = arith.constant 16 : i32
        %shift_left3A_324 = vector.broadcast %shift_left3A_323 : i32 to vector<16xi32>
        %shift_left3A_325 = arith.shli %get3A_322, %shift_left3A_324 : vector<16xi32>
        %bitcast3A_326 = vector.bitcast %shift_left3A_325 : vector<16xi32> to vector<16xf32>
        %and3A_327 = arith.constant -65536 : i32
        %and3A_328 = vector.broadcast %and3A_327 : i32 to vector<16xi32>
        %and3A_329 = arith.andi %get3A_322, %and3A_328 : vector<16xi32>
        %bitcast3A_330 = vector.bitcast %and3A_329 : vector<16xi32> to vector<16xf32>
        %mul3A_331 = arith.mulf %get3A_257, %get3A_281 : vector<16xf32>
        %mul3A_332 = arith.mulf %mul3A_331, %bitcast3A_326 : vector<16xf32>
        %add3A_333 = arith.addf %broadcast_in_dim3A_286, %mul3A_332 : vector<16xf32>
        %mul3A_334 = arith.mulf %mul3A_331, %bitcast3A_330 : vector<16xf32>
        %add3A_335 = arith.addf %broadcast_in_dim3A_286, %mul3A_334 : vector<16xf32>
        %add3A_336 = arith.constant 1536 : i32
        %add3A_337 = arith.addi %add3A_336, %add3A_254 : i32
        %get3A_338 = arith.index_cast %add3A_337 : i32 to index
        %get3A_339 = tpu.vector_load %arg13[%get3A_338] {strides = array<i32>} : memref<8192xi32, #tpu.memory_space<vmem>>, vector<16xi32>,
        %shift_left3A_340 = arith.constant 16 : i32
        %shift_left3A_341 = vector.broadcast %shift_left3A_340 : i32 to vector<16xi32>
        %shift_left3A_342 = arith.shli %get3A_339, %shift_left3A_341 : vector<16xi32>
        %bitcast3A_343 = vector.bitcast %shift_left3A_342 : vector<16xi32> to vector<16xf32>
        %and3A_344 = arith.constant -65536 : i32
        %and3A_345 = vector.broadcast %and3A_344 : i32 to vector<16xi32>
        %and3A_346 = arith.andi %get3A_339, %and3A_345 : vector<16xi32>
        %bitcast3A_347 = vector.bitcast %and3A_346 : vector<16xi32> to vector<16xf32>
        %mul3A_348 = arith.mulf %get3A_257, %get3A_285 : vector<16xf32>
        %mul3A_349 = arith.mulf %mul3A_348, %bitcast3A_343 : vector<16xf32>
        %add3A_350 = arith.addf %broadcast_in_dim3A_286, %mul3A_349 : vector<16xf32>
        %mul3A_351 = arith.mulf %mul3A_348, %bitcast3A_347 : vector<16xf32>
        %add3A_352 = arith.addf %broadcast_in_dim3A_286, %mul3A_351 : vector<16xf32>
        %add3A_353 = arith.constant 2048 : i32
        %add3A_354 = arith.addi %add3A_353, %add3A_254 : i32
        %get3A_355 = arith.index_cast %add3A_354 : i32 to index
        %get3A_356 = tpu.vector_load %arg13[%get3A_355] {strides = array<i32>} : memref<8192xi32, #tpu.memory_space<vmem>>, vector<16xi32>,
        %shift_left3A_357 = arith.constant 16 : i32
        %shift_left3A_358 = vector.broadcast %shift_left3A_357 : i32 to vector<16xi32>
        %shift_left3A_359 = arith.shli %get3A_356, %shift_left3A_358 : vector<16xi32>
        %bitcast3A_360 = vector.bitcast %shift_left3A_359 : vector<16xi32> to vector<16xf32>
        %and3A_361 = arith.constant -65536 : i32
        %and3A_362 = vector.broadcast %and3A_361 : i32 to vector<16xi32>
        %and3A_363 = arith.andi %get3A_356, %and3A_362 : vector<16xi32>
        %bitcast3A_364 = vector.bitcast %and3A_363 : vector<16xi32> to vector<16xf32>
        %mul3A_365 = arith.mulf %get3A_261, %get3A_273 : vector<16xf32>
        %mul3A_366 = arith.mulf %mul3A_365, %bitcast3A_360 : vector<16xf32>
        %add3A_367 = arith.addf %add3A_299, %mul3A_366 : vector<16xf32>
        %mul3A_368 = arith.mulf %mul3A_365, %bitcast3A_364 : vector<16xf32>
        %add3A_369 = arith.addf %add3A_301, %mul3A_368 : vector<16xf32>
        %add3A_370 = arith.constant 2560 : i32
        %add3A_371 = arith.addi %add3A_370, %add3A_254 : i32
        %get3A_372 = arith.index_cast %add3A_371 : i32 to index
        %get3A_373 = tpu.vector_load %arg13[%get3A_372] {strides = array<i32>} : memref<8192xi32, #tpu.memory_space<vmem>>, vector<16xi32>,
        %shift_left3A_374 = arith.constant 16 : i32
        %shift_left3A_375 = vector.broadcast %shift_left3A_374 : i32 to vector<16xi32>
        %shift_left3A_376 = arith.shli %get3A_373, %shift_left3A_375 : vector<16xi32>
        %bitcast3A_377 = vector.bitcast %shift_left3A_376 : vector<16xi32> to vector<16xf32>
        %and3A_378 = arith.constant -65536 : i32
        %and3A_379 = vector.broadcast %and3A_378 : i32 to vector<16xi32>
        %and3A_380 = arith.andi %get3A_373, %and3A_379 : vector<16xi32>
        %bitcast3A_381 = vector.bitcast %and3A_380 : vector<16xi32> to vector<16xf32>
        %mul3A_382 = arith.mulf %get3A_261, %get3A_277 : vector<16xf32>
        %mul3A_383 = arith.mulf %mul3A_382, %bitcast3A_377 : vector<16xf32>
        %add3A_384 = arith.addf %add3A_316, %mul3A_383 : vector<16xf32>
        %mul3A_385 = arith.mulf %mul3A_382, %bitcast3A_381 : vector<16xf32>
        %add3A_386 = arith.addf %add3A_318, %mul3A_385 : vector<16xf32>
        %add3A_387 = arith.constant 3072 : i32
        %add3A_388 = arith.addi %add3A_387, %add3A_254 : i32
        %get3A_389 = arith.index_cast %add3A_388 : i32 to index
        %get3A_390 = tpu.vector_load %arg13[%get3A_389] {strides = array<i32>} : memref<8192xi32, #tpu.memory_space<vmem>>, vector<16xi32>,
        %shift_left3A_391 = arith.constant 16 : i32
        %shift_left3A_392 = vector.broadcast %shift_left3A_391 : i32 to vector<16xi32>
        %shift_left3A_393 = arith.shli %get3A_390, %shift_left3A_392 : vector<16xi32>
        %bitcast3A_394 = vector.bitcast %shift_left3A_393 : vector<16xi32> to vector<16xf32>
        %and3A_395 = arith.constant -65536 : i32
        %and3A_396 = vector.broadcast %and3A_395 : i32 to vector<16xi32>
        %and3A_397 = arith.andi %get3A_390, %and3A_396 : vector<16xi32>
        %bitcast3A_398 = vector.bitcast %and3A_397 : vector<16xi32> to vector<16xf32>
        %mul3A_399 = arith.mulf %get3A_261, %get3A_281 : vector<16xf32>
        %mul3A_400 = arith.mulf %mul3A_399, %bitcast3A_394 : vector<16xf32>
        %add3A_401 = arith.addf %add3A_333, %mul3A_400 : vector<16xf32>
        %mul3A_402 = arith.mulf %mul3A_399, %bitcast3A_398 : vector<16xf32>
        %add3A_403 = arith.addf %add3A_335, %mul3A_402 : vector<16xf32>
        %add3A_404 = arith.constant 3584 : i32
        %add3A_405 = arith.addi %add3A_404, %add3A_254 : i32
        %get3A_406 = arith.index_cast %add3A_405 : i32 to index
        %get3A_407 = tpu.vector_load %arg13[%get3A_406] {strides = array<i32>} : memref<8192xi32, #tpu.memory_space<vmem>>, vector<16xi32>,
        %shift_left3A_408 = arith.constant 16 : i32
        %shift_left3A_409 = vector.broadcast %shift_left3A_408 : i32 to vector<16xi32>
        %shift_left3A_410 = arith.shli %get3A_407, %shift_left3A_409 : vector<16xi32>
        %bitcast3A_411 = vector.bitcast %shift_left3A_410 : vector<16xi32> to vector<16xf32>
        %and3A_412 = arith.constant -65536 : i32
        %and3A_413 = vector.broadcast %and3A_412 : i32 to vector<16xi32>
        %and3A_414 = arith.andi %get3A_407, %and3A_413 : vector<16xi32>
        %bitcast3A_415 = vector.bitcast %and3A_414 : vector<16xi32> to vector<16xf32>
        %mul3A_416 = arith.mulf %get3A_261, %get3A_285 : vector<16xf32>
        %mul3A_417 = arith.mulf %mul3A_416, %bitcast3A_411 : vector<16xf32>
        %add3A_418 = arith.addf %add3A_350, %mul3A_417 : vector<16xf32>
        %mul3A_419 = arith.mulf %mul3A_416, %bitcast3A_415 : vector<16xf32>
        %add3A_420 = arith.addf %add3A_352, %mul3A_419 : vector<16xf32>
        %add3A_421 = arith.constant 4096 : i32
        %add3A_422 = arith.addi %add3A_421, %add3A_254 : i32
        %get3A_423 = arith.index_cast %add3A_422 : i32 to index
        %get3A_424 = tpu.vector_load %arg13[%get3A_423] {strides = array<i32>} : memref<8192xi32, #tpu.memory_space<vmem>>, vector<16xi32>,
        %shift_left3A_425 = arith.constant 16 : i32
        %shift_left3A_426 = vector.broadcast %shift_left3A_425 : i32 to vector<16xi32>
        %shift_left3A_427 = arith.shli %get3A_424, %shift_left3A_426 : vector<16xi32>
        %bitcast3A_428 = vector.bitcast %shift_left3A_427 : vector<16xi32> to vector<16xf32>
        %and3A_429 = arith.constant -65536 : i32
        %and3A_430 = vector.broadcast %and3A_429 : i32 to vector<16xi32>
        %and3A_431 = arith.andi %get3A_424, %and3A_430 : vector<16xi32>
        %bitcast3A_432 = vector.bitcast %and3A_431 : vector<16xi32> to vector<16xf32>
        %mul3A_433 = arith.mulf %get3A_265, %get3A_273 : vector<16xf32>
        %mul3A_434 = arith.mulf %mul3A_433, %bitcast3A_428 : vector<16xf32>
        %add3A_435 = arith.addf %add3A_367, %mul3A_434 : vector<16xf32>
        %mul3A_436 = arith.mulf %mul3A_433, %bitcast3A_432 : vector<16xf32>
        %add3A_437 = arith.addf %add3A_369, %mul3A_436 : vector<16xf32>
        %add3A_438 = arith.constant 4608 : i32
        %add3A_439 = arith.addi %add3A_438, %add3A_254 : i32
        %get3A_440 = arith.index_cast %add3A_439 : i32 to index
        %get3A_441 = tpu.vector_load %arg13[%get3A_440] {strides = array<i32>} : memref<8192xi32, #tpu.memory_space<vmem>>, vector<16xi32>,
        %shift_left3A_442 = arith.constant 16 : i32
        %shift_left3A_443 = vector.broadcast %shift_left3A_442 : i32 to vector<16xi32>
        %shift_left3A_444 = arith.shli %get3A_441, %shift_left3A_443 : vector<16xi32>
        %bitcast3A_445 = vector.bitcast %shift_left3A_444 : vector<16xi32> to vector<16xf32>
        %and3A_446 = arith.constant -65536 : i32
        %and3A_447 = vector.broadcast %and3A_446 : i32 to vector<16xi32>
        %and3A_448 = arith.andi %get3A_441, %and3A_447 : vector<16xi32>
        %bitcast3A_449 = vector.bitcast %and3A_448 : vector<16xi32> to vector<16xf32>
        %mul3A_450 = arith.mulf %get3A_265, %get3A_277 : vector<16xf32>
        %mul3A_451 = arith.mulf %mul3A_450, %bitcast3A_445 : vector<16xf32>
        %add3A_452 = arith.addf %add3A_384, %mul3A_451 : vector<16xf32>
        %mul3A_453 = arith.mulf %mul3A_450, %bitcast3A_449 : vector<16xf32>
        %add3A_454 = arith.addf %add3A_386, %mul3A_453 : vector<16xf32>
        %add3A_455 = arith.constant 5120 : i32
        %add3A_456 = arith.addi %add3A_455, %add3A_254 : i32
        %get3A_457 = arith.index_cast %add3A_456 : i32 to index
        %get3A_458 = tpu.vector_load %arg13[%get3A_457] {strides = array<i32>} : memref<8192xi32, #tpu.memory_space<vmem>>, vector<16xi32>,
        %shift_left3A_459 = arith.constant 16 : i32
        %shift_left3A_460 = vector.broadcast %shift_left3A_459 : i32 to vector<16xi32>
        %shift_left3A_461 = arith.shli %get3A_458, %shift_left3A_460 : vector<16xi32>
        %bitcast3A_462 = vector.bitcast %shift_left3A_461 : vector<16xi32> to vector<16xf32>
        %and3A_463 = arith.constant -65536 : i32
        %and3A_464 = vector.broadcast %and3A_463 : i32 to vector<16xi32>
        %and3A_465 = arith.andi %get3A_458, %and3A_464 : vector<16xi32>
        %bitcast3A_466 = vector.bitcast %and3A_465 : vector<16xi32> to vector<16xf32>
        %mul3A_467 = arith.mulf %get3A_265, %get3A_281 : vector<16xf32>
        %mul3A_468 = arith.mulf %mul3A_467, %bitcast3A_462 : vector<16xf32>
        %add3A_469 = arith.addf %add3A_401, %mul3A_468 : vector<16xf32>
        %mul3A_470 = arith.mulf %mul3A_467, %bitcast3A_466 : vector<16xf32>
        %add3A_471 = arith.addf %add3A_403, %mul3A_470 : vector<16xf32>
        %add3A_472 = arith.constant 5632 : i32
        %add3A_473 = arith.addi %add3A_472, %add3A_254 : i32
        %get3A_474 = arith.index_cast %add3A_473 : i32 to index
        %get3A_475 = tpu.vector_load %arg13[%get3A_474] {strides = array<i32>} : memref<8192xi32, #tpu.memory_space<vmem>>, vector<16xi32>,
        %shift_left3A_476 = arith.constant 16 : i32
        %shift_left3A_477 = vector.broadcast %shift_left3A_476 : i32 to vector<16xi32>
        %shift_left3A_478 = arith.shli %get3A_475, %shift_left3A_477 : vector<16xi32>
        %bitcast3A_479 = vector.bitcast %shift_left3A_478 : vector<16xi32> to vector<16xf32>
        %and3A_480 = arith.constant -65536 : i32
        %and3A_481 = vector.broadcast %and3A_480 : i32 to vector<16xi32>
        %and3A_482 = arith.andi %get3A_475, %and3A_481 : vector<16xi32>
        %bitcast3A_483 = vector.bitcast %and3A_482 : vector<16xi32> to vector<16xf32>
        %mul3A_484 = arith.mulf %get3A_265, %get3A_285 : vector<16xf32>
        %mul3A_485 = arith.mulf %mul3A_484, %bitcast3A_479 : vector<16xf32>
        %add3A_486 = arith.addf %add3A_418, %mul3A_485 : vector<16xf32>
        %mul3A_487 = arith.mulf %mul3A_484, %bitcast3A_483 : vector<16xf32>
        %add3A_488 = arith.addf %add3A_420, %mul3A_487 : vector<16xf32>
        %add3A_489 = arith.constant 6144 : i32
        %add3A_490 = arith.addi %add3A_489, %add3A_254 : i32
        %get3A_491 = arith.index_cast %add3A_490 : i32 to index
        %get3A_492 = tpu.vector_load %arg13[%get3A_491] {strides = array<i32>} : memref<8192xi32, #tpu.memory_space<vmem>>, vector<16xi32>,
        %shift_left3A_493 = arith.constant 16 : i32
        %shift_left3A_494 = vector.broadcast %shift_left3A_493 : i32 to vector<16xi32>
        %shift_left3A_495 = arith.shli %get3A_492, %shift_left3A_494 : vector<16xi32>
        %bitcast3A_496 = vector.bitcast %shift_left3A_495 : vector<16xi32> to vector<16xf32>
        %and3A_497 = arith.constant -65536 : i32
        %and3A_498 = vector.broadcast %and3A_497 : i32 to vector<16xi32>
        %and3A_499 = arith.andi %get3A_492, %and3A_498 : vector<16xi32>
        %bitcast3A_500 = vector.bitcast %and3A_499 : vector<16xi32> to vector<16xf32>
        %mul3A_501 = arith.mulf %get3A_269, %get3A_273 : vector<16xf32>
        %mul3A_502 = arith.mulf %mul3A_501, %bitcast3A_496 : vector<16xf32>
        %add3A_503 = arith.addf %add3A_435, %mul3A_502 : vector<16xf32>
        %mul3A_504 = arith.mulf %mul3A_501, %bitcast3A_500 : vector<16xf32>
        %add3A_505 = arith.addf %add3A_437, %mul3A_504 : vector<16xf32>
        %add3A_506 = arith.constant 6656 : i32
        %add3A_507 = arith.addi %add3A_506, %add3A_254 : i32
        %get3A_508 = arith.index_cast %add3A_507 : i32 to index
        %get3A_509 = tpu.vector_load %arg13[%get3A_508] {strides = array<i32>} : memref<8192xi32, #tpu.memory_space<vmem>>, vector<16xi32>,
        %shift_left3A_510 = arith.constant 16 : i32
        %shift_left3A_511 = vector.broadcast %shift_left3A_510 : i32 to vector<16xi32>
        %shift_left3A_512 = arith.shli %get3A_509, %shift_left3A_511 : vector<16xi32>
        %bitcast3A_513 = vector.bitcast %shift_left3A_512 : vector<16xi32> to vector<16xf32>
        %and3A_514 = arith.constant -65536 : i32
        %and3A_515 = vector.broadcast %and3A_514 : i32 to vector<16xi32>
        %and3A_516 = arith.andi %get3A_509, %and3A_515 : vector<16xi32>
        %bitcast3A_517 = vector.bitcast %and3A_516 : vector<16xi32> to vector<16xf32>
        %mul3A_518 = arith.mulf %get3A_269, %get3A_277 : vector<16xf32>
        %mul3A_519 = arith.mulf %mul3A_518, %bitcast3A_513 : vector<16xf32>
        %add3A_520 = arith.addf %add3A_452, %mul3A_519 : vector<16xf32>
        %mul3A_521 = arith.mulf %mul3A_518, %bitcast3A_517 : vector<16xf32>
        %add3A_522 = arith.addf %add3A_454, %mul3A_521 : vector<16xf32>
        %add3A_523 = arith.constant 7168 : i32
        %add3A_524 = arith.addi %add3A_523, %add3A_254 : i32
        %get3A_525 = arith.index_cast %add3A_524 : i32 to index
        %get3A_526 = tpu.vector_load %arg13[%get3A_525] {strides = array<i32>} : memref<8192xi32, #tpu.memory_space<vmem>>, vector<16xi32>,
        %shift_left3A_527 = arith.constant 16 : i32
        %shift_left3A_528 = vector.broadcast %shift_left3A_527 : i32 to vector<16xi32>
        %shift_left3A_529 = arith.shli %get3A_526, %shift_left3A_528 : vector<16xi32>
        %bitcast3A_530 = vector.bitcast %shift_left3A_529 : vector<16xi32> to vector<16xf32>
        %and3A_531 = arith.constant -65536 : i32
        %and3A_532 = vector.broadcast %and3A_531 : i32 to vector<16xi32>
        %and3A_533 = arith.andi %get3A_526, %and3A_532 : vector<16xi32>
        %bitcast3A_534 = vector.bitcast %and3A_533 : vector<16xi32> to vector<16xf32>
        %mul3A_535 = arith.mulf %get3A_269, %get3A_281 : vector<16xf32>
        %mul3A_536 = arith.mulf %mul3A_535, %bitcast3A_530 : vector<16xf32>
        %add3A_537 = arith.addf %add3A_469, %mul3A_536 : vector<16xf32>
        %mul3A_538 = arith.mulf %mul3A_535, %bitcast3A_534 : vector<16xf32>
        %add3A_539 = arith.addf %add3A_471, %mul3A_538 : vector<16xf32>
        %add3A_540 = arith.constant 7680 : i32
        %add3A_541 = arith.addi %add3A_540, %add3A_254 : i32
        %get3A_542 = arith.index_cast %add3A_541 : i32 to index
        %get3A_543 = tpu.vector_load %arg13[%get3A_542] {strides = array<i32>} : memref<8192xi32, #tpu.memory_space<vmem>>, vector<16xi32>,
        %shift_left3A_544 = arith.constant 16 : i32
        %shift_left3A_545 = vector.broadcast %shift_left3A_544 : i32 to vector<16xi32>
        %shift_left3A_546 = arith.shli %get3A_543, %shift_left3A_545 : vector<16xi32>
        %bitcast3A_547 = vector.bitcast %shift_left3A_546 : vector<16xi32> to vector<16xf32>
        %and3A_548 = arith.constant -65536 : i32
        %and3A_549 = vector.broadcast %and3A_548 : i32 to vector<16xi32>
        %and3A_550 = arith.andi %get3A_543, %and3A_549 : vector<16xi32>
        %bitcast3A_551 = vector.bitcast %and3A_550 : vector<16xi32> to vector<16xf32>
        %mul3A_552 = arith.mulf %get3A_269, %get3A_285 : vector<16xf32>
        %mul3A_553 = arith.mulf %mul3A_552, %bitcast3A_547 : vector<16xf32>
        %add3A_554 = arith.addf %add3A_486, %mul3A_553 : vector<16xf32>
        %mul3A_555 = arith.mulf %mul3A_552, %bitcast3A_551 : vector<16xf32>
        %add3A_556 = arith.addf %add3A_488, %mul3A_555 : vector<16xf32>
        %add3A_557 = arith.addf %add3A_503, %add3A_520 : vector<16xf32>
        %add3A_558 = arith.addf %add3A_537, %add3A_554 : vector<16xf32>
        %add3A_559 = arith.addf %add3A_557, %add3A_558 : vector<16xf32>
        %swap3A = arith.constant 0 : i32
        %swap3A_560 = arith.index_cast %swap3A : i32 to index
        %swap3A_561 = arith.index_cast %add3A_254 : i32 to index
        %swap3A_562 = tpu.vector_load %arg15[%swap3A_560, %swap3A_561] {strides = array<i32>} : memref<2x512xf32, #tpu.memory_space<vmem>>, vector<16xf32>,
        tpu.vector_store %arg15[%swap3A_560, %swap3A_561], %add3A_559 {strides = array<i32>} : memref<2x512xf32, #tpu.memory_space<vmem>>, vector<16xf32>,
        %add3A_563 = arith.addf %add3A_505, %add3A_522 : vector<16xf32>
        %add3A_564 = arith.addf %add3A_539, %add3A_556 : vector<16xf32>
        %add3A_565 = arith.addf %add3A_563, %add3A_564 : vector<16xf32>
        %swap3A_566 = arith.constant 1 : i32
        %swap3A_567 = arith.index_cast %swap3A_566 : i32 to index
        %swap3A_568 = arith.index_cast %add3A_254 : i32 to index
        %swap3A_569 = tpu.vector_load %arg15[%swap3A_567, %swap3A_568] {strides = array<i32>} : memref<2x512xf32, #tpu.memory_space<vmem>>, vector<16xf32>,
        tpu.vector_store %arg15[%swap3A_567, %swap3A_568], %add3A_565 {strides = array<i32>} : memref<2x512xf32, #tpu.memory_space<vmem>>, vector<16xf32>,
      }
      %scan3A_231 = arith.constant 32 : i32
      %mul3A_232 = arith.constant 512 : i32
      %mul3A_233 = arith.muli %add3A_148, %mul3A_232 : i32
      %add3A_234 = arith.addi %mul3A_32, %mul3A_233 : i32
      %scan3A_235 = arith.constant 0 : i32
      %scan3A_236 = arith.constant 2 : i32
      %scan3A_237 = arith.addi %scan3A_235, %scan3A_236 : i32
      %scan3A_238 = arith.constant 1 : i32
      scf.for %scan3A_250 = %scan3A_235 to %scan3A_237 step %scan3A_238  : i32 {
        %mul3A_251 = arith.constant 1 : i32
        %mul3A_252 = arith.muli %scan3A_250, %mul3A_251 : i32
        %add3A_253 = arith.constant 0 : i32
        %add3A_254 = arith.addi %add3A_253, %mul3A_252 : i32
        %dma_start3A_255 = arith.constant 0 : i32
        %dma_start3A_256 = tpu.memref_slice %arg15[%add3A_254, %dma_start3A_255] : memref<2x512xf32, #tpu.memory_space<vmem>> -> memref<1x512xf32, #tpu.memory_space<vmem>>
        %dma_start3A_257 = tpu.memref_squeeze %dma_start3A_256 : memref<1x512xf32, #tpu.memory_space<vmem>> -> memref<512xf32, #tpu.memory_space<vmem>>
        %dma_start3A_258 = tpu.memref_slice %arg5[%select_n3A, %add3A_254, %add3A_234] : memref<4x2x262144xf32, #tpu.memory_space<hbm>> -> memref<1x1x512xf32, #tpu.memory_space<hbm>>
        %dma_start3A_259 = tpu.memref_squeeze %dma_start3A_258 : memref<1x1x512xf32, #tpu.memory_space<hbm>> -> memref<512xf32, #tpu.memory_space<hbm>>
        %dma_start3A_260 = tpu.memref_slice %arg5[%select_n3A, %add3A_254, %add3A_234] : memref<4x2x262144xf32, #tpu.memory_space<hbm>> -> memref<1x1x512xf32, #tpu.memory_space<hbm>>
        %dma_start3A_261 = tpu.memref_squeeze %dma_start3A_260 : memref<1x1x512xf32, #tpu.memory_space<hbm>> -> memref<512xf32, #tpu.memory_space<hbm>>
        %dma_start3A_262 = arith.constant 0 : i32
        %dma_start3A_263 = tpu.memref_slice %arg15[%add3A_254, %dma_start3A_262] : memref<2x512xf32, #tpu.memory_space<vmem>> -> memref<1x512xf32, #tpu.memory_space<vmem>>
        %dma_start3A_264 = tpu.memref_squeeze %dma_start3A_263 : memref<1x512xf32, #tpu.memory_space<vmem>> -> memref<512xf32, #tpu.memory_space<vmem>>
        tpu.enqueue_dma source(%dma_start3A_264 : memref<512xf32, #tpu.memory_space<vmem>>) target(%dma_start3A_261 : memref<512xf32, #tpu.memory_space<hbm>>) target_semaphore(%arg21 : memref<!tpu.dma_semaphore, #tpu.memory_space<semaphore_mem>>)
      }
      %scan3A_239 = arith.constant 2 : i32
      %add3A_240 = arith.constant 2 : i32
      %add3A_241 = arith.addi %add3A_148, %add3A_240 : i32
      %mul3A_242 = arith.constant 512 : i32
      %mul3A_243 = arith.muli %add3A_241, %mul3A_242 : i32
      %add3A_244 = arith.addi %mul3A_32, %mul3A_243 : i32
      %scan3A_245 = arith.constant 0 : i32
      %scan3A_246 = arith.constant 8 : i32
      %scan3A_247 = arith.addi %scan3A_245, %scan3A_246 : i32
      %scan3A_248 = arith.constant 1 : i32
      scf.for %scan3A_250 = %scan3A_245 to %scan3A_247 step %scan3A_248  : i32 {
        %mul3A_251 = arith.constant 1 : i32
        %mul3A_252 = arith.muli %scan3A_250, %mul3A_251 : i32
        %add3A_253 = arith.constant 0 : i32
        %add3A_254 = arith.addi %add3A_253, %mul3A_252 : i32
        %jit3A_255 = arith.constant 4 : i32
        %div3A_256 = arith.divsi %add3A_254, %jit3A_255 : i32
        %sign3A_257 = arith.constant 0 : i32
        %sign3A_258 = arith.cmpi sgt, %add3A_254, %sign3A_257 : i32
        %sign3A_259 = arith.extui %sign3A_258 : i1 to i32
        %sign3A_260 = arith.constant 0 : i32
        %sign3A_261 = arith.cmpi slt, %add3A_254, %sign3A_260 : i32
        %sign3A_262 = arith.extui %sign3A_261 : i1 to i32
        %sign3A_263 = arith.subi %sign3A_259, %sign3A_262 : i32
        %sign3A_264 = arith.constant 0 : i32
        %sign3A_265 = arith.cmpi sgt, %jit3A_255, %sign3A_264 : i32
        %sign3A_266 = arith.extui %sign3A_265 : i1 to i32
        %sign3A_267 = arith.constant 0 : i32
        %sign3A_268 = arith.cmpi slt, %jit3A_255, %sign3A_267 : i32
        %sign3A_269 = arith.extui %sign3A_268 : i1 to i32
        %sign3A_270 = arith.subi %sign3A_266, %sign3A_269 : i32
        %ne3A_271 = arith.cmpi ne, %sign3A_263, %sign3A_270 : i32
        %rem3A_272 = arith.remsi %add3A_254, %jit3A_255 : i32
        %ne3A_273 = arith.constant 0 : i32
        %ne3A_274 = arith.cmpi ne, %rem3A_272, %ne3A_273 : i32
        %and3A_275 = arith.andi %ne3A_271, %ne3A_274 : i1
        %sub3A_276 = arith.constant 1 : i32
        %sub3A_277 = arith.subi %div3A_256, %sub3A_276 : i32
        %select_n3A_278 = arith.select %and3A_275, %sub3A_277, %div3A_256 : i32
        %mul3A_279 = arith.constant 4 : i32
        %mul3A_280 = arith.muli %select_n3A_278, %mul3A_279 : i32
        %sub3A_281 = arith.subi %add3A_254, %mul3A_280 : i32
        %dma_start3A_282 = arith.constant 0 : i32
        %dma_start3A_283 = tpu.memref_slice %arg7[%add3A_254, %dma_start3A_282] : memref<8x512xf32, #tpu.memory_space<vmem>> -> memref<1x512xf32, #tpu.memory_space<vmem>>
        %dma_start3A_284 = tpu.memref_squeeze %dma_start3A_283 : memref<1x512xf32, #tpu.memory_space<vmem>> -> memref<512xf32, #tpu.memory_space<vmem>>
        %dma_start3A_285 = tpu.memref_slice %arg3[%sub3A_281, %select_n3A, %select_n3A_278, %add3A_244] : memref<4x4x2x262144xf32, #tpu.memory_space<hbm>> -> memref<1x1x1x512xf32, #tpu.memory_space<hbm>>
        %dma_start3A_286 = tpu.memref_squeeze %dma_start3A_285 : memref<1x1x1x512xf32, #tpu.memory_space<hbm>> -> memref<512xf32, #tpu.memory_space<hbm>>
        %dma_start3A_287 = arith.constant 0 : i32
        %dma_start3A_288 = tpu.memref_slice %arg7[%add3A_254, %dma_start3A_287] : memref<8x512xf32, #tpu.memory_space<vmem>> -> memref<1x512xf32, #tpu.memory_space<vmem>>
        %dma_start3A_289 = tpu.memref_squeeze %dma_start3A_288 : memref<1x512xf32, #tpu.memory_space<vmem>> -> memref<512xf32, #tpu.memory_space<vmem>>
        %dma_start3A_290 = tpu.memref_slice %arg3[%sub3A_281, %select_n3A, %select_n3A_278, %add3A_244] : memref<4x4x2x262144xf32, #tpu.memory_space<hbm>> -> memref<1x1x1x512xf32, #tpu.memory_space<hbm>>
        %dma_start3A_291 = tpu.memref_squeeze %dma_start3A_290 : memref<1x1x1x512xf32, #tpu.memory_space<hbm>> -> memref<512xf32, #tpu.memory_space<hbm>>
        tpu.enqueue_dma source(%dma_start3A_291 : memref<512xf32, #tpu.memory_space<hbm>>) target(%dma_start3A_289 : memref<512xf32, #tpu.memory_space<vmem>>) target_semaphore(%arg17 : memref<!tpu.dma_semaphore, #tpu.memory_space<semaphore_mem>>)
        %dma_start3A_292 = arith.constant 0 : i32
        %dma_start3A_293 = tpu.memref_slice %arg9[%add3A_254, %dma_start3A_292] : memref<8x512xi32, #tpu.memory_space<vmem>> -> memref<1x512xi32, #tpu.memory_space<vmem>>
        %dma_start3A_294 = tpu.memref_squeeze %dma_start3A_293 : memref<1x512xi32, #tpu.memory_space<vmem>> -> memref<512xi32, #tpu.memory_space<vmem>>
        %dma_start3A_295 = tpu.memref_slice %arg4[%sub3A_281, %select_n3A, %select_n3A_278, %add3A_244] : memref<4x4x2x262144xi32, #tpu.memory_space<hbm>> -> memref<1x1x1x512xi32, #tpu.memory_space<hbm>>
        %dma_start3A_296 = tpu.memref_squeeze %dma_start3A_295 : memref<1x1x1x512xi32, #tpu.memory_space<hbm>> -> memref<512xi32, #tpu.memory_space<hbm>>
        %dma_start3A_297 = arith.constant 0 : i32
        %dma_start3A_298 = tpu.memref_slice %arg9[%add3A_254, %dma_start3A_297] : memref<8x512xi32, #tpu.memory_space<vmem>> -> memref<1x512xi32, #tpu.memory_space<vmem>>
        %dma_start3A_299 = tpu.memref_squeeze %dma_start3A_298 : memref<1x512xi32, #tpu.memory_space<vmem>> -> memref<512xi32, #tpu.memory_space<vmem>>
        %dma_start3A_300 = tpu.memref_slice %arg4[%sub3A_281, %select_n3A, %select_n3A_278, %add3A_244] : memref<4x4x2x262144xi32, #tpu.memory_space<hbm>> -> memref<1x1x1x512xi32, #tpu.memory_space<hbm>>
        %dma_start3A_301 = tpu.memref_squeeze %dma_start3A_300 : memref<1x1x1x512xi32, #tpu.memory_space<hbm>> -> memref<512xi32, #tpu.memory_space<hbm>>
        tpu.enqueue_dma source(%dma_start3A_301 : memref<512xi32, #tpu.memory_space<hbm>>) target(%dma_start3A_299 : memref<512xi32, #tpu.memory_space<vmem>>) target_semaphore(%arg17 : memref<!tpu.dma_semaphore, #tpu.memory_space<semaphore_mem>>)
      }
      %scan3A_249 = arith.constant 8 : i32
    }
    %scan3A_66 = arith.constant 31 : i32
    %scan3A_67 = arith.constant 0 : i32
    %scan3A_68 = arith.constant 16 : i32
    %scan3A_69 = arith.addi %scan3A_67, %scan3A_68 : i32
    %scan3A_70 = arith.constant 1 : i32
    scf.for %scan3A_140 = %scan3A_67 to %scan3A_69 step %scan3A_70  : i32 {
      %mul3A_141 = arith.constant 1 : i32
      %mul3A_142 = arith.muli %scan3A_140, %mul3A_141 : i32
      %add3A_143 = arith.constant 0 : i32
      %add3A_144 = arith.addi %add3A_143, %mul3A_142 : i32
      %dma_wait3A_145 = arith.constant 0 : i32
      %dma_wait3A_146 = arith.constant 0 : i32
      %dma_wait3A_147 = arith.constant 0 : i32
      %dma_wait3A_148 = arith.constant 0 : i32
      %dma_wait3A_149 = arith.constant 0 : i32
      %dma_wait3A_150 = tpu.memref_slice %arg9[%dma_wait3A_148, %dma_wait3A_149] : memref<8x512xi32, #tpu.memory_space<vmem>> -> memref<1x512xi32, #tpu.memory_space<vmem>>
      %dma_wait3A_151 = tpu.memref_squeeze %dma_wait3A_150 : memref<1x512xi32, #tpu.memory_space<vmem>> -> memref<512xi32, #tpu.memory_space<vmem>>
      %dma_wait3A_152 = arith.constant 0 : i32
      %dma_wait3A_153 = tpu.memref_slice %arg4[%dma_wait3A_145, %dma_wait3A_146, %dma_wait3A_147, %dma_wait3A_152] : memref<4x4x2x262144xi32, #tpu.memory_space<hbm>> -> memref<1x1x1x512xi32, #tpu.memory_space<hbm>>
      %dma_wait3A_154 = tpu.memref_squeeze %dma_wait3A_153 : memref<1x1x1x512xi32, #tpu.memory_space<hbm>> -> memref<512xi32, #tpu.memory_space<hbm>>
      %dma_wait3A_155 = arith.constant 0 : i32
      %dma_wait3A_156 = tpu.memref_slice %arg9[%dma_wait3A_148, %dma_wait3A_155] : memref<8x512xi32, #tpu.memory_space<vmem>> -> memref<1x512xi32, #tpu.memory_space<vmem>>
      %dma_wait3A_157 = tpu.memref_squeeze %dma_wait3A_156 : memref<1x512xi32, #tpu.memory_space<vmem>> -> memref<512xi32, #tpu.memory_space<vmem>>
      %dma_wait3A_158 = arith.constant 0 : i32
      %dma_wait3A_159 = tpu.memref_slice %arg4[%dma_wait3A_145, %dma_wait3A_146, %dma_wait3A_147, %dma_wait3A_158] : memref<4x4x2x262144xi32, #tpu.memory_space<hbm>> -> memref<1x1x1x512xi32, #tpu.memory_space<hbm>>
      %dma_wait3A_160 = tpu.memref_squeeze %dma_wait3A_159 : memref<1x1x1x512xi32, #tpu.memory_space<hbm>> -> memref<512xi32, #tpu.memory_space<hbm>>
      tpu.wait_dma2 semaphore(%arg17 : memref<!tpu.dma_semaphore, #tpu.memory_space<semaphore_mem>>) src(%dma_wait3A_160 : memref<512xi32, #tpu.memory_space<hbm>>) dst(%dma_wait3A_157 : memref<512xi32, #tpu.memory_space<vmem>>)
    }
    %scan3A_71 = arith.constant 16 : i32
    %scan3A_72 = arith.constant 0 : i32
    %scan3A_73 = arith.constant 32 : i32
    %scan3A_74 = arith.addi %scan3A_72, %scan3A_73 : i32
    %scan3A_75 = arith.constant 1 : i32
    scf.for %scan3A_140 = %scan3A_72 to %scan3A_74 step %scan3A_75  : i32 {
      %mul3A_141 = arith.constant 16 : i32
      %mul3A_142 = arith.muli %scan3A_140, %mul3A_141 : i32
      %add3A_143 = arith.constant 0 : i32
      %add3A_144 = arith.addi %add3A_143, %mul3A_142 : i32
      %get3A = arith.constant 4 : i32
      %get3A_145 = arith.index_cast %get3A : i32 to index
      %get3A_146 = arith.index_cast %add3A_144 : i32 to index
      %get3A_147 = tpu.vector_load %arg9[%get3A_145, %get3A_146] {strides = array<i32>} : memref<8x512xi32, #tpu.memory_space<vmem>>, vector<16xi32>,
      %get3A_148 = arith.constant 5 : i32
      %get3A_149 = arith.index_cast %get3A_148 : i32 to index
      %get3A_150 = arith.index_cast %add3A_144 : i32 to index
      %get3A_151 = tpu.vector_load %arg9[%get3A_149, %get3A_150] {strides = array<i32>} : memref<8x512xi32, #tpu.memory_space<vmem>>, vector<16xi32>,
      %get3A_152 = arith.constant 6 : i32
      %get3A_153 = arith.index_cast %get3A_152 : i32 to index
      %get3A_154 = arith.index_cast %add3A_144 : i32 to index
      %get3A_155 = tpu.vector_load %arg9[%get3A_153, %get3A_154] {strides = array<i32>} : memref<8x512xi32, #tpu.memory_space<vmem>>, vector<16xi32>,
      %get3A_156 = arith.constant 7 : i32
      %get3A_157 = arith.index_cast %get3A_156 : i32 to index
      %get3A_158 = arith.index_cast %add3A_144 : i32 to index
      %get3A_159 = tpu.vector_load %arg9[%get3A_157, %get3A_158] {strides = array<i32>} : memref<8x512xi32, #tpu.memory_space<vmem>>, vector<16xi32>,
      %get3A_160 = arith.constant 0 : i32
      %get3A_161 = arith.index_cast %get3A_160 : i32 to index
      %get3A_162 = arith.index_cast %add3A_144 : i32 to index
      %get3A_163 = tpu.vector_load %arg9[%get3A_161, %get3A_162] {strides = array<i32>} : memref<8x512xi32, #tpu.memory_space<vmem>>, vector<16xi32>,
      %mul3A_164 = arith.constant 512 : i32
      %mul3A_165 = vector.broadcast %mul3A_164 : i32 to vector<16xi32>
      %mul3A_166 = arith.muli %get3A_163, %mul3A_165 : vector<16xi32>
      %add3A_167 = vector.broadcast %mul3A_34 : i32 to vector<16xi32>
      %add3A_168 = arith.addi %mul3A_166, %add3A_167 : vector<16xi32>
      %add3A_169 = arith.addi %add3A_168, %get3A_147 : vector<16xi32>
      %add3A_170 = arith.constant 0 : i32
      %add3A_171 = arith.addi %add3A_170, %add3A_144 : i32
      %swap3A = arith.index_cast %add3A_171 : i32 to index
      %swap3A_172 = tpu.vector_load %arg11[%swap3A] {strides = array<i32>} : memref<8192xi32, #tpu.memory_space<vmem>>, vector<16xi32>,
      tpu.vector_store %arg11[%swap3A], %add3A_169 {strides = array<i32>} : memref<8192xi32, #tpu.memory_space<vmem>>, vector<16xi32>,
      %add3A_173 = arith.addi %add3A_168, %get3A_151 : vector<16xi32>
      %add3A_174 = arith.constant 512 : i32
      %add3A_175 = arith.addi %add3A_174, %add3A_144 : i32
      %swap3A_176 = arith.index_cast %add3A_175 : i32 to index
      %swap3A_177 = tpu.vector_load %arg11[%swap3A_176] {strides = array<i32>} : memref<8192xi32, #tpu.memory_space<vmem>>, vector<16xi32>,
      tpu.vector_store %arg11[%swap3A_176], %add3A_173 {strides = array<i32>} : memref<8192xi32, #tpu.memory_space<vmem>>, vector<16xi32>,
      %add3A_178 = arith.addi %add3A_168, %get3A_155 : vector<16xi32>
      %add3A_179 = arith.constant 1024 : i32
      %add3A_180 = arith.addi %add3A_179, %add3A_144 : i32
      %swap3A_181 = arith.index_cast %add3A_180 : i32 to index
      %swap3A_182 = tpu.vector_load %arg11[%swap3A_181] {strides = array<i32>} : memref<8192xi32, #tpu.memory_space<vmem>>, vector<16xi32>,
      tpu.vector_store %arg11[%swap3A_181], %add3A_178 {strides = array<i32>} : memref<8192xi32, #tpu.memory_space<vmem>>, vector<16xi32>,
      %add3A_183 = arith.addi %add3A_168, %get3A_159 : vector<16xi32>
      %add3A_184 = arith.constant 1536 : i32
      %add3A_185 = arith.addi %add3A_184, %add3A_144 : i32
      %swap3A_186 = arith.index_cast %add3A_185 : i32 to index
      %swap3A_187 = tpu.vector_load %arg11[%swap3A_186] {strides = array<i32>} : memref<8192xi32, #tpu.memory_space<vmem>>, vector<16xi32>,
      tpu.vector_store %arg11[%swap3A_186], %add3A_183 {strides = array<i32>} : memref<8192xi32, #tpu.memory_space<vmem>>, vector<16xi32>,
      %get3A_188 = arith.constant 1 : i32
      %get3A_189 = arith.index_cast %get3A_188 : i32 to index
      %get3A_190 = arith.index_cast %add3A_144 : i32 to index
      %get3A_191 = tpu.vector_load %arg9[%get3A_189, %get3A_190] {strides = array<i32>} : memref<8x512xi32, #tpu.memory_space<vmem>>, vector<16xi32>,
      %mul3A_192 = arith.constant 512 : i32
      %mul3A_193 = vector.broadcast %mul3A_192 : i32 to vector<16xi32>
      %mul3A_194 = arith.muli %get3A_191, %mul3A_193 : vector<16xi32>
      %add3A_195 = vector.broadcast %mul3A_34 : i32 to vector<16xi32>
      %add3A_196 = arith.addi %mul3A_194, %add3A_195 : vector<16xi32>
      %add3A_197 = arith.addi %add3A_196, %get3A_147 : vector<16xi32>
      %add3A_198 = arith.constant 2048 : i32
      %add3A_199 = arith.addi %add3A_198, %add3A_144 : i32
      %swap3A_200 = arith.index_cast %add3A_199 : i32 to index
      %swap3A_201 = tpu.vector_load %arg11[%swap3A_200] {strides = array<i32>} : memref<8192xi32, #tpu.memory_space<vmem>>, vector<16xi32>,
      tpu.vector_store %arg11[%swap3A_200], %add3A_197 {strides = array<i32>} : memref<8192xi32, #tpu.memory_space<vmem>>, vector<16xi32>,
      %add3A_202 = arith.addi %add3A_196, %get3A_151 : vector<16xi32>
      %add3A_203 = arith.constant 2560 : i32
      %add3A_204 = arith.addi %add3A_203, %add3A_144 : i32
      %swap3A_205 = arith.index_cast %add3A_204 : i32 to index
      %swap3A_206 = tpu.vector_load %arg11[%swap3A_205] {strides = array<i32>} : memref<8192xi32, #tpu.memory_space<vmem>>, vector<16xi32>,
      tpu.vector_store %arg11[%swap3A_205], %add3A_202 {strides = array<i32>} : memref<8192xi32, #tpu.memory_space<vmem>>, vector<16xi32>,
      %add3A_207 = arith.addi %add3A_196, %get3A_155 : vector<16xi32>
      %add3A_208 = arith.constant 3072 : i32
      %add3A_209 = arith.addi %add3A_208, %add3A_144 : i32
      %swap3A_210 = arith.index_cast %add3A_209 : i32 to index
      %swap3A_211 = tpu.vector_load %arg11[%swap3A_210] {strides = array<i32>} : memref<8192xi32, #tpu.memory_space<vmem>>, vector<16xi32>,
      tpu.vector_store %arg11[%swap3A_210], %add3A_207 {strides = array<i32>} : memref<8192xi32, #tpu.memory_space<vmem>>, vector<16xi32>,
      %add3A_212 = arith.addi %add3A_196, %get3A_159 : vector<16xi32>
      %add3A_213 = arith.constant 3584 : i32
      %add3A_214 = arith.addi %add3A_213, %add3A_144 : i32
      %swap3A_215 = arith.index_cast %add3A_214 : i32 to index
      %swap3A_216 = tpu.vector_load %arg11[%swap3A_215] {strides = array<i32>} : memref<8192xi32, #tpu.memory_space<vmem>>, vector<16xi32>,
      tpu.vector_store %arg11[%swap3A_215], %add3A_212 {strides = array<i32>} : memref<8192xi32, #tpu.memory_space<vmem>>, vector<16xi32>,
      %get3A_217 = arith.constant 2 : i32
      %get3A_218 = arith.index_cast %get3A_217 : i32 to index
      %get3A_219 = arith.index_cast %add3A_144 : i32 to index
      %get3A_220 = tpu.vector_load %arg9[%get3A_218, %get3A_219] {strides = array<i32>} : memref<8x512xi32, #tpu.memory_space<vmem>>, vector<16xi32>,
      %mul3A_221 = arith.constant 512 : i32
      %mul3A_222 = vector.broadcast %mul3A_221 : i32 to vector<16xi32>
      %mul3A_223 = arith.muli %get3A_220, %mul3A_222 : vector<16xi32>
      %add3A_224 = vector.broadcast %mul3A_34 : i32 to vector<16xi32>
      %add3A_225 = arith.addi %mul3A_223, %add3A_224 : vector<16xi32>
      %add3A_226 = arith.addi %add3A_225, %get3A_147 : vector<16xi32>
      %add3A_227 = arith.constant 4096 : i32
      %add3A_228 = arith.addi %add3A_227, %add3A_144 : i32
      %swap3A_229 = arith.index_cast %add3A_228 : i32 to index
      %swap3A_230 = tpu.vector_load %arg11[%swap3A_229] {strides = array<i32>} : memref<8192xi32, #tpu.memory_space<vmem>>, vector<16xi32>,
      tpu.vector_store %arg11[%swap3A_229], %add3A_226 {strides = array<i32>} : memref<8192xi32, #tpu.memory_space<vmem>>, vector<16xi32>,
      %add3A_231 = arith.addi %add3A_225, %get3A_151 : vector<16xi32>
      %add3A_232 = arith.constant 4608 : i32
      %add3A_233 = arith.addi %add3A_232, %add3A_144 : i32
      %swap3A_234 = arith.index_cast %add3A_233 : i32 to index
      %swap3A_235 = tpu.vector_load %arg11[%swap3A_234] {strides = array<i32>} : memref<8192xi32, #tpu.memory_space<vmem>>, vector<16xi32>,
      tpu.vector_store %arg11[%swap3A_234], %add3A_231 {strides = array<i32>} : memref<8192xi32, #tpu.memory_space<vmem>>, vector<16xi32>,
      %add3A_236 = arith.addi %add3A_225, %get3A_155 : vector<16xi32>
      %add3A_237 = arith.constant 5120 : i32
      %add3A_238 = arith.addi %add3A_237, %add3A_144 : i32
      %swap3A_239 = arith.index_cast %add3A_238 : i32 to index
      %swap3A_240 = tpu.vector_load %arg11[%swap3A_239] {strides = array<i32>} : memref<8192xi32, #tpu.memory_space<vmem>>, vector<16xi32>,
      tpu.vector_store %arg11[%swap3A_239], %add3A_236 {strides = array<i32>} : memref<8192xi32, #tpu.memory_space<vmem>>, vector<16xi32>,
      %add3A_241 = arith.addi %add3A_225, %get3A_159 : vector<16xi32>
      %add3A_242 = arith.constant 5632 : i32
      %add3A_243 = arith.addi %add3A_242, %add3A_144 : i32
      %swap3A_244 = arith.index_cast %add3A_243 : i32 to index
      %swap3A_245 = tpu.vector_load %arg11[%swap3A_244] {strides = array<i32>} : memref<8192xi32, #tpu.memory_space<vmem>>, vector<16xi32>,
      tpu.vector_store %arg11[%swap3A_244], %add3A_241 {strides = array<i32>} : memref<8192xi32, #tpu.memory_space<vmem>>, vector<16xi32>,
      %get3A_246 = arith.constant 3 : i32
      %get3A_247 = arith.index_cast %get3A_246 : i32 to index
      %get3A_248 = arith.index_cast %add3A_144 : i32 to index
      %get3A_249 = tpu.vector_load %arg9[%get3A_247, %get3A_248] {strides = array<i32>} : memref<8x512xi32, #tpu.memory_space<vmem>>, vector<16xi32>,
      %mul3A_250 = arith.constant 512 : i32
      %mul3A_251 = vector.broadcast %mul3A_250 : i32 to vector<16xi32>
      %mul3A_252 = arith.muli %get3A_249, %mul3A_251 : vector<16xi32>
      %add3A_253 = vector.broadcast %mul3A_34 : i32 to vector<16xi32>
      %add3A_254 = arith.addi %mul3A_252, %add3A_253 : vector<16xi32>
      %add3A_255 = arith.addi %add3A_254, %get3A_147 : vector<16xi32>
      %add3A_256 = arith.constant 6144 : i32
      %add3A_257 = arith.addi %add3A_256, %add3A_144 : i32
      %swap3A_258 = arith.index_cast %add3A_257 : i32 to index
      %swap3A_259 = tpu.vector_load %arg11[%swap3A_258] {strides = array<i32>} : memref<8192xi32, #tpu.memory_space<vmem>>, vector<16xi32>,
      tpu.vector_store %arg11[%swap3A_258], %add3A_255 {strides = array<i32>} : memref<8192xi32, #tpu.memory_space<vmem>>, vector<16xi32>,
      %add3A_260 = arith.addi %add3A_254, %get3A_151 : vector<16xi32>
      %add3A_261 = arith.constant 6656 : i32
      %add3A_262 = arith.addi %add3A_261, %add3A_144 : i32
      %swap3A_263 = arith.index_cast %add3A_262 : i32 to index
      %swap3A_264 = tpu.vector_load %arg11[%swap3A_263] {strides = array<i32>} : memref<8192xi32, #tpu.memory_space<vmem>>, vector<16xi32>,
      tpu.vector_store %arg11[%swap3A_263], %add3A_260 {strides = array<i32>} : memref<8192xi32, #tpu.memory_space<vmem>>, vector<16xi32>,
      %add3A_265 = arith.addi %add3A_254, %get3A_155 : vector<16xi32>
      %add3A_266 = arith.constant 7168 : i32
      %add3A_267 = arith.addi %add3A_266, %add3A_144 : i32
      %swap3A_268 = arith.index_cast %add3A_267 : i32 to index
      %swap3A_269 = tpu.vector_load %arg11[%swap3A_268] {strides = array<i32>} : memref<8192xi32, #tpu.memory_space<vmem>>, vector<16xi32>,
      tpu.vector_store %arg11[%swap3A_268], %add3A_265 {strides = array<i32>} : memref<8192xi32, #tpu.memory_space<vmem>>, vector<16xi32>,
      %add3A_270 = arith.addi %add3A_254, %get3A_159 : vector<16xi32>
      %add3A_271 = arith.constant 7680 : i32
      %add3A_272 = arith.addi %add3A_271, %add3A_144 : i32
      %swap3A_273 = arith.index_cast %add3A_272 : i32 to index
      %swap3A_274 = tpu.vector_load %arg11[%swap3A_273] {strides = array<i32>} : memref<8192xi32, #tpu.memory_space<vmem>>, vector<16xi32>,
      tpu.vector_store %arg11[%swap3A_273], %add3A_270 {strides = array<i32>} : memref<8192xi32, #tpu.memory_space<vmem>>, vector<16xi32>,
    }
    %scan3A_76 = arith.constant 32 : i32
    %dma_start3A_77 = arith.constant 0 : i32
    %dma_start3A_78 = tpu.memref_slice %arg16[%dma_start3A_77] : memref<1048576xi32, #tpu.memory_space<vmem_shared>> -> memref<1048576xi32, #tpu.memory_space<vmem_shared>>
    tpu.enqueue_indirect_dma source(%dma_start3A_78 : memref<1048576xi32, #tpu.memory_space<vmem_shared>>) target(%arg13 : memref<8192xi32, #tpu.memory_space<vmem>>) offsets(%arg11 : memref<8192xi32, #tpu.memory_space<vmem>>) semaphore(%arg19 : memref<!tpu.dma_semaphore, #tpu.memory_space<semaphore_mem>>)
    %scan3A_79 = arith.constant 0 : i32
    %scan3A_80 = arith.constant 2 : i32
    %scan3A_81 = arith.addi %scan3A_79, %scan3A_80 : i32
    %scan3A_82 = arith.constant 1 : i32
    scf.for %scan3A_140 = %scan3A_79 to %scan3A_81 step %scan3A_82  : i32 {
      %mul3A_141 = arith.constant 1 : i32
      %mul3A_142 = arith.muli %scan3A_140, %mul3A_141 : i32
      %add3A_143 = arith.constant 0 : i32
      %add3A_144 = arith.addi %add3A_143, %mul3A_142 : i32
      %dma_wait3A_145 = arith.constant 0 : i32
      %dma_wait3A_146 = arith.constant 0 : i32
      %dma_wait3A_147 = arith.constant 0 : i32
      %dma_wait3A_148 = arith.constant 0 : i32
      %dma_wait3A_149 = arith.constant 0 : i32
      %dma_wait3A_150 = tpu.memref_slice %arg14[%dma_wait3A_148, %dma_wait3A_149] : memref<2x512xf32, #tpu.memory_space<vmem>> -> memref<1x512xf32, #tpu.memory_space<vmem>>
      %dma_wait3A_151 = tpu.memref_squeeze %dma_wait3A_150 : memref<1x512xf32, #tpu.memory_space<vmem>> -> memref<512xf32, #tpu.memory_space<vmem>>
      %dma_wait3A_152 = arith.constant 0 : i32
      %dma_wait3A_153 = tpu.memref_slice %arg3[%dma_wait3A_145, %dma_wait3A_146, %dma_wait3A_147, %dma_wait3A_152] : memref<4x4x2x262144xf32, #tpu.memory_space<hbm>> -> memref<1x1x1x512xf32, #tpu.memory_space<hbm>>
      %dma_wait3A_154 = tpu.memref_squeeze %dma_wait3A_153 : memref<1x1x1x512xf32, #tpu.memory_space<hbm>> -> memref<512xf32, #tpu.memory_space<hbm>>
      %dma_wait3A_155 = arith.constant 0 : i32
      %dma_wait3A_156 = tpu.memref_slice %arg14[%dma_wait3A_148, %dma_wait3A_155] : memref<2x512xf32, #tpu.memory_space<vmem>> -> memref<1x512xf32, #tpu.memory_space<vmem>>
      %dma_wait3A_157 = tpu.memref_squeeze %dma_wait3A_156 : memref<1x512xf32, #tpu.memory_space<vmem>> -> memref<512xf32, #tpu.memory_space<vmem>>
      %dma_wait3A_158 = arith.constant 0 : i32
      %dma_wait3A_159 = tpu.memref_slice %arg3[%dma_wait3A_145, %dma_wait3A_146, %dma_wait3A_147, %dma_wait3A_158] : memref<4x4x2x262144xf32, #tpu.memory_space<hbm>> -> memref<1x1x1x512xf32, #tpu.memory_space<hbm>>
      %dma_wait3A_160 = tpu.memref_squeeze %dma_wait3A_159 : memref<1x1x1x512xf32, #tpu.memory_space<hbm>> -> memref<512xf32, #tpu.memory_space<hbm>>
      tpu.wait_dma2 semaphore(%arg20 : memref<!tpu.dma_semaphore, #tpu.memory_space<semaphore_mem>>) src(%dma_wait3A_160 : memref<512xf32, #tpu.memory_space<hbm>>) dst(%dma_wait3A_157 : memref<512xf32, #tpu.memory_space<vmem>>)
    }
    %scan3A_83 = arith.constant 2 : i32
    %dma_wait3A = arith.constant 0 : i32
    %dma_wait3A_84 = arith.constant 0 : i32
    %dma_wait3A_85 = arith.constant 0 : i32
    %dma_wait3A_86 = arith.constant 0 : i32
    %dma_wait3A_87 = tpu.memref_slice %arg4[%dma_wait3A, %dma_wait3A_84, %dma_wait3A_85, %dma_wait3A_86] : memref<4x4x2x262144xi32, #tpu.memory_space<hbm>> -> memref<1x1x1x8192xi32, #tpu.memory_space<hbm>>
    %dma_wait3A_88 = tpu.memref_squeeze %dma_wait3A_87 : memref<1x1x1x8192xi32, #tpu.memory_space<hbm>> -> memref<8192xi32, #tpu.memory_space<hbm>>
    %dma_wait3A_89 = arith.constant 0 : i32
    %dma_wait3A_90 = tpu.memref_slice %arg4[%dma_wait3A, %dma_wait3A_84, %dma_wait3A_85, %dma_wait3A_89] : memref<4x4x2x262144xi32, #tpu.memory_space<hbm>> -> memref<1x1x1x8192xi32, #tpu.memory_space<hbm>>
    %dma_wait3A_91 = tpu.memref_squeeze %dma_wait3A_90 : memref<1x1x1x8192xi32, #tpu.memory_space<hbm>> -> memref<8192xi32, #tpu.memory_space<hbm>>
    tpu.wait_dma2 semaphore(%arg18 : memref<!tpu.dma_semaphore, #tpu.memory_space<semaphore_mem>>) src(%dma_wait3A_91 : memref<8192xi32, #tpu.memory_space<hbm>>) dst(%arg12 : memref<8192xi32, #tpu.memory_space<vmem>>)
    %scan3A_92 = arith.constant 0 : i32
    %scan3A_93 = arith.constant 32 : i32
    %scan3A_94 = arith.addi %scan3A_92, %scan3A_93 : i32
    %scan3A_95 = arith.constant 1 : i32
    scf.for %scan3A_140 = %scan3A_92 to %scan3A_94 step %scan3A_95  : i32 {
      %mul3A_141 = arith.constant 16 : i32
      %mul3A_142 = arith.muli %scan3A_140, %mul3A_141 : i32
      %add3A_143 = arith.constant 0 : i32
      %add3A_144 = arith.addi %add3A_143, %mul3A_142 : i32
      %get3A = arith.constant 0 : i32
      %get3A_145 = arith.index_cast %get3A : i32 to index
      %get3A_146 = arith.index_cast %add3A_144 : i32 to index
      %get3A_147 = tpu.vector_load %arg6[%get3A_145, %get3A_146] {strides = array<i32>} : memref<8x512xf32, #tpu.memory_space<vmem>>, vector<16xf32>,
      %get3A_148 = arith.constant 1 : i32
      %get3A_149 = arith.index_cast %get3A_148 : i32 to index
      %get3A_150 = arith.index_cast %add3A_144 : i32 to index
      %get3A_151 = tpu.vector_load %arg6[%get3A_149, %get3A_150] {strides = array<i32>} : memref<8x512xf32, #tpu.memory_space<vmem>>, vector<16xf32>,
      %get3A_152 = arith.constant 2 : i32
      %get3A_153 = arith.index_cast %get3A_152 : i32 to index
      %get3A_154 = arith.index_cast %add3A_144 : i32 to index
      %get3A_155 = tpu.vector_load %arg6[%get3A_153, %get3A_154] {strides = array<i32>} : memref<8x512xf32, #tpu.memory_space<vmem>>, vector<16xf32>,
      %get3A_156 = arith.constant 3 : i32
      %get3A_157 = arith.index_cast %get3A_156 : i32 to index
      %get3A_158 = arith.index_cast %add3A_144 : i32 to index
      %get3A_159 = tpu.vector_load %arg6[%get3A_157, %get3A_158] {strides = array<i32>} : memref<8x512xf32, #tpu.memory_space<vmem>>, vector<16xf32>,
      %get3A_160 = arith.constant 4 : i32
      %get3A_161 = arith.index_cast %get3A_160 : i32 to index
      %get3A_162 = arith.index_cast %add3A_144 : i32 to index
      %get3A_163 = tpu.vector_load %arg6[%get3A_161, %get3A_162] {strides = array<i32>} : memref<8x512xf32, #tpu.memory_space<vmem>>, vector<16xf32>,
      %get3A_164 = arith.constant 5 : i32
      %get3A_165 = arith.index_cast %get3A_164 : i32 to index
      %get3A_166 = arith.index_cast %add3A_144 : i32 to index
      %get3A_167 = tpu.vector_load %arg6[%get3A_165, %get3A_166] {strides = array<i32>} : memref<8x512xf32, #tpu.memory_space<vmem>>, vector<16xf32>,
      %get3A_168 = arith.constant 6 : i32
      %get3A_169 = arith.index_cast %get3A_168 : i32 to index
      %get3A_170 = arith.index_cast %add3A_144 : i32 to index
      %get3A_171 = tpu.vector_load %arg6[%get3A_169, %get3A_170] {strides = array<i32>} : memref<8x512xf32, #tpu.memory_space<vmem>>, vector<16xf32>,
      %get3A_172 = arith.constant 7 : i32
      %get3A_173 = arith.index_cast %get3A_172 : i32 to index
      %get3A_174 = arith.index_cast %add3A_144 : i32 to index
      %get3A_175 = tpu.vector_load %arg6[%get3A_173, %get3A_174] {strides = array<i32>} : memref<8x512xf32, #tpu.memory_space<vmem>>, vector<16xf32>,
      %broadcast_in_dim3A = arith.constant 0.000000e+00 : f32
      %broadcast_in_dim3A_176 = vector.broadcast %broadcast_in_dim3A : f32 to vector<16xf32>
      %add3A_177 = arith.constant 0 : i32
      %add3A_178 = arith.addi %add3A_177, %add3A_144 : i32
      %get3A_179 = arith.index_cast %add3A_178 : i32 to index
      %get3A_180 = tpu.vector_load %arg12[%get3A_179] {strides = array<i32>} : memref<8192xi32, #tpu.memory_space<vmem>>, vector<16xi32>,
      %shift_left3A = arith.constant 16 : i32
      %shift_left3A_181 = vector.broadcast %shift_left3A : i32 to vector<16xi32>
      %shift_left3A_182 = arith.shli %get3A_180, %shift_left3A_181 : vector<16xi32>
      %bitcast3A = vector.bitcast %shift_left3A_182 : vector<16xi32> to vector<16xf32>
      %and3A_183 = arith.constant -65536 : i32
      %and3A_184 = vector.broadcast %and3A_183 : i32 to vector<16xi32>
      %and3A_185 = arith.andi %get3A_180, %and3A_184 : vector<16xi32>
      %bitcast3A_186 = vector.bitcast %and3A_185 : vector<16xi32> to vector<16xf32>
      %mul3A_187 = arith.mulf %get3A_147, %get3A_163 : vector<16xf32>
      %mul3A_188 = arith.mulf %mul3A_187, %bitcast3A : vector<16xf32>
      %add3A_189 = arith.addf %broadcast_in_dim3A_176, %mul3A_188 : vector<16xf32>
      %mul3A_190 = arith.mulf %mul3A_187, %bitcast3A_186 : vector<16xf32>
      %add3A_191 = arith.addf %broadcast_in_dim3A_176, %mul3A_190 : vector<16xf32>
      %add3A_192 = arith.constant 512 : i32
      %add3A_193 = arith.addi %add3A_192, %add3A_144 : i32
      %get3A_194 = arith.index_cast %add3A_193 : i32 to index
      %get3A_195 = tpu.vector_load %arg12[%get3A_194] {strides = array<i32>} : memref<8192xi32, #tpu.memory_space<vmem>>, vector<16xi32>,
      %shift_left3A_196 = arith.constant 16 : i32
      %shift_left3A_197 = vector.broadcast %shift_left3A_196 : i32 to vector<16xi32>
      %shift_left3A_198 = arith.shli %get3A_195, %shift_left3A_197 : vector<16xi32>
      %bitcast3A_199 = vector.bitcast %shift_left3A_198 : vector<16xi32> to vector<16xf32>
      %and3A_200 = arith.constant -65536 : i32
      %and3A_201 = vector.broadcast %and3A_200 : i32 to vector<16xi32>
      %and3A_202 = arith.andi %get3A_195, %and3A_201 : vector<16xi32>
      %bitcast3A_203 = vector.bitcast %and3A_202 : vector<16xi32> to vector<16xf32>
      %mul3A_204 = arith.mulf %get3A_147, %get3A_167 : vector<16xf32>
      %mul3A_205 = arith.mulf %mul3A_204, %bitcast3A_199 : vector<16xf32>
      %add3A_206 = arith.addf %broadcast_in_dim3A_176, %mul3A_205 : vector<16xf32>
      %mul3A_207 = arith.mulf %mul3A_204, %bitcast3A_203 : vector<16xf32>
      %add3A_208 = arith.addf %broadcast_in_dim3A_176, %mul3A_207 : vector<16xf32>
      %add3A_209 = arith.constant 1024 : i32
      %add3A_210 = arith.addi %add3A_209, %add3A_144 : i32
      %get3A_211 = arith.index_cast %add3A_210 : i32 to index
      %get3A_212 = tpu.vector_load %arg12[%get3A_211] {strides = array<i32>} : memref<8192xi32, #tpu.memory_space<vmem>>, vector<16xi32>,
      %shift_left3A_213 = arith.constant 16 : i32
      %shift_left3A_214 = vector.broadcast %shift_left3A_213 : i32 to vector<16xi32>
      %shift_left3A_215 = arith.shli %get3A_212, %shift_left3A_214 : vector<16xi32>
      %bitcast3A_216 = vector.bitcast %shift_left3A_215 : vector<16xi32> to vector<16xf32>
      %and3A_217 = arith.constant -65536 : i32
      %and3A_218 = vector.broadcast %and3A_217 : i32 to vector<16xi32>
      %and3A_219 = arith.andi %get3A_212, %and3A_218 : vector<16xi32>
      %bitcast3A_220 = vector.bitcast %and3A_219 : vector<16xi32> to vector<16xf32>
      %mul3A_221 = arith.mulf %get3A_147, %get3A_171 : vector<16xf32>
      %mul3A_222 = arith.mulf %mul3A_221, %bitcast3A_216 : vector<16xf32>
      %add3A_223 = arith.addf %broadcast_in_dim3A_176, %mul3A_222 : vector<16xf32>
      %mul3A_224 = arith.mulf %mul3A_221, %bitcast3A_220 : vector<16xf32>
      %add3A_225 = arith.addf %broadcast_in_dim3A_176, %mul3A_224 : vector<16xf32>
      %add3A_226 = arith.constant 1536 : i32
      %add3A_227 = arith.addi %add3A_226, %add3A_144 : i32
      %get3A_228 = arith.index_cast %add3A_227 : i32 to index
      %get3A_229 = tpu.vector_load %arg12[%get3A_228] {strides = array<i32>} : memref<8192xi32, #tpu.memory_space<vmem>>, vector<16xi32>,
      %shift_left3A_230 = arith.constant 16 : i32
      %shift_left3A_231 = vector.broadcast %shift_left3A_230 : i32 to vector<16xi32>
      %shift_left3A_232 = arith.shli %get3A_229, %shift_left3A_231 : vector<16xi32>
      %bitcast3A_233 = vector.bitcast %shift_left3A_232 : vector<16xi32> to vector<16xf32>
      %and3A_234 = arith.constant -65536 : i32
      %and3A_235 = vector.broadcast %and3A_234 : i32 to vector<16xi32>
      %and3A_236 = arith.andi %get3A_229, %and3A_235 : vector<16xi32>
      %bitcast3A_237 = vector.bitcast %and3A_236 : vector<16xi32> to vector<16xf32>
      %mul3A_238 = arith.mulf %get3A_147, %get3A_175 : vector<16xf32>
      %mul3A_239 = arith.mulf %mul3A_238, %bitcast3A_233 : vector<16xf32>
      %add3A_240 = arith.addf %broadcast_in_dim3A_176, %mul3A_239 : vector<16xf32>
      %mul3A_241 = arith.mulf %mul3A_238, %bitcast3A_237 : vector<16xf32>
      %add3A_242 = arith.addf %broadcast_in_dim3A_176, %mul3A_241 : vector<16xf32>
      %add3A_243 = arith.constant 2048 : i32
      %add3A_244 = arith.addi %add3A_243, %add3A_144 : i32
      %get3A_245 = arith.index_cast %add3A_244 : i32 to index
      %get3A_246 = tpu.vector_load %arg12[%get3A_245] {strides = array<i32>} : memref<8192xi32, #tpu.memory_space<vmem>>, vector<16xi32>,
      %shift_left3A_247 = arith.constant 16 : i32
      %shift_left3A_248 = vector.broadcast %shift_left3A_247 : i32 to vector<16xi32>
      %shift_left3A_249 = arith.shli %get3A_246, %shift_left3A_248 : vector<16xi32>
      %bitcast3A_250 = vector.bitcast %shift_left3A_249 : vector<16xi32> to vector<16xf32>
      %and3A_251 = arith.constant -65536 : i32
      %and3A_252 = vector.broadcast %and3A_251 : i32 to vector<16xi32>
      %and3A_253 = arith.andi %get3A_246, %and3A_252 : vector<16xi32>
      %bitcast3A_254 = vector.bitcast %and3A_253 : vector<16xi32> to vector<16xf32>
      %mul3A_255 = arith.mulf %get3A_151, %get3A_163 : vector<16xf32>
      %mul3A_256 = arith.mulf %mul3A_255, %bitcast3A_250 : vector<16xf32>
      %add3A_257 = arith.addf %add3A_189, %mul3A_256 : vector<16xf32>
      %mul3A_258 = arith.mulf %mul3A_255, %bitcast3A_254 : vector<16xf32>
      %add3A_259 = arith.addf %add3A_191, %mul3A_258 : vector<16xf32>
      %add3A_260 = arith.constant 2560 : i32
      %add3A_261 = arith.addi %add3A_260, %add3A_144 : i32
      %get3A_262 = arith.index_cast %add3A_261 : i32 to index
      %get3A_263 = tpu.vector_load %arg12[%get3A_262] {strides = array<i32>} : memref<8192xi32, #tpu.memory_space<vmem>>, vector<16xi32>,
      %shift_left3A_264 = arith.constant 16 : i32
      %shift_left3A_265 = vector.broadcast %shift_left3A_264 : i32 to vector<16xi32>
      %shift_left3A_266 = arith.shli %get3A_263, %shift_left3A_265 : vector<16xi32>
      %bitcast3A_267 = vector.bitcast %shift_left3A_266 : vector<16xi32> to vector<16xf32>
      %and3A_268 = arith.constant -65536 : i32
      %and3A_269 = vector.broadcast %and3A_268 : i32 to vector<16xi32>
      %and3A_270 = arith.andi %get3A_263, %and3A_269 : vector<16xi32>
      %bitcast3A_271 = vector.bitcast %and3A_270 : vector<16xi32> to vector<16xf32>
      %mul3A_272 = arith.mulf %get3A_151, %get3A_167 : vector<16xf32>
      %mul3A_273 = arith.mulf %mul3A_272, %bitcast3A_267 : vector<16xf32>
      %add3A_274 = arith.addf %add3A_206, %mul3A_273 : vector<16xf32>
      %mul3A_275 = arith.mulf %mul3A_272, %bitcast3A_271 : vector<16xf32>
      %add3A_276 = arith.addf %add3A_208, %mul3A_275 : vector<16xf32>
      %add3A_277 = arith.constant 3072 : i32
      %add3A_278 = arith.addi %add3A_277, %add3A_144 : i32
      %get3A_279 = arith.index_cast %add3A_278 : i32 to index
      %get3A_280 = tpu.vector_load %arg12[%get3A_279] {strides = array<i32>} : memref<8192xi32, #tpu.memory_space<vmem>>, vector<16xi32>,
      %shift_left3A_281 = arith.constant 16 : i32
      %shift_left3A_282 = vector.broadcast %shift_left3A_281 : i32 to vector<16xi32>
      %shift_left3A_283 = arith.shli %get3A_280, %shift_left3A_282 : vector<16xi32>
      %bitcast3A_284 = vector.bitcast %shift_left3A_283 : vector<16xi32> to vector<16xf32>
      %and3A_285 = arith.constant -65536 : i32
      %and3A_286 = vector.broadcast %and3A_285 : i32 to vector<16xi32>
      %and3A_287 = arith.andi %get3A_280, %and3A_286 : vector<16xi32>
      %bitcast3A_288 = vector.bitcast %and3A_287 : vector<16xi32> to vector<16xf32>
      %mul3A_289 = arith.mulf %get3A_151, %get3A_171 : vector<16xf32>
      %mul3A_290 = arith.mulf %mul3A_289, %bitcast3A_284 : vector<16xf32>
      %add3A_291 = arith.addf %add3A_223, %mul3A_290 : vector<16xf32>
      %mul3A_292 = arith.mulf %mul3A_289, %bitcast3A_288 : vector<16xf32>
      %add3A_293 = arith.addf %add3A_225, %mul3A_292 : vector<16xf32>
      %add3A_294 = arith.constant 3584 : i32
      %add3A_295 = arith.addi %add3A_294, %add3A_144 : i32
      %get3A_296 = arith.index_cast %add3A_295 : i32 to index
      %get3A_297 = tpu.vector_load %arg12[%get3A_296] {strides = array<i32>} : memref<8192xi32, #tpu.memory_space<vmem>>, vector<16xi32>,
      %shift_left3A_298 = arith.constant 16 : i32
      %shift_left3A_299 = vector.broadcast %shift_left3A_298 : i32 to vector<16xi32>
      %shift_left3A_300 = arith.shli %get3A_297, %shift_left3A_299 : vector<16xi32>
      %bitcast3A_301 = vector.bitcast %shift_left3A_300 : vector<16xi32> to vector<16xf32>
      %and3A_302 = arith.constant -65536 : i32
      %and3A_303 = vector.broadcast %and3A_302 : i32 to vector<16xi32>
      %and3A_304 = arith.andi %get3A_297, %and3A_303 : vector<16xi32>
      %bitcast3A_305 = vector.bitcast %and3A_304 : vector<16xi32> to vector<16xf32>
      %mul3A_306 = arith.mulf %get3A_151, %get3A_175 : vector<16xf32>
      %mul3A_307 = arith.mulf %mul3A_306, %bitcast3A_301 : vector<16xf32>
      %add3A_308 = arith.addf %add3A_240, %mul3A_307 : vector<16xf32>
      %mul3A_309 = arith.mulf %mul3A_306, %bitcast3A_305 : vector<16xf32>
      %add3A_310 = arith.addf %add3A_242, %mul3A_309 : vector<16xf32>
      %add3A_311 = arith.constant 4096 : i32
      %add3A_312 = arith.addi %add3A_311, %add3A_144 : i32
      %get3A_313 = arith.index_cast %add3A_312 : i32 to index
      %get3A_314 = tpu.vector_load %arg12[%get3A_313] {strides = array<i32>} : memref<8192xi32, #tpu.memory_space<vmem>>, vector<16xi32>,
      %shift_left3A_315 = arith.constant 16 : i32
      %shift_left3A_316 = vector.broadcast %shift_left3A_315 : i32 to vector<16xi32>
      %shift_left3A_317 = arith.shli %get3A_314, %shift_left3A_316 : vector<16xi32>
      %bitcast3A_318 = vector.bitcast %shift_left3A_317 : vector<16xi32> to vector<16xf32>
      %and3A_319 = arith.constant -65536 : i32
      %and3A_320 = vector.broadcast %and3A_319 : i32 to vector<16xi32>
      %and3A_321 = arith.andi %get3A_314, %and3A_320 : vector<16xi32>
      %bitcast3A_322 = vector.bitcast %and3A_321 : vector<16xi32> to vector<16xf32>
      %mul3A_323 = arith.mulf %get3A_155, %get3A_163 : vector<16xf32>
      %mul3A_324 = arith.mulf %mul3A_323, %bitcast3A_318 : vector<16xf32>
      %add3A_325 = arith.addf %add3A_257, %mul3A_324 : vector<16xf32>
      %mul3A_326 = arith.mulf %mul3A_323, %bitcast3A_322 : vector<16xf32>
      %add3A_327 = arith.addf %add3A_259, %mul3A_326 : vector<16xf32>
      %add3A_328 = arith.constant 4608 : i32
      %add3A_329 = arith.addi %add3A_328, %add3A_144 : i32
      %get3A_330 = arith.index_cast %add3A_329 : i32 to index
      %get3A_331 = tpu.vector_load %arg12[%get3A_330] {strides = array<i32>} : memref<8192xi32, #tpu.memory_space<vmem>>, vector<16xi32>,
      %shift_left3A_332 = arith.constant 16 : i32
      %shift_left3A_333 = vector.broadcast %shift_left3A_332 : i32 to vector<16xi32>
      %shift_left3A_334 = arith.shli %get3A_331, %shift_left3A_333 : vector<16xi32>
      %bitcast3A_335 = vector.bitcast %shift_left3A_334 : vector<16xi32> to vector<16xf32>
      %and3A_336 = arith.constant -65536 : i32
      %and3A_337 = vector.broadcast %and3A_336 : i32 to vector<16xi32>
      %and3A_338 = arith.andi %get3A_331, %and3A_337 : vector<16xi32>
      %bitcast3A_339 = vector.bitcast %and3A_338 : vector<16xi32> to vector<16xf32>
      %mul3A_340 = arith.mulf %get3A_155, %get3A_167 : vector<16xf32>
      %mul3A_341 = arith.mulf %mul3A_340, %bitcast3A_335 : vector<16xf32>
      %add3A_342 = arith.addf %add3A_274, %mul3A_341 : vector<16xf32>
      %mul3A_343 = arith.mulf %mul3A_340, %bitcast3A_339 : vector<16xf32>
      %add3A_344 = arith.addf %add3A_276, %mul3A_343 : vector<16xf32>
      %add3A_345 = arith.constant 5120 : i32
      %add3A_346 = arith.addi %add3A_345, %add3A_144 : i32
      %get3A_347 = arith.index_cast %add3A_346 : i32 to index
      %get3A_348 = tpu.vector_load %arg12[%get3A_347] {strides = array<i32>} : memref<8192xi32, #tpu.memory_space<vmem>>, vector<16xi32>,
      %shift_left3A_349 = arith.constant 16 : i32
      %shift_left3A_350 = vector.broadcast %shift_left3A_349 : i32 to vector<16xi32>
      %shift_left3A_351 = arith.shli %get3A_348, %shift_left3A_350 : vector<16xi32>
      %bitcast3A_352 = vector.bitcast %shift_left3A_351 : vector<16xi32> to vector<16xf32>
      %and3A_353 = arith.constant -65536 : i32
      %and3A_354 = vector.broadcast %and3A_353 : i32 to vector<16xi32>
      %and3A_355 = arith.andi %get3A_348, %and3A_354 : vector<16xi32>
      %bitcast3A_356 = vector.bitcast %and3A_355 : vector<16xi32> to vector<16xf32>
      %mul3A_357 = arith.mulf %get3A_155, %get3A_171 : vector<16xf32>
      %mul3A_358 = arith.mulf %mul3A_357, %bitcast3A_352 : vector<16xf32>
      %add3A_359 = arith.addf %add3A_291, %mul3A_358 : vector<16xf32>
      %mul3A_360 = arith.mulf %mul3A_357, %bitcast3A_356 : vector<16xf32>
      %add3A_361 = arith.addf %add3A_293, %mul3A_360 : vector<16xf32>
      %add3A_362 = arith.constant 5632 : i32
      %add3A_363 = arith.addi %add3A_362, %add3A_144 : i32
      %get3A_364 = arith.index_cast %add3A_363 : i32 to index
      %get3A_365 = tpu.vector_load %arg12[%get3A_364] {strides = array<i32>} : memref<8192xi32, #tpu.memory_space<vmem>>, vector<16xi32>,
      %shift_left3A_366 = arith.constant 16 : i32
      %shift_left3A_367 = vector.broadcast %shift_left3A_366 : i32 to vector<16xi32>
      %shift_left3A_368 = arith.shli %get3A_365, %shift_left3A_367 : vector<16xi32>
      %bitcast3A_369 = vector.bitcast %shift_left3A_368 : vector<16xi32> to vector<16xf32>
      %and3A_370 = arith.constant -65536 : i32
      %and3A_371 = vector.broadcast %and3A_370 : i32 to vector<16xi32>
      %and3A_372 = arith.andi %get3A_365, %and3A_371 : vector<16xi32>
      %bitcast3A_373 = vector.bitcast %and3A_372 : vector<16xi32> to vector<16xf32>
      %mul3A_374 = arith.mulf %get3A_155, %get3A_175 : vector<16xf32>
      %mul3A_375 = arith.mulf %mul3A_374, %bitcast3A_369 : vector<16xf32>
      %add3A_376 = arith.addf %add3A_308, %mul3A_375 : vector<16xf32>
      %mul3A_377 = arith.mulf %mul3A_374, %bitcast3A_373 : vector<16xf32>
      %add3A_378 = arith.addf %add3A_310, %mul3A_377 : vector<16xf32>
      %add3A_379 = arith.constant 6144 : i32
      %add3A_380 = arith.addi %add3A_379, %add3A_144 : i32
      %get3A_381 = arith.index_cast %add3A_380 : i32 to index
      %get3A_382 = tpu.vector_load %arg12[%get3A_381] {strides = array<i32>} : memref<8192xi32, #tpu.memory_space<vmem>>, vector<16xi32>,
      %shift_left3A_383 = arith.constant 16 : i32
      %shift_left3A_384 = vector.broadcast %shift_left3A_383 : i32 to vector<16xi32>
      %shift_left3A_385 = arith.shli %get3A_382, %shift_left3A_384 : vector<16xi32>
      %bitcast3A_386 = vector.bitcast %shift_left3A_385 : vector<16xi32> to vector<16xf32>
      %and3A_387 = arith.constant -65536 : i32
      %and3A_388 = vector.broadcast %and3A_387 : i32 to vector<16xi32>
      %and3A_389 = arith.andi %get3A_382, %and3A_388 : vector<16xi32>
      %bitcast3A_390 = vector.bitcast %and3A_389 : vector<16xi32> to vector<16xf32>
      %mul3A_391 = arith.mulf %get3A_159, %get3A_163 : vector<16xf32>
      %mul3A_392 = arith.mulf %mul3A_391, %bitcast3A_386 : vector<16xf32>
      %add3A_393 = arith.addf %add3A_325, %mul3A_392 : vector<16xf32>
      %mul3A_394 = arith.mulf %mul3A_391, %bitcast3A_390 : vector<16xf32>
      %add3A_395 = arith.addf %add3A_327, %mul3A_394 : vector<16xf32>
      %add3A_396 = arith.constant 6656 : i32
      %add3A_397 = arith.addi %add3A_396, %add3A_144 : i32
      %get3A_398 = arith.index_cast %add3A_397 : i32 to index
      %get3A_399 = tpu.vector_load %arg12[%get3A_398] {strides = array<i32>} : memref<8192xi32, #tpu.memory_space<vmem>>, vector<16xi32>,
      %shift_left3A_400 = arith.constant 16 : i32
      %shift_left3A_401 = vector.broadcast %shift_left3A_400 : i32 to vector<16xi32>
      %shift_left3A_402 = arith.shli %get3A_399, %shift_left3A_401 : vector<16xi32>
      %bitcast3A_403 = vector.bitcast %shift_left3A_402 : vector<16xi32> to vector<16xf32>
      %and3A_404 = arith.constant -65536 : i32
      %and3A_405 = vector.broadcast %and3A_404 : i32 to vector<16xi32>
      %and3A_406 = arith.andi %get3A_399, %and3A_405 : vector<16xi32>
      %bitcast3A_407 = vector.bitcast %and3A_406 : vector<16xi32> to vector<16xf32>
      %mul3A_408 = arith.mulf %get3A_159, %get3A_167 : vector<16xf32>
      %mul3A_409 = arith.mulf %mul3A_408, %bitcast3A_403 : vector<16xf32>
      %add3A_410 = arith.addf %add3A_342, %mul3A_409 : vector<16xf32>
      %mul3A_411 = arith.mulf %mul3A_408, %bitcast3A_407 : vector<16xf32>
      %add3A_412 = arith.addf %add3A_344, %mul3A_411 : vector<16xf32>
      %add3A_413 = arith.constant 7168 : i32
      %add3A_414 = arith.addi %add3A_413, %add3A_144 : i32
      %get3A_415 = arith.index_cast %add3A_414 : i32 to index
      %get3A_416 = tpu.vector_load %arg12[%get3A_415] {strides = array<i32>} : memref<8192xi32, #tpu.memory_space<vmem>>, vector<16xi32>,
      %shift_left3A_417 = arith.constant 16 : i32
      %shift_left3A_418 = vector.broadcast %shift_left3A_417 : i32 to vector<16xi32>
      %shift_left3A_419 = arith.shli %get3A_416, %shift_left3A_418 : vector<16xi32>
      %bitcast3A_420 = vector.bitcast %shift_left3A_419 : vector<16xi32> to vector<16xf32>
      %and3A_421 = arith.constant -65536 : i32
      %and3A_422 = vector.broadcast %and3A_421 : i32 to vector<16xi32>
      %and3A_423 = arith.andi %get3A_416, %and3A_422 : vector<16xi32>
      %bitcast3A_424 = vector.bitcast %and3A_423 : vector<16xi32> to vector<16xf32>
      %mul3A_425 = arith.mulf %get3A_159, %get3A_171 : vector<16xf32>
      %mul3A_426 = arith.mulf %mul3A_425, %bitcast3A_420 : vector<16xf32>
      %add3A_427 = arith.addf %add3A_359, %mul3A_426 : vector<16xf32>
      %mul3A_428 = arith.mulf %mul3A_425, %bitcast3A_424 : vector<16xf32>
      %add3A_429 = arith.addf %add3A_361, %mul3A_428 : vector<16xf32>
      %add3A_430 = arith.constant 7680 : i32
      %add3A_431 = arith.addi %add3A_430, %add3A_144 : i32
      %get3A_432 = arith.index_cast %add3A_431 : i32 to index
      %get3A_433 = tpu.vector_load %arg12[%get3A_432] {strides = array<i32>} : memref<8192xi32, #tpu.memory_space<vmem>>, vector<16xi32>,
      %shift_left3A_434 = arith.constant 16 : i32
      %shift_left3A_435 = vector.broadcast %shift_left3A_434 : i32 to vector<16xi32>
      %shift_left3A_436 = arith.shli %get3A_433, %shift_left3A_435 : vector<16xi32>
      %bitcast3A_437 = vector.bitcast %shift_left3A_436 : vector<16xi32> to vector<16xf32>
      %and3A_438 = arith.constant -65536 : i32
      %and3A_439 = vector.broadcast %and3A_438 : i32 to vector<16xi32>
      %and3A_440 = arith.andi %get3A_433, %and3A_439 : vector<16xi32>
      %bitcast3A_441 = vector.bitcast %and3A_440 : vector<16xi32> to vector<16xf32>
      %mul3A_442 = arith.mulf %get3A_159, %get3A_175 : vector<16xf32>
      %mul3A_443 = arith.mulf %mul3A_442, %bitcast3A_437 : vector<16xf32>
      %add3A_444 = arith.addf %add3A_376, %mul3A_443 : vector<16xf32>
      %mul3A_445 = arith.mulf %mul3A_442, %bitcast3A_441 : vector<16xf32>
      %add3A_446 = arith.addf %add3A_378, %mul3A_445 : vector<16xf32>
      %add3A_447 = arith.addf %add3A_393, %add3A_410 : vector<16xf32>
      %add3A_448 = arith.addf %add3A_427, %add3A_444 : vector<16xf32>
      %add3A_449 = arith.addf %add3A_447, %add3A_448 : vector<16xf32>
      %swap3A = arith.constant 0 : i32
      %swap3A_450 = arith.index_cast %swap3A : i32 to index
      %swap3A_451 = arith.index_cast %add3A_144 : i32 to index
      %swap3A_452 = tpu.vector_load %arg14[%swap3A_450, %swap3A_451] {strides = array<i32>} : memref<2x512xf32, #tpu.memory_space<vmem>>, vector<16xf32>,
      tpu.vector_store %arg14[%swap3A_450, %swap3A_451], %add3A_449 {strides = array<i32>} : memref<2x512xf32, #tpu.memory_space<vmem>>, vector<16xf32>,
      %add3A_453 = arith.addf %add3A_395, %add3A_412 : vector<16xf32>
      %add3A_454 = arith.addf %add3A_429, %add3A_446 : vector<16xf32>
      %add3A_455 = arith.addf %add3A_453, %add3A_454 : vector<16xf32>
      %swap3A_456 = arith.constant 1 : i32
      %swap3A_457 = arith.index_cast %swap3A_456 : i32 to index
      %swap3A_458 = arith.index_cast %add3A_144 : i32 to index
      %swap3A_459 = tpu.vector_load %arg14[%swap3A_457, %swap3A_458] {strides = array<i32>} : memref<2x512xf32, #tpu.memory_space<vmem>>, vector<16xf32>,
      tpu.vector_store %arg14[%swap3A_457, %swap3A_458], %add3A_455 {strides = array<i32>} : memref<2x512xf32, #tpu.memory_space<vmem>>, vector<16xf32>,
    }
    %scan3A_96 = arith.constant 32 : i32
    %add3A_97 = arith.constant 31744 : i32
    %add3A_98 = arith.addi %mul3A_32, %add3A_97 : i32
    %scan3A_99 = arith.constant 0 : i32
    %scan3A_100 = arith.constant 2 : i32
    %scan3A_101 = arith.addi %scan3A_99, %scan3A_100 : i32
    %scan3A_102 = arith.constant 1 : i32
    scf.for %scan3A_140 = %scan3A_99 to %scan3A_101 step %scan3A_102  : i32 {
      %mul3A_141 = arith.constant 1 : i32
      %mul3A_142 = arith.muli %scan3A_140, %mul3A_141 : i32
      %add3A_143 = arith.constant 0 : i32
      %add3A_144 = arith.addi %add3A_143, %mul3A_142 : i32
      %dma_start3A_145 = arith.constant 0 : i32
      %dma_start3A_146 = tpu.memref_slice %arg14[%add3A_144, %dma_start3A_145] : memref<2x512xf32, #tpu.memory_space<vmem>> -> memref<1x512xf32, #tpu.memory_space<vmem>>
      %dma_start3A_147 = tpu.memref_squeeze %dma_start3A_146 : memref<1x512xf32, #tpu.memory_space<vmem>> -> memref<512xf32, #tpu.memory_space<vmem>>
      %dma_start3A_148 = tpu.memref_slice %arg5[%select_n3A, %add3A_144, %add3A_98] : memref<4x2x262144xf32, #tpu.memory_space<hbm>> -> memref<1x1x512xf32, #tpu.memory_space<hbm>>
      %dma_start3A_149 = tpu.memref_squeeze %dma_start3A_148 : memref<1x1x512xf32, #tpu.memory_space<hbm>> -> memref<512xf32, #tpu.memory_space<hbm>>
      %dma_start3A_150 = tpu.memref_slice %arg5[%select_n3A, %add3A_144, %add3A_98] : memref<4x2x262144xf32, #tpu.memory_space<hbm>> -> memref<1x1x512xf32, #tpu.memory_space<hbm>>
      %dma_start3A_151 = tpu.memref_squeeze %dma_start3A_150 : memref<1x1x512xf32, #tpu.memory_space<hbm>> -> memref<512xf32, #tpu.memory_space<hbm>>
      %dma_start3A_152 = arith.constant 0 : i32
      %dma_start3A_153 = tpu.memref_slice %arg14[%add3A_144, %dma_start3A_152] : memref<2x512xf32, #tpu.memory_space<vmem>> -> memref<1x512xf32, #tpu.memory_space<vmem>>
      %dma_start3A_154 = tpu.memref_squeeze %dma_start3A_153 : memref<1x512xf32, #tpu.memory_space<vmem>> -> memref<512xf32, #tpu.memory_space<vmem>>
      tpu.enqueue_dma source(%dma_start3A_154 : memref<512xf32, #tpu.memory_space<vmem>>) target(%dma_start3A_151 : memref<512xf32, #tpu.memory_space<hbm>>) target_semaphore(%arg20 : memref<!tpu.dma_semaphore, #tpu.memory_space<semaphore_mem>>)
    }
    %scan3A_103 = arith.constant 2 : i32
    %scan3A_104 = arith.constant 0 : i32
    %scan3A_105 = arith.constant 2 : i32
    %scan3A_106 = arith.addi %scan3A_104, %scan3A_105 : i32
    %scan3A_107 = arith.constant 1 : i32
    scf.for %scan3A_140 = %scan3A_104 to %scan3A_106 step %scan3A_107  : i32 {
      %mul3A_141 = arith.constant 1 : i32
      %mul3A_142 = arith.muli %scan3A_140, %mul3A_141 : i32
      %add3A_143 = arith.constant 0 : i32
      %add3A_144 = arith.addi %add3A_143, %mul3A_142 : i32
      %dma_wait3A_145 = arith.constant 0 : i32
      %dma_wait3A_146 = arith.constant 0 : i32
      %dma_wait3A_147 = arith.constant 0 : i32
      %dma_wait3A_148 = arith.constant 0 : i32
      %dma_wait3A_149 = arith.constant 0 : i32
      %dma_wait3A_150 = tpu.memref_slice %arg15[%dma_wait3A_148, %dma_wait3A_149] : memref<2x512xf32, #tpu.memory_space<vmem>> -> memref<1x512xf32, #tpu.memory_space<vmem>>
      %dma_wait3A_151 = tpu.memref_squeeze %dma_wait3A_150 : memref<1x512xf32, #tpu.memory_space<vmem>> -> memref<512xf32, #tpu.memory_space<vmem>>
      %dma_wait3A_152 = arith.constant 0 : i32
      %dma_wait3A_153 = tpu.memref_slice %arg3[%dma_wait3A_145, %dma_wait3A_146, %dma_wait3A_147, %dma_wait3A_152] : memref<4x4x2x262144xf32, #tpu.memory_space<hbm>> -> memref<1x1x1x512xf32, #tpu.memory_space<hbm>>
      %dma_wait3A_154 = tpu.memref_squeeze %dma_wait3A_153 : memref<1x1x1x512xf32, #tpu.memory_space<hbm>> -> memref<512xf32, #tpu.memory_space<hbm>>
      %dma_wait3A_155 = arith.constant 0 : i32
      %dma_wait3A_156 = tpu.memref_slice %arg15[%dma_wait3A_148, %dma_wait3A_155] : memref<2x512xf32, #tpu.memory_space<vmem>> -> memref<1x512xf32, #tpu.memory_space<vmem>>
      %dma_wait3A_157 = tpu.memref_squeeze %dma_wait3A_156 : memref<1x512xf32, #tpu.memory_space<vmem>> -> memref<512xf32, #tpu.memory_space<vmem>>
      %dma_wait3A_158 = arith.constant 0 : i32
      %dma_wait3A_159 = tpu.memref_slice %arg3[%dma_wait3A_145, %dma_wait3A_146, %dma_wait3A_147, %dma_wait3A_158] : memref<4x4x2x262144xf32, #tpu.memory_space<hbm>> -> memref<1x1x1x512xf32, #tpu.memory_space<hbm>>
      %dma_wait3A_160 = tpu.memref_squeeze %dma_wait3A_159 : memref<1x1x1x512xf32, #tpu.memory_space<hbm>> -> memref<512xf32, #tpu.memory_space<hbm>>
      tpu.wait_dma2 semaphore(%arg21 : memref<!tpu.dma_semaphore, #tpu.memory_space<semaphore_mem>>) src(%dma_wait3A_160 : memref<512xf32, #tpu.memory_space<hbm>>) dst(%dma_wait3A_157 : memref<512xf32, #tpu.memory_space<vmem>>)
    }
    %scan3A_108 = arith.constant 2 : i32
    %dma_wait3A_109 = arith.constant 0 : i32
    %dma_wait3A_110 = arith.constant 0 : i32
    %dma_wait3A_111 = arith.constant 0 : i32
    %dma_wait3A_112 = arith.constant 0 : i32
    %dma_wait3A_113 = tpu.memref_slice %arg4[%dma_wait3A_109, %dma_wait3A_110, %dma_wait3A_111, %dma_wait3A_112] : memref<4x4x2x262144xi32, #tpu.memory_space<hbm>> -> memref<1x1x1x8192xi32, #tpu.memory_space<hbm>>
    %dma_wait3A_114 = tpu.memref_squeeze %dma_wait3A_113 : memref<1x1x1x8192xi32, #tpu.memory_space<hbm>> -> memref<8192xi32, #tpu.memory_space<hbm>>
    %dma_wait3A_115 = arith.constant 0 : i32
    %dma_wait3A_116 = tpu.memref_slice %arg4[%dma_wait3A_109, %dma_wait3A_110, %dma_wait3A_111, %dma_wait3A_115] : memref<4x4x2x262144xi32, #tpu.memory_space<hbm>> -> memref<1x1x1x8192xi32, #tpu.memory_space<hbm>>
    %dma_wait3A_117 = tpu.memref_squeeze %dma_wait3A_116 : memref<1x1x1x8192xi32, #tpu.memory_space<hbm>> -> memref<8192xi32, #tpu.memory_space<hbm>>
    tpu.wait_dma2 semaphore(%arg19 : memref<!tpu.dma_semaphore, #tpu.memory_space<semaphore_mem>>) src(%dma_wait3A_117 : memref<8192xi32, #tpu.memory_space<hbm>>) dst(%arg13 : memref<8192xi32, #tpu.memory_space<vmem>>)
    %scan3A_118 = arith.constant 0 : i32
    %scan3A_119 = arith.constant 32 : i32
    %scan3A_120 = arith.addi %scan3A_118, %scan3A_119 : i32
    %scan3A_121 = arith.constant 1 : i32
    scf.for %scan3A_140 = %scan3A_118 to %scan3A_120 step %scan3A_121  : i32 {
      %mul3A_141 = arith.constant 16 : i32
      %mul3A_142 = arith.muli %scan3A_140, %mul3A_141 : i32
      %add3A_143 = arith.constant 0 : i32
      %add3A_144 = arith.addi %add3A_143, %mul3A_142 : i32
      %get3A = arith.constant 0 : i32
      %get3A_145 = arith.index_cast %get3A : i32 to index
      %get3A_146 = arith.index_cast %add3A_144 : i32 to index
      %get3A_147 = tpu.vector_load %arg7[%get3A_145, %get3A_146] {strides = array<i32>} : memref<8x512xf32, #tpu.memory_space<vmem>>, vector<16xf32>,
      %get3A_148 = arith.constant 1 : i32
      %get3A_149 = arith.index_cast %get3A_148 : i32 to index
      %get3A_150 = arith.index_cast %add3A_144 : i32 to index
      %get3A_151 = tpu.vector_load %arg7[%get3A_149, %get3A_150] {strides = array<i32>} : memref<8x512xf32, #tpu.memory_space<vmem>>, vector<16xf32>,
      %get3A_152 = arith.constant 2 : i32
      %get3A_153 = arith.index_cast %get3A_152 : i32 to index
      %get3A_154 = arith.index_cast %add3A_144 : i32 to index
      %get3A_155 = tpu.vector_load %arg7[%get3A_153, %get3A_154] {strides = array<i32>} : memref<8x512xf32, #tpu.memory_space<vmem>>, vector<16xf32>,
      %get3A_156 = arith.constant 3 : i32
      %get3A_157 = arith.index_cast %get3A_156 : i32 to index
      %get3A_158 = arith.index_cast %add3A_144 : i32 to index
      %get3A_159 = tpu.vector_load %arg7[%get3A_157, %get3A_158] {strides = array<i32>} : memref<8x512xf32, #tpu.memory_space<vmem>>, vector<16xf32>,
      %get3A_160 = arith.constant 4 : i32
      %get3A_161 = arith.index_cast %get3A_160 : i32 to index
      %get3A_162 = arith.index_cast %add3A_144 : i32 to index
      %get3A_163 = tpu.vector_load %arg7[%get3A_161, %get3A_162] {strides = array<i32>} : memref<8x512xf32, #tpu.memory_space<vmem>>, vector<16xf32>,
      %get3A_164 = arith.constant 5 : i32
      %get3A_165 = arith.index_cast %get3A_164 : i32 to index
      %get3A_166 = arith.index_cast %add3A_144 : i32 to index
      %get3A_167 = tpu.vector_load %arg7[%get3A_165, %get3A_166] {strides = array<i32>} : memref<8x512xf32, #tpu.memory_space<vmem>>, vector<16xf32>,
      %get3A_168 = arith.constant 6 : i32
      %get3A_169 = arith.index_cast %get3A_168 : i32 to index
      %get3A_170 = arith.index_cast %add3A_144 : i32 to index
      %get3A_171 = tpu.vector_load %arg7[%get3A_169, %get3A_170] {strides = array<i32>} : memref<8x512xf32, #tpu.memory_space<vmem>>, vector<16xf32>,
      %get3A_172 = arith.constant 7 : i32
      %get3A_173 = arith.index_cast %get3A_172 : i32 to index
      %get3A_174 = arith.index_cast %add3A_144 : i32 to index
      %get3A_175 = tpu.vector_load %arg7[%get3A_173, %get3A_174] {strides = array<i32>} : memref<8x512xf32, #tpu.memory_space<vmem>>, vector<16xf32>,
      %broadcast_in_dim3A = arith.constant 0.000000e+00 : f32
      %broadcast_in_dim3A_176 = vector.broadcast %broadcast_in_dim3A : f32 to vector<16xf32>
      %add3A_177 = arith.constant 0 : i32
      %add3A_178 = arith.addi %add3A_177, %add3A_144 : i32
      %get3A_179 = arith.index_cast %add3A_178 : i32 to index
      %get3A_180 = tpu.vector_load %arg13[%get3A_179] {strides = array<i32>} : memref<8192xi32, #tpu.memory_space<vmem>>, vector<16xi32>,
      %shift_left3A = arith.constant 16 : i32
      %shift_left3A_181 = vector.broadcast %shift_left3A : i32 to vector<16xi32>
      %shift_left3A_182 = arith.shli %get3A_180, %shift_left3A_181 : vector<16xi32>
      %bitcast3A = vector.bitcast %shift_left3A_182 : vector<16xi32> to vector<16xf32>
      %and3A_183 = arith.constant -65536 : i32
      %and3A_184 = vector.broadcast %and3A_183 : i32 to vector<16xi32>
      %and3A_185 = arith.andi %get3A_180, %and3A_184 : vector<16xi32>
      %bitcast3A_186 = vector.bitcast %and3A_185 : vector<16xi32> to vector<16xf32>
      %mul3A_187 = arith.mulf %get3A_147, %get3A_163 : vector<16xf32>
      %mul3A_188 = arith.mulf %mul3A_187, %bitcast3A : vector<16xf32>
      %add3A_189 = arith.addf %broadcast_in_dim3A_176, %mul3A_188 : vector<16xf32>
      %mul3A_190 = arith.mulf %mul3A_187, %bitcast3A_186 : vector<16xf32>
      %add3A_191 = arith.addf %broadcast_in_dim3A_176, %mul3A_190 : vector<16xf32>
      %add3A_192 = arith.constant 512 : i32
      %add3A_193 = arith.addi %add3A_192, %add3A_144 : i32
      %get3A_194 = arith.index_cast %add3A_193 : i32 to index
      %get3A_195 = tpu.vector_load %arg13[%get3A_194] {strides = array<i32>} : memref<8192xi32, #tpu.memory_space<vmem>>, vector<16xi32>,
      %shift_left3A_196 = arith.constant 16 : i32
      %shift_left3A_197 = vector.broadcast %shift_left3A_196 : i32 to vector<16xi32>
      %shift_left3A_198 = arith.shli %get3A_195, %shift_left3A_197 : vector<16xi32>
      %bitcast3A_199 = vector.bitcast %shift_left3A_198 : vector<16xi32> to vector<16xf32>
      %and3A_200 = arith.constant -65536 : i32
      %and3A_201 = vector.broadcast %and3A_200 : i32 to vector<16xi32>
      %and3A_202 = arith.andi %get3A_195, %and3A_201 : vector<16xi32>
      %bitcast3A_203 = vector.bitcast %and3A_202 : vector<16xi32> to vector<16xf32>
      %mul3A_204 = arith.mulf %get3A_147, %get3A_167 : vector<16xf32>
      %mul3A_205 = arith.mulf %mul3A_204, %bitcast3A_199 : vector<16xf32>
      %add3A_206 = arith.addf %broadcast_in_dim3A_176, %mul3A_205 : vector<16xf32>
      %mul3A_207 = arith.mulf %mul3A_204, %bitcast3A_203 : vector<16xf32>
      %add3A_208 = arith.addf %broadcast_in_dim3A_176, %mul3A_207 : vector<16xf32>
      %add3A_209 = arith.constant 1024 : i32
      %add3A_210 = arith.addi %add3A_209, %add3A_144 : i32
      %get3A_211 = arith.index_cast %add3A_210 : i32 to index
      %get3A_212 = tpu.vector_load %arg13[%get3A_211] {strides = array<i32>} : memref<8192xi32, #tpu.memory_space<vmem>>, vector<16xi32>,
      %shift_left3A_213 = arith.constant 16 : i32
      %shift_left3A_214 = vector.broadcast %shift_left3A_213 : i32 to vector<16xi32>
      %shift_left3A_215 = arith.shli %get3A_212, %shift_left3A_214 : vector<16xi32>
      %bitcast3A_216 = vector.bitcast %shift_left3A_215 : vector<16xi32> to vector<16xf32>
      %and3A_217 = arith.constant -65536 : i32
      %and3A_218 = vector.broadcast %and3A_217 : i32 to vector<16xi32>
      %and3A_219 = arith.andi %get3A_212, %and3A_218 : vector<16xi32>
      %bitcast3A_220 = vector.bitcast %and3A_219 : vector<16xi32> to vector<16xf32>
      %mul3A_221 = arith.mulf %get3A_147, %get3A_171 : vector<16xf32>
      %mul3A_222 = arith.mulf %mul3A_221, %bitcast3A_216 : vector<16xf32>
      %add3A_223 = arith.addf %broadcast_in_dim3A_176, %mul3A_222 : vector<16xf32>
      %mul3A_224 = arith.mulf %mul3A_221, %bitcast3A_220 : vector<16xf32>
      %add3A_225 = arith.addf %broadcast_in_dim3A_176, %mul3A_224 : vector<16xf32>
      %add3A_226 = arith.constant 1536 : i32
      %add3A_227 = arith.addi %add3A_226, %add3A_144 : i32
      %get3A_228 = arith.index_cast %add3A_227 : i32 to index
      %get3A_229 = tpu.vector_load %arg13[%get3A_228] {strides = array<i32>} : memref<8192xi32, #tpu.memory_space<vmem>>, vector<16xi32>,
      %shift_left3A_230 = arith.constant 16 : i32
      %shift_left3A_231 = vector.broadcast %shift_left3A_230 : i32 to vector<16xi32>
      %shift_left3A_232 = arith.shli %get3A_229, %shift_left3A_231 : vector<16xi32>
      %bitcast3A_233 = vector.bitcast %shift_left3A_232 : vector<16xi32> to vector<16xf32>
      %and3A_234 = arith.constant -65536 : i32
      %and3A_235 = vector.broadcast %and3A_234 : i32 to vector<16xi32>
      %and3A_236 = arith.andi %get3A_229, %and3A_235 : vector<16xi32>
      %bitcast3A_237 = vector.bitcast %and3A_236 : vector<16xi32> to vector<16xf32>
      %mul3A_238 = arith.mulf %get3A_147, %get3A_175 : vector<16xf32>
      %mul3A_239 = arith.mulf %mul3A_238, %bitcast3A_233 : vector<16xf32>
      %add3A_240 = arith.addf %broadcast_in_dim3A_176, %mul3A_239 : vector<16xf32>
      %mul3A_241 = arith.mulf %mul3A_238, %bitcast3A_237 : vector<16xf32>
      %add3A_242 = arith.addf %broadcast_in_dim3A_176, %mul3A_241 : vector<16xf32>
      %add3A_243 = arith.constant 2048 : i32
      %add3A_244 = arith.addi %add3A_243, %add3A_144 : i32
      %get3A_245 = arith.index_cast %add3A_244 : i32 to index
      %get3A_246 = tpu.vector_load %arg13[%get3A_245] {strides = array<i32>} : memref<8192xi32, #tpu.memory_space<vmem>>, vector<16xi32>,
      %shift_left3A_247 = arith.constant 16 : i32
      %shift_left3A_248 = vector.broadcast %shift_left3A_247 : i32 to vector<16xi32>
      %shift_left3A_249 = arith.shli %get3A_246, %shift_left3A_248 : vector<16xi32>
      %bitcast3A_250 = vector.bitcast %shift_left3A_249 : vector<16xi32> to vector<16xf32>
      %and3A_251 = arith.constant -65536 : i32
      %and3A_252 = vector.broadcast %and3A_251 : i32 to vector<16xi32>
      %and3A_253 = arith.andi %get3A_246, %and3A_252 : vector<16xi32>
      %bitcast3A_254 = vector.bitcast %and3A_253 : vector<16xi32> to vector<16xf32>
      %mul3A_255 = arith.mulf %get3A_151, %get3A_163 : vector<16xf32>
      %mul3A_256 = arith.mulf %mul3A_255, %bitcast3A_250 : vector<16xf32>
      %add3A_257 = arith.addf %add3A_189, %mul3A_256 : vector<16xf32>
      %mul3A_258 = arith.mulf %mul3A_255, %bitcast3A_254 : vector<16xf32>
      %add3A_259 = arith.addf %add3A_191, %mul3A_258 : vector<16xf32>
      %add3A_260 = arith.constant 2560 : i32
      %add3A_261 = arith.addi %add3A_260, %add3A_144 : i32
      %get3A_262 = arith.index_cast %add3A_261 : i32 to index
      %get3A_263 = tpu.vector_load %arg13[%get3A_262] {strides = array<i32>} : memref<8192xi32, #tpu.memory_space<vmem>>, vector<16xi32>,
      %shift_left3A_264 = arith.constant 16 : i32
      %shift_left3A_265 = vector.broadcast %shift_left3A_264 : i32 to vector<16xi32>
      %shift_left3A_266 = arith.shli %get3A_263, %shift_left3A_265 : vector<16xi32>
      %bitcast3A_267 = vector.bitcast %shift_left3A_266 : vector<16xi32> to vector<16xf32>
      %and3A_268 = arith.constant -65536 : i32
      %and3A_269 = vector.broadcast %and3A_268 : i32 to vector<16xi32>
      %and3A_270 = arith.andi %get3A_263, %and3A_269 : vector<16xi32>
      %bitcast3A_271 = vector.bitcast %and3A_270 : vector<16xi32> to vector<16xf32>
      %mul3A_272 = arith.mulf %get3A_151, %get3A_167 : vector<16xf32>
      %mul3A_273 = arith.mulf %mul3A_272, %bitcast3A_267 : vector<16xf32>
      %add3A_274 = arith.addf %add3A_206, %mul3A_273 : vector<16xf32>
      %mul3A_275 = arith.mulf %mul3A_272, %bitcast3A_271 : vector<16xf32>
      %add3A_276 = arith.addf %add3A_208, %mul3A_275 : vector<16xf32>
      %add3A_277 = arith.constant 3072 : i32
      %add3A_278 = arith.addi %add3A_277, %add3A_144 : i32
      %get3A_279 = arith.index_cast %add3A_278 : i32 to index
      %get3A_280 = tpu.vector_load %arg13[%get3A_279] {strides = array<i32>} : memref<8192xi32, #tpu.memory_space<vmem>>, vector<16xi32>,
      %shift_left3A_281 = arith.constant 16 : i32
      %shift_left3A_282 = vector.broadcast %shift_left3A_281 : i32 to vector<16xi32>
      %shift_left3A_283 = arith.shli %get3A_280, %shift_left3A_282 : vector<16xi32>
      %bitcast3A_284 = vector.bitcast %shift_left3A_283 : vector<16xi32> to vector<16xf32>
      %and3A_285 = arith.constant -65536 : i32
      %and3A_286 = vector.broadcast %and3A_285 : i32 to vector<16xi32>
      %and3A_287 = arith.andi %get3A_280, %and3A_286 : vector<16xi32>
      %bitcast3A_288 = vector.bitcast %and3A_287 : vector<16xi32> to vector<16xf32>
      %mul3A_289 = arith.mulf %get3A_151, %get3A_171 : vector<16xf32>
      %mul3A_290 = arith.mulf %mul3A_289, %bitcast3A_284 : vector<16xf32>
      %add3A_291 = arith.addf %add3A_223, %mul3A_290 : vector<16xf32>
      %mul3A_292 = arith.mulf %mul3A_289, %bitcast3A_288 : vector<16xf32>
      %add3A_293 = arith.addf %add3A_225, %mul3A_292 : vector<16xf32>
      %add3A_294 = arith.constant 3584 : i32
      %add3A_295 = arith.addi %add3A_294, %add3A_144 : i32
      %get3A_296 = arith.index_cast %add3A_295 : i32 to index
      %get3A_297 = tpu.vector_load %arg13[%get3A_296] {strides = array<i32>} : memref<8192xi32, #tpu.memory_space<vmem>>, vector<16xi32>,
      %shift_left3A_298 = arith.constant 16 : i32
      %shift_left3A_299 = vector.broadcast %shift_left3A_298 : i32 to vector<16xi32>
      %shift_left3A_300 = arith.shli %get3A_297, %shift_left3A_299 : vector<16xi32>
      %bitcast3A_301 = vector.bitcast %shift_left3A_300 : vector<16xi32> to vector<16xf32>
      %and3A_302 = arith.constant -65536 : i32
      %and3A_303 = vector.broadcast %and3A_302 : i32 to vector<16xi32>
      %and3A_304 = arith.andi %get3A_297, %and3A_303 : vector<16xi32>
      %bitcast3A_305 = vector.bitcast %and3A_304 : vector<16xi32> to vector<16xf32>
      %mul3A_306 = arith.mulf %get3A_151, %get3A_175 : vector<16xf32>
      %mul3A_307 = arith.mulf %mul3A_306, %bitcast3A_301 : vector<16xf32>
      %add3A_308 = arith.addf %add3A_240, %mul3A_307 : vector<16xf32>
      %mul3A_309 = arith.mulf %mul3A_306, %bitcast3A_305 : vector<16xf32>
      %add3A_310 = arith.addf %add3A_242, %mul3A_309 : vector<16xf32>
      %add3A_311 = arith.constant 4096 : i32
      %add3A_312 = arith.addi %add3A_311, %add3A_144 : i32
      %get3A_313 = arith.index_cast %add3A_312 : i32 to index
      %get3A_314 = tpu.vector_load %arg13[%get3A_313] {strides = array<i32>} : memref<8192xi32, #tpu.memory_space<vmem>>, vector<16xi32>,
      %shift_left3A_315 = arith.constant 16 : i32
      %shift_left3A_316 = vector.broadcast %shift_left3A_315 : i32 to vector<16xi32>
      %shift_left3A_317 = arith.shli %get3A_314, %shift_left3A_316 : vector<16xi32>
      %bitcast3A_318 = vector.bitcast %shift_left3A_317 : vector<16xi32> to vector<16xf32>
      %and3A_319 = arith.constant -65536 : i32
      %and3A_320 = vector.broadcast %and3A_319 : i32 to vector<16xi32>
      %and3A_321 = arith.andi %get3A_314, %and3A_320 : vector<16xi32>
      %bitcast3A_322 = vector.bitcast %and3A_321 : vector<16xi32> to vector<16xf32>
      %mul3A_323 = arith.mulf %get3A_155, %get3A_163 : vector<16xf32>
      %mul3A_324 = arith.mulf %mul3A_323, %bitcast3A_318 : vector<16xf32>
      %add3A_325 = arith.addf %add3A_257, %mul3A_324 : vector<16xf32>
      %mul3A_326 = arith.mulf %mul3A_323, %bitcast3A_322 : vector<16xf32>
      %add3A_327 = arith.addf %add3A_259, %mul3A_326 : vector<16xf32>
      %add3A_328 = arith.constant 4608 : i32
      %add3A_329 = arith.addi %add3A_328, %add3A_144 : i32
      %get3A_330 = arith.index_cast %add3A_329 : i32 to index
      %get3A_331 = tpu.vector_load %arg13[%get3A_330] {strides = array<i32>} : memref<8192xi32, #tpu.memory_space<vmem>>, vector<16xi32>,
      %shift_left3A_332 = arith.constant 16 : i32
      %shift_left3A_333 = vector.broadcast %shift_left3A_332 : i32 to vector<16xi32>
      %shift_left3A_334 = arith.shli %get3A_331, %shift_left3A_333 : vector<16xi32>
      %bitcast3A_335 = vector.bitcast %shift_left3A_334 : vector<16xi32> to vector<16xf32>
      %and3A_336 = arith.constant -65536 : i32
      %and3A_337 = vector.broadcast %and3A_336 : i32 to vector<16xi32>
      %and3A_338 = arith.andi %get3A_331, %and3A_337 : vector<16xi32>
      %bitcast3A_339 = vector.bitcast %and3A_338 : vector<16xi32> to vector<16xf32>
      %mul3A_340 = arith.mulf %get3A_155, %get3A_167 : vector<16xf32>
      %mul3A_341 = arith.mulf %mul3A_340, %bitcast3A_335 : vector<16xf32>
      %add3A_342 = arith.addf %add3A_274, %mul3A_341 : vector<16xf32>
      %mul3A_343 = arith.mulf %mul3A_340, %bitcast3A_339 : vector<16xf32>
      %add3A_344 = arith.addf %add3A_276, %mul3A_343 : vector<16xf32>
      %add3A_345 = arith.constant 5120 : i32
      %add3A_346 = arith.addi %add3A_345, %add3A_144 : i32
      %get3A_347 = arith.index_cast %add3A_346 : i32 to index
      %get3A_348 = tpu.vector_load %arg13[%get3A_347] {strides = array<i32>} : memref<8192xi32, #tpu.memory_space<vmem>>, vector<16xi32>,
      %shift_left3A_349 = arith.constant 16 : i32
      %shift_left3A_350 = vector.broadcast %shift_left3A_349 : i32 to vector<16xi32>
      %shift_left3A_351 = arith.shli %get3A_348, %shift_left3A_350 : vector<16xi32>
      %bitcast3A_352 = vector.bitcast %shift_left3A_351 : vector<16xi32> to vector<16xf32>
      %and3A_353 = arith.constant -65536 : i32
      %and3A_354 = vector.broadcast %and3A_353 : i32 to vector<16xi32>
      %and3A_355 = arith.andi %get3A_348, %and3A_354 : vector<16xi32>
      %bitcast3A_356 = vector.bitcast %and3A_355 : vector<16xi32> to vector<16xf32>
      %mul3A_357 = arith.mulf %get3A_155, %get3A_171 : vector<16xf32>
      %mul3A_358 = arith.mulf %mul3A_357, %bitcast3A_352 : vector<16xf32>
      %add3A_359 = arith.addf %add3A_291, %mul3A_358 : vector<16xf32>
      %mul3A_360 = arith.mulf %mul3A_357, %bitcast3A_356 : vector<16xf32>
      %add3A_361 = arith.addf %add3A_293, %mul3A_360 : vector<16xf32>
      %add3A_362 = arith.constant 5632 : i32
      %add3A_363 = arith.addi %add3A_362, %add3A_144 : i32
      %get3A_364 = arith.index_cast %add3A_363 : i32 to index
      %get3A_365 = tpu.vector_load %arg13[%get3A_364] {strides = array<i32>} : memref<8192xi32, #tpu.memory_space<vmem>>, vector<16xi32>,
      %shift_left3A_366 = arith.constant 16 : i32
      %shift_left3A_367 = vector.broadcast %shift_left3A_366 : i32 to vector<16xi32>
      %shift_left3A_368 = arith.shli %get3A_365, %shift_left3A_367 : vector<16xi32>
      %bitcast3A_369 = vector.bitcast %shift_left3A_368 : vector<16xi32> to vector<16xf32>
      %and3A_370 = arith.constant -65536 : i32
      %and3A_371 = vector.broadcast %and3A_370 : i32 to vector<16xi32>
      %and3A_372 = arith.andi %get3A_365, %and3A_371 : vector<16xi32>
      %bitcast3A_373 = vector.bitcast %and3A_372 : vector<16xi32> to vector<16xf32>
      %mul3A_374 = arith.mulf %get3A_155, %get3A_175 : vector<16xf32>
      %mul3A_375 = arith.mulf %mul3A_374, %bitcast3A_369 : vector<16xf32>
      %add3A_376 = arith.addf %add3A_308, %mul3A_375 : vector<16xf32>
      %mul3A_377 = arith.mulf %mul3A_374, %bitcast3A_373 : vector<16xf32>
      %add3A_378 = arith.addf %add3A_310, %mul3A_377 : vector<16xf32>
      %add3A_379 = arith.constant 6144 : i32
      %add3A_380 = arith.addi %add3A_379, %add3A_144 : i32
      %get3A_381 = arith.index_cast %add3A_380 : i32 to index
      %get3A_382 = tpu.vector_load %arg13[%get3A_381] {strides = array<i32>} : memref<8192xi32, #tpu.memory_space<vmem>>, vector<16xi32>,
      %shift_left3A_383 = arith.constant 16 : i32
      %shift_left3A_384 = vector.broadcast %shift_left3A_383 : i32 to vector<16xi32>
      %shift_left3A_385 = arith.shli %get3A_382, %shift_left3A_384 : vector<16xi32>
      %bitcast3A_386 = vector.bitcast %shift_left3A_385 : vector<16xi32> to vector<16xf32>
      %and3A_387 = arith.constant -65536 : i32
      %and3A_388 = vector.broadcast %and3A_387 : i32 to vector<16xi32>
      %and3A_389 = arith.andi %get3A_382, %and3A_388 : vector<16xi32>
      %bitcast3A_390 = vector.bitcast %and3A_389 : vector<16xi32> to vector<16xf32>
      %mul3A_391 = arith.mulf %get3A_159, %get3A_163 : vector<16xf32>
      %mul3A_392 = arith.mulf %mul3A_391, %bitcast3A_386 : vector<16xf32>
      %add3A_393 = arith.addf %add3A_325, %mul3A_392 : vector<16xf32>
      %mul3A_394 = arith.mulf %mul3A_391, %bitcast3A_390 : vector<16xf32>
      %add3A_395 = arith.addf %add3A_327, %mul3A_394 : vector<16xf32>
      %add3A_396 = arith.constant 6656 : i32
      %add3A_397 = arith.addi %add3A_396, %add3A_144 : i32
      %get3A_398 = arith.index_cast %add3A_397 : i32 to index
      %get3A_399 = tpu.vector_load %arg13[%get3A_398] {strides = array<i32>} : memref<8192xi32, #tpu.memory_space<vmem>>, vector<16xi32>,
      %shift_left3A_400 = arith.constant 16 : i32
      %shift_left3A_401 = vector.broadcast %shift_left3A_400 : i32 to vector<16xi32>
      %shift_left3A_402 = arith.shli %get3A_399, %shift_left3A_401 : vector<16xi32>
      %bitcast3A_403 = vector.bitcast %shift_left3A_402 : vector<16xi32> to vector<16xf32>
      %and3A_404 = arith.constant -65536 : i32
      %and3A_405 = vector.broadcast %and3A_404 : i32 to vector<16xi32>
      %and3A_406 = arith.andi %get3A_399, %and3A_405 : vector<16xi32>
      %bitcast3A_407 = vector.bitcast %and3A_406 : vector<16xi32> to vector<16xf32>
      %mul3A_408 = arith.mulf %get3A_159, %get3A_167 : vector<16xf32>
      %mul3A_409 = arith.mulf %mul3A_408, %bitcast3A_403 : vector<16xf32>
      %add3A_410 = arith.addf %add3A_342, %mul3A_409 : vector<16xf32>
      %mul3A_411 = arith.mulf %mul3A_408, %bitcast3A_407 : vector<16xf32>
      %add3A_412 = arith.addf %add3A_344, %mul3A_411 : vector<16xf32>
      %add3A_413 = arith.constant 7168 : i32
      %add3A_414 = arith.addi %add3A_413, %add3A_144 : i32
      %get3A_415 = arith.index_cast %add3A_414 : i32 to index
      %get3A_416 = tpu.vector_load %arg13[%get3A_415] {strides = array<i32>} : memref<8192xi32, #tpu.memory_space<vmem>>, vector<16xi32>,
      %shift_left3A_417 = arith.constant 16 : i32
      %shift_left3A_418 = vector.broadcast %shift_left3A_417 : i32 to vector<16xi32>
      %shift_left3A_419 = arith.shli %get3A_416, %shift_left3A_418 : vector<16xi32>
      %bitcast3A_420 = vector.bitcast %shift_left3A_419 : vector<16xi32> to vector<16xf32>
      %and3A_421 = arith.constant -65536 : i32
      %and3A_422 = vector.broadcast %and3A_421 : i32 to vector<16xi32>
      %and3A_423 = arith.andi %get3A_416, %and3A_422 : vector<16xi32>
      %bitcast3A_424 = vector.bitcast %and3A_423 : vector<16xi32> to vector<16xf32>
      %mul3A_425 = arith.mulf %get3A_159, %get3A_171 : vector<16xf32>
      %mul3A_426 = arith.mulf %mul3A_425, %bitcast3A_420 : vector<16xf32>
      %add3A_427 = arith.addf %add3A_359, %mul3A_426 : vector<16xf32>
      %mul3A_428 = arith.mulf %mul3A_425, %bitcast3A_424 : vector<16xf32>
      %add3A_429 = arith.addf %add3A_361, %mul3A_428 : vector<16xf32>
      %add3A_430 = arith.constant 7680 : i32
      %add3A_431 = arith.addi %add3A_430, %add3A_144 : i32
      %get3A_432 = arith.index_cast %add3A_431 : i32 to index
      %get3A_433 = tpu.vector_load %arg13[%get3A_432] {strides = array<i32>} : memref<8192xi32, #tpu.memory_space<vmem>>, vector<16xi32>,
      %shift_left3A_434 = arith.constant 16 : i32
      %shift_left3A_435 = vector.broadcast %shift_left3A_434 : i32 to vector<16xi32>
      %shift_left3A_436 = arith.shli %get3A_433, %shift_left3A_435 : vector<16xi32>
      %bitcast3A_437 = vector.bitcast %shift_left3A_436 : vector<16xi32> to vector<16xf32>
      %and3A_438 = arith.constant -65536 : i32
      %and3A_439 = vector.broadcast %and3A_438 : i32 to vector<16xi32>
      %and3A_440 = arith.andi %get3A_433, %and3A_439 : vector<16xi32>
      %bitcast3A_441 = vector.bitcast %and3A_440 : vector<16xi32> to vector<16xf32>
      %mul3A_442 = arith.mulf %get3A_159, %get3A_175 : vector<16xf32>
      %mul3A_443 = arith.mulf %mul3A_442, %bitcast3A_437 : vector<16xf32>
      %add3A_444 = arith.addf %add3A_376, %mul3A_443 : vector<16xf32>
      %mul3A_445 = arith.mulf %mul3A_442, %bitcast3A_441 : vector<16xf32>
      %add3A_446 = arith.addf %add3A_378, %mul3A_445 : vector<16xf32>
      %add3A_447 = arith.addf %add3A_393, %add3A_410 : vector<16xf32>
      %add3A_448 = arith.addf %add3A_427, %add3A_444 : vector<16xf32>
      %add3A_449 = arith.addf %add3A_447, %add3A_448 : vector<16xf32>
      %swap3A = arith.constant 0 : i32
      %swap3A_450 = arith.index_cast %swap3A : i32 to index
      %swap3A_451 = arith.index_cast %add3A_144 : i32 to index
      %swap3A_452 = tpu.vector_load %arg15[%swap3A_450, %swap3A_451] {strides = array<i32>} : memref<2x512xf32, #tpu.memory_space<vmem>>, vector<16xf32>,
      tpu.vector_store %arg15[%swap3A_450, %swap3A_451], %add3A_449 {strides = array<i32>} : memref<2x512xf32, #tpu.memory_space<vmem>>, vector<16xf32>,
      %add3A_453 = arith.addf %add3A_395, %add3A_412 : vector<16xf32>
      %add3A_454 = arith.addf %add3A_429, %add3A_446 : vector<16xf32>
      %add3A_455 = arith.addf %add3A_453, %add3A_454 : vector<16xf32>
      %swap3A_456 = arith.constant 1 : i32
      %swap3A_457 = arith.index_cast %swap3A_456 : i32 to index
      %swap3A_458 = arith.index_cast %add3A_144 : i32 to index
      %swap3A_459 = tpu.vector_load %arg15[%swap3A_457, %swap3A_458] {strides = array<i32>} : memref<2x512xf32, #tpu.memory_space<vmem>>, vector<16xf32>,
      tpu.vector_store %arg15[%swap3A_457, %swap3A_458], %add3A_455 {strides = array<i32>} : memref<2x512xf32, #tpu.memory_space<vmem>>, vector<16xf32>,
    }
    %scan3A_122 = arith.constant 32 : i32
    %add3A_123 = arith.constant 32256 : i32
    %add3A_124 = arith.addi %mul3A_32, %add3A_123 : i32
    %scan3A_125 = arith.constant 0 : i32
    %scan3A_126 = arith.constant 2 : i32
    %scan3A_127 = arith.addi %scan3A_125, %scan3A_126 : i32
    %scan3A_128 = arith.constant 1 : i32
    scf.for %scan3A_140 = %scan3A_125 to %scan3A_127 step %scan3A_128  : i32 {
      %mul3A_141 = arith.constant 1 : i32
      %mul3A_142 = arith.muli %scan3A_140, %mul3A_141 : i32
      %add3A_143 = arith.constant 0 : i32
      %add3A_144 = arith.addi %add3A_143, %mul3A_142 : i32
      %dma_start3A_145 = arith.constant 0 : i32
      %dma_start3A_146 = tpu.memref_slice %arg15[%add3A_144, %dma_start3A_145] : memref<2x512xf32, #tpu.memory_space<vmem>> -> memref<1x512xf32, #tpu.memory_space<vmem>>
      %dma_start3A_147 = tpu.memref_squeeze %dma_start3A_146 : memref<1x512xf32, #tpu.memory_space<vmem>> -> memref<512xf32, #tpu.memory_space<vmem>>
      %dma_start3A_148 = tpu.memref_slice %arg5[%select_n3A, %add3A_144, %add3A_124] : memref<4x2x262144xf32, #tpu.memory_space<hbm>> -> memref<1x1x512xf32, #tpu.memory_space<hbm>>
      %dma_start3A_149 = tpu.memref_squeeze %dma_start3A_148 : memref<1x1x512xf32, #tpu.memory_space<hbm>> -> memref<512xf32, #tpu.memory_space<hbm>>
      %dma_start3A_150 = tpu.memref_slice %arg5[%select_n3A, %add3A_144, %add3A_124] : memref<4x2x262144xf32, #tpu.memory_space<hbm>> -> memref<1x1x512xf32, #tpu.memory_space<hbm>>
      %dma_start3A_151 = tpu.memref_squeeze %dma_start3A_150 : memref<1x1x512xf32, #tpu.memory_space<hbm>> -> memref<512xf32, #tpu.memory_space<hbm>>
      %dma_start3A_152 = arith.constant 0 : i32
      %dma_start3A_153 = tpu.memref_slice %arg15[%add3A_144, %dma_start3A_152] : memref<2x512xf32, #tpu.memory_space<vmem>> -> memref<1x512xf32, #tpu.memory_space<vmem>>
      %dma_start3A_154 = tpu.memref_squeeze %dma_start3A_153 : memref<1x512xf32, #tpu.memory_space<vmem>> -> memref<512xf32, #tpu.memory_space<vmem>>
      tpu.enqueue_dma source(%dma_start3A_154 : memref<512xf32, #tpu.memory_space<vmem>>) target(%dma_start3A_151 : memref<512xf32, #tpu.memory_space<hbm>>) target_semaphore(%arg21 : memref<!tpu.dma_semaphore, #tpu.memory_space<semaphore_mem>>)
    }
    %scan3A_129 = arith.constant 2 : i32
    %scan3A_130 = arith.constant 0 : i32
    %scan3A_131 = arith.constant 2 : i32
    %scan3A_132 = arith.addi %scan3A_130, %scan3A_131 : i32
    %scan3A_133 = arith.constant 1 : i32
    scf.for %scan3A_140 = %scan3A_130 to %scan3A_132 step %scan3A_133  : i32 {
      %mul3A_141 = arith.constant 1 : i32
      %mul3A_142 = arith.muli %scan3A_140, %mul3A_141 : i32
      %add3A_143 = arith.constant 0 : i32
      %add3A_144 = arith.addi %add3A_143, %mul3A_142 : i32
      %dma_wait3A_145 = arith.constant 0 : i32
      %dma_wait3A_146 = arith.constant 0 : i32
      %dma_wait3A_147 = arith.constant 0 : i32
      %dma_wait3A_148 = arith.constant 0 : i32
      %dma_wait3A_149 = arith.constant 0 : i32
      %dma_wait3A_150 = tpu.memref_slice %arg14[%dma_wait3A_148, %dma_wait3A_149] : memref<2x512xf32, #tpu.memory_space<vmem>> -> memref<1x512xf32, #tpu.memory_space<vmem>>
      %dma_wait3A_151 = tpu.memref_squeeze %dma_wait3A_150 : memref<1x512xf32, #tpu.memory_space<vmem>> -> memref<512xf32, #tpu.memory_space<vmem>>
      %dma_wait3A_152 = arith.constant 0 : i32
      %dma_wait3A_153 = tpu.memref_slice %arg3[%dma_wait3A_145, %dma_wait3A_146, %dma_wait3A_147, %dma_wait3A_152] : memref<4x4x2x262144xf32, #tpu.memory_space<hbm>> -> memref<1x1x1x512xf32, #tpu.memory_space<hbm>>
      %dma_wait3A_154 = tpu.memref_squeeze %dma_wait3A_153 : memref<1x1x1x512xf32, #tpu.memory_space<hbm>> -> memref<512xf32, #tpu.memory_space<hbm>>
      %dma_wait3A_155 = arith.constant 0 : i32
      %dma_wait3A_156 = tpu.memref_slice %arg14[%dma_wait3A_148, %dma_wait3A_155] : memref<2x512xf32, #tpu.memory_space<vmem>> -> memref<1x512xf32, #tpu.memory_space<vmem>>
      %dma_wait3A_157 = tpu.memref_squeeze %dma_wait3A_156 : memref<1x512xf32, #tpu.memory_space<vmem>> -> memref<512xf32, #tpu.memory_space<vmem>>
      %dma_wait3A_158 = arith.constant 0 : i32
      %dma_wait3A_159 = tpu.memref_slice %arg3[%dma_wait3A_145, %dma_wait3A_146, %dma_wait3A_147, %dma_wait3A_158] : memref<4x4x2x262144xf32, #tpu.memory_space<hbm>> -> memref<1x1x1x512xf32, #tpu.memory_space<hbm>>
      %dma_wait3A_160 = tpu.memref_squeeze %dma_wait3A_159 : memref<1x1x1x512xf32, #tpu.memory_space<hbm>> -> memref<512xf32, #tpu.memory_space<hbm>>
      tpu.wait_dma2 semaphore(%arg20 : memref<!tpu.dma_semaphore, #tpu.memory_space<semaphore_mem>>) src(%dma_wait3A_160 : memref<512xf32, #tpu.memory_space<hbm>>) dst(%dma_wait3A_157 : memref<512xf32, #tpu.memory_space<vmem>>)
    }
    %scan3A_134 = arith.constant 2 : i32
    %scan3A_135 = arith.constant 0 : i32
    %scan3A_136 = arith.constant 2 : i32
    %scan3A_137 = arith.addi %scan3A_135, %scan3A_136 : i32
    %scan3A_138 = arith.constant 1 : i32
    scf.for %scan3A_140 = %scan3A_135 to %scan3A_137 step %scan3A_138  : i32 {
      %mul3A_141 = arith.constant 1 : i32
      %mul3A_142 = arith.muli %scan3A_140, %mul3A_141 : i32
      %add3A_143 = arith.constant 0 : i32
      %add3A_144 = arith.addi %add3A_143, %mul3A_142 : i32
      %dma_wait3A_145 = arith.constant 0 : i32
      %dma_wait3A_146 = arith.constant 0 : i32
      %dma_wait3A_147 = arith.constant 0 : i32
      %dma_wait3A_148 = arith.constant 0 : i32
      %dma_wait3A_149 = arith.constant 0 : i32
      %dma_wait3A_150 = tpu.memref_slice %arg14[%dma_wait3A_148, %dma_wait3A_149] : memref<2x512xf32, #tpu.memory_space<vmem>> -> memref<1x512xf32, #tpu.memory_space<vmem>>
      %dma_wait3A_151 = tpu.memref_squeeze %dma_wait3A_150 : memref<1x512xf32, #tpu.memory_space<vmem>> -> memref<512xf32, #tpu.memory_space<vmem>>
      %dma_wait3A_152 = arith.constant 0 : i32
      %dma_wait3A_153 = tpu.memref_slice %arg3[%dma_wait3A_145, %dma_wait3A_146, %dma_wait3A_147, %dma_wait3A_152] : memref<4x4x2x262144xf32, #tpu.memory_space<hbm>> -> memref<1x1x1x512xf32, #tpu.memory_space<hbm>>
      %dma_wait3A_154 = tpu.memref_squeeze %dma_wait3A_153 : memref<1x1x1x512xf32, #tpu.memory_space<hbm>> -> memref<512xf32, #tpu.memory_space<hbm>>
      %dma_wait3A_155 = arith.constant 0 : i32
      %dma_wait3A_156 = tpu.memref_slice %arg14[%dma_wait3A_148, %dma_wait3A_155] : memref<2x512xf32, #tpu.memory_space<vmem>> -> memref<1x512xf32, #tpu.memory_space<vmem>>
      %dma_wait3A_157 = tpu.memref_squeeze %dma_wait3A_156 : memref<1x512xf32, #tpu.memory_space<vmem>> -> memref<512xf32, #tpu.memory_space<vmem>>
      %dma_wait3A_158 = arith.constant 0 : i32
      %dma_wait3A_159 = tpu.memref_slice %arg3[%dma_wait3A_145, %dma_wait3A_146, %dma_wait3A_147, %dma_wait3A_158] : memref<4x4x2x262144xf32, #tpu.memory_space<hbm>> -> memref<1x1x1x512xf32, #tpu.memory_space<hbm>>
      %dma_wait3A_160 = tpu.memref_squeeze %dma_wait3A_159 : memref<1x1x1x512xf32, #tpu.memory_space<hbm>> -> memref<512xf32, #tpu.memory_space<hbm>>
      tpu.wait_dma2 semaphore(%arg21 : memref<!tpu.dma_semaphore, #tpu.memory_space<semaphore_mem>>) src(%dma_wait3A_160 : memref<512xf32, #tpu.memory_space<hbm>>) dst(%dma_wait3A_157 : memref<512xf32, #tpu.memory_space<vmem>>)
    }
    %scan3A_139 = arith.constant 2 : i32
    return
  }
}

</mosaic_0001>

<sc_bundles>
// kernel: kernel.3.cloned.1.call-start
scs
__scs_entry_jumppad:
0x0: {  	(pc) =	sbr.rel $0x88, $3  }
0x1: {  	(tag) =	ssettag $0x0;
	lr =	simm.s32 $0x1  }
0x2: {  	[smem:$0x3F9E] =	sst lr;
	_ =	strace $0xD0000000  }
0x3: {  	_ = 	snop  }
0x4: {  	_ = 	snop  }
0x5: {  	_ = 	snop  }
0x6: {  	_ = 	snop  }
0x7: {  	_ = 	snop  }
__scs_overlays_trampoline_lowered:
0x8: {  	[smem:$0x3FAD] =	sst s0  }
0x9: {  	[smem:$0x3FAE] =	sst s1  }
0xa: {  	[smem:$0x3FAF] =	sst s2  }
0xb: {  	[smem:$0x3FB0] =	sst s3  }
0xc: {  	[smem:$0x3FB1] =	sst s4  }
0xd: {  	[smem:$0x3FB2] =	sst s5  }
0xe: {  	[smem:$0x3FB3] =	sst s6  }
0xf: {  	[smem:$0x3FB4] =	sst s7  }
0x10: {  	[smem:$0x3FB5] =	sst s8  }
0x11: {  	[smem:$0x3FB6] =	sst s9;
	s0 =	simm.s32 @!p0 $0x0  }
0x12: {  	s1 =	sld [smem:$0x3F9C];
	s0 =	simm.s32 @p0 $0x1  }
0x13: {  	[smem:$0x3FB7] =	sst s0;
	s0 =	simm.s32 @!p1 $0x0  }
0x14: {  	s2 =	sld [smem:$0x3F9B];
	s0 =	simm.s32 @p1 $0x1  }
0x15: {  	[smem:$0x3FB8] =	sst s0;
	s0 =	simm.s32 @!p2 $0x0  }
0x16: {  	s3 =	sld [smem:$0x3FDB];
	s0 =	simm.s32 @p2 $0x1  }
0x17: {  	s4 =	simm.s32 $0x1BF5;
	[smem:$0x3FBA] =	sst s0  }
0x18: {  	s0 =	sld [smem:$0x3F9D];
	_ =	swait.ge [sflag:s4], $0x0  }
0x19: {  	s7 =	sld [smem:$0x3F9E]  }
0x1a: {  	s8 =	sadd.s32 $0xFFFFE003, lr  }
0x1b: {  	s9 =	sadd.s32 $0xFFFFFEF7, lr;
	s5 =	simm.s32 $0xFFFFFFFF;
	p2 =	slt.u32 s8, $0xFFFFF086  }
0x1c: {  	p1 =	slt.u32 s9, $0xF7A;
	s5 =	simm.s32 @!p2 $0x0  }
0x1d: {  	s5 =	simm.s32 @p1 $0x1;
	p0 =	seq.s32 s7, s2  }
0x1e: {  	s7 =	smul.u32 @!p0 $0xF7A, s2;
	p2 =	seq.s32 @!p0 s5, $0x0  }
0x1f: {  	s9 =	smul.u32 $0xF7A, s1;
	s8 =	simm.s32 @!p0 $0x1BF5;
	p2 =	por !p2, p0  }
0x20: {  	[sflag:s8] =	ssyncset.s32 @!p0 $0xFFFFF086;
	s6 =	sadd.s32 @!p0 s3, s7;
	s7 =	simm.s32 @!p0 $0x108  }
0x21: {  	s3 =	sadd.s32 s3, s9;
	s6 =	sadd.s32 @!p0 $0x88, s6;
	s7 =	simm.s32 @p2 $0x1082  }
0x22: {  	[simem:s7], [sflag:s8] =	dma.local @!p0 [hbm:s6], $0xF7A  }
0x23: {  	s9 =	sor.u32 $0xD0000000, s2;
	s6 =	simm.s32 $0x108;
	_ =	swait.ge @!p0 [sflag:s8], $0x0  }
0x24: {  	s3 =	sadd.s32 $0x88, s3;
	s6 =	simm.s32 @!p1 $0x1082;
	[sflag:s4] =	ssyncset.s32 $0xFFFFF086  }
0x25: {  	[simem:s6], [sflag:s4] =	dma.local [hbm:s3], $0xF7A  }
0x26: {  	[smem:$0x3F9E] =	sst s1;
	(tag) =	ssettag s2;
	_ =	strace s9  }
0x27: {  	s1 =	sld [smem:$0x3FAE]  }
0x28: {  	s2 =	sld [smem:$0x3FAF]  }
0x29: {  	s4 =	sld [smem:$0x3FB1]  }
0x2a: {  	p0 =	seq.s32 s5, $0x0;
	s5 =	sld [smem:$0x3FB2]  }
0x2b: {  	s6 =	sld [smem:$0x3FB3]  }
0x2c: {  	s7 =	sld [smem:$0x3FB4]  }
0x2d: {  	s3 =	simm.s32 $0x108;
	s8 =	sld [smem:$0x3FB5]  }
0x2e: {  	s3 =	simm.s32 @!p0 $0x1082;
	s9 =	sld [smem:$0x3FB6]  }
0x2f: {  	lr =	sadd.s32 s0, s3;
	s0 =	sld [smem:$0x3FAD]  }
0x30: {  	s3 =	sld [smem:$0x3FB0]  }
0x31: {  	[smem:$0x3FB9] =	sst s10  }
0x32: {  	s10 =	sld [smem:$0x3FB7];
	_ =	sdelay $0x3  }
0x33: {  	p0 =	seq.s32 s10, $0x1;
	s10 =	sld [smem:$0x3FB9];
	_ =	sdelay $0x3  }
0x34: {  	[smem:$0x3FB9] =	sst s10  }
0x35: {  	s10 =	sld [smem:$0x3FB8];
	_ =	sdelay $0x3  }
0x36: {  	p1 =	seq.s32 s10, $0x1;
	s10 =	sld [smem:$0x3FB9];
	_ =	sdelay $0x3  }
0x37: {  	[smem:$0x3FB9] =	sst s10  }
0x38: {  	s10 =	sld [smem:$0x3FBA]  }
0x39: {  	_ = 	snop;
	(pc) =	sbr.ind lr, $3  }
0x3a: {  	_ = 	snop  }
0x3b: {  	_ = 	snop  }
0x3c: {  	p2 =	seq.s32 s10, $0x1;
	s10 =	sld [smem:$0x3FB9]  }
0x3d: {  	_ =	shalt  }
0x3e: {  	_ =	shalt  }
0x3f: {  	_ =	shalt  }
0x40: {  	_ =	shalt  }
0x41: {  	_ =	shalt  }
0x42: {  	_ =	shalt  }
0x43: {  	_ =	shalt  }
0x44: {  	_ =	shalt  }
0x45: {  	_ =	shalt  }
0x46: {  	_ =	shalt  }
0x47: {  	_ =	shalt  }
0x48: {  	_ =	shalt  }
0x49: {  	_ =	shalt  }
0x4a: {  	_ =	shalt  }
0x4b: {  	_ =	shalt  }
0x4c: {  	_ =	shalt  }
0x4d: {  	_ =	shalt  }
0x4e: {  	_ =	shalt  }
0x4f: {  	_ =	shalt  }
0x50: {  	_ =	shalt  }
0x51: {  	_ =	shalt  }
0x52: {  	_ =	shalt  }
0x53: {  	_ =	shalt  }
0x54: {  	_ =	shalt  }
0x55: {  	_ =	shalt  }
0x56: {  	_ =	shalt  }
0x57: {  	_ =	shalt  }
0x58: {  	_ =	shalt  }
0x59: {  	_ =	shalt  }
0x5a: {  	_ =	shalt  }
0x5b: {  	_ =	shalt  }
0x5c: {  	_ =	shalt  }
0x5d: {  	_ =	shalt  }
0x5e: {  	_ =	shalt  }
0x5f: {  	_ =	shalt  }
0x60: {  	_ =	shalt  }
0x61: {  	_ =	shalt  }
0x62: {  	_ =	shalt  }
0x63: {  	_ =	shalt  }
0x64: {  	_ =	shalt  }
0x65: {  	_ =	shalt  }
0x66: {  	_ =	shalt  }
0x67: {  	_ =	shalt  }
0x68: {  	_ =	shalt  }
0x69: {  	_ =	shalt  }
0x6a: {  	_ =	shalt  }
0x6b: {  	_ =	shalt  }
0x6c: {  	_ =	shalt  }
0x6d: {  	_ =	shalt  }
0x6e: {  	_ =	shalt  }
0x6f: {  	_ =	shalt  }
0x70: {  	_ =	shalt  }
0x71: {  	_ =	shalt  }
0x72: {  	_ =	shalt  }
0x73: {  	_ =	shalt  }
0x74: {  	_ =	shalt  }
0x75: {  	_ =	shalt  }
0x76: {  	_ =	shalt  }
0x77: {  	_ =	shalt  }
0x78: {  	_ =	shalt  }
0x79: {  	_ =	shalt  }
0x7a: {  	_ =	shalt  }
0x7b: {  	_ =	shalt  }
0x7c: {  	_ =	shalt  }
0x7d: {  	_ =	shalt  }
0x7e: {  	_ =	shalt  }
0x7f: {  	_ =	shalt  }
0x80: {  	_ =	shalt  }
0x81: {  	_ =	shalt  }
0x82: {  	_ =	shalt  }
0x83: {  	_ =	shalt  }
0x84: {  	_ =	shalt  }
0x85: {  	_ =	shalt  }
0x86: {  	_ =	shalt  }
0x87: {  	_ =	shalt  }
.Lfunc_end0:
.L_simem_size_0:
called_computation_lowered:
.L_overlay_start_0:
0x88: {  	s2 =	sld [smem:$0x3FD9]  }
0x89: {  	s3 =	sld [smem:$0x3FFE];
	_ =	sdelay $0x1  }
0x8a: {  	s1 =	srdreg.scid  }
0x8b: {  	s0 =	sand.u32 $0x1, s1  }
0x8c: {  	s17 =	sshll.u32 s0, $0xA;
	s2 =	sadd.s32 s3, s2  }
0x8d: {  	s2 =	sadd.s32 s2, s17  }
0x8e: {  	[smem:$0x3FC5] =	sst s2  }
0x8f: {  	_ = 	snop  }
0x90: {  	s2 =	sld [smem:$0x3FD0];
	(tm) =	ssettm $0x1  }
0x91: {  	s18 =	sld [smem:$0x3FFB];
	_ =	sdelay $0x3  }
0x92: {  	_ =	strace s18  }
0x93: {  	s3 =	sld [smem:$0x3FFC];
	_ =	sdelay $0x3  }
0x94: {  	_ =	strace s3  }
0x95: {  	s3 =	sld [smem:$0x3FFD];
	_ =	sdelay $0x3  }
0x96: {  	_ =	strace s3  }
0x97: {  	_ =	strace $0x8FFFFFFF  }
0x98: {  	s19 =	sld [smem:$0x3FDB];
	_ =	sdelay $0x1  }
0x99: {  	s4 =	simm.s32 $_scs_section_size  }
0x9a: {  	s5 =	simm.s32 $_size__tile_overlayer_lowered;
	s6 =	simm.s32 $_tile_overlayer_lowered  }
0x9b: {  	s22 =	simm.s32 $0x1BFF;
	s21 =	sshll.u32 s6, $0x1;
	s3 =	sadd.s32 s4, s19  }
0x9c: {  	s7 =	simm.s32 $0x0;
	s20 =	sshll.u32 s5, $0x1;
	s5 =	sadd.s32 s21, s3  }
0x9d: {  	[timem:s7], [sflag:s22] =	dma.local [hbm:s5], s20  }
0x9e: {  	_ =	swait.ge [sflag:s22], s20  }
0x9f: {  	s4 =	ssub.s32 $0x0, s20;
	[sflag:s22] =	ssyncset.done $0x0  }
0xa0: {  	[sflag:s22] =	ssyncadd.s32 s4;
	_ =	sdelay $0x1  }
0xa1: {  	s23 =	simm.s32 $0x1B8B  }
0xa2: {  	_ =	swait.ge [sflag:s23], $0x1  }
0xa3: {  	[sflag:s23] =	ssyncset.done $0x0  }
0xa4: {  	s25 =	simm.s32 $0x1B8E;
	s24 =	sld [smem:$0x3FFE];
	[sflag:s23] =	ssyncadd.s32 $0xFFFFFFFF  }
0xa5: {  	s26 =	simm.s32 $execute0_lowered;
	[smem:$0x3FD2] =	sst s25  }
0xa6: {  	s5 =	sshll.u32 s26, $0x1;
	_ =	strace $0x80000046;
	[dreg:$0x1] =	wrdreg $0xFFFFFFFF  }
0xa7: {  	s28 =	simm.s32 $_size_execute0_lowered;
	s3 =	sadd.s32 s3, s5;
	[dreg:$0x0] =	wrdreg $0x0  }
0xa8: {  	s5 =	sshll.u32 s28, $0x1;
	[dreg:$0x2] =	wrdreg s3  }
0xa9: {  	[dreg:$0x3] =	wrdreg s5  }
0xaa: {  	[dreg:$0x4] =	wrdreg $0xC0  }
0xab: {  	_ =	task [dreg:s7], $0x5FFFF  }
0xac: {  	[dreg:$0x1] =	wrdreg $0xFFFFFFFF  }
0xad: {  	[dreg:$0x0] =	wrdreg $0x60  }
0xae: {  	[dreg:$0x2] =	wrdreg s2  }
0xaf: {  	[dreg:$0x3] =	wrdreg s24  }
0xb0: {  	[dreg:$0x4] =	wrdreg $0xC8000  }
0xb1: {  	[dreg:$0x5] =	wrdreg $0x9  }
0xb2: {  	_ =	task.clear_ibuf [dreg:s7], $0x6FFFF;
	_ =	strace $0x90000046  }
0xb3: {  	s29 =	simm.s32 $0x9;
	_ =	strace $0x80000048  }
0xb4: {  	_ =	swait.ge [sflag:s29], $0x1  }
0xb5: {  	[sflag:s29] =	ssyncadd.s32 $0xFFFFFFFF  }
0xb6: {  	_ =	strace $0x90000048  }
0xb7: {  	_ =	sfence  }
0xb8: {  	s30 =	sld [smem:$0x0];
	_ =	sdelay $0x2  }
0xb9: {  	s31 =	sshll.u32 s1, $0xD;
	s1 =	sshrl.u32 s1, $0x2  }
0xba: {  	s3 =	sand.u32 $0x4000, s31;
	s1 =	sadd.s32 s1, s30  }
0xbb: {  	s0 =	sor.u32 s3, s0;
	s1 =	sshll.u32 s1, $0x11  }
0xbc: {  	s0 =	sor.u32 s1, s0  }
0xbd: {  	s0 =	sadd.s32 $0x8F2B, s0  }
0xbe: {  	[sflag:s0] =	ssyncadd.remote.s32 $0x1  }
0xbf: {  	_ =	sfence.sel $0xFFFF  }
0xc0: {  	[dreg:$0x0] =	wrdreg $0xFFFFFFFF;
	(pc) =	sbr.abs _section_cstart, $3  }
0xc1: {  	[dreg:$0x1] =	wrdreg $0xFFFFFFFF  }
0xc2: {  	_ =	task.clear_ibuf [dreg:s7], $0x2FFFF;
	_ =	strace $0x9FFFFFFF  }
0xc3: {  	(tm) =	ssettm $0x7FFFFFFF  }
tec
execute0_lowered:
.L_overlay_start_1:
0x0: {  	(tag) =	ssettag $0x1  }
0x1: {  	s0 =	rddreg [dreg:$0x1]  }
0x2: {  	s2 =	rddreg [dreg:$0x2]  }
0x3: {  	s3 =	simm.s32 $0x0;
	s1 =	stileid.u32;
	s6 =	srdreg.scid  }
0x4: {  	s19 =	simm.s32 $0x1;
	s18 =	simm.s32 $0x3;
	s14 =	simm.s32 $0xC580  }
0x5: {  	s15 =	simm.s32 $0xC680;
	[smem:$0x7FF] =	sst s3;
	s4 =	sadd.s32 $0x400, s0  }
0x6: {  	s7 =	sshll.u32 s1, $0x1;
	s5 =	sadd.s32 $0x100400, s0;
	s10 =	sand.u32 $0x1, s6  }
0x7: {  	s11 =	sshrl.u32 s1, $0x2;
	s25 =	sand.u32 $0x3, s1;
	p0 =	sne.s32 s1, $0x0  }
0x8: {  	s1 =	simm.s32 $0x0;
	_ =	strace $0x80000047;
	s20 =	sand.u32 $0x6, s7  }
0x9: {  	s8 =	ssub.s32 $0x2, s10;
	s6 =	sshll.u32 s11, $0x13;
	s7 =	sadd.s32 $0x200400, s0  }
0xa: {  	s22 =	sshll.u32 s11, $0x12;
	s11 =	sshll.u32 s25, $0x11;
	s9 =	sor.u32 s10, s20  }
0xb: {  	s12 =	sshrl.u32 s8, $0x1;
	s11 =	sor.u32 s11, s6;
	s10 =	sshll.u32 s10, $0x10  }
0xc: {  	s13 =	sshll.u32 s9, $0x10;
	s21 =	ssub.s32 s8, s12;
	s16 =	sor.u32 s10, s11  }
0xd: {  	s8 =	sor.u32 s6, s13;
	s0 =	smax.u32 s21, $0x1;
	[dreg:$0x9] =	wrdreg s16  }
0xe: {  	s30 =	sor.u32 $0x800, s16;
	s23 =	sshrl.u32 s8, $0x3;
	[dreg:$0x4] =	wrdreg s0  }
0xf: {  	s31 =	sor.u32 $0xC00, s16;
	[dreg:$0xa] =	wrdreg s30;
	s24 =	sadd.s32 s23, s7  }
0x10: {  	s25 =	simm.s32 $0x2;
	[dreg:$0xb] =	wrdreg s31;
	s26 =	sadd.s32 $0x1F80, s24  }
0x11: {  	s20 =	simm.s32 $0x2000;
	s28 =	sadd.s32 $0x1F00, s24;
	[dreg:$0x5] =	wrdreg s26  }
0x12: {  	s9 =	sshll.u32 s9, $0xF;
	s29 =	sadd.s32 $0x1F10, s24;
	[dreg:$0x6] =	wrdreg s28  }
0x13: {  	s11 =	simm.s32 $0xC600;
	s0 =	sadd.s32 $0x1F90, s24;
	[dreg:$0x7] =	wrdreg s29  }
0x14: {  	s12 =	simm.s32 $0xC700;
	[dreg:$0x8] =	wrdreg s0;
	s0 =	sshrl.u32 @!p0 s2, $0x3  }
0x15: {  	v0 =	vmov s22;
	s13 =	simm.s32 $0xC480;
	s21 =	simm.s32 $0xC780;
	[dreg:$0xc] =	wrdreg s0  }
.LBB2_1:
0x16: {  	[dreg:$0xd] =	wrdreg s1  }
0x17: {  	s1 =	rddreg [dreg:$0x0]  }
0x18: {  	s0 =	simm.s32 @!p0 $0x1C06;
	s10 =	rddreg [dreg:$0xc];
	s26 =	simm.s32 $0x0  }
0x19: {  	[spmem:s10], [sflag:s0] =	dma.local @!p0 [hbm:s1], $0x20000  }
0x1a: {  	s1 =	simm.s32 @!p0 $0x6;
	s0 =	smul.u32 $0x7FFF80, s26  }
0x1b: {  	_ =	swait.ge @!p0 [sflag:s1], $0x20000  }
0x1c: {  	s28 =	simm.s32 $0x0;
	[sflag:s1] =	ssyncset.done @!p0 $0x0;
	s0 =	ssub.s32 s16, s0  }
0x1d: {  	s22 =	simm.s32 $0x400;
	[sflag:s1] =	ssyncadd.s32 @!p0 $0xFFFE0000;
	s0 =	sshrl.u32 s0, $0x3  }
0x1e: {  	s17 =	simm.s32 $0x800;
	[bflag:$0x0] =	sbarrier.arrive $0xFFFF;
	s29 =	sadd.s32 s4, s0  }
0x1f: {  	[tilespmem:s28], [sflag:$0x1] =	stream.linear.gather [hbm4b:s29+s3], $0x80, $0x38;
	[tilespmem:$0x1C800] =	vst v63  }
0x20: {  	s24 =	simm.s32 $0xC00;
	s26 =	simm.s32 $0x2000;
	s30 =	sadd.s32 $0x20, s29  }
0x21: {  	[tilespmem:s22], [sflag:$0x1] =	stream.linear.gather [hbm4b:s30+s3], $0x80, $0x38;
	[tilespmem:$0x1C800] =	vst v63  }
0x22: {  	s10 =	sadd.s32 $0x200000, s16;
	s1 =	simm.s32 $0x400;
	s31 =	sadd.s32 $0x40, s29  }
0x23: {  	[tilespmem:s17], [sflag:$0x1] =	stream.linear.gather [hbm4b:s31+s3], $0x80, $0x38;
	[tilespmem:$0x1C800] =	vst v63  }
0x24: {  	s23 =	sadd.s32 $0x60, s29;
	s29 =	simm.s32 $0x2400;
	s22 =	simm.s32 $0x1  }
0x25: {  	[tilespmem:s24], [sflag:$0x1] =	stream.linear.gather [hbm4b:s23+s3], $0x80, $0x38;
	[tilespmem:$0x1C800] =	vst v63  }
0x26: {  	s31 =	simm.s32 $0x2800;
	s24 =	sadd.s32 s5, s0;
	s0 =	simm.s32 $0x200  }
0x27: {  	[tilespmem:s26], [sflag:$0x1] =	stream.linear.gather [hbm4b:s24+s3], $0x80, $0x38;
	[tilespmem:$0x1C800] =	vst v63  }
0x28: {  	s23 =	simm.s32 $0x0;
	s28 =	sadd.s32 $0x20, s24;
	s30 =	sadd.s32 $0x40, s24  }
0x29: {  	[tilespmem:s29], [sflag:$0x1] =	stream.linear.gather [hbm4b:s28+s3], $0x80, $0x38;
	[tilespmem:$0x1C800] =	vst v63  }
0x2a: {  	s23 =	smul.u32 $0x7FFF80, s23;
	s24 =	sadd.s32 $0x60, s24;
	s26 =	simm.s32 $0x2C00  }
0x2b: {  	[tilespmem:s31], [sflag:$0x1] =	stream.linear.gather [hbm4b:s30+s3], $0x80, $0x38;
	[tilespmem:$0x1C800] =	vst v63  }
.LBB2_2:
0x2c: {  	[tilespmem:s26], [sflag:$0x1] =	stream.linear.gather [hbm4b:s24+s3], $0x80, $0x38;
	[tilespmem:$0x1C800] =	vst v63  }
0x2d: {  	s24 =	smov.u32 s1  }
0x2e: {  	p1 =	sne.s32 s1, $0xE00;
	s1 =	sadd.s32 $0x200, s1;
	s23 =	ssub.s32 s10, s23  }
0x2f: {  	s23 =	sshrl.u32 s23, $0x3  }
0x30: {  	s26 =	sshra.s32 s0, $0x2;
	s0 =	smov.u32 s24;
	s28 =	sadd.s32 s4, s23  }
0x31: {  	[tilespmem:s26], [sflag:$0x1] =	stream.linear.gather [hbm4b:s28+s3], $0x80, $0x38;
	[tilespmem:$0x1C800] =	vst v63  }
0x32: {  	s29 =	sadd.s32 $0x400, s26;
	s24 =	sadd.s32 $0x20, s28  }
0x33: {  	[tilespmem:s29], [sflag:$0x1] =	stream.linear.gather [hbm4b:s24+s3], $0x80, $0x38;
	[tilespmem:$0x1C800] =	vst v63  }
0x34: {  	s24 =	sadd.s32 $0x40, s28;
	s29 =	sadd.s32 $0x800, s26  }
0x35: {  	[tilespmem:s29], [sflag:$0x1] =	stream.linear.gather [hbm4b:s24+s3], $0x80, $0x38;
	[tilespmem:$0x1C800] =	vst v63  }
0x36: {  	s22 =	sadd.s32 $0x1, s22;
	s24 =	sadd.s32 $0x60, s28;
	s28 =	sadd.s32 $0xC00, s26  }
0x37: {  	[tilespmem:s28], [sflag:$0x1] =	stream.linear.gather [hbm4b:s24+s3], $0x80, $0x38;
	[tilespmem:$0x1C800] =	vst v63  }
0x38: {  	s10 =	sadd.s32 $0x200000, s10;
	s24 =	sadd.s32 $0x2000, s26;
	s28 =	sadd.s32 s5, s23  }
0x39: {  	[tilespmem:s24], [sflag:$0x1] =	stream.linear.gather [hbm4b:s28+s3], $0x80, $0x38;
	[tilespmem:$0x1C800] =	vst v63  }
.Ltmp0:
0x3a: {  	s23 =	sadd.s32 $0x20, s28;
	s24 =	sadd.s32 $0x2400, s26;
	(pc) =	sbr.rel @p1 .LBB2_2-.Ltmp0, $4  }
0x3b: {  	[tilespmem:s24], [sflag:$0x1] =	stream.linear.gather [hbm4b:s23+s3], $0x80, $0x38;
	[tilespmem:$0x1C800] =	vst v63  }
0x3c: {  	s29 =	sadd.s32 $0x2800, s26;
	s23 =	sshrl.u32 s22, $0x2;
	s24 =	sadd.s32 $0x40, s28  }
0x3d: {  	[tilespmem:s29], [sflag:$0x1] =	stream.linear.gather [hbm4b:s24+s3], $0x80, $0x38;
	[tilespmem:$0x1C800] =	vst v63  }
0x3e: {  	s26 =	sadd.s32 $0x2C00, s26;
	s23 =	smul.u32 $0x7FFF80, s23;
	s24 =	sadd.s32 $0x60, s28  }
0x3f: {  	[tilespmem:s26], [sflag:$0x1] =	stream.linear.gather [hbm4b:s24+s3], $0x80, $0x38;
	[tilespmem:$0x1C800] =	vst v63  }
0x40: {  	s1 =	ssub.s32 s10, s23  }
0x41: {  	s1 =	sshrl.u32 s1, $0x3  }
0x42: {  	s0 =	sshra.s32 s0, $0x2;
	s28 =	sadd.s32 s4, s1  }
0x43: {  	[tilespmem:s0], [sflag:$0x1] =	stream.linear.gather [hbm4b:s28+s3], $0x80, $0x38;
	[tilespmem:$0x1C800] =	vst v63  }
0x44: {  	s29 =	sadd.s32 $0x400, s0;
	s22 =	sadd.s32 $0x20, s28  }
0x45: {  	[tilespmem:s29], [sflag:$0x1] =	stream.linear.gather [hbm4b:s22+s3], $0x80, $0x38;
	[tilespmem:$0x1C800] =	vst v63  }
0x46: {  	s31 =	sadd.s32 $0x800, s0;
	s30 =	sadd.s32 $0x40, s28  }
0x47: {  	[tilespmem:s31], [sflag:$0x1] =	stream.linear.gather [hbm4b:s30+s3], $0x80, $0x38;
	[tilespmem:$0x1C800] =	vst v63  }
0x48: {  	s17 =	sadd.s32 $0xC00, s0;
	s10 =	sadd.s32 $0x60, s28  }
0x49: {  	[tilespmem:s17], [sflag:$0x1] =	stream.linear.gather [hbm4b:s10+s3], $0x80, $0x38;
	[tilespmem:$0x1C800] =	vst v63  }
0x4a: {  	s23 =	sadd.s32 $0x2000, s0;
	s1 =	sadd.s32 s5, s1  }
0x4b: {  	[tilespmem:s23], [sflag:$0x1] =	stream.linear.gather [hbm4b:s1+s3], $0x80, $0x38;
	[tilespmem:$0x1C800] =	vst v63  }
0x4c: {  	s26 =	sadd.s32 $0x2400, s0;
	s24 =	sadd.s32 $0x20, s1  }
0x4d: {  	[tilespmem:s26], [sflag:$0x1] =	stream.linear.gather [hbm4b:s24+s3], $0x80, $0x38;
	[tilespmem:$0x1C800] =	vst v63  }
0x4e: {  	s28 =	sadd.s32 $0x40, s1;
	s29 =	sadd.s32 $0x2800, s0  }
0x4f: {  	[tilespmem:s29], [sflag:$0x1] =	stream.linear.gather [hbm4b:s28+s3], $0x80, $0x38;
	[tilespmem:$0x1C800] =	vst v63  }
0x50: {  	s0 =	sadd.s32 $0x2C00, s0;
	s1 =	sadd.s32 $0x60, s1  }
0x51: {  	[tilespmem:s0], [sflag:$0x1] =	stream.linear.gather [hbm4b:s1+s3], $0x80, $0x38;
	[tilespmem:$0x1C800] =	vst v63  }
0x52: {  	_ =	swait.ge [sflag:s19], $0x200  }
0x53: {  	[sflag:s19] =	ssyncset.done $0x0  }
0x54: {  	[sflag:s19] =	ssyncadd.s32 $0xFFFFFE00  }
0x55: {  	_ =	swait.ge [sflag:s19], $0x200  }
0x56: {  	[sflag:s19] =	ssyncset.done $0x0  }
0x57: {  	[sflag:s19] =	ssyncadd.s32 $0xFFFFFE00  }
0x58: {  	_ =	swait.ge [sflag:s19], $0x200  }
0x59: {  	[sflag:s19] =	ssyncset.done $0x0  }
0x5a: {  	[sflag:s19] =	ssyncadd.s32 $0xFFFFFE00  }
0x5b: {  	_ =	swait.ge [sflag:s19], $0x200  }
0x5c: {  	[sflag:s19] =	ssyncset.done $0x0  }
0x5d: {  	[sflag:s19] =	ssyncadd.s32 $0xFFFFFE00  }
0x5e: {  	_ =	swait.ge [sflag:s19], $0x200  }
0x5f: {  	[sflag:s19] =	ssyncset.done $0x0  }
0x60: {  	[sflag:s19] =	ssyncadd.s32 $0xFFFFFE00  }
0x61: {  	_ =	swait.ge [sflag:s19], $0x200  }
0x62: {  	[sflag:s19] =	ssyncset.done $0x0  }
0x63: {  	[sflag:s19] =	ssyncadd.s32 $0xFFFFFE00  }
0x64: {  	_ =	swait.ge [sflag:s19], $0x200  }
0x65: {  	[sflag:s19] =	ssyncset.done $0x0  }
0x66: {  	[sflag:s19] =	ssyncadd.s32 $0xFFFFFE00  }
0x67: {  	_ =	swait.ge [sflag:s19], $0x200  }
0x68: {  	[sflag:s19] =	ssyncset.done $0x0  }
0x69: {  	[sflag:s19] =	ssyncadd.s32 $0xFFFFFE00  }
0x6a: {  	_ =	swait.ge [sflag:s19], $0x200  }
0x6b: {  	[sflag:s19] =	ssyncset.done $0x0  }
0x6c: {  	[sflag:s19] =	ssyncadd.s32 $0xFFFFFE00  }
0x6d: {  	_ =	swait.ge [sflag:s19], $0x200  }
0x6e: {  	[sflag:s19] =	ssyncset.done $0x0  }
0x6f: {  	[sflag:s19] =	ssyncadd.s32 $0xFFFFFE00  }
0x70: {  	_ =	swait.ge [sflag:s19], $0x200  }
0x71: {  	[sflag:s19] =	ssyncset.done $0x0  }
0x72: {  	[sflag:s19] =	ssyncadd.s32 $0xFFFFFE00  }
0x73: {  	_ =	swait.ge [sflag:s19], $0x200  }
0x74: {  	[sflag:s19] =	ssyncset.done $0x0  }
0x75: {  	[sflag:s19] =	ssyncadd.s32 $0xFFFFFE00  }
0x76: {  	_ =	swait.ge [sflag:s19], $0x200  }
0x77: {  	[sflag:s19] =	ssyncset.done $0x0  }
0x78: {  	[sflag:s19] =	ssyncadd.s32 $0xFFFFFE00  }
0x79: {  	_ =	swait.ge [sflag:s19], $0x200  }
0x7a: {  	[sflag:s19] =	ssyncset.done $0x0  }
0x7b: {  	[sflag:s19] =	ssyncadd.s32 $0xFFFFFE00  }
0x7c: {  	_ =	swait.ge [sflag:s19], $0x200  }
0x7d: {  	[sflag:s19] =	ssyncset.done $0x0  }
0x7e: {  	[sflag:s19] =	ssyncadd.s32 $0xFFFFFE00  }
0x7f: {  	s1 =	simm.s32 $0x0;
	_ =	swait.ge [sflag:s19], $0x200  }
0x80: {  	s30 =	sand.u32 $0x70, s1;
	s31 =	sand.u32 $0xC00, s1;
	[sflag:s19] =	ssyncset.done $0x0  }
0x81: {  	s0 =	sor.u32 s30, s31;
	[sflag:s19] =	ssyncadd.s32 $0xFFFFFE00  }
0x82: {  	v4 =	vld [tilespmem:s0+$0x2000]  }
0x83: {  	v1 =	vld [tilespmem:s0+$0x2380]  }
0x84: {  	s22 =	simm.s32 $0x4000;
	v2 =	vld [tilespmem:s0+$0x2200]  }
0x85: {  	s10 =	simm.s32 $0x0;
	s23 =	simm.s32 $0x4000;
	s24 =	simm.s32 $0x10;
	v3 =	vld [tilespmem:s0+$0x2280]  }
.LBB2_4:
0x86: {  	p1 =	sne.s32 s24, $0x1F0;
	v5 =	vld [tilespmem:s0+$0x2300];
	s1 =	sadd.s32 $0x80, s1;
	s22 =	sadd.s32 $0x10, s22  }
0x87: {  	s28 =	smov.u32 s24;
	s24 =	sadd.s32 $0x10, s24;
	v4 =	vshll.u32 v4, $0x9  }
0x88: {  	v4 =	vadd.s32 v0, v4  }
0x89: {  	v6 =	vadd.s32 v2, v4;
	v7 =	vadd.s32 v1, v4  }
0x8a: {  	s26 =	sand.u32 $0x1F0, s10;
	s10 =	smov.u32 s28;
	[tilespmem:s23+$0x0] =	vst v6;
	v6 =	vadd.s32 v3, v4;
	s23 =	smov.u32 s22  }
0x8b: {  	v4 =	vadd.s32 v5, v4;
	[tilespmem:s26+$0x4600] =	vst v7  }
0x8c: {  	[tilespmem:s26+$0x4200] =	vst v6  }
0x8d: {  	[tilespmem:s26+$0x4400] =	vst v4  }
0x8e: {  	v4 =	vld [tilespmem:s0+$0x2080];
	_ =	sdelay $0x1  }
0x8f: {  	s29 =	sand.u32 $0xC00, s1;
	s28 =	sand.u32 $0x70, s10  }
0x90: {  	s28 =	sor.u32 s28, s29;
	_ =	sdelay $0x1  }
0x91: {  	v4 =	vshll.u32 v4, $0x9  }
0x92: {  	v4 =	vadd.s32 v0, v4  }
0x93: {  	v6 =	vadd.s32 v2, v4;
	v7 =	vadd.s32 v3, v4;
	v8 =	vadd.s32 v5, v4  }
0x94: {  	v4 =	vadd.s32 v1, v4;
	[tilespmem:s26+$0x4800] =	vst v6  }
0x95: {  	[tilespmem:s26+$0x4C00] =	vst v8  }
0x96: {  	[tilespmem:s26+$0x4E00] =	vst v4  }
0x97: {  	[tilespmem:s26+$0x4A00] =	vst v7  }
0x98: {  	v4 =	vld [tilespmem:s0+$0x2100];
	_ =	sdelay $0x4  }
0x99: {  	v4 =	vshll.u32 v4, $0x9  }
0x9a: {  	v4 =	vadd.s32 v0, v4  }
0x9b: {  	v6 =	vadd.s32 v2, v4;
	v7 =	vadd.s32 v3, v4;
	v8 =	vadd.s32 v5, v4  }
0x9c: {  	v4 =	vadd.s32 v1, v4;
	[tilespmem:s26+$0x5000] =	vst v6  }
0x9d: {  	[tilespmem:s26+$0x5600] =	vst v4  }
0x9e: {  	[tilespmem:s26+$0x5400] =	vst v8  }
0x9f: {  	[tilespmem:s26+$0x5200] =	vst v7  }
0xa0: {  	v4 =	vld [tilespmem:s0+$0x2180];
	s0 =	smov.u32 s28;
	_ =	sdelay $0x4  }
0xa1: {  	v4 =	vshll.u32 v4, $0x9  }
0xa2: {  	v4 =	vadd.s32 v0, v4  }
0xa3: {  	v2 =	vadd.s32 v2, v4;
	v3 =	vadd.s32 v3, v4;
	v5 =	vadd.s32 v5, v4  }
0xa4: {  	v1 =	vadd.s32 v1, v4;
	[tilespmem:s26+$0x5C00] =	vst v5  }
0xa5: {  	[tilespmem:s26+$0x5800] =	vst v2  }
0xa6: {  	[tilespmem:s26+$0x5A00] =	vst v3  }
.Ltmp1:
0xa7: {  	[tilespmem:s26+$0x5E00] =	vst v1;
	(pc) =	sbr.rel @p1 .LBB2_4-.Ltmp1, $4  }
0xa8: {  	v4 =	vld [tilespmem:s0+$0x2000]  }
0xa9: {  	v1 =	vld [tilespmem:s0+$0x2380]  }
0xaa: {  	v2 =	vld [tilespmem:s0+$0x2200]  }
0xab: {  	v3 =	vld [tilespmem:s0+$0x2280]  }
0xac: {  	_ = 	snop  }
0xad: {  	v5 =	vld [tilespmem:s0+$0x2300];
	v4 =	vshll.u32 v4, $0x9  }
0xae: {  	v4 =	vadd.s32 v0, v4  }
0xaf: {  	v6 =	vadd.s32 v2, v4  }
0xb0: {  	s1 =	sand.u32 $0x1F0, s10;
	v7 =	vadd.s32 v1, v4;
	[tilespmem:s23+$0x0] =	vst v6  }
0xb1: {  	v57 =	vadd.s32 v3, v4;
	[tilespmem:s1+$0x4600] =	vst v7  }
0xb2: {  	v4 =	vadd.s32 v5, v4;
	[tilespmem:s1+$0x4200] =	vst v57  }
0xb3: {  	[tilespmem:s1+$0x4400] =	vst v4  }
0xb4: {  	v4 =	vld [tilespmem:s0+$0x2080];
	_ =	sdelay $0x4  }
0xb5: {  	v4 =	vshll.u32 v4, $0x9  }
0xb6: {  	v4 =	vadd.s32 v0, v4  }
0xb7: {  	v58 =	vadd.s32 v2, v4  }
0xb8: {  	v59 =	vadd.s32 v5, v4;
	[tilespmem:s1+$0x4800] =	vst v58  }
0xb9: {  	v60 =	vadd.s32 v1, v4;
	[tilespmem:s1+$0x4C00] =	vst v59  }
0xba: {  	v4 =	vadd.s32 v3, v4;
	[tilespmem:s1+$0x4E00] =	vst v60  }
0xbb: {  	[tilespmem:s1+$0x4A00] =	vst v4  }
0xbc: {  	v4 =	vld [tilespmem:s0+$0x2100];
	_ =	sdelay $0x4  }
0xbd: {  	v4 =	vshll.u32 v4, $0x9  }
0xbe: {  	v4 =	vadd.s32 v0, v4  }
0xbf: {  	v61 =	vadd.s32 v2, v4  }
0xc0: {  	v62 =	vadd.s32 v1, v4;
	[tilespmem:s1+$0x5000] =	vst v61  }
0xc1: {  	v63 =	vadd.s32 v5, v4;
	[tilespmem:s1+$0x5600] =	vst v62  }
0xc2: {  	v4 =	vadd.s32 v3, v4;
	[tilespmem:s1+$0x5400] =	vst v63  }
0xc3: {  	[tilespmem:s1+$0x5200] =	vst v4  }
0xc4: {  	v4 =	vld [tilespmem:s0+$0x2180];
	_ =	sdelay $0x4  }
0xc5: {  	v4 =	vshll.u32 v4, $0x9  }
0xc6: {  	s17 =	simm.s32 $0x0;
	v4 =	vadd.s32 v0, v4  }
0xc7: {  	s0 =	smul.u32 $0x7FFF80, s17;
	v5 =	vadd.s32 v5, v4  }
0xc8: {  	v2 =	vadd.s32 v2, v4;
	[tilespmem:s1+$0x5C00] =	vst v5  }
0xc9: {  	s0 =	ssub.s32 s16, s0;
	v3 =	vadd.s32 v3, v4;
	[tilespmem:s1+$0x5800] =	vst v2  }
0xca: {  	s22 =	simm.s32 $0x4000;
	s24 =	simm.s32 $0x1000;
	s0 =	sshrl.u32 s0, $0x3;
	v1 =	vadd.s32 v1, v4;
	[tilespmem:s1+$0x5A00] =	vst v3  }
0xcb: {  	s31 =	simm.s32 $0x1400;
	s23 =	simm.s32 $0x8000;
	s10 =	sor.u32 $0x80, s0;
	[tilespmem:s1+$0x5E00] =	vst v1  }
0xcc: {  	[tilespmem:s23], [sflag:$0x2] =	stream.indirect.gather [spmem:s2], $0x1, s22, s20, $0xb8;
	[tilespmem:$0x1C800] =	vst v63  }
0xcd: {  	s30 =	simm.s32 $0x3800;
	s22 =	simm.s32 $0x0;
	s23 =	sadd.s32 s4, s10  }
0xce: {  	[tilespmem:s24], [sflag:$0x1] =	stream.linear.gather [hbm4b:s23+s22], $0x80, $0x38;
	[tilespmem:$0x1C800] =	vst v63  }
0xcf: {  	s0 =	simm.s32 $0x200;
	s1 =	simm.s32 $0x0;
	s26 =	sadd.s32 $0x20, s23  }
0xd0: {  	[tilespmem:s31], [sflag:$0x1] =	stream.linear.gather [hbm4b:s26+s22], $0x80, $0x38;
	[tilespmem:$0x1C800] =	vst v63  }
0xd1: {  	s17 =	sadd.s32 $0x40, s23;
	s24 =	simm.s32 $0x1800;
	s23 =	sadd.s32 $0x60, s23  }
0xd2: {  	[tilespmem:s24], [sflag:$0x1] =	stream.linear.gather [hbm4b:s17+s22], $0x80, $0x38;
	[tilespmem:$0x1C800] =	vst v63  }
0xd3: {  	s26 =	simm.s32 $0x1C00;
	s31 =	simm.s32 $0x3000;
	s17 =	simm.s32 $0x0  }
0xd4: {  	[tilespmem:s26], [sflag:$0x1] =	stream.linear.gather [hbm4b:s23+s22], $0x80, $0x38;
	[tilespmem:$0x1C800] =	vst v63  }
0xd5: {  	s24 =	simm.s32 $0x1;
	s28 =	smul.u32 $0x7FFF80, s17;
	s26 =	sadd.s32 s5, s10  }
0xd6: {  	[tilespmem:s31], [sflag:$0x1] =	stream.linear.gather [hbm4b:s26+s22], $0x80, $0x38;
	[tilespmem:$0x1C800] =	vst v63  }
0xd7: {  	s23 =	sadd.s32 $0x200000, s16;
	s10 =	sadd.s32 $0x20, s26;
	s31 =	simm.s32 $0x3400  }
0xd8: {  	[tilespmem:s31], [sflag:$0x1] =	stream.linear.gather [hbm4b:s10+s22], $0x80, $0x38;
	[tilespmem:$0x1C800] =	vst v63  }
0xd9: {  	s28 =	ssub.s32 s23, s28;
	s29 =	sadd.s32 $0x40, s26;
	s10 =	simm.s32 $0x400  }
.LBB2_6:
0xda: {  	[tilespmem:s30], [sflag:$0x1] =	stream.linear.gather [hbm4b:s29+s22], $0x80, $0x38;
	[tilespmem:$0x1C800] =	vst v63  }
0xdb: {  	s29 =	smov.u32 s0;
	s0 =	smov.u32 s10  }
0xdc: {  	s28 =	sshrl.u32 s28, $0x3;
	s26 =	sadd.s32 $0x60, s26;
	s30 =	sadd.s32 $0x3C00, s1  }
0xdd: {  	p1 =	sne.s32 s10, $0xE00;
	s1 =	sshra.s32 s29, $0x2;
	s28 =	sor.u32 $0x80, s28  }
0xde: {  	[tilespmem:s30], [sflag:$0x1] =	stream.linear.gather [hbm4b:s26+s22], $0x80, $0x38;
	[tilespmem:$0x1C800] =	vst v63  }
0xdf: {  	s10 =	sadd.s32 $0x200, s10;
	s29 =	sadd.s32 s4, s28;
	s26 =	sadd.s32 $0x1000, s1  }
0xe0: {  	[tilespmem:s26], [sflag:$0x1] =	stream.linear.gather [hbm4b:s29+s22], $0x80, $0x38;
	[tilespmem:$0x1C800] =	vst v63  }
0xe1: {  	s23 =	sadd.s32 $0x200000, s23;
	s30 =	sadd.s32 $0x1400, s1;
	s26 =	sadd.s32 $0x20, s29  }
0xe2: {  	[tilespmem:s30], [sflag:$0x1] =	stream.linear.gather [hbm4b:s26+s22], $0x80, $0x38;
	[tilespmem:$0x1C800] =	vst v63  }
0xe3: {  	s24 =	sadd.s32 $0x1, s24;
	s26 =	sadd.s32 $0x40, s29;
	s30 =	sadd.s32 $0x1800, s1  }
0xe4: {  	[tilespmem:s30], [sflag:$0x1] =	stream.linear.gather [hbm4b:s26+s22], $0x80, $0x38;
	[tilespmem:$0x1C800] =	vst v63  }
0xe5: {  	s26 =	sadd.s32 $0x60, s29;
	s29 =	sadd.s32 $0x1C00, s1;
	s30 =	sadd.s32 $0x3000, s1  }
0xe6: {  	[tilespmem:s29], [sflag:$0x1] =	stream.linear.gather [hbm4b:s26+s22], $0x80, $0x38;
	[tilespmem:$0x1C800] =	vst v63  }
.Ltmp2:
0xe7: {  	s29 =	sshrl.u32 s24, $0x2;
	s26 =	sadd.s32 s5, s28;
	(pc) =	sbr.rel @p1 .LBB2_6-.Ltmp2, $4  }
0xe8: {  	[tilespmem:s30], [sflag:$0x1] =	stream.linear.gather [hbm4b:s26+s22], $0x80, $0x38;
	[tilespmem:$0x1C800] =	vst v63  }
0xe9: {  	s28 =	smul.u32 $0x7FFF80, s29;
	s29 =	sadd.s32 $0x20, s26;
	s30 =	sadd.s32 $0x3400, s1  }
0xea: {  	[tilespmem:s30], [sflag:$0x1] =	stream.linear.gather [hbm4b:s29+s22], $0x80, $0x38;
	[tilespmem:$0x1C800] =	vst v63  }
0xeb: {  	s28 =	ssub.s32 s23, s28;
	s29 =	sadd.s32 $0x40, s26;
	s30 =	sadd.s32 $0x3800, s1  }
0xec: {  	[tilespmem:s30], [sflag:$0x1] =	stream.linear.gather [hbm4b:s29+s22], $0x80, $0x38;
	[tilespmem:$0x1C800] =	vst v63  }
0xed: {  	s10 =	sshrl.u32 s28, $0x3;
	s23 =	sadd.s32 $0x60, s26  }
0xee: {  	s1 =	sadd.s32 $0x3C00, s1;
	s0 =	sshra.s32 s0, $0x2;
	s10 =	sor.u32 $0x80, s10  }
0xef: {  	[tilespmem:s1], [sflag:$0x1] =	stream.linear.gather [hbm4b:s23+s22], $0x80, $0x38;
	[tilespmem:$0x1C800] =	vst v63  }
0xf0: {  	s26 =	sadd.s32 $0x1000, s0;
	s28 =	sadd.s32 s4, s10  }
0xf1: {  	[tilespmem:s26], [sflag:$0x1] =	stream.linear.gather [hbm4b:s28+s22], $0x80, $0x38;
	[tilespmem:$0x1C800] =	vst v63  }
0xf2: {  	s24 =	sadd.s32 $0x1400, s0;
	s29 =	sadd.s32 $0x20, s28  }
0xf3: {  	[tilespmem:s24], [sflag:$0x1] =	stream.linear.gather [hbm4b:s29+s22], $0x80, $0x38;
	[tilespmem:$0x1C800] =	vst v63  }
0xf4: {  	s31 =	sadd.s32 $0x1800, s0;
	s30 =	sadd.s32 $0x40, s28  }
0xf5: {  	[tilespmem:s31], [sflag:$0x1] =	stream.linear.gather [hbm4b:s30+s22], $0x80, $0x38;
	[tilespmem:$0x1C800] =	vst v63  }
0xf6: {  	s17 =	sadd.s32 $0x1C00, s0;
	s16 =	sadd.s32 $0x60, s28  }
0xf7: {  	[tilespmem:s17], [sflag:$0x1] =	stream.linear.gather [hbm4b:s16+s22], $0x80, $0x38;
	[tilespmem:$0x1C800] =	vst v63  }
0xf8: {  	s10 =	sadd.s32 s5, s10;
	s24 =	sadd.s32 $0x3000, s0  }
0xf9: {  	[tilespmem:s24], [sflag:$0x1] =	stream.linear.gather [hbm4b:s10+s22], $0x80, $0x38;
	[tilespmem:$0x1C800] =	vst v63  }
0xfa: {  	s26 =	sadd.s32 $0x20, s10;
	s28 =	sadd.s32 $0x3400, s0  }
0xfb: {  	[tilespmem:s28], [sflag:$0x1] =	stream.linear.gather [hbm4b:s26+s22], $0x80, $0x38;
	[tilespmem:$0x1C800] =	vst v63  }
0xfc: {  	s23 =	rddreg [dreg:$0xb];
	s29 =	sadd.s32 $0x40, s10;
	s30 =	sadd.s32 $0x3800, s0  }
0xfd: {  	[tilespmem:s30], [sflag:$0x1] =	stream.linear.gather [hbm4b:s29+s22], $0x80, $0x38;
	[tilespmem:$0x1C800] =	vst v63  }
0xfe: {  	s31 =	sadd.s32 $0x60, s10;
	s0 =	sadd.s32 $0x3C00, s0;
	s24 =	rddreg [dreg:$0xa]  }
0xff: {  	[tilespmem:s0], [sflag:$0x1] =	stream.linear.gather [hbm4b:s31+s22], $0x80, $0x38;
	[tilespmem:$0x1C800] =	vst v63  }
.LBB2_8:
0x100: {  	_ =	swait.ge [sflag:s19], $0x200  }
0x101: {  	[sflag:s19] =	ssyncset.done $0x0  }
0x102: {  	[sflag:s19] =	ssyncadd.s32 $0xFFFFFE00  }
0x103: {  	_ =	swait.ge [sflag:s19], $0x200  }
0x104: {  	[sflag:s19] =	ssyncset.done $0x0  }
0x105: {  	[sflag:s19] =	ssyncadd.s32 $0xFFFFFE00  }
0x106: {  	_ =	swait.ge [sflag:s19], $0x200  }
0x107: {  	[sflag:s19] =	ssyncset.done $0x0  }
0x108: {  	[sflag:s19] =	ssyncadd.s32 $0xFFFFFE00  }
0x109: {  	_ =	swait.ge [sflag:s19], $0x200  }
0x10a: {  	[sflag:s19] =	ssyncset.done $0x0  }
0x10b: {  	[sflag:s19] =	ssyncadd.s32 $0xFFFFFE00  }
0x10c: {  	_ =	swait.ge [sflag:s19], $0x200  }
0x10d: {  	[sflag:s19] =	ssyncset.done $0x0  }
0x10e: {  	[sflag:s19] =	ssyncadd.s32 $0xFFFFFE00  }
0x10f: {  	_ =	swait.ge [sflag:s19], $0x200  }
0x110: {  	[sflag:s19] =	ssyncset.done $0x0  }
0x111: {  	[sflag:s19] =	ssyncadd.s32 $0xFFFFFE00  }
0x112: {  	_ =	swait.ge [sflag:s19], $0x200  }
0x113: {  	[sflag:s19] =	ssyncset.done $0x0  }
0x114: {  	[sflag:s19] =	ssyncadd.s32 $0xFFFFFE00  }
0x115: {  	_ =	swait.ge [sflag:s19], $0x200  }
0x116: {  	[sflag:s19] =	ssyncset.done $0x0  }
0x117: {  	[sflag:s19] =	ssyncadd.s32 $0xFFFFFE00  }
0x118: {  	_ =	swait.ge [sflag:s19], $0x200  }
0x119: {  	[sflag:s19] =	ssyncset.done $0x0  }
0x11a: {  	[sflag:s19] =	ssyncadd.s32 $0xFFFFFE00  }
0x11b: {  	_ =	swait.ge [sflag:s19], $0x200  }
0x11c: {  	[sflag:s19] =	ssyncset.done $0x0  }
0x11d: {  	[sflag:s19] =	ssyncadd.s32 $0xFFFFFE00  }
0x11e: {  	_ =	swait.ge [sflag:s19], $0x200  }
0x11f: {  	[sflag:s19] =	ssyncset.done $0x0  }
0x120: {  	[sflag:s19] =	ssyncadd.s32 $0xFFFFFE00  }
0x121: {  	_ =	swait.ge [sflag:s19], $0x200  }
0x122: {  	[sflag:s19] =	ssyncset.done $0x0  }
0x123: {  	[sflag:s19] =	ssyncadd.s32 $0xFFFFFE00  }
0x124: {  	_ =	swait.ge [sflag:s19], $0x200  }
0x125: {  	[sflag:s19] =	ssyncset.done $0x0  }
0x126: {  	[sflag:s19] =	ssyncadd.s32 $0xFFFFFE00  }
0x127: {  	_ =	swait.ge [sflag:s19], $0x200  }
0x128: {  	[sflag:s19] =	ssyncset.done $0x0  }
0x129: {  	[sflag:s19] =	ssyncadd.s32 $0xFFFFFE00  }
0x12a: {  	_ =	swait.ge [sflag:s19], $0x200  }
0x12b: {  	[sflag:s19] =	ssyncset.done $0x0  }
0x12c: {  	[sflag:s19] =	ssyncadd.s32 $0xFFFFFE00  }
0x12d: {  	s1 =	simm.s32 $0x0;
	_ =	swait.ge [sflag:s19], $0x200  }
0x12e: {  	s0 =	sand.u32 $0x70, s1;
	s10 =	sand.u32 $0xC00, s1;
	[sflag:s19] =	ssyncset.done $0x0  }
0x12f: {  	s0 =	sor.u32 s0, s10;
	[sflag:s19] =	ssyncadd.s32 $0xFFFFFE00  }
0x130: {  	v4 =	vld [tilespmem:s0+$0x3000]  }
0x131: {  	v1 =	vld [tilespmem:s0+$0x3380]  }
0x132: {  	s26 =	simm.s32 $0x6000;
	v2 =	vld [tilespmem:s0+$0x3200]  }
0x133: {  	s29 =	simm.s32 $0x10;
	s28 =	simm.s32 $0x6000;
	s10 =	simm.s32 $0x0;
	v3 =	vld [tilespmem:s0+$0x3280]  }
.LBB2_9:
0x134: {  	p1 =	sne.s32 s29, $0x1F0;
	v5 =	vld [tilespmem:s0+$0x3300];
	s1 =	sadd.s32 $0x80, s1;
	s26 =	sadd.s32 $0x10, s26  }
0x135: {  	s31 =	smov.u32 s29;
	s29 =	sadd.s32 $0x10, s29;
	v4 =	vshll.u32 v4, $0x9  }
0x136: {  	v4 =	vadd.s32 v0, v4  }
0x137: {  	v6 =	vadd.s32 v2, v4;
	v7 =	vadd.s32 v1, v4  }
0x138: {  	s30 =	sand.u32 $0x1F0, s10;
	s10 =	smov.u32 s31;
	[tilespmem:s28+$0x0] =	vst v6;
	v6 =	vadd.s32 v3, v4;
	s28 =	smov.u32 s26  }
0x139: {  	v4 =	vadd.s32 v5, v4;
	[tilespmem:s30+$0x6600] =	vst v7  }
0x13a: {  	[tilespmem:s30+$0x6200] =	vst v6  }
0x13b: {  	[tilespmem:s30+$0x6400] =	vst v4  }
0x13c: {  	v4 =	vld [tilespmem:s0+$0x3080];
	_ =	sdelay $0x1  }
0x13d: {  	s16 =	sand.u32 $0xC00, s1;
	s31 =	sand.u32 $0x70, s10  }
0x13e: {  	s16 =	sor.u32 s31, s16;
	_ =	sdelay $0x1  }
0x13f: {  	v4 =	vshll.u32 v4, $0x9  }
0x140: {  	v4 =	vadd.s32 v0, v4  }
0x141: {  	v6 =	vadd.s32 v2, v4;
	v7 =	vadd.s32 v3, v4;
	v8 =	vadd.s32 v5, v4  }
0x142: {  	v4 =	vadd.s32 v1, v4;
	[tilespmem:s30+$0x6800] =	vst v6  }
0x143: {  	[tilespmem:s30+$0x6C00] =	vst v8  }
0x144: {  	[tilespmem:s30+$0x6E00] =	vst v4  }
0x145: {  	[tilespmem:s30+$0x6A00] =	vst v7  }
0x146: {  	v4 =	vld [tilespmem:s0+$0x3100];
	_ =	sdelay $0x4  }
0x147: {  	v4 =	vshll.u32 v4, $0x9  }
0x148: {  	v4 =	vadd.s32 v0, v4  }
0x149: {  	v6 =	vadd.s32 v2, v4;
	v7 =	vadd.s32 v3, v4;
	v8 =	vadd.s32 v5, v4  }
0x14a: {  	v4 =	vadd.s32 v1, v4;
	[tilespmem:s30+$0x7000] =	vst v6  }
0x14b: {  	[tilespmem:s30+$0x7600] =	vst v4  }
0x14c: {  	[tilespmem:s30+$0x7400] =	vst v8  }
0x14d: {  	[tilespmem:s30+$0x7200] =	vst v7  }
0x14e: {  	v4 =	vld [tilespmem:s0+$0x3180];
	s0 =	smov.u32 s16;
	_ =	sdelay $0x4  }
0x14f: {  	v4 =	vshll.u32 v4, $0x9  }
0x150: {  	v4 =	vadd.s32 v0, v4  }
0x151: {  	v2 =	vadd.s32 v2, v4;
	v3 =	vadd.s32 v3, v4;
	v5 =	vadd.s32 v5, v4  }
0x152: {  	v1 =	vadd.s32 v1, v4;
	[tilespmem:s30+$0x7C00] =	vst v5  }
0x153: {  	[tilespmem:s30+$0x7800] =	vst v2  }
0x154: {  	[tilespmem:s30+$0x7A00] =	vst v3  }
.Ltmp3:
0x155: {  	[tilespmem:s30+$0x7E00] =	vst v1;
	(pc) =	sbr.rel @p1 .LBB2_9-.Ltmp3, $4  }
0x156: {  	v4 =	vld [tilespmem:s0+$0x3000]  }
0x157: {  	v1 =	vld [tilespmem:s0+$0x3380]  }
0x158: {  	v2 =	vld [tilespmem:s0+$0x3200]  }
0x159: {  	v3 =	vld [tilespmem:s0+$0x3280]  }
0x15a: {  	_ = 	snop  }
0x15b: {  	v5 =	vld [tilespmem:s0+$0x3300];
	v4 =	vshll.u32 v4, $0x9  }
0x15c: {  	v4 =	vadd.s32 v0, v4  }
0x15d: {  	v6 =	vadd.s32 v2, v4  }
0x15e: {  	s1 =	sand.u32 $0x1F0, s10;
	v7 =	vadd.s32 v1, v4;
	[tilespmem:s28+$0x0] =	vst v6  }
0x15f: {  	v6 =	vadd.s32 v3, v4;
	[tilespmem:s1+$0x6600] =	vst v7  }
0x160: {  	v4 =	vadd.s32 v5, v4;
	[tilespmem:s1+$0x6200] =	vst v6  }
0x161: {  	[tilespmem:s1+$0x6400] =	vst v4  }
0x162: {  	v4 =	vld [tilespmem:s0+$0x3080];
	_ =	sdelay $0x4  }
0x163: {  	v4 =	vshll.u32 v4, $0x9  }
0x164: {  	v4 =	vadd.s32 v0, v4  }
0x165: {  	v6 =	vadd.s32 v2, v4  }
0x166: {  	v7 =	vadd.s32 v5, v4;
	[tilespmem:s1+$0x6800] =	vst v6  }
0x167: {  	v6 =	vadd.s32 v1, v4;
	[tilespmem:s1+$0x6C00] =	vst v7  }
0x168: {  	v4 =	vadd.s32 v3, v4;
	[tilespmem:s1+$0x6E00] =	vst v6  }
0x169: {  	[tilespmem:s1+$0x6A00] =	vst v4  }
0x16a: {  	v4 =	vld [tilespmem:s0+$0x3100];
	_ =	sdelay $0x4  }
0x16b: {  	v4 =	vshll.u32 v4, $0x9  }
0x16c: {  	v4 =	vadd.s32 v0, v4  }
0x16d: {  	v6 =	vadd.s32 v2, v4  }
0x16e: {  	v7 =	vadd.s32 v5, v4;
	[tilespmem:s1+$0x7000] =	vst v6  }
0x16f: {  	v6 =	vadd.s32 v1, v4;
	[tilespmem:s1+$0x7400] =	vst v7  }
0x170: {  	v4 =	vadd.s32 v3, v4;
	[tilespmem:s1+$0x7600] =	vst v6  }
0x171: {  	[tilespmem:s1+$0x7200] =	vst v4  }
0x172: {  	v4 =	vld [tilespmem:s0+$0x3180];
	_ =	sdelay $0x4  }
0x173: {  	v4 =	vshll.u32 v4, $0x9  }
0x174: {  	v4 =	vadd.s32 v0, v4  }
0x175: {  	v5 =	vadd.s32 v5, v4  }
0x176: {  	v2 =	vadd.s32 v2, v4;
	[tilespmem:s1+$0x7C00] =	vst v5  }
0x177: {  	v3 =	vadd.s32 v3, v4;
	[tilespmem:s1+$0x7800] =	vst v2  }
0x178: {  	p1 =	seq.s32 s22, $0x0;
	v1 =	vadd.s32 v1, v4;
	[tilespmem:s1+$0x7A00] =	vst v3  }
0x179: {  	s10 =	simm.s32 $0xA000;
	s0 =	simm.s32 @!p1 $0x4;
	[tilespmem:s1+$0x7E00] =	vst v1;
	s1 =	simm.s32 $0x6000  }
0x17a: {  	[tilespmem:s10], [sflag:$0x3] =	stream.indirect.gather [spmem:s2], $0x1, s1, s20, $0xb8;
	[tilespmem:$0x1C800] =	vst v63  }
0x17b: {  	_ =	swait.ge @!p1 [sflag:s0], $0x200  }
0x17c: {  	[sflag:s0] =	ssyncset.done @!p1 $0x0  }
0x17d: {  	[sflag:s0] =	ssyncadd.s32 @!p1 $0xFFFFFE00  }
0x17e: {  	_ =	swait.ge @!p1 [sflag:s0], $0x200  }
0x17f: {  	[sflag:s0] =	ssyncset.done @!p1 $0x0  }
0x180: {  	[sflag:s0] =	ssyncadd.s32 @!p1 $0xFFFFFE00  }
0x181: {  	s29 =	simm.s32 $0x0;
	s16 =	simm.s32 $0x0;
	_ =	swait.ge [sflag:s25], $0x2000  }
0x182: {  	s26 =	sand.u32 $0x70, s29;
	s0 =	sand.u32 $0x3FFFFC00, s16;
	[sflag:s25] =	ssyncset.done $0x0  }
0x183: {  	s17 =	sor.u32 s26, s0;
	[sflag:s25] =	ssyncadd.s32 $0xFFFFE000  }
0x184: {  	s31 =	sand.u32 $0x1F0, s29;
	v7 =	vld [tilespmem:s17+$0x0]  }
0x185: {  	v5 =	vld [tilespmem:s31+$0x8C00]  }
0x186: {  	s30 =	simm.s32 $0x8000;
	v19 =	vld [tilespmem:s31+$0x9000]  }
0x187: {  	v10 =	vld [tilespmem:s30+$0x0]  }
0x188: {  	v16 =	vld [tilespmem:s31+$0x9400]  }
0x189: {  	v1 =	vld [tilespmem:s31+$0x9200]  }
0x18a: {  	v8 =	vld [tilespmem:s17+$0x380]  }
0x18b: {  	v11 =	vld [tilespmem:s17+$0x80]  }
0x18c: {  	v9 =	vld [tilespmem:s17+$0x200]  }
0x18d: {  	v15 =	vld [tilespmem:s17+$0x100]  }
0x18e: {  	v12 =	vld [tilespmem:s31+$0x8600]  }
0x18f: {  	v27 =	vld [tilespmem:s31+$0x8800];
	v3 =	vshll.u32 v1, $0x10;
	v1 =	vand.u32 $0xFFFF0000, v1;
	v14 =	vshll.u32 v10, $0x10  }
0x190: {  	v25 =	vld [tilespmem:s31+$0x8400];
	v13 =	vmul.f32 v8, v11;
	v17 =	vand.u32 $0xFFFF0000, v19;
	v2 =	vshll.u32 v16, $0x10  }
0x191: {  	v29 =	vld [tilespmem:s31+$0x8E00];
	v20 =	vmul.f32 v9, v7;
	v28 =	vmul.f32 v8, v7;
	v4 =	vand.u32 $0xFFFF0000, v5  }
0x192: {  	v18 =	vmul.f32 v9, v11;
	v6 =	vshll.u32 v5, $0x10;
	v21 =	vmul.f32 v8, v15  }
0x193: {  	v30 =	vld [tilespmem:s31+$0x9600];
	v10 =	vand.u32 $0xFFFF0000, v10;
	v32 =	vshll.u32 v12, $0x10;
	v5 =	vmul.f32 v9, v15  }
0x194: {  	v22 =	vld [tilespmem:s17+$0x280];
	v31 =	vand.u32 $0xFFFF0000, v12;
	v24 =	vshll.u32 v27, $0x10;
	v14 =	vmul.f32 v14, v20  }
0x195: {  	v12 =	vld [tilespmem:s17+$0x300];
	v26 =	vmul.f32 v10, v20;
	v20 =	vshll.u32 v25, $0x10;
	v10 =	vmul.f32 v17, v5  }
0x196: {  	s28 =	simm.s32 $0x0;
	s0 =	simm.s32 $0x1;
	v17 =	vld [tilespmem:s17+$0x180];
	v23 =	vadd.f32 $0.0e+00, v14;
	v14 =	vand.u32 $0xFFFF0000, v25;
	v25 =	vshll.u32 v29, $0x10  }
.LBB2_11:
0x197: {  	p2 =	seq.s32 s0, $0x1F;
	v32 =	vmul.f32 v32, v28;
	v27 =	vand.u32 $0xFFFF0000, v27;
	v29 =	vand.u32 $0xFFFF0000, v29;
	s29 =	sadd.s32 $0x10, s29;
	s30 =	sadd.s32 $0x10, s30  }
0x198: {  	v19 =	vshll.u32 v19, $0x10;
	v33 =	vshll.u32 v30, $0x10;
	s1 =	smov.u32 s0;
	s0 =	sadd.s32 $0x1, s0;
	v29 =	vmul.f32 v29, v13  }
0x199: {  	v28 =	vmul.f32 v31, v28;
	v31 =	vmul.f32 v22, v15;
	v30 =	vand.u32 $0xFFFF0000, v30;
	v34 =	vld [tilespmem:s31+$0x9E00]  }
0x19a: {  	v35 =	vmul.f32 v22, v11;
	v16 =	vand.u32 $0xFFFF0000, v16;
	v33 =	vmul.f32 v33, v21;
	v36 =	vld [tilespmem:s31+$0x9800]  }
0x19b: {  	v37 =	vmul.f32 v22, v7;
	v27 =	vmul.f32 v27, v18;
	v28 =	vadd.f32 $0.0e+00, v28  }
0x19c: {  	v15 =	vmul.f32 v12, v15;
	v32 =	vadd.f32 $0.0e+00, v32;
	v22 =	vmul.f32 v22, v17;
	v38 =	vld [tilespmem:s31+$0x8200]  }
0x19d: {  	v26 =	vadd.f32 $0.0e+00, v26;
	v11 =	vmul.f32 v12, v11;
	v21 =	vmul.f32 v30, v21;
	v39 =	vld [tilespmem:s31+$0x8A00]  }
0x19e: {  	v7 =	vmul.f32 v12, v7;
	v28 =	vadd.f32 v29, v28;
	v29 =	vshll.u32 v34, $0x10  }
0x19f: {  	v18 =	vmul.f32 v24, v18;
	v30 =	vand.u32 $0xFFFF0000, v34;
	v24 =	vand.u32 $0xFFFF0000, v36  }
0x1a0: {  	v13 =	vmul.f32 v25, v13;
	v8 =	vmul.f32 v8, v17;
	v25 =	vshll.u32 v36, $0x10  }
0x1a1: {  	v18 =	vadd.f32 v18, v23;
	v9 =	vmul.f32 v9, v17;
	v34 =	vshll.u32 v38, $0x10  }
0x1a2: {  	v20 =	vmul.f32 v20, v7;
	v13 =	vadd.f32 v13, v32;
	v23 =	vand.u32 $0xFFFF0000, v38  }
0x1a3: {  	v24 =	vmul.f32 v24, v9;
	v23 =	vmul.f32 v23, v37;
	v32 =	vand.u32 $0xFFFF0000, v39  }
0x1a4: {  	v12 =	vmul.f32 v12, v17;
	v20 =	vadd.f32 $0.0e+00, v20;
	v34 =	vmul.f32 v34, v37;
	v36 =	vld [tilespmem:s31+$0x9C00]  }
0x1a5: {  	v17 =	vadd.f32 v27, v26;
	v21 =	vadd.f32 v21, v28;
	v26 =	vmul.f32 v29, v8  }
0x1a6: {  	v28 =	vshll.u32 v39, $0x10;
	v29 =	vmul.f32 v32, v35;
	v27 =	vadd.f32 $0.0e+00, v34;
	v32 =	vld [tilespmem:s31+$0x9A00]  }
0x1a7: {  	v7 =	vmul.f32 v14, v7;
	v10 =	vadd.f32 v10, v17;
	v14 =	vmul.f32 v28, v35  }
0x1a8: {  	v6 =	vmul.f32 v6, v11;
	v13 =	vadd.f32 v33, v13;
	v8 =	vmul.f32 v30, v8  }
0x1a9: {  	v7 =	vadd.f32 $0.0e+00, v7;
	v14 =	vadd.f32 v14, v27;
	v17 =	vand.u32 $0xFFFF0000, v36  }
0x1aa: {  	v3 =	vmul.f32 v3, v31;
	v4 =	vmul.f32 v4, v11;
	v11 =	vshll.u32 v36, $0x10  }
0x1ab: {  	v16 =	vmul.f32 v16, v15;
	v23 =	vadd.f32 $0.0e+00, v23;
	v27 =	vand.u32 $0xFFFF0000, v32  }
0x1ac: {  	v5 =	vmul.f32 v19, v5;
	v3 =	vadd.f32 v3, v14;
	v14 =	vshll.u32 v32, $0x10  }
0x1ad: {  	v6 =	vadd.f32 v6, v20;
	v4 =	vadd.f32 v4, v7;
	v7 =	vmul.f32 v17, v12  }
0x1ae: {  	v1 =	vmul.f32 v1, v31;
	v5 =	vadd.f32 v5, v18;
	v17 =	vadd.f32 v29, v23  }
0x1af: {  	v4 =	vadd.f32 v16, v4;
	v11 =	vmul.f32 v11, v12;
	v16 =	vmul.f32 v27, v22  }
0x1b0: {  	v2 =	vmul.f32 v2, v15;
	v12 =	vadd.f32 v26, v13;
	v1 =	vadd.f32 v1, v17  }
0x1b1: {  	v8 =	vadd.f32 v8, v21;
	v10 =	vadd.f32 v24, v10;
	v13 =	vmul.f32 v14, v22  }
0x1b2: {  	v2 =	vadd.f32 v2, v6;
	v6 =	vmul.f32 v25, v9;
	v1 =	vadd.f32 v16, v1  }
0x1b3: {  	v4 =	vadd.f32 v7, v4;
	v3 =	vadd.f32 v13, v3  }
0x1b4: {  	v5 =	vadd.f32 v6, v5;
	v2 =	vadd.f32 v11, v2  }
0x1b5: {  	s31 =	sand.u32 $0x1F0, s29;
	v4 =	vadd.f32 v8, v4;
	v1 =	vadd.f32 v1, v10  }
0x1b6: {  	s10 =	sshll.u32 s28, $0x5;
	s28 =	smov.u32 s1;
	v2 =	vadd.f32 v12, v2;
	v3 =	vadd.f32 v3, v5  }
0x1b7: {  	s10 =	sand.u32 $0x3FFFFF00, s10;
	s1 =	sshll.u32 s28, $0x7;
	v1 =	vadd.f32 v4, v1  }
0x1b8: {  	s10 =	sor.u32 s26, s10;
	s26 =	sand.u32 $0x70, s29;
	s1 =	sand.u32 $0x3FFFFC00, s1;
	v2 =	vadd.f32 v2, v3  }
0x1b9: {  	s1 =	sor.u32 s26, s1;
	[tilespmem:s10+$0xC080] =	vst v1  }
0x1ba: {  	[tilespmem:s10+$0xC000] =	vst v2  }
0x1bb: {  	v7 =	vld [tilespmem:s1+$0x0]  }
0x1bc: {  	v5 =	vld [tilespmem:s31+$0x8C00]  }
0x1bd: {  	v19 =	vld [tilespmem:s31+$0x9000]  }
0x1be: {  	v10 =	vld [tilespmem:s30+$0x0]  }
0x1bf: {  	v16 =	vld [tilespmem:s31+$0x9400]  }
0x1c0: {  	v1 =	vld [tilespmem:s31+$0x9200]  }
0x1c1: {  	v8 =	vld [tilespmem:s1+$0x380]  }
0x1c2: {  	v15 =	vld [tilespmem:s1+$0x100]  }
0x1c3: {  	v11 =	vld [tilespmem:s1+$0x80]  }
0x1c4: {  	v9 =	vld [tilespmem:s1+$0x200]  }
0x1c5: {  	v14 =	vld [tilespmem:s31+$0x8600];
	v3 =	vshll.u32 v1, $0x10  }
0x1c6: {  	v1 =	vand.u32 $0xFFFF0000, v1;
	v27 =	vld [tilespmem:s31+$0x8800]  }
0x1c7: {  	v17 =	vshll.u32 v10, $0x10;
	v25 =	vld [tilespmem:s31+$0x8400]  }
0x1c8: {  	v23 =	vand.u32 $0xFFFF0000, v19;
	v2 =	vshll.u32 v16, $0x10;
	v29 =	vld [tilespmem:s31+$0x8E00];
	v13 =	vmul.f32 v8, v11  }
0x1c9: {  	v4 =	vand.u32 $0xFFFF0000, v5;
	v28 =	vmul.f32 v8, v7;
	v22 =	vld [tilespmem:s1+$0x280];
	v20 =	vmul.f32 v9, v7  }
.Ltmp4:
0x1ca: {  	v6 =	vshll.u32 v5, $0x10;
	v21 =	vmul.f32 v8, v15;
	v18 =	vmul.f32 v9, v11;
	v30 =	vld [tilespmem:s31+$0x9600];
	(pc) =	sbr.rel @!p2 .LBB2_11-.Ltmp4, $4  }
0x1cb: {  	v10 =	vand.u32 $0xFFFF0000, v10;
	v5 =	vmul.f32 v9, v15;
	v32 =	vshll.u32 v14, $0x10;
	v12 =	vld [tilespmem:s1+$0x300]  }
0x1cc: {  	v31 =	vand.u32 $0xFFFF0000, v14;
	v33 =	vmul.f32 v17, v20;
	v26 =	vmul.f32 v10, v20  }
0x1cd: {  	v24 =	vshll.u32 v27, $0x10;
	v10 =	vmul.f32 v23, v5;
	v20 =	vshll.u32 v25, $0x10  }
0x1ce: {  	v14 =	vand.u32 $0xFFFF0000, v25;
	v23 =	vadd.f32 $0.0e+00, v33;
	v25 =	vshll.u32 v29, $0x10;
	v17 =	vld [tilespmem:s1+$0x180]  }
0x1cf: {  	v32 =	vmul.f32 v32, v28;
	v27 =	vand.u32 $0xFFFF0000, v27;
	v55 =	vmul.f32 v31, v28  }
0x1d0: {  	v29 =	vand.u32 $0xFFFF0000, v29;
	v31 =	vmul.f32 v22, v15;
	v35 =	vmul.f32 v22, v11  }
0x1d1: {  	v19 =	vshll.u32 v19, $0x10;
	v37 =	vmul.f32 v22, v7;
	v62 =	vmul.f32 v24, v18  }
0x1d2: {  	v33 =	vshll.u32 v30, $0x10;
	v40 =	vmul.f32 v25, v13;
	v29 =	vmul.f32 v29, v13  }
0x1d3: {  	v56 =	vand.u32 $0xFFFF0000, v30;
	v33 =	vmul.f32 v33, v21;
	v27 =	vmul.f32 v27, v18  }
0x1d4: {  	v16 =	vand.u32 $0xFFFF0000, v16;
	v15 =	vmul.f32 v12, v15;
	v57 =	vmul.f32 v12, v11  }
0x1d5: {  	v26 =	vadd.f32 $0.0e+00, v26;
	v58 =	vmul.f32 v56, v21;
	v60 =	vmul.f32 v12, v7  }
0x1d6: {  	v34 =	vld [tilespmem:s31+$0x9E00];
	v5 =	vmul.f32 v19, v5;
	v28 =	vadd.f32 $0.0e+00, v55;
	v3 =	vmul.f32 v3, v31  }
0x1d7: {  	v36 =	vld [tilespmem:s31+$0x9800];
	v32 =	vadd.f32 $0.0e+00, v32;
	v1 =	vmul.f32 v1, v31;
	v20 =	vmul.f32 v20, v60  }
0x1d8: {  	v38 =	vld [tilespmem:s31+$0x8200];
	v18 =	vadd.f32 v62, v23;
	v7 =	vmul.f32 v14, v60;
	v6 =	vmul.f32 v6, v57  }
0x1d9: {  	v59 =	vld [tilespmem:s31+$0x8A00];
	v47 =	vadd.f32 v27, v26;
	v4 =	vmul.f32 v4, v57;
	v16 =	vmul.f32 v16, v15  }
0x1da: {  	v2 =	vmul.f32 v2, v15;
	v22 =	vmul.f32 v22, v17;
	v28 =	vadd.f32 v29, v28  }
0x1db: {  	v45 =	vld [tilespmem:s31+$0x9C00];
	v8 =	vmul.f32 v8, v17;
	v9 =	vmul.f32 v9, v17;
	v13 =	vadd.f32 v40, v32  }
0x1dc: {  	v52 =	vld [tilespmem:s31+$0x9A00];
	v46 =	vmul.f32 v12, v17;
	v5 =	vadd.f32 v5, v18;
	v61 =	vshll.u32 v34, $0x10  }
0x1dd: {  	v63 =	vand.u32 $0xFFFF0000, v36;
	v34 =	vand.u32 $0xFFFF0000, v34;
	v41 =	vshll.u32 v36, $0x10  }
0x1de: {  	v42 =	vshll.u32 v38, $0x10;
	v43 =	vand.u32 $0xFFFF0000, v38;
	v44 =	vand.u32 $0xFFFF0000, v59  }
0x1df: {  	v20 =	vadd.f32 $0.0e+00, v20;
	v50 =	vshll.u32 v59, $0x10;
	v10 =	vadd.f32 v10, v47  }
0x1e0: {  	v7 =	vadd.f32 $0.0e+00, v7;
	v54 =	vand.u32 $0xFFFF0000, v45;
	v55 =	vshll.u32 v45, $0x10  }
0x1e1: {  	v56 =	vand.u32 $0xFFFF0000, v52;
	v57 =	vshll.u32 v52, $0x10;
	v23 =	vmul.f32 v43, v37  }
0x1e2: {  	v24 =	vmul.f32 v63, v9;
	v36 =	vmul.f32 v42, v37;
	v21 =	vadd.f32 v58, v28  }
0x1e3: {  	v48 =	vmul.f32 v61, v8;
	v51 =	vmul.f32 v44, v35;
	v13 =	vadd.f32 v33, v13  }
0x1e4: {  	v53 =	vmul.f32 v50, v35;
	v6 =	vadd.f32 v6, v20;
	v4 =	vadd.f32 v4, v7  }
0x1e5: {  	v8 =	vmul.f32 v34, v8;
	v49 =	vadd.f32 $0.0e+00, v36;
	v23 =	vadd.f32 $0.0e+00, v23  }
0x1e6: {  	v63 =	vmul.f32 v41, v9;
	v61 =	vadd.f32 v48, v13;
	v10 =	vadd.f32 v24, v10  }
0x1e7: {  	v58 =	vmul.f32 v54, v46;
	v8 =	vadd.f32 v8, v21;
	v59 =	vadd.f32 v51, v23  }
0x1e8: {  	v60 =	vmul.f32 v56, v22;
	v5 =	vadd.f32 v63, v5;
	v14 =	vadd.f32 v53, v49  }
0x1e9: {  	v11 =	vmul.f32 v55, v46;
	v4 =	vadd.f32 v16, v4;
	v1 =	vadd.f32 v1, v59  }
0x1ea: {  	v62 =	vmul.f32 v57, v22;
	v2 =	vadd.f32 v2, v6;
	v3 =	vadd.f32 v3, v14  }
0x1eb: {  	v4 =	vadd.f32 v58, v4;
	v1 =	vadd.f32 v60, v1  }
0x1ec: {  	v2 =	vadd.f32 v11, v2;
	v3 =	vadd.f32 v62, v3  }
0x1ed: {  	v4 =	vadd.f32 v8, v4;
	v1 =	vadd.f32 v1, v10  }
0x1ee: {  	s0 =	sshll.u32 s28, $0x5;
	v2 =	vadd.f32 v61, v2;
	v3 =	vadd.f32 v3, v5  }
0x1ef: {  	s0 =	sand.u32 $0x3FFFFF00, s0;
	v1 =	vadd.f32 v4, v1  }
0x1f0: {  	s0 =	sor.u32 s26, s0;
	v2 =	vadd.f32 v2, v3  }
0x1f1: {  	s17 =	sshll.u32 s22, $0xB;
	[tilespmem:s0+$0xC080] =	vst v1  }
0x1f2: {  	[tilespmem:s0+$0xC000] =	vst v2;
	s0 =	sadd.s32 s8, s17  }
0x1f3: {  	s0 =	sshrl.u32 s0, $0x3  }
0x1f4: {  	s1 =	simm.s32 $0x0;
	s10 =	simm.s32 $0xC000;
	s0 =	sadd.s32 s7, s0  }
0x1f5: {  	[hbm4b:s0+s1] =	stream.linear.scatter [tilespmem:s10], [sflag:$0x4], $0x80, $0x38;
	[tilespmem:$0x1C800] =	vst v63  }
0x1f6: {  	s16 =	simm.s32 $0xC100;
	s26 =	sadd.s32 $0x20, s0  }
0x1f7: {  	[hbm4b:s26+s1] =	stream.linear.scatter [tilespmem:s16], [sflag:$0x4], $0x80, $0x38;
	[tilespmem:$0x1C800] =	vst v63  }
0x1f8: {  	s17 =	sadd.s32 $0x40, s0;
	s26 =	simm.s32 $0xC200  }
0x1f9: {  	[hbm4b:s17+s1] =	stream.linear.scatter [tilespmem:s26], [sflag:$0x4], $0x80, $0x38;
	[tilespmem:$0x1C800] =	vst v63  }
0x1fa: {  	s17 =	sadd.s32 $0x60, s0;
	s26 =	simm.s32 $0xC300  }
0x1fb: {  	[hbm4b:s17+s1] =	stream.linear.scatter [tilespmem:s26], [sflag:$0x4], $0x80, $0x38;
	[tilespmem:$0x1C800] =	vst v63  }
0x1fc: {  	s17 =	sadd.s32 $0x10, s0;
	s26 =	simm.s32 $0xC080  }
0x1fd: {  	[hbm4b:s17+s1] =	stream.linear.scatter [tilespmem:s26], [sflag:$0x4], $0x80, $0x38;
	[tilespmem:$0x1C800] =	vst v63  }
0x1fe: {  	s17 =	sadd.s32 $0x30, s0;
	s26 =	simm.s32 $0xC180  }
0x1ff: {  	[hbm4b:s17+s1] =	stream.linear.scatter [tilespmem:s26], [sflag:$0x4], $0x80, $0x38;
	[tilespmem:$0x1C800] =	vst v63  }
0x200: {  	s16 =	sadd.s32 $0x50, s0;
	s17 =	simm.s32 $0xC280  }
0x201: {  	[hbm4b:s16+s1] =	stream.linear.scatter [tilespmem:s17], [sflag:$0x4], $0x80, $0x38;
	[tilespmem:$0x1C800] =	vst v63  }
0x202: {  	s0 =	sadd.s32 $0x70, s0;
	s26 =	simm.s32 $0xC380;
	s16 =	simm.s32 $0x0  }
0x203: {  	[hbm4b:s0+s1] =	stream.linear.scatter [tilespmem:s26], [sflag:$0x4], $0x80, $0x38;
	[tilespmem:$0x1C800] =	vst v63  }
0x204: {  	s0 =	smul.u32 $0x7FFF80, s16;
	_ =	sdelay $0x1  }
0x205: {  	s0 =	ssub.s32 s24, s0  }
0x206: {  	s0 =	sshrl.u32 s0, $0x3  }
0x207: {  	s17 =	simm.s32 $0x0;
	s10 =	sadd.s32 s4, s0  }
0x208: {  	[tilespmem:s17], [sflag:$0x1] =	stream.linear.gather [hbm4b:s10+s3], $0x80, $0x38;
	[tilespmem:$0x1C800] =	vst v63  }
0x209: {  	s28 =	simm.s32 $0x2800;
	s16 =	sadd.s32 $0x20, s10;
	s17 =	simm.s32 $0x400  }
0x20a: {  	[tilespmem:s17], [sflag:$0x1] =	stream.linear.gather [hbm4b:s16+s3], $0x80, $0x38;
	[tilespmem:$0x1C800] =	vst v63  }
0x20b: {  	s29 =	simm.s32 $0x0;
	s16 =	sadd.s32 $0x40, s10;
	s17 =	simm.s32 $0x800  }
0x20c: {  	[tilespmem:s17], [sflag:$0x1] =	stream.linear.gather [hbm4b:s16+s3], $0x80, $0x38;
	[tilespmem:$0x1C800] =	vst v63  }
0x20d: {  	s31 =	simm.s32 $0x2C00;
	s10 =	sadd.s32 $0x60, s10;
	s16 =	simm.s32 $0xC00  }
0x20e: {  	[tilespmem:s16], [sflag:$0x1] =	stream.linear.gather [hbm4b:s10+s3], $0x80, $0x38;
	[tilespmem:$0x1C800] =	vst v63  }
0x20f: {  	s29 =	smul.u32 $0x7FFF80, s29;
	s17 =	simm.s32 $0x2000;
	s16 =	sadd.s32 s5, s0  }
0x210: {  	[tilespmem:s17], [sflag:$0x1] =	stream.linear.gather [hbm4b:s16+s3], $0x80, $0x38;
	[tilespmem:$0x1C800] =	vst v63  }
0x211: {  	s26 =	sshll.u32 s22, $0xA;
	s10 =	sadd.s32 $0x20, s16;
	s17 =	simm.s32 $0x2400  }
0x212: {  	[tilespmem:s17], [sflag:$0x1] =	stream.linear.gather [hbm4b:s10+s3], $0x80, $0x38;
	[tilespmem:$0x1C800] =	vst v63  }
0x213: {  	s1 =	simm.s32 $0x400;
	s0 =	simm.s32 $0x200;
	s17 =	sadd.s32 $0x40, s16  }
0x214: {  	[tilespmem:s28], [sflag:$0x1] =	stream.linear.gather [hbm4b:s17+s3], $0x80, $0x38;
	[tilespmem:$0x1C800] =	vst v63  }
0x215: {  	s30 =	sadd.s32 $0x60, s16;
	s10 =	sadd.s32 $0x200000, s24;
	s28 =	simm.s32 $0x1  }
.LBB2_13:
0x216: {  	[tilespmem:s31], [sflag:$0x1] =	stream.linear.gather [hbm4b:s30+s3], $0x80, $0x38;
	[tilespmem:$0x1C800] =	vst v63  }
0x217: {  	s16 =	smov.u32 s1  }
0x218: {  	p2 =	sne.s32 s1, $0xE00;
	s1 =	sadd.s32 $0x200, s1;
	s29 =	ssub.s32 s10, s29  }
0x219: {  	s29 =	sshrl.u32 s29, $0x3  }
0x21a: {  	s31 =	sshra.s32 s0, $0x2;
	s0 =	smov.u32 s16;
	s30 =	sadd.s32 s4, s29  }
0x21b: {  	[tilespmem:s31], [sflag:$0x1] =	stream.linear.gather [hbm4b:s30+s3], $0x80, $0x38;
	[tilespmem:$0x1C800] =	vst v63  }
0x21c: {  	s17 =	sadd.s32 $0x400, s31;
	s16 =	sadd.s32 $0x20, s30  }
0x21d: {  	[tilespmem:s17], [sflag:$0x1] =	stream.linear.gather [hbm4b:s16+s3], $0x80, $0x38;
	[tilespmem:$0x1C800] =	vst v63  }
0x21e: {  	s16 =	sadd.s32 $0x40, s30;
	s17 =	sadd.s32 $0x800, s31  }
0x21f: {  	[tilespmem:s17], [sflag:$0x1] =	stream.linear.gather [hbm4b:s16+s3], $0x80, $0x38;
	[tilespmem:$0x1C800] =	vst v63  }
0x220: {  	s28 =	sadd.s32 $0x1, s28;
	s16 =	sadd.s32 $0x60, s30;
	s17 =	sadd.s32 $0xC00, s31  }
0x221: {  	[tilespmem:s17], [sflag:$0x1] =	stream.linear.gather [hbm4b:s16+s3], $0x80, $0x38;
	[tilespmem:$0x1C800] =	vst v63  }
0x222: {  	s10 =	sadd.s32 $0x200000, s10;
	s16 =	sadd.s32 $0x2000, s31;
	s17 =	sadd.s32 s5, s29  }
0x223: {  	[tilespmem:s16], [sflag:$0x1] =	stream.linear.gather [hbm4b:s17+s3], $0x80, $0x38;
	[tilespmem:$0x1C800] =	vst v63  }
.Ltmp5:
0x224: {  	s29 =	sadd.s32 $0x2400, s31;
	s16 =	sadd.s32 $0x20, s17;
	(pc) =	sbr.rel @p2 .LBB2_13-.Ltmp5, $4  }
0x225: {  	[tilespmem:s29], [sflag:$0x1] =	stream.linear.gather [hbm4b:s16+s3], $0x80, $0x38;
	[tilespmem:$0x1C800] =	vst v63  }
0x226: {  	s30 =	sadd.s32 $0x2800, s31;
	s16 =	sshrl.u32 s28, $0x2;
	s29 =	sadd.s32 $0x40, s17  }
0x227: {  	[tilespmem:s30], [sflag:$0x1] =	stream.linear.gather [hbm4b:s29+s3], $0x80, $0x38;
	[tilespmem:$0x1C800] =	vst v63  }
0x228: {  	s31 =	sadd.s32 $0x2C00, s31;
	s29 =	smul.u32 $0x7FFF80, s16;
	s30 =	sadd.s32 $0x60, s17  }
0x229: {  	[tilespmem:s31], [sflag:$0x1] =	stream.linear.gather [hbm4b:s30+s3], $0x80, $0x38;
	[tilespmem:$0x1C800] =	vst v63  }
0x22a: {  	s1 =	ssub.s32 s10, s29  }
0x22b: {  	s1 =	sshrl.u32 s1, $0x3  }
0x22c: {  	s0 =	sshra.s32 s0, $0x2;
	s10 =	sadd.s32 s4, s1  }
0x22d: {  	[tilespmem:s0], [sflag:$0x1] =	stream.linear.gather [hbm4b:s10+s3], $0x80, $0x38;
	[tilespmem:$0x1C800] =	vst v63  }
0x22e: {  	s17 =	sadd.s32 $0x400, s0;
	s16 =	sadd.s32 $0x20, s10  }
0x22f: {  	[tilespmem:s17], [sflag:$0x1] =	stream.linear.gather [hbm4b:s16+s3], $0x80, $0x38;
	[tilespmem:$0x1C800] =	vst v63  }
0x230: {  	s31 =	sadd.s32 $0x800, s0;
	s17 =	sadd.s32 $0x40, s10  }
0x231: {  	[tilespmem:s31], [sflag:$0x1] =	stream.linear.gather [hbm4b:s17+s3], $0x80, $0x38;
	[tilespmem:$0x1C800] =	vst v63  }
0x232: {  	s10 =	sadd.s32 $0x60, s10;
	s31 =	sadd.s32 $0xC00, s0  }
0x233: {  	[tilespmem:s31], [sflag:$0x1] =	stream.linear.gather [hbm4b:s10+s3], $0x80, $0x38;
	[tilespmem:$0x1C800] =	vst v63  }
0x234: {  	s1 =	sadd.s32 s5, s1;
	s16 =	sadd.s32 $0x2000, s0  }
0x235: {  	[tilespmem:s16], [sflag:$0x1] =	stream.linear.gather [hbm4b:s1+s3], $0x80, $0x38;
	[tilespmem:$0x1C800] =	vst v63  }
0x236: {  	s17 =	sadd.s32 $0x20, s1;
	s31 =	sadd.s32 $0x2400, s0  }
0x237: {  	[tilespmem:s31], [sflag:$0x1] =	stream.linear.gather [hbm4b:s17+s3], $0x80, $0x38;
	[tilespmem:$0x1C800] =	vst v63  }
0x238: {  	s17 =	sadd.s32 $0x40, s1;
	s31 =	sadd.s32 $0x2800, s0  }
0x239: {  	[tilespmem:s31], [sflag:$0x1] =	stream.linear.gather [hbm4b:s17+s3], $0x80, $0x38;
	[tilespmem:$0x1C800] =	vst v63  }
0x23a: {  	s1 =	sadd.s32 $0x60, s1;
	s0 =	sadd.s32 $0x2C00, s0  }
0x23b: {  	[tilespmem:s0], [sflag:$0x1] =	stream.linear.gather [hbm4b:s1+s3], $0x80, $0x38;
	[tilespmem:$0x1C800] =	vst v63  }
0x23c: {  	_ =	swait.ge [sflag:s19], $0x200  }
0x23d: {  	[sflag:s19] =	ssyncset.done $0x0  }
0x23e: {  	[sflag:s19] =	ssyncadd.s32 $0xFFFFFE00  }
0x23f: {  	_ =	swait.ge [sflag:s19], $0x200  }
0x240: {  	[sflag:s19] =	ssyncset.done $0x0  }
0x241: {  	[sflag:s19] =	ssyncadd.s32 $0xFFFFFE00  }
0x242: {  	_ =	swait.ge [sflag:s19], $0x200  }
0x243: {  	[sflag:s19] =	ssyncset.done $0x0  }
0x244: {  	[sflag:s19] =	ssyncadd.s32 $0xFFFFFE00  }
0x245: {  	_ =	swait.ge [sflag:s19], $0x200  }
0x246: {  	[sflag:s19] =	ssyncset.done $0x0  }
0x247: {  	[sflag:s19] =	ssyncadd.s32 $0xFFFFFE00  }
0x248: {  	_ =	swait.ge [sflag:s19], $0x200  }
0x249: {  	[sflag:s19] =	ssyncset.done $0x0  }
0x24a: {  	[sflag:s19] =	ssyncadd.s32 $0xFFFFFE00  }
0x24b: {  	_ =	swait.ge [sflag:s19], $0x200  }
0x24c: {  	[sflag:s19] =	ssyncset.done $0x0  }
0x24d: {  	[sflag:s19] =	ssyncadd.s32 $0xFFFFFE00  }
0x24e: {  	_ =	swait.ge [sflag:s19], $0x200  }
0x24f: {  	[sflag:s19] =	ssyncset.done $0x0  }
0x250: {  	[sflag:s19] =	ssyncadd.s32 $0xFFFFFE00  }
0x251: {  	_ =	swait.ge [sflag:s19], $0x200  }
0x252: {  	[sflag:s19] =	ssyncset.done $0x0  }
0x253: {  	[sflag:s19] =	ssyncadd.s32 $0xFFFFFE00  }
0x254: {  	_ =	swait.ge [sflag:s19], $0x200  }
0x255: {  	[sflag:s19] =	ssyncset.done $0x0  }
0x256: {  	[sflag:s19] =	ssyncadd.s32 $0xFFFFFE00  }
0x257: {  	_ =	swait.ge [sflag:s19], $0x200  }
0x258: {  	[sflag:s19] =	ssyncset.done $0x0  }
0x259: {  	[sflag:s19] =	ssyncadd.s32 $0xFFFFFE00  }
0x25a: {  	_ =	swait.ge [sflag:s19], $0x200  }
0x25b: {  	[sflag:s19] =	ssyncset.done $0x0  }
0x25c: {  	[sflag:s19] =	ssyncadd.s32 $0xFFFFFE00  }
0x25d: {  	_ =	swait.ge [sflag:s19], $0x200  }
0x25e: {  	[sflag:s19] =	ssyncset.done $0x0  }
0x25f: {  	[sflag:s19] =	ssyncadd.s32 $0xFFFFFE00  }
0x260: {  	_ =	swait.ge [sflag:s19], $0x200  }
0x261: {  	[sflag:s19] =	ssyncset.done $0x0  }
0x262: {  	[sflag:s19] =	ssyncadd.s32 $0xFFFFFE00  }
0x263: {  	_ =	swait.ge [sflag:s19], $0x200  }
0x264: {  	[sflag:s19] =	ssyncset.done $0x0  }
0x265: {  	[sflag:s19] =	ssyncadd.s32 $0xFFFFFE00  }
0x266: {  	_ =	swait.ge [sflag:s19], $0x200  }
0x267: {  	[sflag:s19] =	ssyncset.done $0x0  }
0x268: {  	[sflag:s19] =	ssyncadd.s32 $0xFFFFFE00  }
0x269: {  	s1 =	simm.s32 $0x0;
	_ =	swait.ge [sflag:s19], $0x200  }
0x26a: {  	s17 =	sand.u32 $0x70, s1;
	s31 =	sand.u32 $0xC00, s1;
	[sflag:s19] =	ssyncset.done $0x0  }
0x26b: {  	s0 =	sor.u32 s17, s31;
	[sflag:s19] =	ssyncadd.s32 $0xFFFFFE00  }
0x26c: {  	v4 =	vld [tilespmem:s0+$0x2000]  }
0x26d: {  	v1 =	vld [tilespmem:s0+$0x2380]  }
0x26e: {  	s28 =	simm.s32 $0x4000;
	v2 =	vld [tilespmem:s0+$0x2200]  }
0x26f: {  	s30 =	simm.s32 $0x10;
	s29 =	simm.s32 $0x4000;
	s10 =	simm.s32 $0x0;
	v3 =	vld [tilespmem:s0+$0x2280]  }
.LBB2_15:
0x270: {  	p2 =	sne.s32 s30, $0x1F0;
	v5 =	vld [tilespmem:s0+$0x2300];
	s1 =	sadd.s32 $0x80, s1;
	s28 =	sadd.s32 $0x10, s28  }
0x271: {  	s16 =	smov.u32 s30;
	s30 =	sadd.s32 $0x10, s30;
	v4 =	vshll.u32 v4, $0x9  }
0x272: {  	v4 =	vadd.s32 v0, v4  }
0x273: {  	v6 =	vadd.s32 v2, v4;
	v7 =	vadd.s32 v1, v4  }
0x274: {  	s31 =	sand.u32 $0x1F0, s10;
	s10 =	smov.u32 s16;
	[tilespmem:s29+$0x0] =	vst v6;
	v6 =	vadd.s32 v3, v4;
	s29 =	smov.u32 s28  }
0x275: {  	v4 =	vadd.s32 v5, v4;
	[tilespmem:s31+$0x4600] =	vst v7  }
0x276: {  	[tilespmem:s31+$0x4200] =	vst v6  }
0x277: {  	[tilespmem:s31+$0x4400] =	vst v4  }
0x278: {  	v4 =	vld [tilespmem:s0+$0x2080];
	_ =	sdelay $0x1  }
0x279: {  	s17 =	sand.u32 $0xC00, s1;
	s16 =	sand.u32 $0x70, s10  }
0x27a: {  	s16 =	sor.u32 s16, s17;
	_ =	sdelay $0x1  }
0x27b: {  	v4 =	vshll.u32 v4, $0x9  }
0x27c: {  	v4 =	vadd.s32 v0, v4  }
0x27d: {  	v6 =	vadd.s32 v2, v4;
	v7 =	vadd.s32 v3, v4;
	v8 =	vadd.s32 v5, v4  }
0x27e: {  	v4 =	vadd.s32 v1, v4;
	[tilespmem:s31+$0x4800] =	vst v6  }
0x27f: {  	[tilespmem:s31+$0x4C00] =	vst v8  }
0x280: {  	[tilespmem:s31+$0x4E00] =	vst v4  }
0x281: {  	[tilespmem:s31+$0x4A00] =	vst v7  }
0x282: {  	v4 =	vld [tilespmem:s0+$0x2100];
	_ =	sdelay $0x4  }
0x283: {  	v4 =	vshll.u32 v4, $0x9  }
0x284: {  	v4 =	vadd.s32 v0, v4  }
0x285: {  	v6 =	vadd.s32 v2, v4;
	v7 =	vadd.s32 v3, v4;
	v8 =	vadd.s32 v5, v4  }
0x286: {  	v4 =	vadd.s32 v1, v4;
	[tilespmem:s31+$0x5000] =	vst v6  }
0x287: {  	[tilespmem:s31+$0x5600] =	vst v4  }
0x288: {  	[tilespmem:s31+$0x5400] =	vst v8  }
0x289: {  	[tilespmem:s31+$0x5200] =	vst v7  }
0x28a: {  	v4 =	vld [tilespmem:s0+$0x2180];
	s0 =	smov.u32 s16;
	_ =	sdelay $0x4  }
0x28b: {  	v4 =	vshll.u32 v4, $0x9  }
0x28c: {  	v4 =	vadd.s32 v0, v4  }
0x28d: {  	v2 =	vadd.s32 v2, v4;
	v3 =	vadd.s32 v3, v4;
	v5 =	vadd.s32 v5, v4  }
0x28e: {  	v1 =	vadd.s32 v1, v4;
	[tilespmem:s31+$0x5C00] =	vst v5  }
0x28f: {  	[tilespmem:s31+$0x5800] =	vst v2  }
0x290: {  	[tilespmem:s31+$0x5A00] =	vst v3  }
.Ltmp6:
0x291: {  	[tilespmem:s31+$0x5E00] =	vst v1;
	(pc) =	sbr.rel @p2 .LBB2_15-.Ltmp6, $4  }
0x292: {  	v4 =	vld [tilespmem:s0+$0x2000]  }
0x293: {  	v1 =	vld [tilespmem:s0+$0x2380]  }
0x294: {  	v2 =	vld [tilespmem:s0+$0x2200]  }
0x295: {  	v3 =	vld [tilespmem:s0+$0x2280]  }
0x296: {  	_ = 	snop  }
0x297: {  	v5 =	vld [tilespmem:s0+$0x2300];
	v4 =	vshll.u32 v4, $0x9  }
0x298: {  	v4 =	vadd.s32 v0, v4  }
0x299: {  	v6 =	vadd.s32 v2, v4  }
0x29a: {  	s1 =	sand.u32 $0x1F0, s10;
	v7 =	vadd.s32 v1, v4;
	[tilespmem:s29+$0x0] =	vst v6  }
0x29b: {  	v6 =	vadd.s32 v3, v4;
	[tilespmem:s1+$0x4600] =	vst v7  }
0x29c: {  	v4 =	vadd.s32 v5, v4;
	[tilespmem:s1+$0x4200] =	vst v6  }
0x29d: {  	[tilespmem:s1+$0x4400] =	vst v4  }
0x29e: {  	v4 =	vld [tilespmem:s0+$0x2080];
	_ =	sdelay $0x4  }
0x29f: {  	v4 =	vshll.u32 v4, $0x9  }
0x2a0: {  	v4 =	vadd.s32 v0, v4  }
0x2a1: {  	v6 =	vadd.s32 v2, v4  }
0x2a2: {  	v7 =	vadd.s32 v5, v4;
	[tilespmem:s1+$0x4800] =	vst v6  }
0x2a3: {  	v6 =	vadd.s32 v1, v4;
	[tilespmem:s1+$0x4C00] =	vst v7  }
0x2a4: {  	v4 =	vadd.s32 v3, v4;
	[tilespmem:s1+$0x4E00] =	vst v6  }
0x2a5: {  	[tilespmem:s1+$0x4A00] =	vst v4  }
0x2a6: {  	v4 =	vld [tilespmem:s0+$0x2100];
	_ =	sdelay $0x4  }
0x2a7: {  	v4 =	vshll.u32 v4, $0x9  }
0x2a8: {  	v4 =	vadd.s32 v0, v4  }
0x2a9: {  	v6 =	vadd.s32 v2, v4  }
0x2aa: {  	v7 =	vadd.s32 v5, v4;
	[tilespmem:s1+$0x5000] =	vst v6  }
0x2ab: {  	v6 =	vadd.s32 v1, v4;
	[tilespmem:s1+$0x5400] =	vst v7  }
0x2ac: {  	v4 =	vadd.s32 v3, v4;
	[tilespmem:s1+$0x5600] =	vst v6  }
0x2ad: {  	[tilespmem:s1+$0x5200] =	vst v4  }
0x2ae: {  	v4 =	vld [tilespmem:s0+$0x2180];
	_ =	sdelay $0x4  }
0x2af: {  	v4 =	vshll.u32 v4, $0x9  }
0x2b0: {  	v4 =	vadd.s32 v0, v4  }
0x2b1: {  	v5 =	vadd.s32 v5, v4  }
0x2b2: {  	v2 =	vadd.s32 v2, v4;
	[tilespmem:s1+$0x5C00] =	vst v5  }
0x2b3: {  	v3 =	vadd.s32 v3, v4;
	[tilespmem:s1+$0x5800] =	vst v2  }
0x2b4: {  	v1 =	vadd.s32 v1, v4;
	[tilespmem:s1+$0x5A00] =	vst v3  }
0x2b5: {  	s10 =	simm.s32 $0x8000;
	s0 =	simm.s32 @!p1 $0x5;
	[tilespmem:s1+$0x5E00] =	vst v1;
	s1 =	simm.s32 $0x4000  }
0x2b6: {  	[tilespmem:s10], [sflag:$0x2] =	stream.indirect.gather [spmem:s2], $0x1, s1, s20, $0xb8;
	[tilespmem:$0x1C800] =	vst v63  }
0x2b7: {  	_ =	swait.ge @!p1 [sflag:s0], $0x200  }
0x2b8: {  	[sflag:s0] =	ssyncset.done @!p1 $0x0  }
0x2b9: {  	[sflag:s0] =	ssyncadd.s32 @!p1 $0xFFFFFE00  }
0x2ba: {  	_ =	swait.ge @!p1 [sflag:s0], $0x200  }
0x2bb: {  	[sflag:s0] =	ssyncset.done @!p1 $0x0  }
0x2bc: {  	[sflag:s0] =	ssyncadd.s32 @!p1 $0xFFFFFE00  }
0x2bd: {  	s30 =	simm.s32 $0x0;
	s16 =	simm.s32 $0x0;
	_ =	swait.ge [sflag:s18], $0x2000  }
0x2be: {  	s28 =	sand.u32 $0x70, s30;
	s0 =	sand.u32 $0x3FFFFC00, s16;
	[sflag:s18] =	ssyncset.done $0x0  }
0x2bf: {  	s17 =	sor.u32 s28, s0;
	[sflag:s18] =	ssyncadd.s32 $0xFFFFE000  }
0x2c0: {  	s31 =	sand.u32 $0x1F0, s30;
	v7 =	vld [tilespmem:s17+$0x1000]  }
0x2c1: {  	v5 =	vld [tilespmem:s31+$0xAC00]  }
0x2c2: {  	s0 =	simm.s32 $0xA000;
	v19 =	vld [tilespmem:s31+$0xB000]  }
0x2c3: {  	v10 =	vld [tilespmem:s0+$0x0]  }
0x2c4: {  	v16 =	vld [tilespmem:s31+$0xB400]  }
0x2c5: {  	v1 =	vld [tilespmem:s31+$0xB200]  }
0x2c6: {  	v8 =	vld [tilespmem:s17+$0x1380]  }
0x2c7: {  	v11 =	vld [tilespmem:s17+$0x1080]  }
0x2c8: {  	v9 =	vld [tilespmem:s17+$0x1200]  }
0x2c9: {  	v15 =	vld [tilespmem:s17+$0x1100]  }
0x2ca: {  	v12 =	vld [tilespmem:s31+$0xA600]  }
0x2cb: {  	v27 =	vld [tilespmem:s31+$0xA800];
	v3 =	vshll.u32 v1, $0x10;
	v1 =	vand.u32 $0xFFFF0000, v1;
	v14 =	vshll.u32 v10, $0x10  }
0x2cc: {  	v25 =	vld [tilespmem:s31+$0xA400];
	v13 =	vmul.f32 v8, v11;
	v17 =	vand.u32 $0xFFFF0000, v19;
	v2 =	vshll.u32 v16, $0x10  }
0x2cd: {  	v29 =	vld [tilespmem:s31+$0xAE00];
	v20 =	vmul.f32 v9, v7;
	v28 =	vmul.f32 v8, v7;
	v4 =	vand.u32 $0xFFFF0000, v5  }
0x2ce: {  	v18 =	vmul.f32 v9, v11;
	v6 =	vshll.u32 v5, $0x10;
	v21 =	vmul.f32 v8, v15  }
0x2cf: {  	v30 =	vld [tilespmem:s31+$0xB600];
	v10 =	vand.u32 $0xFFFF0000, v10;
	v32 =	vshll.u32 v12, $0x10;
	v5 =	vmul.f32 v9, v15  }
0x2d0: {  	v22 =	vld [tilespmem:s17+$0x1280];
	v31 =	vand.u32 $0xFFFF0000, v12;
	v24 =	vshll.u32 v27, $0x10;
	v14 =	vmul.f32 v14, v20  }
0x2d1: {  	v12 =	vld [tilespmem:s17+$0x1300];
	v26 =	vmul.f32 v10, v20;
	v20 =	vshll.u32 v25, $0x10;
	v10 =	vmul.f32 v17, v5  }
0x2d2: {  	s29 =	simm.s32 $0x0;
	s1 =	simm.s32 $0x1;
	v17 =	vld [tilespmem:s17+$0x1180];
	v23 =	vadd.f32 $0.0e+00, v14;
	v14 =	vand.u32 $0xFFFF0000, v25;
	v25 =	vshll.u32 v29, $0x10  }
.LBB2_17:
0x2d3: {  	p1 =	sne.s32 s1, $0x1F;
	v32 =	vmul.f32 v32, v28;
	v27 =	vand.u32 $0xFFFF0000, v27;
	v29 =	vand.u32 $0xFFFF0000, v29;
	s30 =	sadd.s32 $0x10, s30;
	s0 =	sadd.s32 $0x10, s0  }
0x2d4: {  	v19 =	vshll.u32 v19, $0x10;
	v33 =	vshll.u32 v30, $0x10;
	s10 =	smov.u32 s1;
	s1 =	sadd.s32 $0x1, s1;
	v29 =	vmul.f32 v29, v13  }
0x2d5: {  	v28 =	vmul.f32 v31, v28;
	v31 =	vmul.f32 v22, v15;
	v30 =	vand.u32 $0xFFFF0000, v30;
	v34 =	vld [tilespmem:s31+$0xBE00]  }
0x2d6: {  	v35 =	vmul.f32 v22, v11;
	v16 =	vand.u32 $0xFFFF0000, v16;
	v33 =	vmul.f32 v33, v21;
	v36 =	vld [tilespmem:s31+$0xB800]  }
0x2d7: {  	v37 =	vmul.f32 v22, v7;
	v27 =	vmul.f32 v27, v18;
	v28 =	vadd.f32 $0.0e+00, v28  }
0x2d8: {  	v15 =	vmul.f32 v12, v15;
	v32 =	vadd.f32 $0.0e+00, v32;
	v22 =	vmul.f32 v22, v17;
	v38 =	vld [tilespmem:s31+$0xA200]  }
0x2d9: {  	v26 =	vadd.f32 $0.0e+00, v26;
	v11 =	vmul.f32 v12, v11;
	v21 =	vmul.f32 v30, v21;
	v39 =	vld [tilespmem:s31+$0xAA00]  }
0x2da: {  	v7 =	vmul.f32 v12, v7;
	v28 =	vadd.f32 v29, v28;
	v29 =	vshll.u32 v34, $0x10  }
0x2db: {  	v18 =	vmul.f32 v24, v18;
	v30 =	vand.u32 $0xFFFF0000, v34;
	v24 =	vand.u32 $0xFFFF0000, v36  }
0x2dc: {  	v13 =	vmul.f32 v25, v13;
	v8 =	vmul.f32 v8, v17;
	v25 =	vshll.u32 v36, $0x10  }
0x2dd: {  	v18 =	vadd.f32 v18, v23;
	v9 =	vmul.f32 v9, v17;
	v34 =	vshll.u32 v38, $0x10  }
0x2de: {  	v20 =	vmul.f32 v20, v7;
	v13 =	vadd.f32 v13, v32;
	v23 =	vand.u32 $0xFFFF0000, v38  }
0x2df: {  	v24 =	vmul.f32 v24, v9;
	v23 =	vmul.f32 v23, v37;
	v32 =	vand.u32 $0xFFFF0000, v39  }
0x2e0: {  	v12 =	vmul.f32 v12, v17;
	v20 =	vadd.f32 $0.0e+00, v20;
	v34 =	vmul.f32 v34, v37;
	v36 =	vld [tilespmem:s31+$0xBC00]  }
0x2e1: {  	v17 =	vadd.f32 v27, v26;
	v21 =	vadd.f32 v21, v28;
	v26 =	vmul.f32 v29, v8  }
0x2e2: {  	v28 =	vshll.u32 v39, $0x10;
	v29 =	vmul.f32 v32, v35;
	v27 =	vadd.f32 $0.0e+00, v34;
	v32 =	vld [tilespmem:s31+$0xBA00]  }
0x2e3: {  	v7 =	vmul.f32 v14, v7;
	v10 =	vadd.f32 v10, v17;
	v14 =	vmul.f32 v28, v35  }
0x2e4: {  	v6 =	vmul.f32 v6, v11;
	v13 =	vadd.f32 v33, v13;
	v8 =	vmul.f32 v30, v8  }
0x2e5: {  	v7 =	vadd.f32 $0.0e+00, v7;
	v14 =	vadd.f32 v14, v27;
	v17 =	vand.u32 $0xFFFF0000, v36  }
0x2e6: {  	v3 =	vmul.f32 v3, v31;
	v4 =	vmul.f32 v4, v11;
	v11 =	vshll.u32 v36, $0x10  }
0x2e7: {  	v16 =	vmul.f32 v16, v15;
	v23 =	vadd.f32 $0.0e+00, v23;
	v27 =	vand.u32 $0xFFFF0000, v32  }
0x2e8: {  	v5 =	vmul.f32 v19, v5;
	v3 =	vadd.f32 v3, v14;
	v14 =	vshll.u32 v32, $0x10  }
0x2e9: {  	v6 =	vadd.f32 v6, v20;
	v4 =	vadd.f32 v4, v7;
	v7 =	vmul.f32 v17, v12  }
0x2ea: {  	v1 =	vmul.f32 v1, v31;
	v5 =	vadd.f32 v5, v18;
	v17 =	vadd.f32 v29, v23  }
0x2eb: {  	v4 =	vadd.f32 v16, v4;
	v11 =	vmul.f32 v11, v12;
	v16 =	vmul.f32 v27, v22  }
0x2ec: {  	v2 =	vmul.f32 v2, v15;
	v12 =	vadd.f32 v26, v13;
	v1 =	vadd.f32 v1, v17  }
0x2ed: {  	v8 =	vadd.f32 v8, v21;
	v10 =	vadd.f32 v24, v10;
	v13 =	vmul.f32 v14, v22  }
0x2ee: {  	v2 =	vadd.f32 v2, v6;
	v6 =	vmul.f32 v25, v9;
	v1 =	vadd.f32 v16, v1  }
0x2ef: {  	v4 =	vadd.f32 v7, v4;
	v3 =	vadd.f32 v13, v3  }
0x2f0: {  	v5 =	vadd.f32 v6, v5;
	v2 =	vadd.f32 v11, v2  }
0x2f1: {  	s31 =	sand.u32 $0x1F0, s30;
	v4 =	vadd.f32 v8, v4;
	v1 =	vadd.f32 v1, v10  }
0x2f2: {  	s16 =	sshll.u32 s29, $0x5;
	s29 =	smov.u32 s10;
	v2 =	vadd.f32 v12, v2;
	v3 =	vadd.f32 v3, v5  }
0x2f3: {  	s16 =	sand.u32 $0x3FFFFF00, s16;
	s10 =	sshll.u32 s29, $0x7;
	v1 =	vadd.f32 v4, v1  }
0x2f4: {  	s16 =	sor.u32 s28, s16;
	s28 =	sand.u32 $0x70, s30;
	s10 =	sand.u32 $0x3FFFFC00, s10;
	v2 =	vadd.f32 v2, v3  }
0x2f5: {  	s10 =	sor.u32 s28, s10;
	[tilespmem:s16+$0xC480] =	vst v1  }
0x2f6: {  	[tilespmem:s16+$0xC400] =	vst v2  }
0x2f7: {  	v7 =	vld [tilespmem:s10+$0x1000]  }
0x2f8: {  	v5 =	vld [tilespmem:s31+$0xAC00]  }
0x2f9: {  	v19 =	vld [tilespmem:s31+$0xB000]  }
0x2fa: {  	v10 =	vld [tilespmem:s0+$0x0]  }
0x2fb: {  	v16 =	vld [tilespmem:s31+$0xB400]  }
0x2fc: {  	v1 =	vld [tilespmem:s31+$0xB200]  }
0x2fd: {  	v8 =	vld [tilespmem:s10+$0x1380]  }
0x2fe: {  	v15 =	vld [tilespmem:s10+$0x1100]  }
0x2ff: {  	v11 =	vld [tilespmem:s10+$0x1080]  }
0x300: {  	v9 =	vld [tilespmem:s10+$0x1200]  }
0x301: {  	v14 =	vld [tilespmem:s31+$0xA600];
	v3 =	vshll.u32 v1, $0x10  }
0x302: {  	v1 =	vand.u32 $0xFFFF0000, v1;
	v27 =	vld [tilespmem:s31+$0xA800]  }
0x303: {  	v17 =	vshll.u32 v10, $0x10;
	v25 =	vld [tilespmem:s31+$0xA400]  }
0x304: {  	v23 =	vand.u32 $0xFFFF0000, v19;
	v2 =	vshll.u32 v16, $0x10;
	v29 =	vld [tilespmem:s31+$0xAE00];
	v13 =	vmul.f32 v8, v11  }
0x305: {  	v4 =	vand.u32 $0xFFFF0000, v5;
	v28 =	vmul.f32 v8, v7;
	v22 =	vld [tilespmem:s10+$0x1280];
	v20 =	vmul.f32 v9, v7  }
.Ltmp7:
0x306: {  	v6 =	vshll.u32 v5, $0x10;
	v21 =	vmul.f32 v8, v15;
	v18 =	vmul.f32 v9, v11;
	v30 =	vld [tilespmem:s31+$0xB600];
	(pc) =	sbr.rel @p1 .LBB2_17-.Ltmp7, $4  }
0x307: {  	v10 =	vand.u32 $0xFFFF0000, v10;
	v5 =	vmul.f32 v9, v15;
	v32 =	vshll.u32 v14, $0x10;
	v12 =	vld [tilespmem:s10+$0x1300]  }
0x308: {  	v31 =	vand.u32 $0xFFFF0000, v14;
	v33 =	vmul.f32 v17, v20;
	v26 =	vmul.f32 v10, v20  }
0x309: {  	v24 =	vshll.u32 v27, $0x10;
	v10 =	vmul.f32 v23, v5;
	v20 =	vshll.u32 v25, $0x10  }
0x30a: {  	v14 =	vand.u32 $0xFFFF0000, v25;
	v23 =	vadd.f32 $0.0e+00, v33;
	v25 =	vshll.u32 v29, $0x10;
	v17 =	vld [tilespmem:s10+$0x1180]  }
0x30b: {  	v32 =	vmul.f32 v32, v28;
	v27 =	vand.u32 $0xFFFF0000, v27;
	v55 =	vmul.f32 v31, v28  }
0x30c: {  	v29 =	vand.u32 $0xFFFF0000, v29;
	v31 =	vmul.f32 v22, v15;
	v35 =	vmul.f32 v22, v11  }
0x30d: {  	v19 =	vshll.u32 v19, $0x10;
	v37 =	vmul.f32 v22, v7;
	v62 =	vmul.f32 v24, v18  }
0x30e: {  	v33 =	vshll.u32 v30, $0x10;
	v40 =	vmul.f32 v25, v13;
	v29 =	vmul.f32 v29, v13  }
0x30f: {  	v56 =	vand.u32 $0xFFFF0000, v30;
	v33 =	vmul.f32 v33, v21;
	v27 =	vmul.f32 v27, v18  }
0x310: {  	v16 =	vand.u32 $0xFFFF0000, v16;
	v15 =	vmul.f32 v12, v15;
	v57 =	vmul.f32 v12, v11  }
0x311: {  	v26 =	vadd.f32 $0.0e+00, v26;
	v58 =	vmul.f32 v56, v21;
	v60 =	vmul.f32 v12, v7  }
0x312: {  	v34 =	vld [tilespmem:s31+$0xBE00];
	v5 =	vmul.f32 v19, v5;
	v28 =	vadd.f32 $0.0e+00, v55;
	v3 =	vmul.f32 v3, v31  }
0x313: {  	v36 =	vld [tilespmem:s31+$0xB800];
	v32 =	vadd.f32 $0.0e+00, v32;
	v1 =	vmul.f32 v1, v31;
	v20 =	vmul.f32 v20, v60  }
0x314: {  	v38 =	vld [tilespmem:s31+$0xA200];
	v18 =	vadd.f32 v62, v23;
	v7 =	vmul.f32 v14, v60;
	v6 =	vmul.f32 v6, v57  }
0x315: {  	v59 =	vld [tilespmem:s31+$0xAA00];
	v47 =	vadd.f32 v27, v26;
	v4 =	vmul.f32 v4, v57;
	v16 =	vmul.f32 v16, v15  }
0x316: {  	v2 =	vmul.f32 v2, v15;
	v22 =	vmul.f32 v22, v17;
	v28 =	vadd.f32 v29, v28  }
0x317: {  	v45 =	vld [tilespmem:s31+$0xBC00];
	v8 =	vmul.f32 v8, v17;
	v9 =	vmul.f32 v9, v17;
	v13 =	vadd.f32 v40, v32  }
0x318: {  	v52 =	vld [tilespmem:s31+$0xBA00];
	v46 =	vmul.f32 v12, v17;
	v5 =	vadd.f32 v5, v18;
	v61 =	vshll.u32 v34, $0x10  }
0x319: {  	v63 =	vand.u32 $0xFFFF0000, v36;
	v34 =	vand.u32 $0xFFFF0000, v34;
	v41 =	vshll.u32 v36, $0x10  }
0x31a: {  	v42 =	vshll.u32 v38, $0x10;
	v43 =	vand.u32 $0xFFFF0000, v38;
	v44 =	vand.u32 $0xFFFF0000, v59  }
0x31b: {  	v20 =	vadd.f32 $0.0e+00, v20;
	v50 =	vshll.u32 v59, $0x10;
	v10 =	vadd.f32 v10, v47  }
0x31c: {  	v7 =	vadd.f32 $0.0e+00, v7;
	v54 =	vand.u32 $0xFFFF0000, v45;
	v55 =	vshll.u32 v45, $0x10  }
0x31d: {  	v56 =	vand.u32 $0xFFFF0000, v52;
	v57 =	vshll.u32 v52, $0x10;
	v23 =	vmul.f32 v43, v37  }
0x31e: {  	v24 =	vmul.f32 v63, v9;
	v36 =	vmul.f32 v42, v37;
	v21 =	vadd.f32 v58, v28  }
0x31f: {  	v48 =	vmul.f32 v61, v8;
	v51 =	vmul.f32 v44, v35;
	v13 =	vadd.f32 v33, v13  }
0x320: {  	v53 =	vmul.f32 v50, v35;
	v6 =	vadd.f32 v6, v20;
	v4 =	vadd.f32 v4, v7  }
0x321: {  	v8 =	vmul.f32 v34, v8;
	v49 =	vadd.f32 $0.0e+00, v36;
	v23 =	vadd.f32 $0.0e+00, v23  }
0x322: {  	v63 =	vmul.f32 v41, v9;
	v61 =	vadd.f32 v48, v13;
	v10 =	vadd.f32 v24, v10  }
0x323: {  	v58 =	vmul.f32 v54, v46;
	v8 =	vadd.f32 v8, v21;
	v59 =	vadd.f32 v51, v23  }
0x324: {  	v60 =	vmul.f32 v56, v22;
	v5 =	vadd.f32 v63, v5;
	v14 =	vadd.f32 v53, v49  }
0x325: {  	v11 =	vmul.f32 v55, v46;
	v4 =	vadd.f32 v16, v4;
	v1 =	vadd.f32 v1, v59  }
0x326: {  	v62 =	vmul.f32 v57, v22;
	v2 =	vadd.f32 v2, v6;
	v3 =	vadd.f32 v3, v14  }
0x327: {  	v4 =	vadd.f32 v58, v4;
	v1 =	vadd.f32 v60, v1  }
0x328: {  	v2 =	vadd.f32 v11, v2;
	v3 =	vadd.f32 v62, v3  }
0x329: {  	s0 =	sadd.s32 s26, s9;
	v4 =	vadd.f32 v8, v4;
	v1 =	vadd.f32 v1, v10  }
0x32a: {  	s1 =	sshll.u32 s29, $0x5;
	s0 =	sshll.u32 s0, $0x1;
	v2 =	vadd.f32 v61, v2;
	v3 =	vadd.f32 v3, v5  }
0x32b: {  	s1 =	sand.u32 $0x3FFFFF00, s1;
	s0 =	sadd.s32 s6, s0;
	v1 =	vadd.f32 v4, v1  }
0x32c: {  	s1 =	sor.u32 s28, s1;
	s0 =	sadd.s32 $0x400, s0;
	v2 =	vadd.f32 v2, v3  }
0x32d: {  	s0 =	sshrl.u32 s0, $0x3;
	[tilespmem:s1+$0xC480] =	vst v1  }
0x32e: {  	s10 =	simm.s32 $0x0;
	s16 =	simm.s32 $0xC400;
	[tilespmem:s1+$0xC400] =	vst v2;
	s1 =	sadd.s32 s7, s0  }
0x32f: {  	[hbm4b:s1+s10] =	stream.linear.scatter [tilespmem:s16], [sflag:$0x5], $0x80, $0x38;
	[tilespmem:$0x1C800] =	vst v63  }
0x330: {  	s17 =	simm.s32 $0xC500;
	s31 =	sadd.s32 $0x20, s1  }
0x331: {  	[hbm4b:s31+s10] =	stream.linear.scatter [tilespmem:s17], [sflag:$0x5], $0x80, $0x38;
	[tilespmem:$0x1C800] =	vst v63  }
0x332: {  	s26 =	sadd.s32 $0x40, s1  }
0x333: {  	[hbm4b:s26+s10] =	stream.linear.scatter [tilespmem:s11], [sflag:$0x5], $0x80, $0x38;
	[tilespmem:$0x1C800] =	vst v63  }
0x334: {  	s0 =	sor.u32 $0x10, s0;
	s1 =	sadd.s32 $0x60, s1  }
0x335: {  	[hbm4b:s1+s10] =	stream.linear.scatter [tilespmem:s12], [sflag:$0x5], $0x80, $0x38;
	[tilespmem:$0x1C800] =	vst v63  }
0x336: {  	s0 =	sadd.s32 s7, s0  }
0x337: {  	[hbm4b:s0+s10] =	stream.linear.scatter [tilespmem:s13], [sflag:$0x5], $0x80, $0x38;
	[tilespmem:$0x1C800] =	vst v63  }
0x338: {  	s31 =	sadd.s32 $0x20, s0;
	s17 =	simm.s32 $0x0  }
0x339: {  	[hbm4b:s31+s10] =	stream.linear.scatter [tilespmem:s14], [sflag:$0x5], $0x80, $0x38;
	[tilespmem:$0x1C800] =	vst v63  }
0x33a: {  	s16 =	sadd.s32 $0x40, s0;
	s1 =	smul.u32 $0x7FFF80, s17  }
0x33b: {  	[hbm4b:s16+s10] =	stream.linear.scatter [tilespmem:s15], [sflag:$0x5], $0x80, $0x38;
	[tilespmem:$0x1C800] =	vst v63  }
0x33c: {  	s0 =	sadd.s32 $0x60, s0;
	s26 =	ssub.s32 s23, s1  }
0x33d: {  	[hbm4b:s0+s10] =	stream.linear.scatter [tilespmem:s21], [sflag:$0x5], $0x80, $0x38;
	[tilespmem:$0x1C800] =	vst v63  }
0x33e: {  	s0 =	sshrl.u32 s26, $0x3  }
0x33f: {  	s31 =	simm.s32 $0x1000;
	s10 =	sadd.s32 s4, s0  }
0x340: {  	[tilespmem:s31], [sflag:$0x1] =	stream.linear.gather [hbm4b:s10+s3], $0x80, $0x38;
	[tilespmem:$0x1C800] =	vst v63  }
0x341: {  	s17 =	simm.s32 $0x1400;
	s16 =	sadd.s32 $0x20, s10  }
0x342: {  	[tilespmem:s17], [sflag:$0x1] =	stream.linear.gather [hbm4b:s16+s3], $0x80, $0x38;
	[tilespmem:$0x1C800] =	vst v63  }
0x343: {  	s30 =	simm.s32 $0x3C00;
	s26 =	sadd.s32 $0x40, s10;
	s31 =	simm.s32 $0x1800  }
0x344: {  	[tilespmem:s31], [sflag:$0x1] =	stream.linear.gather [hbm4b:s26+s3], $0x80, $0x38;
	[tilespmem:$0x1C800] =	vst v63  }
0x345: {  	s1 =	simm.s32 $0x400;
	s10 =	sadd.s32 $0x60, s10;
	s16 =	simm.s32 $0x1C00  }
0x346: {  	[tilespmem:s16], [sflag:$0x1] =	stream.linear.gather [hbm4b:s10+s3], $0x80, $0x38;
	[tilespmem:$0x1C800] =	vst v63  }
0x347: {  	s17 =	simm.s32 $0x3000;
	s31 =	simm.s32 $0x3400;
	s16 =	sadd.s32 s5, s0  }
0x348: {  	[tilespmem:s17], [sflag:$0x1] =	stream.linear.gather [hbm4b:s16+s3], $0x80, $0x38;
	[tilespmem:$0x1C800] =	vst v63  }
0x349: {  	s0 =	simm.s32 $0x200;
	s10 =	sadd.s32 $0x200000, s23;
	s26 =	sadd.s32 $0x20, s16  }
0x34a: {  	[tilespmem:s31], [sflag:$0x1] =	stream.linear.gather [hbm4b:s26+s3], $0x80, $0x38;
	[tilespmem:$0x1C800] =	vst v63  }
0x34b: {  	s17 =	sadd.s32 $0x40, s16;
	s26 =	simm.s32 $0x3800;
	s31 =	simm.s32 $0x0  }
0x34c: {  	[tilespmem:s26], [sflag:$0x1] =	stream.linear.gather [hbm4b:s17+s3], $0x80, $0x38;
	[tilespmem:$0x1C800] =	vst v63  }
0x34d: {  	s29 =	sadd.s32 $0x60, s16;
	s28 =	smul.u32 $0x7FFF80, s31;
	s26 =	simm.s32 $0x1  }
.LBB2_19:
0x34e: {  	[tilespmem:s30], [sflag:$0x1] =	stream.linear.gather [hbm4b:s29+s3], $0x80, $0x38;
	[tilespmem:$0x1C800] =	vst v63  }
0x34f: {  	s16 =	smov.u32 s1  }
0x350: {  	p1 =	sne.s32 s1, $0xE00;
	s1 =	sadd.s32 $0x200, s1;
	s17 =	ssub.s32 s10, s28  }
0x351: {  	s30 =	sshra.s32 s0, $0x2;
	s0 =	smov.u32 s16;
	s17 =	sshrl.u32 s17, $0x3  }
0x352: {  	s16 =	sadd.s32 $0x1000, s30;
	s28 =	sadd.s32 s4, s17  }
0x353: {  	[tilespmem:s16], [sflag:$0x1] =	stream.linear.gather [hbm4b:s28+s3], $0x80, $0x38;
	[tilespmem:$0x1C800] =	vst v63  }
0x354: {  	s29 =	sadd.s32 $0x1400, s30;
	s16 =	sadd.s32 $0x20, s28  }
0x355: {  	[tilespmem:s29], [sflag:$0x1] =	stream.linear.gather [hbm4b:s16+s3], $0x80, $0x38;
	[tilespmem:$0x1C800] =	vst v63  }
0x356: {  	s16 =	sadd.s32 $0x40, s28;
	s29 =	sadd.s32 $0x1800, s30  }
0x357: {  	[tilespmem:s29], [sflag:$0x1] =	stream.linear.gather [hbm4b:s16+s3], $0x80, $0x38;
	[tilespmem:$0x1C800] =	vst v63  }
0x358: {  	s26 =	sadd.s32 $0x1, s26;
	s16 =	sadd.s32 $0x60, s28;
	s28 =	sadd.s32 $0x1C00, s30  }
0x359: {  	[tilespmem:s28], [sflag:$0x1] =	stream.linear.gather [hbm4b:s16+s3], $0x80, $0x38;
	[tilespmem:$0x1C800] =	vst v63  }
0x35a: {  	s10 =	sadd.s32 $0x200000, s10;
	s17 =	sadd.s32 s5, s17;
	s16 =	sadd.s32 $0x3000, s30  }
0x35b: {  	[tilespmem:s16], [sflag:$0x1] =	stream.linear.gather [hbm4b:s17+s3], $0x80, $0x38;
	[tilespmem:$0x1C800] =	vst v63  }
.Ltmp8:
0x35c: {  	s28 =	sadd.s32 $0x3400, s30;
	s16 =	sadd.s32 $0x20, s17;
	(pc) =	sbr.rel @p1 .LBB2_19-.Ltmp8, $4  }
0x35d: {  	[tilespmem:s28], [sflag:$0x1] =	stream.linear.gather [hbm4b:s16+s3], $0x80, $0x38;
	[tilespmem:$0x1C800] =	vst v63  }
0x35e: {  	s29 =	sadd.s32 $0x3800, s30;
	s16 =	sshrl.u32 s26, $0x2;
	s28 =	sadd.s32 $0x40, s17  }
0x35f: {  	[tilespmem:s29], [sflag:$0x1] =	stream.linear.gather [hbm4b:s28+s3], $0x80, $0x38;
	[tilespmem:$0x1C800] =	vst v63  }
0x360: {  	s30 =	sadd.s32 $0x3C00, s30;
	s28 =	smul.u32 $0x7FFF80, s16;
	s29 =	sadd.s32 $0x60, s17  }
0x361: {  	[tilespmem:s30], [sflag:$0x1] =	stream.linear.gather [hbm4b:s29+s3], $0x80, $0x38;
	[tilespmem:$0x1C800] =	vst v63  }
0x362: {  	s1 =	ssub.s32 s10, s28  }
0x363: {  	s0 =	sshra.s32 s0, $0x2;
	s1 =	sshrl.u32 s1, $0x3  }
0x364: {  	s28 =	sadd.s32 $0x1000, s0;
	s16 =	sadd.s32 s4, s1  }
0x365: {  	[tilespmem:s28], [sflag:$0x1] =	stream.linear.gather [hbm4b:s16+s3], $0x80, $0x38;
	[tilespmem:$0x1C800] =	vst v63  }
0x366: {  	s17 =	sadd.s32 $0x1400, s0;
	s29 =	sadd.s32 $0x20, s16  }
0x367: {  	[tilespmem:s17], [sflag:$0x1] =	stream.linear.gather [hbm4b:s29+s3], $0x80, $0x38;
	[tilespmem:$0x1C800] =	vst v63  }
0x368: {  	s31 =	sadd.s32 $0x1800, s0;
	s30 =	sadd.s32 $0x40, s16  }
0x369: {  	[tilespmem:s31], [sflag:$0x1] =	stream.linear.gather [hbm4b:s30+s3], $0x80, $0x38;
	[tilespmem:$0x1C800] =	vst v63  }
0x36a: {  	s16 =	sadd.s32 $0x60, s16;
	s17 =	sadd.s32 $0x1C00, s0  }
0x36b: {  	[tilespmem:s17], [sflag:$0x1] =	stream.linear.gather [hbm4b:s16+s3], $0x80, $0x38;
	[tilespmem:$0x1C800] =	vst v63  }
0x36c: {  	s22 =	sadd.s32 $0x1, s22;
	s26 =	sadd.s32 $0x3000, s0;
	s1 =	sadd.s32 s5, s1  }
0x36d: {  	[tilespmem:s26], [sflag:$0x1] =	stream.linear.gather [hbm4b:s1+s3], $0x80, $0x38;
	[tilespmem:$0x1C800] =	vst v63  }
0x36e: {  	p1 =	sne.s32 s22, $0x1F;
	s28 =	sadd.s32 $0x20, s1;
	s29 =	sadd.s32 $0x3400, s0  }
0x36f: {  	[tilespmem:s29], [sflag:$0x1] =	stream.linear.gather [hbm4b:s28+s3], $0x80, $0x38;
	[tilespmem:$0x1C800] =	vst v63  }
.Ltmp9:
0x370: {  	_ = 	snop;
	(pc) =	sbr.rel @p1 .LBB2_8-.Ltmp9, $4  }
0x371: {  	s24 =	sadd.s32 $0x800, s24;
	s30 =	sadd.s32 $0x40, s1;
	s31 =	sadd.s32 $0x3800, s0  }
0x372: {  	[tilespmem:s31], [sflag:$0x1] =	stream.linear.gather [hbm4b:s30+s3], $0x80, $0x38;
	[tilespmem:$0x1C800] =	vst v63  }
0x373: {  	s23 =	sadd.s32 $0x800, s23;
	s0 =	sadd.s32 $0x3C00, s0;
	s1 =	sadd.s32 $0x60, s1  }
0x374: {  	[tilespmem:s0], [sflag:$0x1] =	stream.linear.gather [hbm4b:s1+s3], $0x80, $0x38;
	[tilespmem:$0x1C800] =	vst v63  }
0x375: {  	_ =	swait.ge [sflag:s19], $0x200  }
0x376: {  	[sflag:s19] =	ssyncset.done $0x0  }
0x377: {  	[sflag:s19] =	ssyncadd.s32 $0xFFFFFE00  }
0x378: {  	_ =	swait.ge [sflag:s19], $0x200  }
0x379: {  	[sflag:s19] =	ssyncset.done $0x0  }
0x37a: {  	[sflag:s19] =	ssyncadd.s32 $0xFFFFFE00  }
0x37b: {  	_ =	swait.ge [sflag:s19], $0x200  }
0x37c: {  	[sflag:s19] =	ssyncset.done $0x0  }
0x37d: {  	[sflag:s19] =	ssyncadd.s32 $0xFFFFFE00  }
0x37e: {  	_ =	swait.ge [sflag:s19], $0x200  }
0x37f: {  	[sflag:s19] =	ssyncset.done $0x0  }
0x380: {  	[sflag:s19] =	ssyncadd.s32 $0xFFFFFE00  }
0x381: {  	_ =	swait.ge [sflag:s19], $0x200  }
0x382: {  	[sflag:s19] =	ssyncset.done $0x0  }
0x383: {  	[sflag:s19] =	ssyncadd.s32 $0xFFFFFE00  }
0x384: {  	_ =	swait.ge [sflag:s19], $0x200  }
0x385: {  	[sflag:s19] =	ssyncset.done $0x0  }
0x386: {  	[sflag:s19] =	ssyncadd.s32 $0xFFFFFE00  }
0x387: {  	_ =	swait.ge [sflag:s19], $0x200  }
0x388: {  	[sflag:s19] =	ssyncset.done $0x0  }
0x389: {  	[sflag:s19] =	ssyncadd.s32 $0xFFFFFE00  }
0x38a: {  	_ =	swait.ge [sflag:s19], $0x200  }
0x38b: {  	[sflag:s19] =	ssyncset.done $0x0  }
0x38c: {  	[sflag:s19] =	ssyncadd.s32 $0xFFFFFE00  }
0x38d: {  	_ =	swait.ge [sflag:s19], $0x200  }
0x38e: {  	[sflag:s19] =	ssyncset.done $0x0  }
0x38f: {  	[sflag:s19] =	ssyncadd.s32 $0xFFFFFE00  }
0x390: {  	_ =	swait.ge [sflag:s19], $0x200  }
0x391: {  	[sflag:s19] =	ssyncset.done $0x0  }
0x392: {  	[sflag:s19] =	ssyncadd.s32 $0xFFFFFE00  }
0x393: {  	_ =	swait.ge [sflag:s19], $0x200  }
0x394: {  	[sflag:s19] =	ssyncset.done $0x0  }
0x395: {  	[sflag:s19] =	ssyncadd.s32 $0xFFFFFE00  }
0x396: {  	_ =	swait.ge [sflag:s19], $0x200  }
0x397: {  	[sflag:s19] =	ssyncset.done $0x0  }
0x398: {  	[sflag:s19] =	ssyncadd.s32 $0xFFFFFE00  }
0x399: {  	_ =	swait.ge [sflag:s19], $0x200  }
0x39a: {  	[sflag:s19] =	ssyncset.done $0x0  }
0x39b: {  	[sflag:s19] =	ssyncadd.s32 $0xFFFFFE00  }
0x39c: {  	_ =	swait.ge [sflag:s19], $0x200  }
0x39d: {  	[sflag:s19] =	ssyncset.done $0x0  }
0x39e: {  	[sflag:s19] =	ssyncadd.s32 $0xFFFFFE00  }
0x39f: {  	_ =	swait.ge [sflag:s19], $0x200  }
0x3a0: {  	[sflag:s19] =	ssyncset.done $0x0  }
0x3a1: {  	[sflag:s19] =	ssyncadd.s32 $0xFFFFFE00  }
0x3a2: {  	s1 =	simm.s32 $0x0;
	_ =	swait.ge [sflag:s19], $0x200  }
0x3a3: {  	s0 =	sand.u32 $0x70, s1;
	s10 =	sand.u32 $0xC00, s1;
	[sflag:s19] =	ssyncset.done $0x0  }
0x3a4: {  	s0 =	sor.u32 s0, s10;
	[sflag:s19] =	ssyncadd.s32 $0xFFFFFE00  }
0x3a5: {  	v4 =	vld [tilespmem:s0+$0x3000]  }
0x3a6: {  	v1 =	vld [tilespmem:s0+$0x3380]  }
0x3a7: {  	s22 =	simm.s32 $0x6000;
	v2 =	vld [tilespmem:s0+$0x3200]  }
0x3a8: {  	s24 =	simm.s32 $0x10;
	s23 =	simm.s32 $0x6000;
	s10 =	simm.s32 $0x0;
	v3 =	vld [tilespmem:s0+$0x3280]  }
.LBB2_22:
0x3a9: {  	p1 =	sne.s32 s24, $0x1F0;
	v5 =	vld [tilespmem:s0+$0x3300];
	s1 =	sadd.s32 $0x80, s1;
	s22 =	sadd.s32 $0x10, s22  }
0x3aa: {  	s16 =	smov.u32 s24;
	s24 =	sadd.s32 $0x10, s24;
	v4 =	vshll.u32 v4, $0x9  }
0x3ab: {  	v4 =	vadd.s32 v0, v4  }
0x3ac: {  	v6 =	vadd.s32 v2, v4;
	v7 =	vadd.s32 v1, v4  }
0x3ad: {  	s26 =	sand.u32 $0x1F0, s10;
	s10 =	smov.u32 s16;
	[tilespmem:s23+$0x0] =	vst v6;
	v6 =	vadd.s32 v3, v4;
	s23 =	smov.u32 s22  }
0x3ae: {  	v4 =	vadd.s32 v5, v4;
	[tilespmem:s26+$0x6600] =	vst v7  }
0x3af: {  	[tilespmem:s26+$0x6200] =	vst v6  }
0x3b0: {  	[tilespmem:s26+$0x6400] =	vst v4  }
0x3b1: {  	v4 =	vld [tilespmem:s0+$0x3080];
	_ =	sdelay $0x1  }
0x3b2: {  	s17 =	sand.u32 $0xC00, s1;
	s16 =	sand.u32 $0x70, s10  }
0x3b3: {  	s16 =	sor.u32 s16, s17;
	_ =	sdelay $0x1  }
0x3b4: {  	v4 =	vshll.u32 v4, $0x9  }
0x3b5: {  	v4 =	vadd.s32 v0, v4  }
0x3b6: {  	v6 =	vadd.s32 v2, v4;
	v7 =	vadd.s32 v3, v4;
	v8 =	vadd.s32 v5, v4  }
0x3b7: {  	v4 =	vadd.s32 v1, v4;
	[tilespmem:s26+$0x6800] =	vst v6  }
0x3b8: {  	[tilespmem:s26+$0x6C00] =	vst v8  }
0x3b9: {  	[tilespmem:s26+$0x6E00] =	vst v4  }
0x3ba: {  	[tilespmem:s26+$0x6A00] =	vst v7  }
0x3bb: {  	v4 =	vld [tilespmem:s0+$0x3100];
	_ =	sdelay $0x4  }
0x3bc: {  	v4 =	vshll.u32 v4, $0x9  }
0x3bd: {  	v4 =	vadd.s32 v0, v4  }
0x3be: {  	v6 =	vadd.s32 v2, v4;
	v7 =	vadd.s32 v3, v4;
	v8 =	vadd.s32 v5, v4  }
0x3bf: {  	v4 =	vadd.s32 v1, v4;
	[tilespmem:s26+$0x7000] =	vst v6  }
0x3c0: {  	[tilespmem:s26+$0x7600] =	vst v4  }
0x3c1: {  	[tilespmem:s26+$0x7400] =	vst v8  }
0x3c2: {  	[tilespmem:s26+$0x7200] =	vst v7  }
0x3c3: {  	v4 =	vld [tilespmem:s0+$0x3180];
	s0 =	smov.u32 s16;
	_ =	sdelay $0x4  }
0x3c4: {  	v4 =	vshll.u32 v4, $0x9  }
0x3c5: {  	v4 =	vadd.s32 v0, v4  }
0x3c6: {  	v2 =	vadd.s32 v2, v4;
	v3 =	vadd.s32 v3, v4;
	v5 =	vadd.s32 v5, v4  }
0x3c7: {  	v1 =	vadd.s32 v1, v4;
	[tilespmem:s26+$0x7C00] =	vst v5  }
0x3c8: {  	[tilespmem:s26+$0x7800] =	vst v2  }
0x3c9: {  	[tilespmem:s26+$0x7A00] =	vst v3  }
.Ltmp10:
0x3ca: {  	[tilespmem:s26+$0x7E00] =	vst v1;
	(pc) =	sbr.rel @p1 .LBB2_22-.Ltmp10, $4  }
0x3cb: {  	v4 =	vld [tilespmem:s0+$0x3000]  }
0x3cc: {  	v1 =	vld [tilespmem:s0+$0x3380]  }
0x3cd: {  	v2 =	vld [tilespmem:s0+$0x3200]  }
0x3ce: {  	v3 =	vld [tilespmem:s0+$0x3280]  }
0x3cf: {  	_ = 	snop  }
0x3d0: {  	v5 =	vld [tilespmem:s0+$0x3300];
	v4 =	vshll.u32 v4, $0x9  }
0x3d1: {  	v4 =	vadd.s32 v0, v4  }
0x3d2: {  	v6 =	vadd.s32 v2, v4  }
0x3d3: {  	s1 =	sand.u32 $0x1F0, s10;
	v7 =	vadd.s32 v1, v4;
	[tilespmem:s23+$0x0] =	vst v6  }
0x3d4: {  	v6 =	vadd.s32 v3, v4;
	[tilespmem:s1+$0x6600] =	vst v7  }
0x3d5: {  	v4 =	vadd.s32 v5, v4;
	[tilespmem:s1+$0x6200] =	vst v6  }
0x3d6: {  	[tilespmem:s1+$0x6400] =	vst v4  }
0x3d7: {  	v4 =	vld [tilespmem:s0+$0x3080];
	_ =	sdelay $0x4  }
0x3d8: {  	v4 =	vshll.u32 v4, $0x9  }
0x3d9: {  	v4 =	vadd.s32 v0, v4  }
0x3da: {  	v6 =	vadd.s32 v2, v4  }
0x3db: {  	v7 =	vadd.s32 v5, v4;
	[tilespmem:s1+$0x6800] =	vst v6  }
0x3dc: {  	v6 =	vadd.s32 v1, v4;
	[tilespmem:s1+$0x6C00] =	vst v7  }
0x3dd: {  	v4 =	vadd.s32 v3, v4;
	[tilespmem:s1+$0x6E00] =	vst v6  }
0x3de: {  	[tilespmem:s1+$0x6A00] =	vst v4  }
0x3df: {  	v4 =	vld [tilespmem:s0+$0x3100];
	_ =	sdelay $0x4  }
0x3e0: {  	v4 =	vshll.u32 v4, $0x9  }
0x3e1: {  	v4 =	vadd.s32 v0, v4  }
0x3e2: {  	v6 =	vadd.s32 v2, v4  }
0x3e3: {  	v7 =	vadd.s32 v5, v4;
	[tilespmem:s1+$0x7000] =	vst v6  }
0x3e4: {  	v6 =	vadd.s32 v1, v4;
	[tilespmem:s1+$0x7400] =	vst v7  }
0x3e5: {  	v4 =	vadd.s32 v3, v4;
	[tilespmem:s1+$0x7600] =	vst v6  }
0x3e6: {  	[tilespmem:s1+$0x7200] =	vst v4  }
0x3e7: {  	v4 =	vld [tilespmem:s0+$0x3180];
	_ =	sdelay $0x4  }
0x3e8: {  	v4 =	vshll.u32 v4, $0x9  }
0x3e9: {  	v4 =	vadd.s32 v0, v4  }
0x3ea: {  	v5 =	vadd.s32 v5, v4  }
0x3eb: {  	v2 =	vadd.s32 v2, v4;
	[tilespmem:s1+$0x7C00] =	vst v5  }
0x3ec: {  	v3 =	vadd.s32 v3, v4;
	[tilespmem:s1+$0x7800] =	vst v2  }
0x3ed: {  	v1 =	vadd.s32 v1, v4;
	[tilespmem:s1+$0x7A00] =	vst v3  }
0x3ee: {  	s26 =	simm.s32 $0x6000;
	s29 =	simm.s32 $0xA000;
	s17 =	simm.s32 $0x4;
	[tilespmem:s1+$0x7E00] =	vst v1  }
0x3ef: {  	[tilespmem:s29], [sflag:$0x3] =	stream.indirect.gather [spmem:s2], $0x1, s26, s20, $0xb8;
	[tilespmem:$0x1C800] =	vst v63  }
0x3f0: {  	_ =	swait.ge [sflag:s17], $0x200  }
0x3f1: {  	[sflag:s17] =	ssyncset.done $0x0  }
0x3f2: {  	[sflag:s17] =	ssyncadd.s32 $0xFFFFFE00  }
0x3f3: {  	_ =	swait.ge [sflag:s17], $0x200  }
0x3f4: {  	[sflag:s17] =	ssyncset.done $0x0  }
0x3f5: {  	[sflag:s17] =	ssyncadd.s32 $0xFFFFFE00  }
0x3f6: {  	s24 =	simm.s32 $0x0;
	s30 =	simm.s32 $0x0;
	_ =	swait.ge [sflag:s25], $0x2000  }
0x3f7: {  	s22 =	sand.u32 $0x70, s24;
	s0 =	sand.u32 $0x3FFFFC00, s30;
	[sflag:s25] =	ssyncset.done $0x0  }
0x3f8: {  	s31 =	sor.u32 s22, s0;
	[sflag:s25] =	ssyncadd.s32 $0xFFFFE000  }
0x3f9: {  	s26 =	sand.u32 $0x1F0, s24;
	v7 =	vld [tilespmem:s31+$0x0]  }
0x3fa: {  	v5 =	vld [tilespmem:s26+$0x8C00]  }
0x3fb: {  	s0 =	simm.s32 $0x8000;
	v19 =	vld [tilespmem:s26+$0x9000]  }
0x3fc: {  	v10 =	vld [tilespmem:s0+$0x0]  }
0x3fd: {  	v16 =	vld [tilespmem:s26+$0x9400]  }
0x3fe: {  	v1 =	vld [tilespmem:s26+$0x9200]  }
0x3ff: {  	v8 =	vld [tilespmem:s31+$0x380]  }
0x400: {  	v11 =	vld [tilespmem:s31+$0x80]  }
0x401: {  	v9 =	vld [tilespmem:s31+$0x200]  }
0x402: {  	v15 =	vld [tilespmem:s31+$0x100]  }
0x403: {  	v12 =	vld [tilespmem:s26+$0x8600]  }
0x404: {  	v27 =	vld [tilespmem:s26+$0x8800];
	v3 =	vshll.u32 v1, $0x10;
	v1 =	vand.u32 $0xFFFF0000, v1;
	v14 =	vshll.u32 v10, $0x10  }
0x405: {  	v25 =	vld [tilespmem:s26+$0x8400];
	v13 =	vmul.f32 v8, v11;
	v17 =	vand.u32 $0xFFFF0000, v19;
	v2 =	vshll.u32 v16, $0x10  }
0x406: {  	v29 =	vld [tilespmem:s26+$0x8E00];
	v20 =	vmul.f32 v9, v7;
	v28 =	vmul.f32 v8, v7;
	v4 =	vand.u32 $0xFFFF0000, v5  }
0x407: {  	v18 =	vmul.f32 v9, v11;
	v6 =	vshll.u32 v5, $0x10;
	v21 =	vmul.f32 v8, v15  }
0x408: {  	v30 =	vld [tilespmem:s26+$0x9600];
	v10 =	vand.u32 $0xFFFF0000, v10;
	v32 =	vshll.u32 v12, $0x10;
	v5 =	vmul.f32 v9, v15  }
0x409: {  	v22 =	vld [tilespmem:s31+$0x280];
	v31 =	vand.u32 $0xFFFF0000, v12;
	v24 =	vshll.u32 v27, $0x10;
	v14 =	vmul.f32 v14, v20  }
0x40a: {  	v12 =	vld [tilespmem:s31+$0x300];
	v26 =	vmul.f32 v10, v20;
	v20 =	vshll.u32 v25, $0x10;
	v10 =	vmul.f32 v17, v5  }
0x40b: {  	s28 =	simm.s32 $0x5;
	s23 =	simm.s32 $0x0;
	s1 =	simm.s32 $0x1;
	v17 =	vld [tilespmem:s31+$0x180];
	v23 =	vadd.f32 $0.0e+00, v14;
	v14 =	vand.u32 $0xFFFF0000, v25;
	v25 =	vshll.u32 v29, $0x10  }
.LBB2_24:
0x40c: {  	p1 =	sne.s32 s1, $0x1F;
	v32 =	vmul.f32 v32, v28;
	v27 =	vand.u32 $0xFFFF0000, v27;
	v29 =	vand.u32 $0xFFFF0000, v29;
	s24 =	sadd.s32 $0x10, s24;
	s0 =	sadd.s32 $0x10, s0  }
0x40d: {  	v19 =	vshll.u32 v19, $0x10;
	v33 =	vshll.u32 v30, $0x10;
	s10 =	smov.u32 s1;
	s1 =	sadd.s32 $0x1, s1;
	v29 =	vmul.f32 v29, v13  }
0x40e: {  	v28 =	vmul.f32 v31, v28;
	v31 =	vmul.f32 v22, v15;
	v30 =	vand.u32 $0xFFFF0000, v30;
	v34 =	vld [tilespmem:s26+$0x9E00]  }
0x40f: {  	v35 =	vmul.f32 v22, v11;
	v16 =	vand.u32 $0xFFFF0000, v16;
	v33 =	vmul.f32 v33, v21;
	v36 =	vld [tilespmem:s26+$0x9800]  }
0x410: {  	v37 =	vmul.f32 v22, v7;
	v27 =	vmul.f32 v27, v18;
	v28 =	vadd.f32 $0.0e+00, v28  }
0x411: {  	v15 =	vmul.f32 v12, v15;
	v32 =	vadd.f32 $0.0e+00, v32;
	v22 =	vmul.f32 v22, v17;
	v38 =	vld [tilespmem:s26+$0x8200]  }
0x412: {  	v26 =	vadd.f32 $0.0e+00, v26;
	v11 =	vmul.f32 v12, v11;
	v21 =	vmul.f32 v30, v21;
	v39 =	vld [tilespmem:s26+$0x8A00]  }
0x413: {  	v7 =	vmul.f32 v12, v7;
	v28 =	vadd.f32 v29, v28;
	v29 =	vshll.u32 v34, $0x10  }
0x414: {  	v18 =	vmul.f32 v24, v18;
	v30 =	vand.u32 $0xFFFF0000, v34;
	v24 =	vand.u32 $0xFFFF0000, v36  }
0x415: {  	v13 =	vmul.f32 v25, v13;
	v8 =	vmul.f32 v8, v17;
	v25 =	vshll.u32 v36, $0x10  }
0x416: {  	v18 =	vadd.f32 v18, v23;
	v9 =	vmul.f32 v9, v17;
	v34 =	vshll.u32 v38, $0x10  }
0x417: {  	v20 =	vmul.f32 v20, v7;
	v13 =	vadd.f32 v13, v32;
	v23 =	vand.u32 $0xFFFF0000, v38  }
0x418: {  	v24 =	vmul.f32 v24, v9;
	v23 =	vmul.f32 v23, v37;
	v32 =	vand.u32 $0xFFFF0000, v39  }
0x419: {  	v12 =	vmul.f32 v12, v17;
	v20 =	vadd.f32 $0.0e+00, v20;
	v34 =	vmul.f32 v34, v37;
	v36 =	vld [tilespmem:s26+$0x9C00]  }
0x41a: {  	v17 =	vadd.f32 v27, v26;
	v21 =	vadd.f32 v21, v28;
	v26 =	vmul.f32 v29, v8  }
0x41b: {  	v28 =	vshll.u32 v39, $0x10;
	v29 =	vmul.f32 v32, v35;
	v27 =	vadd.f32 $0.0e+00, v34;
	v32 =	vld [tilespmem:s26+$0x9A00]  }
0x41c: {  	v7 =	vmul.f32 v14, v7;
	v10 =	vadd.f32 v10, v17;
	v14 =	vmul.f32 v28, v35  }
0x41d: {  	v6 =	vmul.f32 v6, v11;
	v13 =	vadd.f32 v33, v13;
	v8 =	vmul.f32 v30, v8  }
0x41e: {  	v7 =	vadd.f32 $0.0e+00, v7;
	v14 =	vadd.f32 v14, v27;
	v17 =	vand.u32 $0xFFFF0000, v36  }
0x41f: {  	v3 =	vmul.f32 v3, v31;
	v4 =	vmul.f32 v4, v11;
	v11 =	vshll.u32 v36, $0x10  }
0x420: {  	v16 =	vmul.f32 v16, v15;
	v23 =	vadd.f32 $0.0e+00, v23;
	v27 =	vand.u32 $0xFFFF0000, v32  }
0x421: {  	v5 =	vmul.f32 v19, v5;
	v3 =	vadd.f32 v3, v14;
	v14 =	vshll.u32 v32, $0x10  }
0x422: {  	v6 =	vadd.f32 v6, v20;
	v4 =	vadd.f32 v4, v7;
	v7 =	vmul.f32 v17, v12  }
0x423: {  	v1 =	vmul.f32 v1, v31;
	v5 =	vadd.f32 v5, v18;
	v17 =	vadd.f32 v29, v23  }
0x424: {  	v4 =	vadd.f32 v16, v4;
	v11 =	vmul.f32 v11, v12;
	v16 =	vmul.f32 v27, v22  }
0x425: {  	v2 =	vmul.f32 v2, v15;
	v12 =	vadd.f32 v26, v13;
	v1 =	vadd.f32 v1, v17  }
0x426: {  	v8 =	vadd.f32 v8, v21;
	v10 =	vadd.f32 v24, v10;
	v13 =	vmul.f32 v14, v22  }
0x427: {  	v2 =	vadd.f32 v2, v6;
	v6 =	vmul.f32 v25, v9;
	v1 =	vadd.f32 v16, v1  }
0x428: {  	v4 =	vadd.f32 v7, v4;
	v3 =	vadd.f32 v13, v3  }
0x429: {  	v5 =	vadd.f32 v6, v5;
	v2 =	vadd.f32 v11, v2  }
0x42a: {  	s26 =	sand.u32 $0x1F0, s24;
	v4 =	vadd.f32 v8, v4;
	v1 =	vadd.f32 v1, v10  }
0x42b: {  	s16 =	sshll.u32 s23, $0x5;
	s23 =	smov.u32 s10;
	v2 =	vadd.f32 v12, v2;
	v3 =	vadd.f32 v3, v5  }
0x42c: {  	s16 =	sand.u32 $0x3FFFFF00, s16;
	s10 =	sshll.u32 s23, $0x7;
	v1 =	vadd.f32 v4, v1  }
0x42d: {  	s16 =	sor.u32 s22, s16;
	s22 =	sand.u32 $0x70, s24;
	s10 =	sand.u32 $0x3FFFFC00, s10;
	v2 =	vadd.f32 v2, v3  }
0x42e: {  	s10 =	sor.u32 s22, s10;
	[tilespmem:s16+$0xC080] =	vst v1  }
0x42f: {  	[tilespmem:s16+$0xC000] =	vst v2  }
0x430: {  	v7 =	vld [tilespmem:s10+$0x0]  }
0x431: {  	v5 =	vld [tilespmem:s26+$0x8C00]  }
0x432: {  	v19 =	vld [tilespmem:s26+$0x9000]  }
0x433: {  	v10 =	vld [tilespmem:s0+$0x0]  }
0x434: {  	v16 =	vld [tilespmem:s26+$0x9400]  }
0x435: {  	v1 =	vld [tilespmem:s26+$0x9200]  }
0x436: {  	v8 =	vld [tilespmem:s10+$0x380]  }
0x437: {  	v15 =	vld [tilespmem:s10+$0x100]  }
0x438: {  	v11 =	vld [tilespmem:s10+$0x80]  }
0x439: {  	v9 =	vld [tilespmem:s10+$0x200]  }
0x43a: {  	v14 =	vld [tilespmem:s26+$0x8600];
	v3 =	vshll.u32 v1, $0x10  }
0x43b: {  	v1 =	vand.u32 $0xFFFF0000, v1;
	v27 =	vld [tilespmem:s26+$0x8800]  }
0x43c: {  	v17 =	vshll.u32 v10, $0x10;
	v25 =	vld [tilespmem:s26+$0x8400]  }
0x43d: {  	v23 =	vand.u32 $0xFFFF0000, v19;
	v2 =	vshll.u32 v16, $0x10;
	v29 =	vld [tilespmem:s26+$0x8E00];
	v13 =	vmul.f32 v8, v11  }
0x43e: {  	v4 =	vand.u32 $0xFFFF0000, v5;
	v28 =	vmul.f32 v8, v7;
	v22 =	vld [tilespmem:s10+$0x280];
	v20 =	vmul.f32 v9, v7  }
.Ltmp11:
0x43f: {  	v6 =	vshll.u32 v5, $0x10;
	v21 =	vmul.f32 v8, v15;
	v18 =	vmul.f32 v9, v11;
	v30 =	vld [tilespmem:s26+$0x9600];
	(pc) =	sbr.rel @p1 .LBB2_24-.Ltmp11, $4  }
0x440: {  	v10 =	vand.u32 $0xFFFF0000, v10;
	v5 =	vmul.f32 v9, v15;
	v32 =	vshll.u32 v14, $0x10;
	v12 =	vld [tilespmem:s10+$0x300]  }
0x441: {  	v31 =	vand.u32 $0xFFFF0000, v14;
	v33 =	vmul.f32 v17, v20;
	v26 =	vmul.f32 v10, v20  }
0x442: {  	v24 =	vshll.u32 v27, $0x10;
	v10 =	vmul.f32 v23, v5;
	v20 =	vshll.u32 v25, $0x10  }
0x443: {  	v14 =	vand.u32 $0xFFFF0000, v25;
	v23 =	vadd.f32 $0.0e+00, v33;
	v25 =	vshll.u32 v29, $0x10;
	v17 =	vld [tilespmem:s10+$0x180]  }
0x444: {  	v32 =	vmul.f32 v32, v28  }
0x445: {  	v29 =	vand.u32 $0xFFFF0000, v29;
	v28 =	vmul.f32 v31, v28;
	v31 =	vmul.f32 v22, v15  }
0x446: {  	v33 =	vshll.u32 v30, $0x10;
	v35 =	vmul.f32 v22, v11;
	v37 =	vmul.f32 v22, v7  }
0x447: {  	v27 =	vand.u32 $0xFFFF0000, v27;
	v29 =	vmul.f32 v29, v13;
	v33 =	vmul.f32 v33, v21  }
0x448: {  	v30 =	vand.u32 $0xFFFF0000, v30;
	v27 =	vmul.f32 v27, v18;
	v15 =	vmul.f32 v12, v15  }
0x449: {  	v11 =	vmul.f32 v12, v11;
	v21 =	vmul.f32 v30, v21  }
0x44a: {  	v19 =	vshll.u32 v19, $0x10;
	v7 =	vmul.f32 v12, v7;
	v18 =	vmul.f32 v24, v18  }
0x44b: {  	v16 =	vand.u32 $0xFFFF0000, v16;
	v13 =	vmul.f32 v25, v13;
	v5 =	vmul.f32 v19, v5  }
0x44c: {  	v34 =	vld [tilespmem:s26+$0x9E00];
	v26 =	vadd.f32 $0.0e+00, v26;
	v3 =	vmul.f32 v3, v31;
	v1 =	vmul.f32 v1, v31  }
0x44d: {  	v36 =	vld [tilespmem:s26+$0x9800];
	v28 =	vadd.f32 $0.0e+00, v28;
	v20 =	vmul.f32 v20, v7;
	v7 =	vmul.f32 v14, v7  }
0x44e: {  	v38 =	vld [tilespmem:s26+$0x8200];
	v32 =	vadd.f32 $0.0e+00, v32;
	v6 =	vmul.f32 v6, v11;
	v4 =	vmul.f32 v4, v11  }
0x44f: {  	v63 =	vld [tilespmem:s26+$0x9C00];
	v18 =	vadd.f32 v18, v23;
	v16 =	vmul.f32 v16, v15;
	v2 =	vmul.f32 v2, v15  }
0x450: {  	v30 =	vld [tilespmem:s26+$0x8A00];
	v22 =	vmul.f32 v22, v17;
	v28 =	vadd.f32 v29, v28;
	v8 =	vmul.f32 v8, v17  }
0x451: {  	v9 =	vmul.f32 v9, v17;
	v13 =	vadd.f32 v13, v32;
	v12 =	vmul.f32 v12, v17  }
0x452: {  	v17 =	vadd.f32 v27, v26;
	v29 =	vshll.u32 v34, $0x10;
	v24 =	vand.u32 $0xFFFF0000, v36  }
0x453: {  	v25 =	vshll.u32 v36, $0x10;
	v61 =	vshll.u32 v38, $0x10;
	v23 =	vand.u32 $0xFFFF0000, v38  }
0x454: {  	v20 =	vadd.f32 $0.0e+00, v20;
	v7 =	vadd.f32 $0.0e+00, v7;
	v11 =	vshll.u32 v63, $0x10  }
0x455: {  	v5 =	vadd.f32 v5, v18;
	v23 =	vmul.f32 v23, v37;
	v62 =	vand.u32 $0xFFFF0000, v30  }
0x456: {  	v24 =	vmul.f32 v24, v9;
	v36 =	vmul.f32 v61, v37;
	v21 =	vadd.f32 v21, v28  }
0x457: {  	v26 =	vmul.f32 v29, v8;
	v28 =	vshll.u32 v30, $0x10;
	v10 =	vadd.f32 v10, v17  }
0x458: {  	v13 =	vadd.f32 v33, v13;
	v17 =	vand.u32 $0xFFFF0000, v63;
	v11 =	vmul.f32 v11, v12  }
0x459: {  	v30 =	vld [tilespmem:s26+$0x9A00];
	v29 =	vmul.f32 v62, v35;
	v6 =	vadd.f32 v6, v20;
	v4 =	vadd.f32 v4, v7  }
0x45a: {  	v14 =	vmul.f32 v28, v35;
	v27 =	vadd.f32 $0.0e+00, v36;
	v23 =	vadd.f32 $0.0e+00, v23  }
0x45b: {  	v7 =	vmul.f32 v17, v12;
	v12 =	vadd.f32 v26, v13;
	v10 =	vadd.f32 v24, v10  }
0x45c: {  	v34 =	vand.u32 $0xFFFF0000, v34;
	v4 =	vadd.f32 v16, v4;
	v14 =	vadd.f32 v14, v27  }
0x45d: {  	v8 =	vmul.f32 v34, v8;
	v2 =	vadd.f32 v2, v6;
	v17 =	vadd.f32 v29, v23  }
0x45e: {  	v6 =	vmul.f32 v25, v9;
	v27 =	vand.u32 $0xFFFF0000, v30;
	v3 =	vadd.f32 v3, v14  }
0x45f: {  	v14 =	vshll.u32 v30, $0x10;
	v16 =	vmul.f32 v27, v22;
	v1 =	vadd.f32 v1, v17  }
0x460: {  	v8 =	vadd.f32 v8, v21;
	v4 =	vadd.f32 v7, v4;
	v13 =	vmul.f32 v14, v22  }
0x461: {  	v5 =	vadd.f32 v6, v5;
	v1 =	vadd.f32 v16, v1  }
0x462: {  	v2 =	vadd.f32 v11, v2;
	v3 =	vadd.f32 v13, v3  }
0x463: {  	v4 =	vadd.f32 v8, v4;
	v1 =	vadd.f32 v1, v10  }
0x464: {  	s0 =	sshll.u32 s23, $0x5;
	v2 =	vadd.f32 v12, v2;
	v3 =	vadd.f32 v3, v5  }
0x465: {  	s0 =	sand.u32 $0x3FFFFF00, s0;
	v1 =	vadd.f32 v4, v1  }
0x466: {  	s0 =	sor.u32 s22, s0;
	v2 =	vadd.f32 v2, v3  }
0x467: {  	[tilespmem:s0+$0xC080] =	vst v1  }
0x468: {  	s24 =	simm.s32 $0x0;
	s1 =	rddreg [dreg:$0x6];
	s10 =	simm.s32 $0xC000;
	[tilespmem:s0+$0xC000] =	vst v2  }
0x469: {  	[hbm4b:s1+s24] =	stream.linear.scatter [tilespmem:s10], [sflag:$0x4], $0x80, $0x38;
	[tilespmem:$0x1C800] =	vst v63  }
0x46a: {  	s16 =	sadd.s32 $0x20, s1;
	s10 =	simm.s32 $0xC100  }
0x46b: {  	[hbm4b:s16+s24] =	stream.linear.scatter [tilespmem:s10], [sflag:$0x4], $0x80, $0x38;
	[tilespmem:$0x1C800] =	vst v63  }
0x46c: {  	s23 =	simm.s32 $0xC200;
	s22 =	sadd.s32 $0x40, s1  }
0x46d: {  	[hbm4b:s22+s24] =	stream.linear.scatter [tilespmem:s23], [sflag:$0x4], $0x80, $0x38;
	[tilespmem:$0x1C800] =	vst v63  }
0x46e: {  	s29 =	simm.s32 $0xC300;
	s26 =	sadd.s32 $0x60, s1  }
0x46f: {  	[hbm4b:s26+s24] =	stream.linear.scatter [tilespmem:s29], [sflag:$0x4], $0x80, $0x38;
	[tilespmem:$0x1C800] =	vst v63  }
0x470: {  	s30 =	rddreg [dreg:$0x7];
	s31 =	simm.s32 $0xC080  }
0x471: {  	[hbm4b:s30+s24] =	stream.linear.scatter [tilespmem:s31], [sflag:$0x4], $0x80, $0x38;
	[tilespmem:$0x1C800] =	vst v63  }
0x472: {  	s10 =	sadd.s32 $0x20, s30;
	s16 =	simm.s32 $0xC180  }
0x473: {  	[hbm4b:s10+s24] =	stream.linear.scatter [tilespmem:s16], [sflag:$0x4], $0x80, $0x38;
	[tilespmem:$0x1C800] =	vst v63  }
0x474: {  	s22 =	sadd.s32 $0x40, s30;
	s23 =	simm.s32 $0xC280  }
0x475: {  	[hbm4b:s22+s24] =	stream.linear.scatter [tilespmem:s23], [sflag:$0x4], $0x80, $0x38;
	[tilespmem:$0x1C800] =	vst v63  }
0x476: {  	s26 =	sadd.s32 $0x60, s30;
	s29 =	simm.s32 $0xC380  }
0x477: {  	[hbm4b:s26+s24] =	stream.linear.scatter [tilespmem:s29], [sflag:$0x4], $0x80, $0x38;
	[tilespmem:$0x1C800] =	vst v63  }
0x478: {  	_ =	swait.ge [sflag:s28], $0x200  }
0x479: {  	[sflag:s28] =	ssyncset.done $0x0  }
0x47a: {  	[sflag:s28] =	ssyncadd.s32 $0xFFFFFE00  }
0x47b: {  	_ =	swait.ge [sflag:s28], $0x200  }
0x47c: {  	[sflag:s28] =	ssyncset.done $0x0  }
0x47d: {  	[sflag:s28] =	ssyncadd.s32 $0xFFFFFE00  }
0x47e: {  	s30 =	simm.s32 $0x0;
	_ =	swait.ge [sflag:s18], $0x2000  }
0x47f: {  	s0 =	sand.u32 $0x3FFFFC00, s30;
	s22 =	sand.u32 $0x70, s24;
	[sflag:s18] =	ssyncset.done $0x0  }
0x480: {  	s31 =	sor.u32 s22, s0;
	[sflag:s18] =	ssyncadd.s32 $0xFFFFE000  }
0x481: {  	s26 =	sand.u32 $0x1F0, s24;
	v7 =	vld [tilespmem:s31+$0x1000]  }
0x482: {  	v5 =	vld [tilespmem:s26+$0xAC00]  }
0x483: {  	s0 =	simm.s32 $0xA000;
	v19 =	vld [tilespmem:s26+$0xB000]  }
0x484: {  	v10 =	vld [tilespmem:s0+$0x0]  }
0x485: {  	v16 =	vld [tilespmem:s26+$0xB400]  }
0x486: {  	v1 =	vld [tilespmem:s26+$0xB200]  }
0x487: {  	v8 =	vld [tilespmem:s31+$0x1380]  }
0x488: {  	v11 =	vld [tilespmem:s31+$0x1080]  }
0x489: {  	v9 =	vld [tilespmem:s31+$0x1200]  }
0x48a: {  	v15 =	vld [tilespmem:s31+$0x1100]  }
0x48b: {  	v12 =	vld [tilespmem:s26+$0xA600]  }
0x48c: {  	v27 =	vld [tilespmem:s26+$0xA800];
	v3 =	vshll.u32 v1, $0x10;
	v1 =	vand.u32 $0xFFFF0000, v1;
	v14 =	vshll.u32 v10, $0x10  }
0x48d: {  	v25 =	vld [tilespmem:s26+$0xA400];
	v13 =	vmul.f32 v8, v11;
	v17 =	vand.u32 $0xFFFF0000, v19;
	v2 =	vshll.u32 v16, $0x10  }
0x48e: {  	v29 =	vld [tilespmem:s26+$0xAE00];
	v20 =	vmul.f32 v9, v7;
	v28 =	vmul.f32 v8, v7;
	v4 =	vand.u32 $0xFFFF0000, v5  }
0x48f: {  	v18 =	vmul.f32 v9, v11;
	v6 =	vshll.u32 v5, $0x10;
	v21 =	vmul.f32 v8, v15  }
0x490: {  	v30 =	vld [tilespmem:s26+$0xB600];
	v10 =	vand.u32 $0xFFFF0000, v10;
	v32 =	vshll.u32 v12, $0x10;
	v5 =	vmul.f32 v9, v15  }
0x491: {  	v22 =	vld [tilespmem:s31+$0x1280];
	v31 =	vand.u32 $0xFFFF0000, v12;
	v24 =	vshll.u32 v27, $0x10;
	v14 =	vmul.f32 v14, v20  }
0x492: {  	v12 =	vld [tilespmem:s31+$0x1300];
	v26 =	vmul.f32 v10, v20;
	v20 =	vshll.u32 v25, $0x10;
	v10 =	vmul.f32 v17, v5  }
0x493: {  	s1 =	simm.s32 $0x1;
	s23 =	simm.s32 $0x0;
	v17 =	vld [tilespmem:s31+$0x1180];
	v23 =	vadd.f32 $0.0e+00, v14;
	v14 =	vand.u32 $0xFFFF0000, v25;
	v25 =	vshll.u32 v29, $0x10  }
.LBB2_26:
0x494: {  	p1 =	sne.s32 s1, $0x1F;
	v32 =	vmul.f32 v32, v28;
	v27 =	vand.u32 $0xFFFF0000, v27;
	v29 =	vand.u32 $0xFFFF0000, v29;
	s24 =	sadd.s32 $0x10, s24;
	s0 =	sadd.s32 $0x10, s0  }
0x495: {  	v19 =	vshll.u32 v19, $0x10;
	v33 =	vshll.u32 v30, $0x10;
	s10 =	smov.u32 s1;
	s1 =	sadd.s32 $0x1, s1;
	v29 =	vmul.f32 v29, v13  }
0x496: {  	v28 =	vmul.f32 v31, v28;
	v31 =	vmul.f32 v22, v15;
	v30 =	vand.u32 $0xFFFF0000, v30;
	v34 =	vld [tilespmem:s26+$0xBE00]  }
0x497: {  	v35 =	vmul.f32 v22, v11;
	v16 =	vand.u32 $0xFFFF0000, v16;
	v33 =	vmul.f32 v33, v21;
	v36 =	vld [tilespmem:s26+$0xB800]  }
0x498: {  	v37 =	vmul.f32 v22, v7;
	v27 =	vmul.f32 v27, v18;
	v28 =	vadd.f32 $0.0e+00, v28  }
0x499: {  	v15 =	vmul.f32 v12, v15;
	v32 =	vadd.f32 $0.0e+00, v32;
	v22 =	vmul.f32 v22, v17;
	v38 =	vld [tilespmem:s26+$0xA200]  }
0x49a: {  	v26 =	vadd.f32 $0.0e+00, v26;
	v11 =	vmul.f32 v12, v11;
	v21 =	vmul.f32 v30, v21;
	v39 =	vld [tilespmem:s26+$0xAA00]  }
0x49b: {  	v7 =	vmul.f32 v12, v7;
	v28 =	vadd.f32 v29, v28;
	v29 =	vshll.u32 v34, $0x10  }
0x49c: {  	v18 =	vmul.f32 v24, v18;
	v30 =	vand.u32 $0xFFFF0000, v34;
	v24 =	vand.u32 $0xFFFF0000, v36  }
0x49d: {  	v13 =	vmul.f32 v25, v13;
	v8 =	vmul.f32 v8, v17;
	v25 =	vshll.u32 v36, $0x10  }
0x49e: {  	v18 =	vadd.f32 v18, v23;
	v9 =	vmul.f32 v9, v17;
	v34 =	vshll.u32 v38, $0x10  }
0x49f: {  	v20 =	vmul.f32 v20, v7;
	v13 =	vadd.f32 v13, v32;
	v23 =	vand.u32 $0xFFFF0000, v38  }
0x4a0: {  	v24 =	vmul.f32 v24, v9;
	v23 =	vmul.f32 v23, v37;
	v32 =	vand.u32 $0xFFFF0000, v39  }
0x4a1: {  	v12 =	vmul.f32 v12, v17;
	v20 =	vadd.f32 $0.0e+00, v20;
	v34 =	vmul.f32 v34, v37;
	v36 =	vld [tilespmem:s26+$0xBC00]  }
0x4a2: {  	v17 =	vadd.f32 v27, v26;
	v21 =	vadd.f32 v21, v28;
	v26 =	vmul.f32 v29, v8  }
0x4a3: {  	v28 =	vshll.u32 v39, $0x10;
	v29 =	vmul.f32 v32, v35;
	v27 =	vadd.f32 $0.0e+00, v34;
	v32 =	vld [tilespmem:s26+$0xBA00]  }
0x4a4: {  	v7 =	vmul.f32 v14, v7;
	v10 =	vadd.f32 v10, v17;
	v14 =	vmul.f32 v28, v35  }
0x4a5: {  	v6 =	vmul.f32 v6, v11;
	v13 =	vadd.f32 v33, v13;
	v8 =	vmul.f32 v30, v8  }
0x4a6: {  	v7 =	vadd.f32 $0.0e+00, v7;
	v14 =	vadd.f32 v14, v27;
	v17 =	vand.u32 $0xFFFF0000, v36  }
0x4a7: {  	v3 =	vmul.f32 v3, v31;
	v4 =	vmul.f32 v4, v11;
	v11 =	vshll.u32 v36, $0x10  }
0x4a8: {  	v16 =	vmul.f32 v16, v15;
	v23 =	vadd.f32 $0.0e+00, v23;
	v27 =	vand.u32 $0xFFFF0000, v32  }
0x4a9: {  	v5 =	vmul.f32 v19, v5;
	v3 =	vadd.f32 v3, v14;
	v14 =	vshll.u32 v32, $0x10  }
0x4aa: {  	v6 =	vadd.f32 v6, v20;
	v4 =	vadd.f32 v4, v7;
	v7 =	vmul.f32 v17, v12  }
0x4ab: {  	v1 =	vmul.f32 v1, v31;
	v5 =	vadd.f32 v5, v18;
	v17 =	vadd.f32 v29, v23  }
0x4ac: {  	v4 =	vadd.f32 v16, v4;
	v11 =	vmul.f32 v11, v12;
	v16 =	vmul.f32 v27, v22  }
0x4ad: {  	v2 =	vmul.f32 v2, v15;
	v12 =	vadd.f32 v26, v13;
	v1 =	vadd.f32 v1, v17  }
0x4ae: {  	v8 =	vadd.f32 v8, v21;
	v10 =	vadd.f32 v24, v10;
	v13 =	vmul.f32 v14, v22  }
0x4af: {  	v2 =	vadd.f32 v2, v6;
	v6 =	vmul.f32 v25, v9;
	v1 =	vadd.f32 v16, v1  }
0x4b0: {  	v4 =	vadd.f32 v7, v4;
	v3 =	vadd.f32 v13, v3  }
0x4b1: {  	v5 =	vadd.f32 v6, v5;
	v2 =	vadd.f32 v11, v2  }
0x4b2: {  	s26 =	sand.u32 $0x1F0, s24;
	v4 =	vadd.f32 v8, v4;
	v1 =	vadd.f32 v1, v10  }
0x4b3: {  	s16 =	sshll.u32 s23, $0x5;
	s23 =	smov.u32 s10;
	v2 =	vadd.f32 v12, v2;
	v3 =	vadd.f32 v3, v5  }
0x4b4: {  	s16 =	sand.u32 $0x3FFFFF00, s16;
	s10 =	sshll.u32 s23, $0x7;
	v1 =	vadd.f32 v4, v1  }
0x4b5: {  	s16 =	sor.u32 s22, s16;
	s22 =	sand.u32 $0x70, s24;
	s10 =	sand.u32 $0x3FFFFC00, s10;
	v2 =	vadd.f32 v2, v3  }
0x4b6: {  	s10 =	sor.u32 s22, s10;
	[tilespmem:s16+$0xC480] =	vst v1  }
0x4b7: {  	[tilespmem:s16+$0xC400] =	vst v2  }
0x4b8: {  	v7 =	vld [tilespmem:s10+$0x1000]  }
0x4b9: {  	v5 =	vld [tilespmem:s26+$0xAC00]  }
0x4ba: {  	v19 =	vld [tilespmem:s26+$0xB000]  }
0x4bb: {  	v10 =	vld [tilespmem:s0+$0x0]  }
0x4bc: {  	v16 =	vld [tilespmem:s26+$0xB400]  }
0x4bd: {  	v1 =	vld [tilespmem:s26+$0xB200]  }
0x4be: {  	v8 =	vld [tilespmem:s10+$0x1380]  }
0x4bf: {  	v15 =	vld [tilespmem:s10+$0x1100]  }
0x4c0: {  	v11 =	vld [tilespmem:s10+$0x1080]  }
0x4c1: {  	v9 =	vld [tilespmem:s10+$0x1200]  }
0x4c2: {  	v14 =	vld [tilespmem:s26+$0xA600];
	v3 =	vshll.u32 v1, $0x10  }
0x4c3: {  	v1 =	vand.u32 $0xFFFF0000, v1;
	v27 =	vld [tilespmem:s26+$0xA800]  }
0x4c4: {  	v17 =	vshll.u32 v10, $0x10;
	v25 =	vld [tilespmem:s26+$0xA400]  }
0x4c5: {  	v23 =	vand.u32 $0xFFFF0000, v19;
	v2 =	vshll.u32 v16, $0x10;
	v29 =	vld [tilespmem:s26+$0xAE00];
	v13 =	vmul.f32 v8, v11  }
0x4c6: {  	v4 =	vand.u32 $0xFFFF0000, v5;
	v28 =	vmul.f32 v8, v7;
	v22 =	vld [tilespmem:s10+$0x1280];
	v20 =	vmul.f32 v9, v7  }
.Ltmp12:
0x4c7: {  	v6 =	vshll.u32 v5, $0x10;
	v21 =	vmul.f32 v8, v15;
	v18 =	vmul.f32 v9, v11;
	v30 =	vld [tilespmem:s26+$0xB600];
	(pc) =	sbr.rel @p1 .LBB2_26-.Ltmp12, $4  }
0x4c8: {  	v10 =	vand.u32 $0xFFFF0000, v10;
	v5 =	vmul.f32 v9, v15;
	v32 =	vshll.u32 v14, $0x10;
	v12 =	vld [tilespmem:s10+$0x1300]  }
0x4c9: {  	v31 =	vand.u32 $0xFFFF0000, v14;
	v33 =	vmul.f32 v17, v20;
	v26 =	vmul.f32 v10, v20  }
0x4ca: {  	v24 =	vshll.u32 v27, $0x10;
	v10 =	vmul.f32 v23, v5;
	v20 =	vshll.u32 v25, $0x10  }
0x4cb: {  	v14 =	vand.u32 $0xFFFF0000, v25;
	v23 =	vadd.f32 $0.0e+00, v33;
	v25 =	vshll.u32 v29, $0x10;
	v17 =	vld [tilespmem:s10+$0x1180]  }
0x4cc: {  	v32 =	vmul.f32 v32, v28;
	v27 =	vand.u32 $0xFFFF0000, v27;
	v55 =	vmul.f32 v31, v28  }
0x4cd: {  	v29 =	vand.u32 $0xFFFF0000, v29;
	v31 =	vmul.f32 v22, v15;
	v35 =	vmul.f32 v22, v11  }
0x4ce: {  	v19 =	vshll.u32 v19, $0x10;
	v37 =	vmul.f32 v22, v7;
	v62 =	vmul.f32 v24, v18  }
0x4cf: {  	v33 =	vshll.u32 v30, $0x10;
	v40 =	vmul.f32 v25, v13;
	v29 =	vmul.f32 v29, v13  }
0x4d0: {  	v56 =	vand.u32 $0xFFFF0000, v30;
	v33 =	vmul.f32 v33, v21;
	v27 =	vmul.f32 v27, v18  }
0x4d1: {  	v16 =	vand.u32 $0xFFFF0000, v16;
	v15 =	vmul.f32 v12, v15;
	v57 =	vmul.f32 v12, v11  }
0x4d2: {  	v26 =	vadd.f32 $0.0e+00, v26;
	v58 =	vmul.f32 v56, v21;
	v60 =	vmul.f32 v12, v7  }
0x4d3: {  	v34 =	vld [tilespmem:s26+$0xBE00];
	v5 =	vmul.f32 v19, v5;
	v28 =	vadd.f32 $0.0e+00, v55;
	v3 =	vmul.f32 v3, v31  }
0x4d4: {  	v36 =	vld [tilespmem:s26+$0xB800];
	v32 =	vadd.f32 $0.0e+00, v32;
	v1 =	vmul.f32 v1, v31;
	v20 =	vmul.f32 v20, v60  }
0x4d5: {  	v38 =	vld [tilespmem:s26+$0xA200];
	v18 =	vadd.f32 v62, v23;
	v7 =	vmul.f32 v14, v60;
	v6 =	vmul.f32 v6, v57  }
0x4d6: {  	v59 =	vld [tilespmem:s26+$0xAA00];
	v47 =	vadd.f32 v27, v26;
	v4 =	vmul.f32 v4, v57;
	v16 =	vmul.f32 v16, v15  }
0x4d7: {  	v2 =	vmul.f32 v2, v15;
	v22 =	vmul.f32 v22, v17;
	v28 =	vadd.f32 v29, v28  }
0x4d8: {  	v45 =	vld [tilespmem:s26+$0xBC00];
	v8 =	vmul.f32 v8, v17;
	v9 =	vmul.f32 v9, v17;
	v13 =	vadd.f32 v40, v32  }
0x4d9: {  	v52 =	vld [tilespmem:s26+$0xBA00];
	v46 =	vmul.f32 v12, v17;
	v5 =	vadd.f32 v5, v18;
	v61 =	vshll.u32 v34, $0x10  }
0x4da: {  	v63 =	vand.u32 $0xFFFF0000, v36;
	v34 =	vand.u32 $0xFFFF0000, v34;
	v41 =	vshll.u32 v36, $0x10  }
0x4db: {  	v42 =	vshll.u32 v38, $0x10;
	v43 =	vand.u32 $0xFFFF0000, v38;
	v44 =	vand.u32 $0xFFFF0000, v59  }
0x4dc: {  	v20 =	vadd.f32 $0.0e+00, v20;
	v50 =	vshll.u32 v59, $0x10;
	v10 =	vadd.f32 v10, v47  }
0x4dd: {  	v7 =	vadd.f32 $0.0e+00, v7;
	v54 =	vand.u32 $0xFFFF0000, v45;
	v55 =	vshll.u32 v45, $0x10  }
0x4de: {  	v56 =	vand.u32 $0xFFFF0000, v52;
	v57 =	vshll.u32 v52, $0x10;
	v23 =	vmul.f32 v43, v37  }
0x4df: {  	v24 =	vmul.f32 v63, v9;
	v36 =	vmul.f32 v42, v37;
	v21 =	vadd.f32 v58, v28  }
0x4e0: {  	v48 =	vmul.f32 v61, v8;
	v51 =	vmul.f32 v44, v35;
	v13 =	vadd.f32 v33, v13  }
0x4e1: {  	v53 =	vmul.f32 v50, v35;
	v6 =	vadd.f32 v6, v20;
	v4 =	vadd.f32 v4, v7  }
0x4e2: {  	v8 =	vmul.f32 v34, v8;
	v49 =	vadd.f32 $0.0e+00, v36;
	v23 =	vadd.f32 $0.0e+00, v23  }
0x4e3: {  	v63 =	vmul.f32 v41, v9;
	v61 =	vadd.f32 v48, v13;
	v10 =	vadd.f32 v24, v10  }
0x4e4: {  	v58 =	vmul.f32 v54, v46;
	v8 =	vadd.f32 v8, v21;
	v59 =	vadd.f32 v51, v23  }
0x4e5: {  	v60 =	vmul.f32 v56, v22;
	v5 =	vadd.f32 v63, v5;
	v14 =	vadd.f32 v53, v49  }
0x4e6: {  	v11 =	vmul.f32 v55, v46;
	v4 =	vadd.f32 v16, v4;
	v1 =	vadd.f32 v1, v59  }
0x4e7: {  	v62 =	vmul.f32 v57, v22;
	v2 =	vadd.f32 v2, v6;
	v3 =	vadd.f32 v3, v14  }
0x4e8: {  	v4 =	vadd.f32 v58, v4;
	v1 =	vadd.f32 v60, v1  }
0x4e9: {  	v2 =	vadd.f32 v11, v2;
	v3 =	vadd.f32 v62, v3  }
0x4ea: {  	v4 =	vadd.f32 v8, v4;
	v1 =	vadd.f32 v1, v10  }
0x4eb: {  	s0 =	sshll.u32 s23, $0x5;
	v2 =	vadd.f32 v61, v2;
	v3 =	vadd.f32 v3, v5  }
0x4ec: {  	s0 =	sand.u32 $0x3FFFFF00, s0;
	v1 =	vadd.f32 v4, v1  }
0x4ed: {  	s0 =	sor.u32 s22, s0;
	v2 =	vadd.f32 v2, v3  }
0x4ee: {  	[tilespmem:s0+$0xC480] =	vst v1  }
0x4ef: {  	s1 =	rddreg [dreg:$0x5];
	s30 =	simm.s32 $0xC400;
	[tilespmem:s0+$0xC400] =	vst v2  }
0x4f0: {  	[hbm4b:s1+s3] =	stream.linear.scatter [tilespmem:s30], [sflag:$0x5], $0x80, $0x38;
	[tilespmem:$0x1C800] =	vst v63  }
0x4f1: {  	s10 =	simm.s32 $0xC500;
	s31 =	sadd.s32 $0x20, s1  }
0x4f2: {  	[hbm4b:s31+s3] =	stream.linear.scatter [tilespmem:s10], [sflag:$0x5], $0x80, $0x38;
	[tilespmem:$0x1C800] =	vst v63  }
0x4f3: {  	s16 =	sadd.s32 $0x40, s1  }
0x4f4: {  	[hbm4b:s16+s3] =	stream.linear.scatter [tilespmem:s11], [sflag:$0x5], $0x80, $0x38;
	[tilespmem:$0x1C800] =	vst v63  }
0x4f5: {  	s22 =	sadd.s32 $0x60, s1  }
0x4f6: {  	[hbm4b:s22+s3] =	stream.linear.scatter [tilespmem:s12], [sflag:$0x5], $0x80, $0x38;
	[tilespmem:$0x1C800] =	vst v63  }
0x4f7: {  	s23 =	rddreg [dreg:$0x8]  }
0x4f8: {  	[hbm4b:s23+s3] =	stream.linear.scatter [tilespmem:s13], [sflag:$0x5], $0x80, $0x38;
	[tilespmem:$0x1C800] =	vst v63  }
0x4f9: {  	s24 =	sadd.s32 $0x20, s23  }
0x4fa: {  	[hbm4b:s24+s3] =	stream.linear.scatter [tilespmem:s14], [sflag:$0x5], $0x80, $0x38;
	[tilespmem:$0x1C800] =	vst v63  }
0x4fb: {  	s26 =	sadd.s32 $0x40, s23  }
0x4fc: {  	[hbm4b:s26+s3] =	stream.linear.scatter [tilespmem:s15], [sflag:$0x5], $0x80, $0x38;
	[tilespmem:$0x1C800] =	vst v63  }
0x4fd: {  	s29 =	sadd.s32 $0x60, s23  }
0x4fe: {  	[hbm4b:s29+s3] =	stream.linear.scatter [tilespmem:s21], [sflag:$0x5], $0x80, $0x38;
	[tilespmem:$0x1C800] =	vst v63  }
0x4ff: {  	_ =	swait.ge [sflag:s17], $0x200  }
0x500: {  	[sflag:s17] =	ssyncset.done $0x0  }
0x501: {  	[sflag:s17] =	ssyncadd.s32 $0xFFFFFE00  }
0x502: {  	_ =	swait.ge [sflag:s17], $0x200  }
0x503: {  	[sflag:s17] =	ssyncset.done $0x0  }
0x504: {  	[sflag:s17] =	ssyncadd.s32 $0xFFFFFE00  }
0x505: {  	_ =	swait.ge [sflag:s28], $0x200  }
0x506: {  	[sflag:s28] =	ssyncset.done $0x0  }
0x507: {  	[sflag:s28] =	ssyncadd.s32 $0xFFFFFE00  }
0x508: {  	_ =	swait.ge [sflag:s28], $0x200  }
0x509: {  	s30 =	rddreg [dreg:$0xd]  }
0x50a: {  	s31 =	rddreg [dreg:$0x4];
	s1 =	sadd.s32 $0x1, s30  }
0x50b: {  	p1 =	sne.s32 s1, s31  }
.Ltmp13:
0x50c: {  	_ = 	snop;
	(pc) =	sbr.rel @p1 .LBB2_1-.Ltmp13, $3  }
0x50d: {  	_ =	sdelay $0x1  }
0x50e: {  	[sflag:s28] =	ssyncset.done $0x0  }
0x50f: {  	s16 =	rddreg [dreg:$0x9];
	[sflag:s28] =	ssyncadd.s32 $0xFFFFFE00  }
0x510: {  	_ =	sfence.sel $0x180000  }
0x511: {  	[bflag:$0x0] =	sbarrier.arrive $0xFFFF  }
0x512: {  	_ =	strace $0x90000047  }
0x513: {  	[bflag:$0x2] =	sbarrier.arrive $0xFFFF  }
0x514: {  	s0 =	rddreg [dreg:$0x3]  }
0x515: {  	s0 =	sadd.s32 @!p0 $0x100000, s0  }
0x516: {  	[sflag:s0] =	ssyncadd.tile.s32 @!p0 $0x1;
	_ =	shalt  }
.Lfunc_end2:
_tile_overlayer_lowered:
.L_overlay_start_2:
0x517: {  	(tag) =	ssettag $0x2  }
0x518: {  	s0 =	rddreg [dreg:$0x0];
	s2 =	stileid.u32  }
0x519: {  	s1 =	rddreg [dreg:$0x1];
	p0 =	sne.s32 s2, $0x0  }
0x51a: {  	s3 =	rddreg [dreg:$0x2];
	[bflag:$0x3] =	sbarrier.arrive $0xFFFF;
	s2 =	simm.s32 @!p0 $0x1C06  }
0x51b: {  	[timem:s3], [sflag:s2] =	dma.local @!p0 [hbm:s0], s1  }
0x51c: {  	s0 =	simm.s32 @!p0 $0x6  }
0x51d: {  	_ =	swait.ge @!p0 [sflag:s0], s1  }
0x51e: {  	s1 =	ssub.s32 @!p0 $0x0, s1;
	[sflag:s0] =	ssyncset.done @!p0 $0x0  }
0x51f: {  	[sflag:s0] =	ssyncadd.s32 @!p0 s1  }
0x520: {  	[bflag:$0x3] =	sbarrier.arrive $0xFFFF  }
0x521: {  	_ =	shalt  }

</sc_bundles>
